<compile_context>
chip_gen: v7x
topology: tpu7x:2x2x1
jax: 0.10.2.dev20260603
libtpu: 0.0.44.dev20260713+nightly
codegen_flags: <defaults>
</compile_context>

<pallas_src>
import functools

import jax
import jax.numpy as jnp
from jax import lax
from jax.experimental import pallas as pl
from jax.experimental.pallas import tpu as pltpu
from jax.experimental.pallas import tpu_sc as plsc

NN = 10000
EE = 320000
DH = 128
DOUT = 64
GG = 64
NC = 2
NS = 16
NW = NC * NS
EPW = EE // NW
CH = 125
NCH = EPW // CH
HALF = NCH // 2
NPAIRH = HALF // 2
RA = 624
TAIL = NN - NS * RA
DEGW = 16

BR = 1000
NBLK = NN // BR

_MESH = plsc.VectorSubcoreMesh(
    core_axis_name="c", subcore_axis_name="s", num_cores=NC, num_subcores=NS)



def _deg_body(dstr, zer16, out, dst_v, buf, acc):
  c = lax.axis_index("c")
  s = lax.axis_index("s")
  wid = s * NC + c
  pltpu.sync_copy(zer16.at[pl.ds(s * RA, RA)], acc.at[pl.ds(s * RA, RA)])

  @pl.when(s == NS - 1)
  def _():
    pltpu.sync_copy(zer16.at[pl.ds(NS * RA, TAIL)],
                    acc.at[pl.ds(NS * RA, TAIL)])

  pltpu.sync_copy(dstr.at[wid], dst_v)

  def fill(i, _):
    buf[i] = jnp.ones((DEGW,), jnp.float32)
    return 0
  lax.fori_loop(0, CH, fill, 0)
  plsc.subcore_barrier()

  def chunk(j, _):
    pltpu.sync_copy(buf.at[pl.ds(0, CH)], acc.at[dst_v.at[j]], add=True)
    return 0
  lax.fori_loop(0, NCH, chunk, 0)
  plsc.subcore_barrier()
  pltpu.sync_copy(acc.at[pl.ds(s * RA, RA)], out.at[c, pl.ds(s * RA, RA)])

  @pl.when(s == NS - 1)
  def _():
    pltpu.sync_copy(acc.at[pl.ds(NS * RA, TAIL)],
                    out.at[c, pl.ds(NS * RA, TAIL)])


_deg_call = pl.kernel(
    _deg_body,
    out_type=jax.ShapeDtypeStruct((NC, NN, DEGW), jnp.float32),
    mesh=_MESH,
    scratch_types=[
        pltpu.VMEM((NCH, CH), jnp.int32),
        pltpu.VMEM((CH, DEGW), jnp.float32),
        pltpu.VMEM_SHARED((NN, DEGW), jnp.float32),
    ],
)


def _edge_body(p_hbm, srcr, dstr, zer, out, src_v, dst_v, rows0, rows1, acc,
               sem0, sem1):
  c = lax.axis_index("c")
  s = lax.axis_index("s")
  wid = s * NC + c

  @pl.when(c == 0)
  def _():
    pltpu.sync_copy(p_hbm.at[pl.ds(s * RA, RA)], acc.at[pl.ds(s * RA, RA)])

  @pl.when(c != 0)
  def _():
    pltpu.sync_copy(zer.at[pl.ds(s * RA, RA)], acc.at[pl.ds(s * RA, RA)])

  @pl.when(jnp.logical_and(c == 0, s == NS - 1))
  def _():
    pltpu.sync_copy(p_hbm.at[pl.ds(NS * RA, TAIL)],
                    acc.at[pl.ds(NS * RA, TAIL)])

  @pl.when(jnp.logical_and(c != 0, s == NS - 1))
  def _():
    pltpu.sync_copy(zer.at[pl.ds(NS * RA, TAIL)],
                    acc.at[pl.ds(NS * RA, TAIL)])

  plsc.subcore_barrier()

  for h in range(2):
    pltpu.sync_copy(srcr.at[wid, pl.ds(h * HALF, HALF)], src_v)
    pltpu.sync_copy(dstr.at[wid, pl.ds(h * HALF, HALF)], dst_v)
    pltpu.async_copy(p_hbm.at[src_v.at[0]], rows0, sem0)

    def pair(jj, _):
      ja = 2 * jj
      jb = 2 * jj + 1
      pltpu.make_async_copy(p_hbm.at[src_v.at[ja]], rows0, sem0).wait()
      pltpu.async_copy(p_hbm.at[src_v.at[jb]], rows1, sem1)
      pltpu.sync_copy(rows0, acc.at[dst_v.at[ja]], add=True)
      pltpu.make_async_copy(p_hbm.at[src_v.at[jb]], rows1, sem1).wait()

      @pl.when(jj < NPAIRH - 1)
      def _():
        pltpu.async_copy(p_hbm.at[src_v.at[ja + 2]], rows0, sem0)

      pltpu.sync_copy(rows1, acc.at[dst_v.at[jb]], add=True)
      return 0
    lax.fori_loop(0, NPAIRH, pair, 0)
  plsc.subcore_barrier()
  pltpu.sync_copy(acc.at[pl.ds(s * RA, RA)], out.at[c, pl.ds(s * RA, RA)])

  @pl.when(s == NS - 1)
  def _():
    pltpu.sync_copy(acc.at[pl.ds(NS * RA, TAIL)],
                    out.at[c, pl.ds(NS * RA, TAIL)])


_edge_call = pl.kernel(
    _edge_body,
    out_type=jax.ShapeDtypeStruct((NC, NN, DH), jnp.float32),
    mesh=_MESH,
    scratch_types=[
        pltpu.VMEM((HALF, CH), jnp.int32),
        pltpu.VMEM((HALF, CH), jnp.int32),
        pltpu.VMEM((CH, DH), jnp.float32),
        pltpu.VMEM((CH, DH), jnp.float32),
        pltpu.VMEM_SHARED((NN, DH), jnp.float32),
        pltpu.SemaphoreType.DMA,
        pltpu.SemaphoreType.DMA,
    ],
)



def _dinv(d0, d1):
  return lax.rsqrt(d0[:, :1] + d1[:, :1] + 1.0)


def _mm1_body(x_ref, w_ref, d0_ref, d1_ref, o_ref):
  dinv = _dinv(d0_ref[...], d1_ref[...])
  p = lax.dot_general(x_ref[...], w_ref[...], (((1,), (0,)), ((), ())),
                      precision=lax.Precision.HIGHEST,
                      preferred_element_type=jnp.float32)
  o_ref[...] = dinv * p


def _mm_body(a0_ref, a1_ref, b_ref, w_ref, d0_ref, d1_ref, o_ref):
  dinv = _dinv(d0_ref[...], d1_ref[...])
  h = a0_ref[...] + a1_ref[...]
  h = jnp.maximum(dinv * h + b_ref[...], 0.0)
  o_ref[...] = dinv * lax.dot_general(
      h, w_ref[...], (((1,), (0,)), ((), ())),
      precision=lax.Precision.HIGHEST, preferred_element_type=jnp.float32)


def _pool_body(a0_ref, a1_ref, b_ref, d0_ref, d1_ref, bt_ref,
               wfc_ref, bfc_ref, emb_ref, pred_ref, ssum, cnt):
  i = pl.program_id(0)

  @pl.when(i == 0)
  def _():
    ssum[...] = jnp.zeros_like(ssum)
    cnt[...] = jnp.zeros_like(cnt)

  dinv = _dinv(d0_ref[...], d1_ref[...])
  h = a0_ref[...] + a1_ref[...]
  h = jnp.maximum(dinv * h + b_ref[...], 0.0)
  seg = jnp.reshape(bt_ref[...], (1, BR))
  ids = lax.broadcasted_iota(jnp.int32, (GG, BR), 0)
  onehot = (seg == ids).astype(jnp.float32)
  ssum[...] += lax.dot_general(onehot, h, (((1,), (0,)), ((), ())),
                               precision=lax.Precision.HIGHEST,
                               preferred_element_type=jnp.float32)
  cnt[...] += jnp.sum(onehot, axis=1, keepdims=True)

  @pl.when(i == NBLK - 1)
  def _():
    emb = ssum[...] / jnp.maximum(cnt[...], 1.0)
    emb_ref[...] = emb
    pred_ref[...] = lax.dot_general(
        emb, wfc_ref[...], (((1,), (0,)), ((), ())),
        precision=lax.Precision.HIGHEST,
        preferred_element_type=jnp.float32) + bfc_ref[...]


def _row_spec(w):
  return pl.BlockSpec((BR, w), lambda i: (i, 0))


def _full_spec(h, w):
  return pl.BlockSpec((h, w), lambda i: (0, 0))


_mm1_call = pl.pallas_call(
    _mm1_body,
    grid=(NBLK,),
    in_specs=[_row_spec(DH), _full_spec(DH, DH),
              _row_spec(DEGW), _row_spec(DEGW)],
    out_specs=_row_spec(DH),
    out_shape=jax.ShapeDtypeStruct((NN, DH), jnp.float32),
)

_mm_call = pl.pallas_call(
    _mm_body,
    grid=(NBLK,),
    in_specs=[_row_spec(DH), _row_spec(DH),
              _full_spec(1, DH), _full_spec(DH, DH),
              _row_spec(DEGW), _row_spec(DEGW)],
    out_specs=_row_spec(DH),
    out_shape=jax.ShapeDtypeStruct((NN, DH), jnp.float32),
)

_pool_call = pl.pallas_call(
    _pool_body,
    grid=(NBLK,),
    in_specs=[_row_spec(DH), _row_spec(DH),
              _full_spec(1, DH),
              _row_spec(DEGW), _row_spec(DEGW),
              pl.BlockSpec((1, 1, BR), lambda i: (i, 0, 0)),
              _full_spec(DH, DOUT), _full_spec(1, DOUT)],
    out_specs=[_full_spec(GG, DH), _full_spec(GG, DOUT)],
    out_shape=[jax.ShapeDtypeStruct((GG, DH), jnp.float32),
               jax.ShapeDtypeStruct((GG, DOUT), jnp.float32)],
    scratch_shapes=[pltpu.VMEM((GG, DH), jnp.float32),
                    pltpu.VMEM((GG, 1), jnp.float32)],
)



@jax.jit
def kernel(x, edge_index, batch, W1, b1, W2, b2, W3, b3, W4, b4, Wfc, bfc):
  src = edge_index[0].astype(jnp.int32).reshape(NW, NCH, CH)
  dst = edge_index[1].astype(jnp.int32).reshape(NW, NCH, CH)
  bt = batch.astype(jnp.int32).reshape(NBLK, 1, BR)
  zer = jnp.zeros((NN, DH), jnp.float32)
  zer16 = jnp.zeros((NN, DEGW), jnp.float32)

  degp = _deg_call(dst, zer16)
  d0, d1 = degp[0], degp[1]

  p = _mm1_call(x, W1, d0, d1)
  for (w, b) in ((W2, b1), (W3, b2), (W4, b3)):
    acc = _edge_call(p, src, dst, zer)
    p = _mm_call(acc[0], acc[1], b.reshape(1, DH), w, d0, d1)
  acc = _edge_call(p, src, dst, zer)
  emb, pred = _pool_call(acc[0], acc[1], b4.reshape(1, DH), d0, d1,
                         bt, Wfc, bfc.reshape(1, DOUT))
  return (emb, pred)

# --- scband reference (transcript-rebuilt; emitter-appended) ---
"""Pipeline reference for scband-gcnmodel-29970281791971 (READ-ONLY COPY).

The authoritative reference and input builder live on the scoring server;
editing this copy changes nothing except your own understanding.
"""

import jax, jax.numpy as jnp
import numpy as np

N = 10000
E = 320000
D_IN = 128
H = 128
D_OUT = 64
G = 64


def gcn_conv(x, src, dst, n, W, b):
    # PyG GCNConv: h = W x; add self-loops; sym-normalize; scatter-add; + bias
    h = x @ W
    loop = jnp.arange(n, dtype=src.dtype)
    s = jnp.concatenate([src, loop])
    d = jnp.concatenate([dst, loop])
    deg = jnp.zeros((n,), x.dtype).at[d].add(1.0)
    dinv = jax.lax.rsqrt(deg)
    norm = dinv[s] * dinv[d]
    out = jnp.zeros((n, W.shape[1]), x.dtype).at[d].add(norm[:, None] * h[s])
    return out + b


def setup_inputs(seed: int = 0):
    key = jax.random.key(seed)
    ks = jax.random.split(key, 12)
    x = jax.random.normal(ks[0], (N, D_IN), jnp.float32)
    edge_index = jax.random.randint(ks[1], (2, E), 0, N, dtype=jnp.int32).astype(jnp.int64)
    batch = jnp.sort(jax.random.randint(ks[2], (N,), 0, G, dtype=jnp.int32).astype(jnp.int64))

    def glorot(k, fi, fo):
        lim = float(np.sqrt(6.0 / (fi + fo)))
        return jax.random.uniform(k, (fi, fo), jnp.float32, -lim, lim)

    W1 = glorot(ks[3], D_IN, H); b1 = jnp.zeros((H,), jnp.float32)
    W2 = glorot(ks[4], H, H); b2 = jnp.zeros((H,), jnp.float32)
    W3 = glorot(ks[5], H, H); b3 = jnp.zeros((H,), jnp.float32)
    W4 = glorot(ks[6], H, H); b4 = jnp.zeros((H,), jnp.float32)
    Wfc = glorot(ks[7], H, D_OUT); bfc = jnp.zeros((D_OUT,), jnp.float32)
    return {"x": x, "edge_index": edge_index, "batch": batch,
            "W1": W1, "b1": b1, "W2": W2, "b2": b2,
            "W3": W3, "b3": b3, "W4": W4, "b4": b4,
            "Wfc": Wfc, "bfc": bfc}


def reference(x, edge_index, batch, W1, b1, W2, b2, W3, b3, W4, b4, Wfc, bfc):
    src = edge_index[0]
    dst = edge_index[1]
    # dropout is identity in eval mode (train=False)
    h = jax.nn.relu(gcn_conv(x, src, dst, N, W1, b1))
    h = jax.nn.relu(gcn_conv(h, src, dst, N, W2, b2))
    h = jax.nn.relu(gcn_conv(h, src, dst, N, W3, b3))
    h = jax.nn.relu(gcn_conv(h, src, dst, N, W4, b4))
    ssum = jax.ops.segment_sum(h, batch, num_segments=G)
    cnt = jax.ops.segment_sum(jnp.ones((N,), h.dtype), batch, num_segments=G)
    graph_embedding = ssum / jnp.maximum(cnt, 1.0)[:, None]
    pred = graph_embedding @ Wfc + bfc
    return (graph_embedding, pred)

if __name__ == "__main__":
    import jax
    _d = setup_inputs()
    print(jax.jit(kernel)(*tuple(_d.values())))

</pallas_src>

<mosaic_0001>
#map = affine_map<(d0, d1) -> (0, 0, 0)>
#map1 = affine_map<(d0, d1) -> (0, 0)>
module attributes {stable_mosaic.version = 14 : i64} {
  func.func @_deg_body(%arg0: i32, %arg1: i32, %arg2: memref<32x80x125xi32, #tpu.memory_space<hbm>>, %arg3: memref<10000x16xf32, #tpu.memory_space<hbm>>, %arg4: memref<2x10000x16xf32, #tpu.memory_space<hbm>>, %arg5: memref<80x125xi32, #tpu.memory_space<vmem>>, %arg6: memref<125x16xf32, #tpu.memory_space<vmem>>, %arg7: memref<10000x16xf32, #tpu.memory_space<vmem_shared>>) attributes {dimension_semantics = [#tpu.dimension_semantics<core_parallel>, #tpu.dimension_semantics<subcore_parallel>], iteration_bounds = array<i64: 2, 16>, scalar_prefetch = 0 : i64, scratch_operands = 3 : i64, tpu.core_type = #tpu.core_type<sc_vector_subcore>, window_params = [{transform_indices = #map}, {transform_indices = #map1}, {transform_indices = #map}]} {
    %mul3A = arith.constant 2 : i32
    %mul3A_0 = arith.muli %arg1, %mul3A : i32
    %add3A = arith.addi %mul3A_0, %arg0 : i32
    %mul3A_1 = arith.constant 624 : i32
    %mul3A_2 = arith.muli %arg1, %mul3A_1 : i32
    %mul3A_3 = arith.constant 624 : i32
    %mul3A_4 = arith.muli %arg1, %mul3A_3 : i32
    "tpu.region"() ({
      %run_scoped3A = tpu.sem_alloc : memref<!tpu.dma_semaphore, #tpu.memory_space<semaphore_mem>>
      %dma_start3A = arith.constant 0 : i32
      %dma_start3A_30 = tpu.memref_slice %arg7[%mul3A_4, %dma_start3A] : memref<10000x16xf32, #tpu.memory_space<vmem_shared>> -> memref<624x16xf32, #tpu.memory_space<vmem_shared>>
      %dma_start3A_31 = arith.constant 0 : i32
      %dma_start3A_32 = tpu.memref_slice %arg3[%mul3A_2, %dma_start3A_31] : memref<10000x16xf32, #tpu.memory_space<hbm>> -> memref<624x16xf32, #tpu.memory_space<hbm>>
      tpu.enqueue_dma source(%dma_start3A_32 : memref<624x16xf32, #tpu.memory_space<hbm>>) target(%dma_start3A_30 : memref<624x16xf32, #tpu.memory_space<vmem_shared>>) target_semaphore(%run_scoped3A : memref<!tpu.dma_semaphore, #tpu.memory_space<semaphore_mem>>)
      %dma_wait3A = arith.constant 0 : i32
      %dma_wait3A_33 = tpu.memref_slice %arg7[%mul3A_4, %dma_wait3A] : memref<10000x16xf32, #tpu.memory_space<vmem_shared>> -> memref<624x16xf32, #tpu.memory_space<vmem_shared>>
      %dma_wait3A_34 = arith.constant 0 : i32
      %dma_wait3A_35 = tpu.memref_slice %arg3[%mul3A_2, %dma_wait3A_34] : memref<10000x16xf32, #tpu.memory_space<hbm>> -> memref<624x16xf32, #tpu.memory_space<hbm>>
      tpu.wait_dma2 semaphore(%run_scoped3A : memref<!tpu.dma_semaphore, #tpu.memory_space<semaphore_mem>>) src(%dma_wait3A_35 : memref<624x16xf32, #tpu.memory_space<hbm>>) dst(%dma_wait3A_33 : memref<624x16xf32, #tpu.memory_space<vmem_shared>>)
      tpu.yield
    }) : () -> ()
    %eq3A = arith.constant 15 : i32
    %eq3A_5 = arith.cmpi eq, %arg1, %eq3A : i32
    %convert_element_type3A = arith.extui %eq3A_5 : i1 to i32
    %cond3A = arith.constant 0 : i32
    %cond3A_6 = arith.cmpi ne, %convert_element_type3A, %cond3A : i32
    scf.if %cond3A_6 {
      "tpu.region"() ({
        %run_scoped3A = tpu.sem_alloc : memref<!tpu.dma_semaphore, #tpu.memory_space<semaphore_mem>>
        %dma_start3A = arith.constant 9984 : i32
        %dma_start3A_30 = arith.constant 0 : i32
        %dma_start3A_31 = tpu.memref_slice %arg7[%dma_start3A, %dma_start3A_30] : memref<10000x16xf32, #tpu.memory_space<vmem_shared>> -> memref<16x16xf32, #tpu.memory_space<vmem_shared>>
        %dma_start3A_32 = arith.constant 9984 : i32
        %dma_start3A_33 = arith.constant 0 : i32
        %dma_start3A_34 = tpu.memref_slice %arg3[%dma_start3A_32, %dma_start3A_33] : memref<10000x16xf32, #tpu.memory_space<hbm>> -> memref<16x16xf32, #tpu.memory_space<hbm>>
        tpu.enqueue_dma source(%dma_start3A_34 : memref<16x16xf32, #tpu.memory_space<hbm>>) target(%dma_start3A_31 : memref<16x16xf32, #tpu.memory_space<vmem_shared>>) target_semaphore(%run_scoped3A : memref<!tpu.dma_semaphore, #tpu.memory_space<semaphore_mem>>)
        %dma_wait3A = arith.constant 9984 : i32
        %dma_wait3A_35 = arith.constant 0 : i32
        %dma_wait3A_36 = tpu.memref_slice %arg7[%dma_wait3A, %dma_wait3A_35] : memref<10000x16xf32, #tpu.memory_space<vmem_shared>> -> memref<16x16xf32, #tpu.memory_space<vmem_shared>>
        %dma_wait3A_37 = arith.constant 9984 : i32
        %dma_wait3A_38 = arith.constant 0 : i32
        %dma_wait3A_39 = tpu.memref_slice %arg3[%dma_wait3A_37, %dma_wait3A_38] : memref<10000x16xf32, #tpu.memory_space<hbm>> -> memref<16x16xf32, #tpu.memory_space<hbm>>
        tpu.wait_dma2 semaphore(%run_scoped3A : memref<!tpu.dma_semaphore, #tpu.memory_space<semaphore_mem>>) src(%dma_wait3A_39 : memref<16x16xf32, #tpu.memory_space<hbm>>) dst(%dma_wait3A_36 : memref<16x16xf32, #tpu.memory_space<vmem_shared>>)
        tpu.yield
      }) : () -> ()
    } else {
    }
    "tpu.region"() ({
      %run_scoped3A = tpu.sem_alloc : memref<!tpu.dma_semaphore, #tpu.memory_space<semaphore_mem>>
      %dma_start3A = arith.constant 0 : i32
      %dma_start3A_30 = arith.constant 0 : i32
      %dma_start3A_31 = tpu.memref_slice %arg2[%add3A, %dma_start3A, %dma_start3A_30] : memref<32x80x125xi32, #tpu.memory_space<hbm>> -> memref<1x80x125xi32, #tpu.memory_space<hbm>>
      %dma_start3A_32 = tpu.memref_squeeze %dma_start3A_31 : memref<1x80x125xi32, #tpu.memory_space<hbm>> -> memref<80x125xi32, #tpu.memory_space<hbm>>
      %dma_start3A_33 = arith.constant 0 : i32
      %dma_start3A_34 = arith.constant 0 : i32
      %dma_start3A_35 = tpu.memref_slice %arg2[%add3A, %dma_start3A_33, %dma_start3A_34] : memref<32x80x125xi32, #tpu.memory_space<hbm>> -> memref<1x80x125xi32, #tpu.memory_space<hbm>>
      %dma_start3A_36 = tpu.memref_squeeze %dma_start3A_35 : memref<1x80x125xi32, #tpu.memory_space<hbm>> -> memref<80x125xi32, #tpu.memory_space<hbm>>
      tpu.enqueue_dma source(%dma_start3A_36 : memref<80x125xi32, #tpu.memory_space<hbm>>) target(%arg5 : memref<80x125xi32, #tpu.memory_space<vmem>>) target_semaphore(%run_scoped3A : memref<!tpu.dma_semaphore, #tpu.memory_space<semaphore_mem>>)
      %dma_wait3A = arith.constant 0 : i32
      %dma_wait3A_37 = arith.constant 0 : i32
      %dma_wait3A_38 = tpu.memref_slice %arg2[%add3A, %dma_wait3A, %dma_wait3A_37] : memref<32x80x125xi32, #tpu.memory_space<hbm>> -> memref<1x80x125xi32, #tpu.memory_space<hbm>>
      %dma_wait3A_39 = tpu.memref_squeeze %dma_wait3A_38 : memref<1x80x125xi32, #tpu.memory_space<hbm>> -> memref<80x125xi32, #tpu.memory_space<hbm>>
      %dma_wait3A_40 = arith.constant 0 : i32
      %dma_wait3A_41 = arith.constant 0 : i32
      %dma_wait3A_42 = tpu.memref_slice %arg2[%add3A, %dma_wait3A_40, %dma_wait3A_41] : memref<32x80x125xi32, #tpu.memory_space<hbm>> -> memref<1x80x125xi32, #tpu.memory_space<hbm>>
      %dma_wait3A_43 = tpu.memref_squeeze %dma_wait3A_42 : memref<1x80x125xi32, #tpu.memory_space<hbm>> -> memref<80x125xi32, #tpu.memory_space<hbm>>
      tpu.wait_dma2 semaphore(%run_scoped3A : memref<!tpu.dma_semaphore, #tpu.memory_space<semaphore_mem>>) src(%dma_wait3A_43 : memref<80x125xi32, #tpu.memory_space<hbm>>) dst(%arg5 : memref<80x125xi32, #tpu.memory_space<vmem>>)
      tpu.yield
    }) : () -> ()
    %scan3A = arith.constant 0 : i32
    %scan3A_7 = arith.constant 0 : i32
    %scan3A_8 = arith.constant 125 : i32
    %scan3A_9 = arith.addi %scan3A_7, %scan3A_8 : i32
    %scan3A_10 = arith.constant 1 : i32
    %scan3A_11 = scf.for %scan3A_30 = %scan3A_7 to %scan3A_9 step %scan3A_10 iter_args(%scan3A_31 = %scan3A) -> (i32)  : i32 {
      %broadcast_in_dim3A = arith.constant 1.000000e+00 : f32
      %broadcast_in_dim3A_32 = vector.broadcast %broadcast_in_dim3A : f32 to vector<16xf32>
      %swap3A = arith.index_cast %scan3A_30 : i32 to index
      %swap3A_33 = arith.constant 0 : index
      %swap3A_34 = tpu.vector_load %arg6[%swap3A, %swap3A_33] {strides = array<i32>} : memref<125x16xf32, #tpu.memory_space<vmem>>, vector<1x16xf32>,
      %swap3A_35 = vector.shape_cast %swap3A_34 : vector<1x16xf32> to vector<16xf32>
      %swap3A_36 = vector.shape_cast %broadcast_in_dim3A_32 : vector<16xf32> to vector<1x16xf32>
      tpu.vector_store %arg6[%swap3A, %swap3A_33], %swap3A_36 {strides = array<i32>} : memref<125x16xf32, #tpu.memory_space<vmem>>, vector<1x16xf32>,
      %scan3A_37 = arith.constant 0 : i32
      scf.yield %scan3A_37 : i32
    }
    %scan3A_12 = arith.constant 125 : i32
    %barrier3A = arith.constant 0 : index
    tpu.barrier barrier_id(%barrier3A)
    %scan3A_13 = arith.constant 0 : i32
    %scan3A_14 = arith.constant 0 : i32
    %scan3A_15 = arith.constant 80 : i32
    %scan3A_16 = arith.addi %scan3A_14, %scan3A_15 : i32
    %scan3A_17 = arith.constant 1 : i32
    %scan3A_18 = scf.for %scan3A_30 = %scan3A_14 to %scan3A_16 step %scan3A_17 iter_args(%scan3A_31 = %scan3A_13) -> (i32)  : i32 {
      "tpu.region"() ({
        %run_scoped3A = tpu.sem_alloc : memref<!tpu.dma_semaphore, #tpu.memory_space<semaphore_mem>>
        %dma_start3A = arith.constant 0 : i32
        %dma_start3A_33 = arith.constant 0 : i32
        %dma_start3A_34 = tpu.memref_slice %arg6[%dma_start3A, %dma_start3A_33] : memref<125x16xf32, #tpu.memory_space<vmem>> -> memref<125x16xf32, #tpu.memory_space<vmem>>
        %dma_start3A_35 = arith.constant 0 : i32
        %dma_start3A_36 = tpu.memref_slice %arg5[%scan3A_30, %dma_start3A_35] : memref<80x125xi32, #tpu.memory_space<vmem>> -> memref<1x125xi32, #tpu.memory_space<vmem>>
        %dma_start3A_37 = tpu.memref_squeeze %dma_start3A_36 : memref<1x125xi32, #tpu.memory_space<vmem>> -> memref<125xi32, #tpu.memory_space<vmem>>
        %dma_start3A_38 = arith.constant 0 : i32
        %dma_start3A_39 = arith.constant 0 : i32
        %dma_start3A_40 = tpu.memref_slice %arg7[%dma_start3A_38, %dma_start3A_39] : memref<10000x16xf32, #tpu.memory_space<vmem_shared>> -> memref<10000x16xf32, #tpu.memory_space<vmem_shared>>
        tpu.enqueue_indirect_dma source(%dma_start3A_34 : memref<125x16xf32, #tpu.memory_space<vmem>>) target(%dma_start3A_40 : memref<10000x16xf32, #tpu.memory_space<vmem_shared>>) offsets(%dma_start3A_37 : memref<125xi32, #tpu.memory_space<vmem>>) semaphore(%run_scoped3A : memref<!tpu.dma_semaphore, #tpu.memory_space<semaphore_mem>>) {add = true}
        %dma_wait3A = arith.constant 0 : i32
        %dma_wait3A_41 = arith.constant 0 : i32
        %dma_wait3A_42 = tpu.memref_slice %arg6[%dma_wait3A, %dma_wait3A_41] : memref<125x16xf32, #tpu.memory_space<vmem>> -> memref<125x16xf32, #tpu.memory_space<vmem>>
        %dma_wait3A_43 = arith.constant 0 : i32
        %dma_wait3A_44 = tpu.memref_slice %arg5[%scan3A_30, %dma_wait3A_43] : memref<80x125xi32, #tpu.memory_space<vmem>> -> memref<1x125xi32, #tpu.memory_space<vmem>>
        %dma_wait3A_45 = tpu.memref_squeeze %dma_wait3A_44 : memref<1x125xi32, #tpu.memory_space<vmem>> -> memref<125xi32, #tpu.memory_space<vmem>>
        %dma_wait3A_46 = arith.constant 0 : i32
        %dma_wait3A_47 = arith.constant 0 : i32
        %dma_wait3A_48 = tpu.memref_slice %arg7[%dma_wait3A_46, %dma_wait3A_47] : memref<10000x16xf32, #tpu.memory_space<vmem_shared>> -> memref<10000x16xf32, #tpu.memory_space<vmem_shared>>
        tpu.wait_indirect_dma semaphore(%run_scoped3A : memref<!tpu.dma_semaphore, #tpu.memory_space<semaphore_mem>>) src(%dma_wait3A_42 : memref<125x16xf32, #tpu.memory_space<vmem>>) dst(%dma_wait3A_48 : memref<10000x16xf32, #tpu.memory_space<vmem_shared>>)
        tpu.yield
      }) : () -> ()
      %scan3A_32 = arith.constant 0 : i32
      scf.yield %scan3A_32 : i32
    }
    %scan3A_19 = arith.constant 80 : i32
    %barrier3A_20 = arith.constant 0 : index
    tpu.barrier barrier_id(%barrier3A_20)
    %mul3A_21 = arith.constant 624 : i32
    %mul3A_22 = arith.muli %arg1, %mul3A_21 : i32
    %mul3A_23 = arith.constant 624 : i32
    %mul3A_24 = arith.muli %arg1, %mul3A_23 : i32
    "tpu.region"() ({
      %run_scoped3A = tpu.sem_alloc : memref<!tpu.dma_semaphore, #tpu.memory_space<semaphore_mem>>
      %dma_start3A = arith.constant 0 : i32
      %dma_start3A_30 = tpu.memref_slice %arg4[%arg0, %mul3A_24, %dma_start3A] : memref<2x10000x16xf32, #tpu.memory_space<hbm>> -> memref<1x624x16xf32, #tpu.memory_space<hbm>>
      %dma_start3A_31 = tpu.memref_squeeze %dma_start3A_30 : memref<1x624x16xf32, #tpu.memory_space<hbm>> -> memref<624x16xf32, #tpu.memory_space<hbm>>
      %dma_start3A_32 = arith.constant 0 : i32
      %dma_start3A_33 = tpu.memref_slice %arg7[%mul3A_22, %dma_start3A_32] : memref<10000x16xf32, #tpu.memory_space<vmem_shared>> -> memref<624x16xf32, #tpu.memory_space<vmem_shared>>
      tpu.enqueue_dma source(%dma_start3A_33 : memref<624x16xf32, #tpu.memory_space<vmem_shared>>) target(%dma_start3A_31 : memref<624x16xf32, #tpu.memory_space<hbm>>) target_semaphore(%run_scoped3A : memref<!tpu.dma_semaphore, #tpu.memory_space<semaphore_mem>>)
      %dma_wait3A = arith.constant 0 : i32
      %dma_wait3A_34 = tpu.memref_slice %arg4[%arg0, %mul3A_24, %dma_wait3A] : memref<2x10000x16xf32, #tpu.memory_space<hbm>> -> memref<1x624x16xf32, #tpu.memory_space<hbm>>
      %dma_wait3A_35 = tpu.memref_squeeze %dma_wait3A_34 : memref<1x624x16xf32, #tpu.memory_space<hbm>> -> memref<624x16xf32, #tpu.memory_space<hbm>>
      %dma_wait3A_36 = arith.constant 0 : i32
      %dma_wait3A_37 = tpu.memref_slice %arg7[%mul3A_22, %dma_wait3A_36] : memref<10000x16xf32, #tpu.memory_space<vmem_shared>> -> memref<624x16xf32, #tpu.memory_space<vmem_shared>>
      tpu.wait_dma2 semaphore(%run_scoped3A : memref<!tpu.dma_semaphore, #tpu.memory_space<semaphore_mem>>) src(%dma_wait3A_37 : memref<624x16xf32, #tpu.memory_space<vmem_shared>>) dst(%dma_wait3A_35 : memref<624x16xf32, #tpu.memory_space<hbm>>)
      tpu.yield
    }) : () -> ()
    %eq3A_25 = arith.constant 15 : i32
    %eq3A_26 = arith.cmpi eq, %arg1, %eq3A_25 : i32
    %convert_element_type3A_27 = arith.extui %eq3A_26 : i1 to i32
    %cond3A_28 = arith.constant 0 : i32
    %cond3A_29 = arith.cmpi ne, %convert_element_type3A_27, %cond3A_28 : i32
    scf.if %cond3A_29 {
      "tpu.region"() ({
        %run_scoped3A = tpu.sem_alloc : memref<!tpu.dma_semaphore, #tpu.memory_space<semaphore_mem>>
        %dma_start3A = arith.constant 9984 : i32
        %dma_start3A_30 = arith.constant 0 : i32
        %dma_start3A_31 = tpu.memref_slice %arg4[%arg0, %dma_start3A, %dma_start3A_30] : memref<2x10000x16xf32, #tpu.memory_space<hbm>> -> memref<1x16x16xf32, #tpu.memory_space<hbm>>
        %dma_start3A_32 = tpu.memref_squeeze %dma_start3A_31 : memref<1x16x16xf32, #tpu.memory_space<hbm>> -> memref<16x16xf32, #tpu.memory_space<hbm>>
        %dma_start3A_33 = arith.constant 9984 : i32
        %dma_start3A_34 = arith.constant 0 : i32
        %dma_start3A_35 = tpu.memref_slice %arg7[%dma_start3A_33, %dma_start3A_34] : memref<10000x16xf32, #tpu.memory_space<vmem_shared>> -> memref<16x16xf32, #tpu.memory_space<vmem_shared>>
        tpu.enqueue_dma source(%dma_start3A_35 : memref<16x16xf32, #tpu.memory_space<vmem_shared>>) target(%dma_start3A_32 : memref<16x16xf32, #tpu.memory_space<hbm>>) target_semaphore(%run_scoped3A : memref<!tpu.dma_semaphore, #tpu.memory_space<semaphore_mem>>)
        %dma_wait3A = arith.constant 9984 : i32
        %dma_wait3A_36 = arith.constant 0 : i32
        %dma_wait3A_37 = tpu.memref_slice %arg4[%arg0, %dma_wait3A, %dma_wait3A_36] : memref<2x10000x16xf32, #tpu.memory_space<hbm>> -> memref<1x16x16xf32, #tpu.memory_space<hbm>>
        %dma_wait3A_38 = tpu.memref_squeeze %dma_wait3A_37 : memref<1x16x16xf32, #tpu.memory_space<hbm>> -> memref<16x16xf32, #tpu.memory_space<hbm>>
        %dma_wait3A_39 = arith.constant 9984 : i32
        %dma_wait3A_40 = arith.constant 0 : i32
        %dma_wait3A_41 = tpu.memref_slice %arg7[%dma_wait3A_39, %dma_wait3A_40] : memref<10000x16xf32, #tpu.memory_space<vmem_shared>> -> memref<16x16xf32, #tpu.memory_space<vmem_shared>>
        tpu.wait_dma2 semaphore(%run_scoped3A : memref<!tpu.dma_semaphore, #tpu.memory_space<semaphore_mem>>) src(%dma_wait3A_41 : memref<16x16xf32, #tpu.memory_space<vmem_shared>>) dst(%dma_wait3A_38 : memref<16x16xf32, #tpu.memory_space<hbm>>)
        tpu.yield
      }) : () -> ()
    } else {
    }
    return
  }
}

#map = affine_map<(d0, d1) -> (0, 0)>
#map1 = affine_map<(d0, d1) -> (0, 0, 0)>
module attributes {stable_mosaic.version = 14 : i64} {
  func.func @_edge_body(%arg0: i32, %arg1: i32, %arg2: memref<10000x128xf32, #tpu.memory_space<hbm>>, %arg3: memref<32x80x125xi32, #tpu.memory_space<hbm>>, %arg4: memref<32x80x125xi32, #tpu.memory_space<hbm>>, %arg5: memref<10000x128xf32, #tpu.memory_space<hbm>>, %arg6: memref<2x10000x128xf32, #tpu.memory_space<hbm>>, %arg7: memref<40x125xi32, #tpu.memory_space<vmem>>, %arg8: memref<40x125xi32, #tpu.memory_space<vmem>>, %arg9: memref<125x128xf32, #tpu.memory_space<vmem>>, %arg10: memref<125x128xf32, #tpu.memory_space<vmem>>, %arg11: memref<10000x128xf32, #tpu.memory_space<vmem_shared>>, %arg12: memref<!tpu.dma_semaphore, #tpu.memory_space<semaphore_mem>>, %arg13: memref<!tpu.dma_semaphore, #tpu.memory_space<semaphore_mem>>) attributes {dimension_semantics = [#tpu.dimension_semantics<core_parallel>, #tpu.dimension_semantics<subcore_parallel>], iteration_bounds = array<i64: 2, 16>, scalar_prefetch = 0 : i64, scratch_operands = 7 : i64, tpu.core_type = #tpu.core_type<sc_vector_subcore>, window_params = [{transform_indices = #map}, {transform_indices = #map1}, {transform_indices = #map1}, {transform_indices = #map}, {transform_indices = #map1}]} {
    %mul3A = arith.constant 2 : i32
    %mul3A_0 = arith.muli %arg1, %mul3A : i32
    %add3A = arith.addi %mul3A_0, %arg0 : i32
    %eq3A = arith.constant 0 : i32
    %eq3A_1 = arith.cmpi eq, %arg0, %eq3A : i32
    %convert_element_type3A = arith.extui %eq3A_1 : i1 to i32
    %cond3A = arith.constant 0 : i32
    %cond3A_2 = arith.cmpi ne, %convert_element_type3A, %cond3A : i32
    scf.if %cond3A_2 {
      %mul3A_58 = arith.constant 624 : i32
      %mul3A_59 = arith.muli %arg1, %mul3A_58 : i32
      %mul3A_60 = arith.constant 624 : i32
      %mul3A_61 = arith.muli %arg1, %mul3A_60 : i32
      "tpu.region"() ({
        %run_scoped3A = tpu.sem_alloc : memref<!tpu.dma_semaphore, #tpu.memory_space<semaphore_mem>>
        %dma_start3A_62 = arith.constant 0 : i32
        %dma_start3A_63 = tpu.memref_slice %arg11[%mul3A_61, %dma_start3A_62] : memref<10000x128xf32, #tpu.memory_space<vmem_shared>> -> memref<624x128xf32, #tpu.memory_space<vmem_shared>>
        %dma_start3A_64 = arith.constant 0 : i32
        %dma_start3A_65 = tpu.memref_slice %arg2[%mul3A_59, %dma_start3A_64] : memref<10000x128xf32, #tpu.memory_space<hbm>> -> memref<624x128xf32, #tpu.memory_space<hbm>>
        tpu.enqueue_dma source(%dma_start3A_65 : memref<624x128xf32, #tpu.memory_space<hbm>>) target(%dma_start3A_63 : memref<624x128xf32, #tpu.memory_space<vmem_shared>>) target_semaphore(%run_scoped3A : memref<!tpu.dma_semaphore, #tpu.memory_space<semaphore_mem>>)
        %dma_wait3A = arith.constant 0 : i32
        %dma_wait3A_66 = tpu.memref_slice %arg11[%mul3A_61, %dma_wait3A] : memref<10000x128xf32, #tpu.memory_space<vmem_shared>> -> memref<624x128xf32, #tpu.memory_space<vmem_shared>>
        %dma_wait3A_67 = arith.constant 0 : i32
        %dma_wait3A_68 = tpu.memref_slice %arg2[%mul3A_59, %dma_wait3A_67] : memref<10000x128xf32, #tpu.memory_space<hbm>> -> memref<624x128xf32, #tpu.memory_space<hbm>>
        tpu.wait_dma2 semaphore(%run_scoped3A : memref<!tpu.dma_semaphore, #tpu.memory_space<semaphore_mem>>) src(%dma_wait3A_68 : memref<624x128xf32, #tpu.memory_space<hbm>>) dst(%dma_wait3A_66 : memref<624x128xf32, #tpu.memory_space<vmem_shared>>)
        tpu.yield
      }) : () -> ()
    } else {
    }
    %ne3A = arith.constant 0 : i32
    %ne3A_3 = arith.cmpi ne, %arg0, %ne3A : i32
    %convert_element_type3A_4 = arith.extui %ne3A_3 : i1 to i32
    %cond3A_5 = arith.constant 0 : i32
    %cond3A_6 = arith.cmpi ne, %convert_element_type3A_4, %cond3A_5 : i32
    scf.if %cond3A_6 {
      %mul3A_58 = arith.constant 624 : i32
      %mul3A_59 = arith.muli %arg1, %mul3A_58 : i32
      %mul3A_60 = arith.constant 624 : i32
      %mul3A_61 = arith.muli %arg1, %mul3A_60 : i32
      "tpu.region"() ({
        %run_scoped3A = tpu.sem_alloc : memref<!tpu.dma_semaphore, #tpu.memory_space<semaphore_mem>>
        %dma_start3A_62 = arith.constant 0 : i32
        %dma_start3A_63 = tpu.memref_slice %arg11[%mul3A_61, %dma_start3A_62] : memref<10000x128xf32, #tpu.memory_space<vmem_shared>> -> memref<624x128xf32, #tpu.memory_space<vmem_shared>>
        %dma_start3A_64 = arith.constant 0 : i32
        %dma_start3A_65 = tpu.memref_slice %arg5[%mul3A_59, %dma_start3A_64] : memref<10000x128xf32, #tpu.memory_space<hbm>> -> memref<624x128xf32, #tpu.memory_space<hbm>>
        tpu.enqueue_dma source(%dma_start3A_65 : memref<624x128xf32, #tpu.memory_space<hbm>>) target(%dma_start3A_63 : memref<624x128xf32, #tpu.memory_space<vmem_shared>>) target_semaphore(%run_scoped3A : memref<!tpu.dma_semaphore, #tpu.memory_space<semaphore_mem>>)
        %dma_wait3A = arith.constant 0 : i32
        %dma_wait3A_66 = tpu.memref_slice %arg11[%mul3A_61, %dma_wait3A] : memref<10000x128xf32, #tpu.memory_space<vmem_shared>> -> memref<624x128xf32, #tpu.memory_space<vmem_shared>>
        %dma_wait3A_67 = arith.constant 0 : i32
        %dma_wait3A_68 = tpu.memref_slice %arg5[%mul3A_59, %dma_wait3A_67] : memref<10000x128xf32, #tpu.memory_space<hbm>> -> memref<624x128xf32, #tpu.memory_space<hbm>>
        tpu.wait_dma2 semaphore(%run_scoped3A : memref<!tpu.dma_semaphore, #tpu.memory_space<semaphore_mem>>) src(%dma_wait3A_68 : memref<624x128xf32, #tpu.memory_space<hbm>>) dst(%dma_wait3A_66 : memref<624x128xf32, #tpu.memory_space<vmem_shared>>)
        tpu.yield
      }) : () -> ()
    } else {
    }
    %eq3A_7 = arith.constant 0 : i32
    %eq3A_8 = arith.cmpi eq, %arg0, %eq3A_7 : i32
    %eq3A_9 = arith.constant 15 : i32
    %eq3A_10 = arith.cmpi eq, %arg1, %eq3A_9 : i32
    %and3A = arith.andi %eq3A_8, %eq3A_10 : i1
    %convert_element_type3A_11 = arith.extui %and3A : i1 to i32
    %cond3A_12 = arith.constant 0 : i32
    %cond3A_13 = arith.cmpi ne, %convert_element_type3A_11, %cond3A_12 : i32
    scf.if %cond3A_13 {
      "tpu.region"() ({
        %run_scoped3A = tpu.sem_alloc : memref<!tpu.dma_semaphore, #tpu.memory_space<semaphore_mem>>
        %dma_start3A_58 = arith.constant 9984 : i32
        %dma_start3A_59 = arith.constant 0 : i32
        %dma_start3A_60 = tpu.memref_slice %arg11[%dma_start3A_58, %dma_start3A_59] : memref<10000x128xf32, #tpu.memory_space<vmem_shared>> -> memref<16x128xf32, #tpu.memory_space<vmem_shared>>
        %dma_start3A_61 = arith.constant 9984 : i32
        %dma_start3A_62 = arith.constant 0 : i32
        %dma_start3A_63 = tpu.memref_slice %arg2[%dma_start3A_61, %dma_start3A_62] : memref<10000x128xf32, #tpu.memory_space<hbm>> -> memref<16x128xf32, #tpu.memory_space<hbm>>
        tpu.enqueue_dma source(%dma_start3A_63 : memref<16x128xf32, #tpu.memory_space<hbm>>) target(%dma_start3A_60 : memref<16x128xf32, #tpu.memory_space<vmem_shared>>) target_semaphore(%run_scoped3A : memref<!tpu.dma_semaphore, #tpu.memory_space<semaphore_mem>>)
        %dma_wait3A = arith.constant 9984 : i32
        %dma_wait3A_64 = arith.constant 0 : i32
        %dma_wait3A_65 = tpu.memref_slice %arg11[%dma_wait3A, %dma_wait3A_64] : memref<10000x128xf32, #tpu.memory_space<vmem_shared>> -> memref<16x128xf32, #tpu.memory_space<vmem_shared>>
        %dma_wait3A_66 = arith.constant 9984 : i32
        %dma_wait3A_67 = arith.constant 0 : i32
        %dma_wait3A_68 = tpu.memref_slice %arg2[%dma_wait3A_66, %dma_wait3A_67] : memref<10000x128xf32, #tpu.memory_space<hbm>> -> memref<16x128xf32, #tpu.memory_space<hbm>>
        tpu.wait_dma2 semaphore(%run_scoped3A : memref<!tpu.dma_semaphore, #tpu.memory_space<semaphore_mem>>) src(%dma_wait3A_68 : memref<16x128xf32, #tpu.memory_space<hbm>>) dst(%dma_wait3A_65 : memref<16x128xf32, #tpu.memory_space<vmem_shared>>)
        tpu.yield
      }) : () -> ()
    } else {
    }
    %ne3A_14 = arith.constant 0 : i32
    %ne3A_15 = arith.cmpi ne, %arg0, %ne3A_14 : i32
    %eq3A_16 = arith.constant 15 : i32
    %eq3A_17 = arith.cmpi eq, %arg1, %eq3A_16 : i32
    %and3A_18 = arith.andi %ne3A_15, %eq3A_17 : i1
    %convert_element_type3A_19 = arith.extui %and3A_18 : i1 to i32
    %cond3A_20 = arith.constant 0 : i32
    %cond3A_21 = arith.cmpi ne, %convert_element_type3A_19, %cond3A_20 : i32
    scf.if %cond3A_21 {
      "tpu.region"() ({
        %run_scoped3A = tpu.sem_alloc : memref<!tpu.dma_semaphore, #tpu.memory_space<semaphore_mem>>
        %dma_start3A_58 = arith.constant 9984 : i32
        %dma_start3A_59 = arith.constant 0 : i32
        %dma_start3A_60 = tpu.memref_slice %arg11[%dma_start3A_58, %dma_start3A_59] : memref<10000x128xf32, #tpu.memory_space<vmem_shared>> -> memref<16x128xf32, #tpu.memory_space<vmem_shared>>
        %dma_start3A_61 = arith.constant 9984 : i32
        %dma_start3A_62 = arith.constant 0 : i32
        %dma_start3A_63 = tpu.memref_slice %arg5[%dma_start3A_61, %dma_start3A_62] : memref<10000x128xf32, #tpu.memory_space<hbm>> -> memref<16x128xf32, #tpu.memory_space<hbm>>
        tpu.enqueue_dma source(%dma_start3A_63 : memref<16x128xf32, #tpu.memory_space<hbm>>) target(%dma_start3A_60 : memref<16x128xf32, #tpu.memory_space<vmem_shared>>) target_semaphore(%run_scoped3A : memref<!tpu.dma_semaphore, #tpu.memory_space<semaphore_mem>>)
        %dma_wait3A = arith.constant 9984 : i32
        %dma_wait3A_64 = arith.constant 0 : i32
        %dma_wait3A_65 = tpu.memref_slice %arg11[%dma_wait3A, %dma_wait3A_64] : memref<10000x128xf32, #tpu.memory_space<vmem_shared>> -> memref<16x128xf32, #tpu.memory_space<vmem_shared>>
        %dma_wait3A_66 = arith.constant 9984 : i32
        %dma_wait3A_67 = arith.constant 0 : i32
        %dma_wait3A_68 = tpu.memref_slice %arg5[%dma_wait3A_66, %dma_wait3A_67] : memref<10000x128xf32, #tpu.memory_space<hbm>> -> memref<16x128xf32, #tpu.memory_space<hbm>>
        tpu.wait_dma2 semaphore(%run_scoped3A : memref<!tpu.dma_semaphore, #tpu.memory_space<semaphore_mem>>) src(%dma_wait3A_68 : memref<16x128xf32, #tpu.memory_space<hbm>>) dst(%dma_wait3A_65 : memref<16x128xf32, #tpu.memory_space<vmem_shared>>)
        tpu.yield
      }) : () -> ()
    } else {
    }
    %barrier3A = arith.constant 0 : index
    tpu.barrier barrier_id(%barrier3A)
    "tpu.region"() ({
      %run_scoped3A = tpu.sem_alloc : memref<!tpu.dma_semaphore, #tpu.memory_space<semaphore_mem>>
      %dma_start3A_58 = arith.constant 0 : i32
      %dma_start3A_59 = arith.constant 0 : i32
      %dma_start3A_60 = tpu.memref_slice %arg3[%add3A, %dma_start3A_58, %dma_start3A_59] : memref<32x80x125xi32, #tpu.memory_space<hbm>> -> memref<1x40x125xi32, #tpu.memory_space<hbm>>
      %dma_start3A_61 = tpu.memref_squeeze %dma_start3A_60 : memref<1x40x125xi32, #tpu.memory_space<hbm>> -> memref<40x125xi32, #tpu.memory_space<hbm>>
      %dma_start3A_62 = arith.constant 0 : i32
      %dma_start3A_63 = arith.constant 0 : i32
      %dma_start3A_64 = tpu.memref_slice %arg3[%add3A, %dma_start3A_62, %dma_start3A_63] : memref<32x80x125xi32, #tpu.memory_space<hbm>> -> memref<1x40x125xi32, #tpu.memory_space<hbm>>
      %dma_start3A_65 = tpu.memref_squeeze %dma_start3A_64 : memref<1x40x125xi32, #tpu.memory_space<hbm>> -> memref<40x125xi32, #tpu.memory_space<hbm>>
      tpu.enqueue_dma source(%dma_start3A_65 : memref<40x125xi32, #tpu.memory_space<hbm>>) target(%arg7 : memref<40x125xi32, #tpu.memory_space<vmem>>) target_semaphore(%run_scoped3A : memref<!tpu.dma_semaphore, #tpu.memory_space<semaphore_mem>>)
      %dma_wait3A = arith.constant 0 : i32
      %dma_wait3A_66 = arith.constant 0 : i32
      %dma_wait3A_67 = tpu.memref_slice %arg3[%add3A, %dma_wait3A, %dma_wait3A_66] : memref<32x80x125xi32, #tpu.memory_space<hbm>> -> memref<1x40x125xi32, #tpu.memory_space<hbm>>
      %dma_wait3A_68 = tpu.memref_squeeze %dma_wait3A_67 : memref<1x40x125xi32, #tpu.memory_space<hbm>> -> memref<40x125xi32, #tpu.memory_space<hbm>>
      %dma_wait3A_69 = arith.constant 0 : i32
      %dma_wait3A_70 = arith.constant 0 : i32
      %dma_wait3A_71 = tpu.memref_slice %arg3[%add3A, %dma_wait3A_69, %dma_wait3A_70] : memref<32x80x125xi32, #tpu.memory_space<hbm>> -> memref<1x40x125xi32, #tpu.memory_space<hbm>>
      %dma_wait3A_72 = tpu.memref_squeeze %dma_wait3A_71 : memref<1x40x125xi32, #tpu.memory_space<hbm>> -> memref<40x125xi32, #tpu.memory_space<hbm>>
      tpu.wait_dma2 semaphore(%run_scoped3A : memref<!tpu.dma_semaphore, #tpu.memory_space<semaphore_mem>>) src(%dma_wait3A_72 : memref<40x125xi32, #tpu.memory_space<hbm>>) dst(%arg7 : memref<40x125xi32, #tpu.memory_space<vmem>>)
      tpu.yield
    }) : () -> ()
    "tpu.region"() ({
      %run_scoped3A = tpu.sem_alloc : memref<!tpu.dma_semaphore, #tpu.memory_space<semaphore_mem>>
      %dma_start3A_58 = arith.constant 0 : i32
      %dma_start3A_59 = arith.constant 0 : i32
      %dma_start3A_60 = tpu.memref_slice %arg4[%add3A, %dma_start3A_58, %dma_start3A_59] : memref<32x80x125xi32, #tpu.memory_space<hbm>> -> memref<1x40x125xi32, #tpu.memory_space<hbm>>
      %dma_start3A_61 = tpu.memref_squeeze %dma_start3A_60 : memref<1x40x125xi32, #tpu.memory_space<hbm>> -> memref<40x125xi32, #tpu.memory_space<hbm>>
      %dma_start3A_62 = arith.constant 0 : i32
      %dma_start3A_63 = arith.constant 0 : i32
      %dma_start3A_64 = tpu.memref_slice %arg4[%add3A, %dma_start3A_62, %dma_start3A_63] : memref<32x80x125xi32, #tpu.memory_space<hbm>> -> memref<1x40x125xi32, #tpu.memory_space<hbm>>
      %dma_start3A_65 = tpu.memref_squeeze %dma_start3A_64 : memref<1x40x125xi32, #tpu.memory_space<hbm>> -> memref<40x125xi32, #tpu.memory_space<hbm>>
      tpu.enqueue_dma source(%dma_start3A_65 : memref<40x125xi32, #tpu.memory_space<hbm>>) target(%arg8 : memref<40x125xi32, #tpu.memory_space<vmem>>) target_semaphore(%run_scoped3A : memref<!tpu.dma_semaphore, #tpu.memory_space<semaphore_mem>>)
      %dma_wait3A = arith.constant 0 : i32
      %dma_wait3A_66 = arith.constant 0 : i32
      %dma_wait3A_67 = tpu.memref_slice %arg4[%add3A, %dma_wait3A, %dma_wait3A_66] : memref<32x80x125xi32, #tpu.memory_space<hbm>> -> memref<1x40x125xi32, #tpu.memory_space<hbm>>
      %dma_wait3A_68 = tpu.memref_squeeze %dma_wait3A_67 : memref<1x40x125xi32, #tpu.memory_space<hbm>> -> memref<40x125xi32, #tpu.memory_space<hbm>>
      %dma_wait3A_69 = arith.constant 0 : i32
      %dma_wait3A_70 = arith.constant 0 : i32
      %dma_wait3A_71 = tpu.memref_slice %arg4[%add3A, %dma_wait3A_69, %dma_wait3A_70] : memref<32x80x125xi32, #tpu.memory_space<hbm>> -> memref<1x40x125xi32, #tpu.memory_space<hbm>>
      %dma_wait3A_72 = tpu.memref_squeeze %dma_wait3A_71 : memref<1x40x125xi32, #tpu.memory_space<hbm>> -> memref<40x125xi32, #tpu.memory_space<hbm>>
      tpu.wait_dma2 semaphore(%run_scoped3A : memref<!tpu.dma_semaphore, #tpu.memory_space<semaphore_mem>>) src(%dma_wait3A_72 : memref<40x125xi32, #tpu.memory_space<hbm>>) dst(%arg8 : memref<40x125xi32, #tpu.memory_space<vmem>>)
      tpu.yield
    }) : () -> ()
    %dma_start3A = arith.constant 0 : i32
    %dma_start3A_22 = arith.constant 0 : i32
    %dma_start3A_23 = tpu.memref_slice %arg7[%dma_start3A, %dma_start3A_22] : memref<40x125xi32, #tpu.memory_space<vmem>> -> memref<1x125xi32, #tpu.memory_space<vmem>>
    %dma_start3A_24 = tpu.memref_squeeze %dma_start3A_23 : memref<1x125xi32, #tpu.memory_space<vmem>> -> memref<125xi32, #tpu.memory_space<vmem>>
    %dma_start3A_25 = arith.constant 0 : i32
    %dma_start3A_26 = arith.constant 0 : i32
    %dma_start3A_27 = tpu.memref_slice %arg2[%dma_start3A_25, %dma_start3A_26] : memref<10000x128xf32, #tpu.memory_space<hbm>> -> memref<10000x128xf32, #tpu.memory_space<hbm>>
    tpu.enqueue_indirect_dma source(%dma_start3A_27 : memref<10000x128xf32, #tpu.memory_space<hbm>>) target(%arg9 : memref<125x128xf32, #tpu.memory_space<vmem>>) offsets(%dma_start3A_24 : memref<125xi32, #tpu.memory_space<vmem>>) semaphore(%arg12 : memref<!tpu.dma_semaphore, #tpu.memory_space<semaphore_mem>>)
    %scan3A = arith.constant 0 : i32
    %scan3A_28 = arith.constant 0 : i32
    %scan3A_29 = arith.constant 20 : i32
    %scan3A_30 = arith.addi %scan3A_28, %scan3A_29 : i32
    %scan3A_31 = arith.constant 1 : i32
    %scan3A_32 = scf.for %scan3A_58 = %scan3A_28 to %scan3A_30 step %scan3A_31 iter_args(%scan3A_59 = %scan3A) -> (i32)  : i32 {
      %mul3A_60 = arith.constant 2 : i32
      %mul3A_61 = arith.muli %mul3A_60, %scan3A_58 : i32
      %mul3A_62 = arith.constant 2 : i32
      %mul3A_63 = arith.muli %mul3A_62, %scan3A_58 : i32
      %add3A_64 = arith.constant 1 : i32
      %add3A_65 = arith.addi %mul3A_63, %add3A_64 : i32
      %dma_wait3A = arith.constant 0 : i32
      %dma_wait3A_66 = tpu.memref_slice %arg7[%mul3A_61, %dma_wait3A] : memref<40x125xi32, #tpu.memory_space<vmem>> -> memref<1x125xi32, #tpu.memory_space<vmem>>
      %dma_wait3A_67 = tpu.memref_squeeze %dma_wait3A_66 : memref<1x125xi32, #tpu.memory_space<vmem>> -> memref<125xi32, #tpu.memory_space<vmem>>
      %dma_wait3A_68 = arith.constant 0 : i32
      %dma_wait3A_69 = arith.constant 0 : i32
      %dma_wait3A_70 = tpu.memref_slice %arg2[%dma_wait3A_68, %dma_wait3A_69] : memref<10000x128xf32, #tpu.memory_space<hbm>> -> memref<10000x128xf32, #tpu.memory_space<hbm>>
      tpu.wait_indirect_dma semaphore(%arg12 : memref<!tpu.dma_semaphore, #tpu.memory_space<semaphore_mem>>) src(%dma_wait3A_70 : memref<10000x128xf32, #tpu.memory_space<hbm>>) dst(%arg9 : memref<125x128xf32, #tpu.memory_space<vmem>>)
      %dma_start3A_71 = arith.constant 0 : i32
      %dma_start3A_72 = tpu.memref_slice %arg7[%add3A_65, %dma_start3A_71] : memref<40x125xi32, #tpu.memory_space<vmem>> -> memref<1x125xi32, #tpu.memory_space<vmem>>
      %dma_start3A_73 = tpu.memref_squeeze %dma_start3A_72 : memref<1x125xi32, #tpu.memory_space<vmem>> -> memref<125xi32, #tpu.memory_space<vmem>>
      %dma_start3A_74 = arith.constant 0 : i32
      %dma_start3A_75 = arith.constant 0 : i32
      %dma_start3A_76 = tpu.memref_slice %arg2[%dma_start3A_74, %dma_start3A_75] : memref<10000x128xf32, #tpu.memory_space<hbm>> -> memref<10000x128xf32, #tpu.memory_space<hbm>>
      tpu.enqueue_indirect_dma source(%dma_start3A_76 : memref<10000x128xf32, #tpu.memory_space<hbm>>) target(%arg10 : memref<125x128xf32, #tpu.memory_space<vmem>>) offsets(%dma_start3A_73 : memref<125xi32, #tpu.memory_space<vmem>>) semaphore(%arg13 : memref<!tpu.dma_semaphore, #tpu.memory_space<semaphore_mem>>)
      "tpu.region"() ({
        %run_scoped3A = tpu.sem_alloc : memref<!tpu.dma_semaphore, #tpu.memory_space<semaphore_mem>>
        %dma_start3A_88 = arith.constant 0 : i32
        %dma_start3A_89 = tpu.memref_slice %arg8[%mul3A_61, %dma_start3A_88] : memref<40x125xi32, #tpu.memory_space<vmem>> -> memref<1x125xi32, #tpu.memory_space<vmem>>
        %dma_start3A_90 = tpu.memref_squeeze %dma_start3A_89 : memref<1x125xi32, #tpu.memory_space<vmem>> -> memref<125xi32, #tpu.memory_space<vmem>>
        %dma_start3A_91 = arith.constant 0 : i32
        %dma_start3A_92 = arith.constant 0 : i32
        %dma_start3A_93 = tpu.memref_slice %arg11[%dma_start3A_91, %dma_start3A_92] : memref<10000x128xf32, #tpu.memory_space<vmem_shared>> -> memref<10000x128xf32, #tpu.memory_space<vmem_shared>>
        tpu.enqueue_indirect_dma source(%arg9 : memref<125x128xf32, #tpu.memory_space<vmem>>) target(%dma_start3A_93 : memref<10000x128xf32, #tpu.memory_space<vmem_shared>>) offsets(%dma_start3A_90 : memref<125xi32, #tpu.memory_space<vmem>>) semaphore(%run_scoped3A : memref<!tpu.dma_semaphore, #tpu.memory_space<semaphore_mem>>) {add = true}
        %dma_wait3A_94 = arith.constant 0 : i32
        %dma_wait3A_95 = tpu.memref_slice %arg8[%mul3A_61, %dma_wait3A_94] : memref<40x125xi32, #tpu.memory_space<vmem>> -> memref<1x125xi32, #tpu.memory_space<vmem>>
        %dma_wait3A_96 = tpu.memref_squeeze %dma_wait3A_95 : memref<1x125xi32, #tpu.memory_space<vmem>> -> memref<125xi32, #tpu.memory_space<vmem>>
        %dma_wait3A_97 = arith.constant 0 : i32
        %dma_wait3A_98 = arith.constant 0 : i32
        %dma_wait3A_99 = tpu.memref_slice %arg11[%dma_wait3A_97, %dma_wait3A_98] : memref<10000x128xf32, #tpu.memory_space<vmem_shared>> -> memref<10000x128xf32, #tpu.memory_space<vmem_shared>>
        tpu.wait_indirect_dma semaphore(%run_scoped3A : memref<!tpu.dma_semaphore, #tpu.memory_space<semaphore_mem>>) src(%arg9 : memref<125x128xf32, #tpu.memory_space<vmem>>) dst(%dma_wait3A_99 : memref<10000x128xf32, #tpu.memory_space<vmem_shared>>)
        tpu.yield
      }) : () -> ()
      %dma_wait3A_77 = arith.constant 0 : i32
      %dma_wait3A_78 = tpu.memref_slice %arg7[%add3A_65, %dma_wait3A_77] : memref<40x125xi32, #tpu.memory_space<vmem>> -> memref<1x125xi32, #tpu.memory_space<vmem>>
      %dma_wait3A_79 = tpu.memref_squeeze %dma_wait3A_78 : memref<1x125xi32, #tpu.memory_space<vmem>> -> memref<125xi32, #tpu.memory_space<vmem>>
      %dma_wait3A_80 = arith.constant 0 : i32
      %dma_wait3A_81 = arith.constant 0 : i32
      %dma_wait3A_82 = tpu.memref_slice %arg2[%dma_wait3A_80, %dma_wait3A_81] : memref<10000x128xf32, #tpu.memory_space<hbm>> -> memref<10000x128xf32, #tpu.memory_space<hbm>>
      tpu.wait_indirect_dma semaphore(%arg13 : memref<!tpu.dma_semaphore, #tpu.memory_space<semaphore_mem>>) src(%dma_wait3A_82 : memref<10000x128xf32, #tpu.memory_space<hbm>>) dst(%arg10 : memref<125x128xf32, #tpu.memory_space<vmem>>)
      %lt3A = arith.constant 19 : i32
      %lt3A_83 = arith.cmpi slt, %scan3A_58, %lt3A : i32
      %convert_element_type3A_84 = arith.extui %lt3A_83 : i1 to i32
      %cond3A_85 = arith.constant 0 : i32
      %cond3A_86 = arith.cmpi ne, %convert_element_type3A_84, %cond3A_85 : i32
      scf.if %cond3A_86 {
        %add3A_88 = arith.constant 2 : i32
        %add3A_89 = arith.addi %mul3A_61, %add3A_88 : i32
        %dma_start3A_90 = arith.constant 0 : i32
        %dma_start3A_91 = tpu.memref_slice %arg7[%add3A_89, %dma_start3A_90] : memref<40x125xi32, #tpu.memory_space<vmem>> -> memref<1x125xi32, #tpu.memory_space<vmem>>
        %dma_start3A_92 = tpu.memref_squeeze %dma_start3A_91 : memref<1x125xi32, #tpu.memory_space<vmem>> -> memref<125xi32, #tpu.memory_space<vmem>>
        %dma_start3A_93 = arith.constant 0 : i32
        %dma_start3A_94 = arith.constant 0 : i32
        %dma_start3A_95 = tpu.memref_slice %arg2[%dma_start3A_93, %dma_start3A_94] : memref<10000x128xf32, #tpu.memory_space<hbm>> -> memref<10000x128xf32, #tpu.memory_space<hbm>>
        tpu.enqueue_indirect_dma source(%dma_start3A_95 : memref<10000x128xf32, #tpu.memory_space<hbm>>) target(%arg9 : memref<125x128xf32, #tpu.memory_space<vmem>>) offsets(%dma_start3A_92 : memref<125xi32, #tpu.memory_space<vmem>>) semaphore(%arg12 : memref<!tpu.dma_semaphore, #tpu.memory_space<semaphore_mem>>)
      } else {
      }
      "tpu.region"() ({
        %run_scoped3A = tpu.sem_alloc : memref<!tpu.dma_semaphore, #tpu.memory_space<semaphore_mem>>
        %dma_start3A_88 = arith.constant 0 : i32
        %dma_start3A_89 = tpu.memref_slice %arg8[%add3A_65, %dma_start3A_88] : memref<40x125xi32, #tpu.memory_space<vmem>> -> memref<1x125xi32, #tpu.memory_space<vmem>>
        %dma_start3A_90 = tpu.memref_squeeze %dma_start3A_89 : memref<1x125xi32, #tpu.memory_space<vmem>> -> memref<125xi32, #tpu.memory_space<vmem>>
        %dma_start3A_91 = arith.constant 0 : i32
        %dma_start3A_92 = arith.constant 0 : i32
        %dma_start3A_93 = tpu.memref_slice %arg11[%dma_start3A_91, %dma_start3A_92] : memref<10000x128xf32, #tpu.memory_space<vmem_shared>> -> memref<10000x128xf32, #tpu.memory_space<vmem_shared>>
        tpu.enqueue_indirect_dma source(%arg10 : memref<125x128xf32, #tpu.memory_space<vmem>>) target(%dma_start3A_93 : memref<10000x128xf32, #tpu.memory_space<vmem_shared>>) offsets(%dma_start3A_90 : memref<125xi32, #tpu.memory_space<vmem>>) semaphore(%run_scoped3A : memref<!tpu.dma_semaphore, #tpu.memory_space<semaphore_mem>>) {add = true}
        %dma_wait3A_94 = arith.constant 0 : i32
        %dma_wait3A_95 = tpu.memref_slice %arg8[%add3A_65, %dma_wait3A_94] : memref<40x125xi32, #tpu.memory_space<vmem>> -> memref<1x125xi32, #tpu.memory_space<vmem>>
        %dma_wait3A_96 = tpu.memref_squeeze %dma_wait3A_95 : memref<1x125xi32, #tpu.memory_space<vmem>> -> memref<125xi32, #tpu.memory_space<vmem>>
        %dma_wait3A_97 = arith.constant 0 : i32
        %dma_wait3A_98 = arith.constant 0 : i32
        %dma_wait3A_99 = tpu.memref_slice %arg11[%dma_wait3A_97, %dma_wait3A_98] : memref<10000x128xf32, #tpu.memory_space<vmem_shared>> -> memref<10000x128xf32, #tpu.memory_space<vmem_shared>>
        tpu.wait_indirect_dma semaphore(%run_scoped3A : memref<!tpu.dma_semaphore, #tpu.memory_space<semaphore_mem>>) src(%arg10 : memref<125x128xf32, #tpu.memory_space<vmem>>) dst(%dma_wait3A_99 : memref<10000x128xf32, #tpu.memory_space<vmem_shared>>)
        tpu.yield
      }) : () -> ()
      %scan3A_87 = arith.constant 0 : i32
      scf.yield %scan3A_87 : i32
    }
    %scan3A_33 = arith.constant 20 : i32
    "tpu.region"() ({
      %run_scoped3A = tpu.sem_alloc : memref<!tpu.dma_semaphore, #tpu.memory_space<semaphore_mem>>
      %dma_start3A_58 = arith.constant 40 : i32
      %dma_start3A_59 = arith.constant 0 : i32
      %dma_start3A_60 = tpu.memref_slice %arg3[%add3A, %dma_start3A_58, %dma_start3A_59] : memref<32x80x125xi32, #tpu.memory_space<hbm>> -> memref<1x40x125xi32, #tpu.memory_space<hbm>>
      %dma_start3A_61 = tpu.memref_squeeze %dma_start3A_60 : memref<1x40x125xi32, #tpu.memory_space<hbm>> -> memref<40x125xi32, #tpu.memory_space<hbm>>
      %dma_start3A_62 = arith.constant 40 : i32
      %dma_start3A_63 = arith.constant 0 : i32
      %dma_start3A_64 = tpu.memref_slice %arg3[%add3A, %dma_start3A_62, %dma_start3A_63] : memref<32x80x125xi32, #tpu.memory_space<hbm>> -> memref<1x40x125xi32, #tpu.memory_space<hbm>>
      %dma_start3A_65 = tpu.memref_squeeze %dma_start3A_64 : memref<1x40x125xi32, #tpu.memory_space<hbm>> -> memref<40x125xi32, #tpu.memory_space<hbm>>
      tpu.enqueue_dma source(%dma_start3A_65 : memref<40x125xi32, #tpu.memory_space<hbm>>) target(%arg7 : memref<40x125xi32, #tpu.memory_space<vmem>>) target_semaphore(%run_scoped3A : memref<!tpu.dma_semaphore, #tpu.memory_space<semaphore_mem>>)
      %dma_wait3A = arith.constant 40 : i32
      %dma_wait3A_66 = arith.constant 0 : i32
      %dma_wait3A_67 = tpu.memref_slice %arg3[%add3A, %dma_wait3A, %dma_wait3A_66] : memref<32x80x125xi32, #tpu.memory_space<hbm>> -> memref<1x40x125xi32, #tpu.memory_space<hbm>>
      %dma_wait3A_68 = tpu.memref_squeeze %dma_wait3A_67 : memref<1x40x125xi32, #tpu.memory_space<hbm>> -> memref<40x125xi32, #tpu.memory_space<hbm>>
      %dma_wait3A_69 = arith.constant 40 : i32
      %dma_wait3A_70 = arith.constant 0 : i32
      %dma_wait3A_71 = tpu.memref_slice %arg3[%add3A, %dma_wait3A_69, %dma_wait3A_70] : memref<32x80x125xi32, #tpu.memory_space<hbm>> -> memref<1x40x125xi32, #tpu.memory_space<hbm>>
      %dma_wait3A_72 = tpu.memref_squeeze %dma_wait3A_71 : memref<1x40x125xi32, #tpu.memory_space<hbm>> -> memref<40x125xi32, #tpu.memory_space<hbm>>
      tpu.wait_dma2 semaphore(%run_scoped3A : memref<!tpu.dma_semaphore, #tpu.memory_space<semaphore_mem>>) src(%dma_wait3A_72 : memref<40x125xi32, #tpu.memory_space<hbm>>) dst(%arg7 : memref<40x125xi32, #tpu.memory_space<vmem>>)
      tpu.yield
    }) : () -> ()
    "tpu.region"() ({
      %run_scoped3A = tpu.sem_alloc : memref<!tpu.dma_semaphore, #tpu.memory_space<semaphore_mem>>
      %dma_start3A_58 = arith.constant 40 : i32
      %dma_start3A_59 = arith.constant 0 : i32
      %dma_start3A_60 = tpu.memref_slice %arg4[%add3A, %dma_start3A_58, %dma_start3A_59] : memref<32x80x125xi32, #tpu.memory_space<hbm>> -> memref<1x40x125xi32, #tpu.memory_space<hbm>>
      %dma_start3A_61 = tpu.memref_squeeze %dma_start3A_60 : memref<1x40x125xi32, #tpu.memory_space<hbm>> -> memref<40x125xi32, #tpu.memory_space<hbm>>
      %dma_start3A_62 = arith.constant 40 : i32
      %dma_start3A_63 = arith.constant 0 : i32
      %dma_start3A_64 = tpu.memref_slice %arg4[%add3A, %dma_start3A_62, %dma_start3A_63] : memref<32x80x125xi32, #tpu.memory_space<hbm>> -> memref<1x40x125xi32, #tpu.memory_space<hbm>>
      %dma_start3A_65 = tpu.memref_squeeze %dma_start3A_64 : memref<1x40x125xi32, #tpu.memory_space<hbm>> -> memref<40x125xi32, #tpu.memory_space<hbm>>
      tpu.enqueue_dma source(%dma_start3A_65 : memref<40x125xi32, #tpu.memory_space<hbm>>) target(%arg8 : memref<40x125xi32, #tpu.memory_space<vmem>>) target_semaphore(%run_scoped3A : memref<!tpu.dma_semaphore, #tpu.memory_space<semaphore_mem>>)
      %dma_wait3A = arith.constant 40 : i32
      %dma_wait3A_66 = arith.constant 0 : i32
      %dma_wait3A_67 = tpu.memref_slice %arg4[%add3A, %dma_wait3A, %dma_wait3A_66] : memref<32x80x125xi32, #tpu.memory_space<hbm>> -> memref<1x40x125xi32, #tpu.memory_space<hbm>>
      %dma_wait3A_68 = tpu.memref_squeeze %dma_wait3A_67 : memref<1x40x125xi32, #tpu.memory_space<hbm>> -> memref<40x125xi32, #tpu.memory_space<hbm>>
      %dma_wait3A_69 = arith.constant 40 : i32
      %dma_wait3A_70 = arith.constant 0 : i32
      %dma_wait3A_71 = tpu.memref_slice %arg4[%add3A, %dma_wait3A_69, %dma_wait3A_70] : memref<32x80x125xi32, #tpu.memory_space<hbm>> -> memref<1x40x125xi32, #tpu.memory_space<hbm>>
      %dma_wait3A_72 = tpu.memref_squeeze %dma_wait3A_71 : memref<1x40x125xi32, #tpu.memory_space<hbm>> -> memref<40x125xi32, #tpu.memory_space<hbm>>
      tpu.wait_dma2 semaphore(%run_scoped3A : memref<!tpu.dma_semaphore, #tpu.memory_space<semaphore_mem>>) src(%dma_wait3A_72 : memref<40x125xi32, #tpu.memory_space<hbm>>) dst(%arg8 : memref<40x125xi32, #tpu.memory_space<vmem>>)
      tpu.yield
    }) : () -> ()
    %dma_start3A_34 = arith.constant 0 : i32
    %dma_start3A_35 = arith.constant 0 : i32
    %dma_start3A_36 = tpu.memref_slice %arg7[%dma_start3A_34, %dma_start3A_35] : memref<40x125xi32, #tpu.memory_space<vmem>> -> memref<1x125xi32, #tpu.memory_space<vmem>>
    %dma_start3A_37 = tpu.memref_squeeze %dma_start3A_36 : memref<1x125xi32, #tpu.memory_space<vmem>> -> memref<125xi32, #tpu.memory_space<vmem>>
    %dma_start3A_38 = arith.constant 0 : i32
    %dma_start3A_39 = arith.constant 0 : i32
    %dma_start3A_40 = tpu.memref_slice %arg2[%dma_start3A_38, %dma_start3A_39] : memref<10000x128xf32, #tpu.memory_space<hbm>> -> memref<10000x128xf32, #tpu.memory_space<hbm>>
    tpu.enqueue_indirect_dma source(%dma_start3A_40 : memref<10000x128xf32, #tpu.memory_space<hbm>>) target(%arg9 : memref<125x128xf32, #tpu.memory_space<vmem>>) offsets(%dma_start3A_37 : memref<125xi32, #tpu.memory_space<vmem>>) semaphore(%arg12 : memref<!tpu.dma_semaphore, #tpu.memory_space<semaphore_mem>>)
    %scan3A_41 = arith.constant 0 : i32
    %scan3A_42 = arith.constant 0 : i32
    %scan3A_43 = arith.constant 20 : i32
    %scan3A_44 = arith.addi %scan3A_42, %scan3A_43 : i32
    %scan3A_45 = arith.constant 1 : i32
    %scan3A_46 = scf.for %scan3A_58 = %scan3A_42 to %scan3A_44 step %scan3A_45 iter_args(%scan3A_59 = %scan3A_41) -> (i32)  : i32 {
      %mul3A_60 = arith.constant 2 : i32
      %mul3A_61 = arith.muli %mul3A_60, %scan3A_58 : i32
      %mul3A_62 = arith.constant 2 : i32
      %mul3A_63 = arith.muli %mul3A_62, %scan3A_58 : i32
      %add3A_64 = arith.constant 1 : i32
      %add3A_65 = arith.addi %mul3A_63, %add3A_64 : i32
      %dma_wait3A = arith.constant 0 : i32
      %dma_wait3A_66 = tpu.memref_slice %arg7[%mul3A_61, %dma_wait3A] : memref<40x125xi32, #tpu.memory_space<vmem>> -> memref<1x125xi32, #tpu.memory_space<vmem>>
      %dma_wait3A_67 = tpu.memref_squeeze %dma_wait3A_66 : memref<1x125xi32, #tpu.memory_space<vmem>> -> memref<125xi32, #tpu.memory_space<vmem>>
      %dma_wait3A_68 = arith.constant 0 : i32
      %dma_wait3A_69 = arith.constant 0 : i32
      %dma_wait3A_70 = tpu.memref_slice %arg2[%dma_wait3A_68, %dma_wait3A_69] : memref<10000x128xf32, #tpu.memory_space<hbm>> -> memref<10000x128xf32, #tpu.memory_space<hbm>>
      tpu.wait_indirect_dma semaphore(%arg12 : memref<!tpu.dma_semaphore, #tpu.memory_space<semaphore_mem>>) src(%dma_wait3A_70 : memref<10000x128xf32, #tpu.memory_space<hbm>>) dst(%arg9 : memref<125x128xf32, #tpu.memory_space<vmem>>)
      %dma_start3A_71 = arith.constant 0 : i32
      %dma_start3A_72 = tpu.memref_slice %arg7[%add3A_65, %dma_start3A_71] : memref<40x125xi32, #tpu.memory_space<vmem>> -> memref<1x125xi32, #tpu.memory_space<vmem>>
      %dma_start3A_73 = tpu.memref_squeeze %dma_start3A_72 : memref<1x125xi32, #tpu.memory_space<vmem>> -> memref<125xi32, #tpu.memory_space<vmem>>
      %dma_start3A_74 = arith.constant 0 : i32
      %dma_start3A_75 = arith.constant 0 : i32
      %dma_start3A_76 = tpu.memref_slice %arg2[%dma_start3A_74, %dma_start3A_75] : memref<10000x128xf32, #tpu.memory_space<hbm>> -> memref<10000x128xf32, #tpu.memory_space<hbm>>
      tpu.enqueue_indirect_dma source(%dma_start3A_76 : memref<10000x128xf32, #tpu.memory_space<hbm>>) target(%arg10 : memref<125x128xf32, #tpu.memory_space<vmem>>) offsets(%dma_start3A_73 : memref<125xi32, #tpu.memory_space<vmem>>) semaphore(%arg13 : memref<!tpu.dma_semaphore, #tpu.memory_space<semaphore_mem>>)
      "tpu.region"() ({
        %run_scoped3A = tpu.sem_alloc : memref<!tpu.dma_semaphore, #tpu.memory_space<semaphore_mem>>
        %dma_start3A_88 = arith.constant 0 : i32
        %dma_start3A_89 = tpu.memref_slice %arg8[%mul3A_61, %dma_start3A_88] : memref<40x125xi32, #tpu.memory_space<vmem>> -> memref<1x125xi32, #tpu.memory_space<vmem>>
        %dma_start3A_90 = tpu.memref_squeeze %dma_start3A_89 : memref<1x125xi32, #tpu.memory_space<vmem>> -> memref<125xi32, #tpu.memory_space<vmem>>
        %dma_start3A_91 = arith.constant 0 : i32
        %dma_start3A_92 = arith.constant 0 : i32
        %dma_start3A_93 = tpu.memref_slice %arg11[%dma_start3A_91, %dma_start3A_92] : memref<10000x128xf32, #tpu.memory_space<vmem_shared>> -> memref<10000x128xf32, #tpu.memory_space<vmem_shared>>
        tpu.enqueue_indirect_dma source(%arg9 : memref<125x128xf32, #tpu.memory_space<vmem>>) target(%dma_start3A_93 : memref<10000x128xf32, #tpu.memory_space<vmem_shared>>) offsets(%dma_start3A_90 : memref<125xi32, #tpu.memory_space<vmem>>) semaphore(%run_scoped3A : memref<!tpu.dma_semaphore, #tpu.memory_space<semaphore_mem>>) {add = true}
        %dma_wait3A_94 = arith.constant 0 : i32
        %dma_wait3A_95 = tpu.memref_slice %arg8[%mul3A_61, %dma_wait3A_94] : memref<40x125xi32, #tpu.memory_space<vmem>> -> memref<1x125xi32, #tpu.memory_space<vmem>>
        %dma_wait3A_96 = tpu.memref_squeeze %dma_wait3A_95 : memref<1x125xi32, #tpu.memory_space<vmem>> -> memref<125xi32, #tpu.memory_space<vmem>>
        %dma_wait3A_97 = arith.constant 0 : i32
        %dma_wait3A_98 = arith.constant 0 : i32
        %dma_wait3A_99 = tpu.memref_slice %arg11[%dma_wait3A_97, %dma_wait3A_98] : memref<10000x128xf32, #tpu.memory_space<vmem_shared>> -> memref<10000x128xf32, #tpu.memory_space<vmem_shared>>
        tpu.wait_indirect_dma semaphore(%run_scoped3A : memref<!tpu.dma_semaphore, #tpu.memory_space<semaphore_mem>>) src(%arg9 : memref<125x128xf32, #tpu.memory_space<vmem>>) dst(%dma_wait3A_99 : memref<10000x128xf32, #tpu.memory_space<vmem_shared>>)
        tpu.yield
      }) : () -> ()
      %dma_wait3A_77 = arith.constant 0 : i32
      %dma_wait3A_78 = tpu.memref_slice %arg7[%add3A_65, %dma_wait3A_77] : memref<40x125xi32, #tpu.memory_space<vmem>> -> memref<1x125xi32, #tpu.memory_space<vmem>>
      %dma_wait3A_79 = tpu.memref_squeeze %dma_wait3A_78 : memref<1x125xi32, #tpu.memory_space<vmem>> -> memref<125xi32, #tpu.memory_space<vmem>>
      %dma_wait3A_80 = arith.constant 0 : i32
      %dma_wait3A_81 = arith.constant 0 : i32
      %dma_wait3A_82 = tpu.memref_slice %arg2[%dma_wait3A_80, %dma_wait3A_81] : memref<10000x128xf32, #tpu.memory_space<hbm>> -> memref<10000x128xf32, #tpu.memory_space<hbm>>
      tpu.wait_indirect_dma semaphore(%arg13 : memref<!tpu.dma_semaphore, #tpu.memory_space<semaphore_mem>>) src(%dma_wait3A_82 : memref<10000x128xf32, #tpu.memory_space<hbm>>) dst(%arg10 : memref<125x128xf32, #tpu.memory_space<vmem>>)
      %lt3A = arith.constant 19 : i32
      %lt3A_83 = arith.cmpi slt, %scan3A_58, %lt3A : i32
      %convert_element_type3A_84 = arith.extui %lt3A_83 : i1 to i32
      %cond3A_85 = arith.constant 0 : i32
      %cond3A_86 = arith.cmpi ne, %convert_element_type3A_84, %cond3A_85 : i32
      scf.if %cond3A_86 {
        %add3A_88 = arith.constant 2 : i32
        %add3A_89 = arith.addi %mul3A_61, %add3A_88 : i32
        %dma_start3A_90 = arith.constant 0 : i32
        %dma_start3A_91 = tpu.memref_slice %arg7[%add3A_89, %dma_start3A_90] : memref<40x125xi32, #tpu.memory_space<vmem>> -> memref<1x125xi32, #tpu.memory_space<vmem>>
        %dma_start3A_92 = tpu.memref_squeeze %dma_start3A_91 : memref<1x125xi32, #tpu.memory_space<vmem>> -> memref<125xi32, #tpu.memory_space<vmem>>
        %dma_start3A_93 = arith.constant 0 : i32
        %dma_start3A_94 = arith.constant 0 : i32
        %dma_start3A_95 = tpu.memref_slice %arg2[%dma_start3A_93, %dma_start3A_94] : memref<10000x128xf32, #tpu.memory_space<hbm>> -> memref<10000x128xf32, #tpu.memory_space<hbm>>
        tpu.enqueue_indirect_dma source(%dma_start3A_95 : memref<10000x128xf32, #tpu.memory_space<hbm>>) target(%arg9 : memref<125x128xf32, #tpu.memory_space<vmem>>) offsets(%dma_start3A_92 : memref<125xi32, #tpu.memory_space<vmem>>) semaphore(%arg12 : memref<!tpu.dma_semaphore, #tpu.memory_space<semaphore_mem>>)
      } else {
      }
      "tpu.region"() ({
        %run_scoped3A = tpu.sem_alloc : memref<!tpu.dma_semaphore, #tpu.memory_space<semaphore_mem>>
        %dma_start3A_88 = arith.constant 0 : i32
        %dma_start3A_89 = tpu.memref_slice %arg8[%add3A_65, %dma_start3A_88] : memref<40x125xi32, #tpu.memory_space<vmem>> -> memref<1x125xi32, #tpu.memory_space<vmem>>
        %dma_start3A_90 = tpu.memref_squeeze %dma_start3A_89 : memref<1x125xi32, #tpu.memory_space<vmem>> -> memref<125xi32, #tpu.memory_space<vmem>>
        %dma_start3A_91 = arith.constant 0 : i32
        %dma_start3A_92 = arith.constant 0 : i32
        %dma_start3A_93 = tpu.memref_slice %arg11[%dma_start3A_91, %dma_start3A_92] : memref<10000x128xf32, #tpu.memory_space<vmem_shared>> -> memref<10000x128xf32, #tpu.memory_space<vmem_shared>>
        tpu.enqueue_indirect_dma source(%arg10 : memref<125x128xf32, #tpu.memory_space<vmem>>) target(%dma_start3A_93 : memref<10000x128xf32, #tpu.memory_space<vmem_shared>>) offsets(%dma_start3A_90 : memref<125xi32, #tpu.memory_space<vmem>>) semaphore(%run_scoped3A : memref<!tpu.dma_semaphore, #tpu.memory_space<semaphore_mem>>) {add = true}
        %dma_wait3A_94 = arith.constant 0 : i32
        %dma_wait3A_95 = tpu.memref_slice %arg8[%add3A_65, %dma_wait3A_94] : memref<40x125xi32, #tpu.memory_space<vmem>> -> memref<1x125xi32, #tpu.memory_space<vmem>>
        %dma_wait3A_96 = tpu.memref_squeeze %dma_wait3A_95 : memref<1x125xi32, #tpu.memory_space<vmem>> -> memref<125xi32, #tpu.memory_space<vmem>>
        %dma_wait3A_97 = arith.constant 0 : i32
        %dma_wait3A_98 = arith.constant 0 : i32
        %dma_wait3A_99 = tpu.memref_slice %arg11[%dma_wait3A_97, %dma_wait3A_98] : memref<10000x128xf32, #tpu.memory_space<vmem_shared>> -> memref<10000x128xf32, #tpu.memory_space<vmem_shared>>
        tpu.wait_indirect_dma semaphore(%run_scoped3A : memref<!tpu.dma_semaphore, #tpu.memory_space<semaphore_mem>>) src(%arg10 : memref<125x128xf32, #tpu.memory_space<vmem>>) dst(%dma_wait3A_99 : memref<10000x128xf32, #tpu.memory_space<vmem_shared>>)
        tpu.yield
      }) : () -> ()
      %scan3A_87 = arith.constant 0 : i32
      scf.yield %scan3A_87 : i32
    }
    %scan3A_47 = arith.constant 20 : i32
    %barrier3A_48 = arith.constant 0 : index
    tpu.barrier barrier_id(%barrier3A_48)
    %mul3A_49 = arith.constant 624 : i32
    %mul3A_50 = arith.muli %arg1, %mul3A_49 : i32
    %mul3A_51 = arith.constant 624 : i32
    %mul3A_52 = arith.muli %arg1, %mul3A_51 : i32
    "tpu.region"() ({
      %run_scoped3A = tpu.sem_alloc : memref<!tpu.dma_semaphore, #tpu.memory_space<semaphore_mem>>
      %dma_start3A_58 = arith.constant 0 : i32
      %dma_start3A_59 = tpu.memref_slice %arg6[%arg0, %mul3A_52, %dma_start3A_58] : memref<2x10000x128xf32, #tpu.memory_space<hbm>> -> memref<1x624x128xf32, #tpu.memory_space<hbm>>
      %dma_start3A_60 = tpu.memref_squeeze %dma_start3A_59 : memref<1x624x128xf32, #tpu.memory_space<hbm>> -> memref<624x128xf32, #tpu.memory_space<hbm>>
      %dma_start3A_61 = arith.constant 0 : i32
      %dma_start3A_62 = tpu.memref_slice %arg11[%mul3A_50, %dma_start3A_61] : memref<10000x128xf32, #tpu.memory_space<vmem_shared>> -> memref<624x128xf32, #tpu.memory_space<vmem_shared>>
      tpu.enqueue_dma source(%dma_start3A_62 : memref<624x128xf32, #tpu.memory_space<vmem_shared>>) target(%dma_start3A_60 : memref<624x128xf32, #tpu.memory_space<hbm>>) target_semaphore(%run_scoped3A : memref<!tpu.dma_semaphore, #tpu.memory_space<semaphore_mem>>)
      %dma_wait3A = arith.constant 0 : i32
      %dma_wait3A_63 = tpu.memref_slice %arg6[%arg0, %mul3A_52, %dma_wait3A] : memref<2x10000x128xf32, #tpu.memory_space<hbm>> -> memref<1x624x128xf32, #tpu.memory_space<hbm>>
      %dma_wait3A_64 = tpu.memref_squeeze %dma_wait3A_63 : memref<1x624x128xf32, #tpu.memory_space<hbm>> -> memref<624x128xf32, #tpu.memory_space<hbm>>
      %dma_wait3A_65 = arith.constant 0 : i32
      %dma_wait3A_66 = tpu.memref_slice %arg11[%mul3A_50, %dma_wait3A_65] : memref<10000x128xf32, #tpu.memory_space<vmem_shared>> -> memref<624x128xf32, #tpu.memory_space<vmem_shared>>
      tpu.wait_dma2 semaphore(%run_scoped3A : memref<!tpu.dma_semaphore, #tpu.memory_space<semaphore_mem>>) src(%dma_wait3A_66 : memref<624x128xf32, #tpu.memory_space<vmem_shared>>) dst(%dma_wait3A_64 : memref<624x128xf32, #tpu.memory_space<hbm>>)
      tpu.yield
    }) : () -> ()
    %eq3A_53 = arith.constant 15 : i32
    %eq3A_54 = arith.cmpi eq, %arg1, %eq3A_53 : i32
    %convert_element_type3A_55 = arith.extui %eq3A_54 : i1 to i32
    %cond3A_56 = arith.constant 0 : i32
    %cond3A_57 = arith.cmpi ne, %convert_element_type3A_55, %cond3A_56 : i32
    scf.if %cond3A_57 {
      "tpu.region"() ({
        %run_scoped3A = tpu.sem_alloc : memref<!tpu.dma_semaphore, #tpu.memory_space<semaphore_mem>>
        %dma_start3A_58 = arith.constant 9984 : i32
        %dma_start3A_59 = arith.constant 0 : i32
        %dma_start3A_60 = tpu.memref_slice %arg6[%arg0, %dma_start3A_58, %dma_start3A_59] : memref<2x10000x128xf32, #tpu.memory_space<hbm>> -> memref<1x16x128xf32, #tpu.memory_space<hbm>>
        %dma_start3A_61 = tpu.memref_squeeze %dma_start3A_60 : memref<1x16x128xf32, #tpu.memory_space<hbm>> -> memref<16x128xf32, #tpu.memory_space<hbm>>
        %dma_start3A_62 = arith.constant 9984 : i32
        %dma_start3A_63 = arith.constant 0 : i32
        %dma_start3A_64 = tpu.memref_slice %arg11[%dma_start3A_62, %dma_start3A_63] : memref<10000x128xf32, #tpu.memory_space<vmem_shared>> -> memref<16x128xf32, #tpu.memory_space<vmem_shared>>
        tpu.enqueue_dma source(%dma_start3A_64 : memref<16x128xf32, #tpu.memory_space<vmem_shared>>) target(%dma_start3A_61 : memref<16x128xf32, #tpu.memory_space<hbm>>) target_semaphore(%run_scoped3A : memref<!tpu.dma_semaphore, #tpu.memory_space<semaphore_mem>>)
        %dma_wait3A = arith.constant 9984 : i32
        %dma_wait3A_65 = arith.constant 0 : i32
        %dma_wait3A_66 = tpu.memref_slice %arg6[%arg0, %dma_wait3A, %dma_wait3A_65] : memref<2x10000x128xf32, #tpu.memory_space<hbm>> -> memref<1x16x128xf32, #tpu.memory_space<hbm>>
        %dma_wait3A_67 = tpu.memref_squeeze %dma_wait3A_66 : memref<1x16x128xf32, #tpu.memory_space<hbm>> -> memref<16x128xf32, #tpu.memory_space<hbm>>
        %dma_wait3A_68 = arith.constant 9984 : i32
        %dma_wait3A_69 = arith.constant 0 : i32
        %dma_wait3A_70 = tpu.memref_slice %arg11[%dma_wait3A_68, %dma_wait3A_69] : memref<10000x128xf32, #tpu.memory_space<vmem_shared>> -> memref<16x128xf32, #tpu.memory_space<vmem_shared>>
        tpu.wait_dma2 semaphore(%run_scoped3A : memref<!tpu.dma_semaphore, #tpu.memory_space<semaphore_mem>>) src(%dma_wait3A_70 : memref<16x128xf32, #tpu.memory_space<vmem_shared>>) dst(%dma_wait3A_67 : memref<16x128xf32, #tpu.memory_space<hbm>>)
        tpu.yield
      }) : () -> ()
    } else {
    }
    return
  }
}

#map = affine_map<(d0, d1) -> (0, 0)>
#map1 = affine_map<(d0, d1) -> (0, 0, 0)>
module attributes {stable_mosaic.version = 14 : i64} {
  func.func @_edge_body(%arg0: i32, %arg1: i32, %arg2: memref<10000x128xf32, #tpu.memory_space<hbm>>, %arg3: memref<32x80x125xi32, #tpu.memory_space<hbm>>, %arg4: memref<32x80x125xi32, #tpu.memory_space<hbm>>, %arg5: memref<10000x128xf32, #tpu.memory_space<hbm>>, %arg6: memref<2x10000x128xf32, #tpu.memory_space<hbm>>, %arg7: memref<40x125xi32, #tpu.memory_space<vmem>>, %arg8: memref<40x125xi32, #tpu.memory_space<vmem>>, %arg9: memref<125x128xf32, #tpu.memory_space<vmem>>, %arg10: memref<125x128xf32, #tpu.memory_space<vmem>>, %arg11: memref<10000x128xf32, #tpu.memory_space<vmem_shared>>, %arg12: memref<!tpu.dma_semaphore, #tpu.memory_space<semaphore_mem>>, %arg13: memref<!tpu.dma_semaphore, #tpu.memory_space<semaphore_mem>>) attributes {dimension_semantics = [#tpu.dimension_semantics<core_parallel>, #tpu.dimension_semantics<subcore_parallel>], iteration_bounds = array<i64: 2, 16>, scalar_prefetch = 0 : i64, scratch_operands = 7 : i64, tpu.core_type = #tpu.core_type<sc_vector_subcore>, window_params = [{transform_indices = #map}, {transform_indices = #map1}, {transform_indices = #map1}, {transform_indices = #map}, {transform_indices = #map1}]} {
    %mul3A = arith.constant 2 : i32
    %mul3A_0 = arith.muli %arg1, %mul3A : i32
    %add3A = arith.addi %mul3A_0, %arg0 : i32
    %eq3A = arith.constant 0 : i32
    %eq3A_1 = arith.cmpi eq, %arg0, %eq3A : i32
    %convert_element_type3A = arith.extui %eq3A_1 : i1 to i32
    %cond3A = arith.constant 0 : i32
    %cond3A_2 = arith.cmpi ne, %convert_element_type3A, %cond3A : i32
    scf.if %cond3A_2 {
      %mul3A_58 = arith.constant 624 : i32
      %mul3A_59 = arith.muli %arg1, %mul3A_58 : i32
      %mul3A_60 = arith.constant 624 : i32
      %mul3A_61 = arith.muli %arg1, %mul3A_60 : i32
      "tpu.region"() ({
        %run_scoped3A = tpu.sem_alloc : memref<!tpu.dma_semaphore, #tpu.memory_space<semaphore_mem>>
        %dma_start3A_62 = arith.constant 0 : i32
        %dma_start3A_63 = tpu.memref_slice %arg11[%mul3A_61, %dma_start3A_62] : memref<10000x128xf32, #tpu.memory_space<vmem_shared>> -> memref<624x128xf32, #tpu.memory_space<vmem_shared>>
        %dma_start3A_64 = arith.constant 0 : i32
        %dma_start3A_65 = tpu.memref_slice %arg2[%mul3A_59, %dma_start3A_64] : memref<10000x128xf32, #tpu.memory_space<hbm>> -> memref<624x128xf32, #tpu.memory_space<hbm>>
        tpu.enqueue_dma source(%dma_start3A_65 : memref<624x128xf32, #tpu.memory_space<hbm>>) target(%dma_start3A_63 : memref<624x128xf32, #tpu.memory_space<vmem_shared>>) target_semaphore(%run_scoped3A : memref<!tpu.dma_semaphore, #tpu.memory_space<semaphore_mem>>)
        %dma_wait3A = arith.constant 0 : i32
        %dma_wait3A_66 = tpu.memref_slice %arg11[%mul3A_61, %dma_wait3A] : memref<10000x128xf32, #tpu.memory_space<vmem_shared>> -> memref<624x128xf32, #tpu.memory_space<vmem_shared>>
        %dma_wait3A_67 = arith.constant 0 : i32
        %dma_wait3A_68 = tpu.memref_slice %arg2[%mul3A_59, %dma_wait3A_67] : memref<10000x128xf32, #tpu.memory_space<hbm>> -> memref<624x128xf32, #tpu.memory_space<hbm>>
        tpu.wait_dma2 semaphore(%run_scoped3A : memref<!tpu.dma_semaphore, #tpu.memory_space<semaphore_mem>>) src(%dma_wait3A_68 : memref<624x128xf32, #tpu.memory_space<hbm>>) dst(%dma_wait3A_66 : memref<624x128xf32, #tpu.memory_space<vmem_shared>>)
        tpu.yield
      }) : () -> ()
    } else {
    }
    %ne3A = arith.constant 0 : i32
    %ne3A_3 = arith.cmpi ne, %arg0, %ne3A : i32
    %convert_element_type3A_4 = arith.extui %ne3A_3 : i1 to i32
    %cond3A_5 = arith.constant 0 : i32
    %cond3A_6 = arith.cmpi ne, %convert_element_type3A_4, %cond3A_5 : i32
    scf.if %cond3A_6 {
      %mul3A_58 = arith.constant 624 : i32
      %mul3A_59 = arith.muli %arg1, %mul3A_58 : i32
      %mul3A_60 = arith.constant 624 : i32
      %mul3A_61 = arith.muli %arg1, %mul3A_60 : i32
      "tpu.region"() ({
        %run_scoped3A = tpu.sem_alloc : memref<!tpu.dma_semaphore, #tpu.memory_space<semaphore_mem>>
        %dma_start3A_62 = arith.constant 0 : i32
        %dma_start3A_63 = tpu.memref_slice %arg11[%mul3A_61, %dma_start3A_62] : memref<10000x128xf32, #tpu.memory_space<vmem_shared>> -> memref<624x128xf32, #tpu.memory_space<vmem_shared>>
        %dma_start3A_64 = arith.constant 0 : i32
        %dma_start3A_65 = tpu.memref_slice %arg5[%mul3A_59, %dma_start3A_64] : memref<10000x128xf32, #tpu.memory_space<hbm>> -> memref<624x128xf32, #tpu.memory_space<hbm>>
        tpu.enqueue_dma source(%dma_start3A_65 : memref<624x128xf32, #tpu.memory_space<hbm>>) target(%dma_start3A_63 : memref<624x128xf32, #tpu.memory_space<vmem_shared>>) target_semaphore(%run_scoped3A : memref<!tpu.dma_semaphore, #tpu.memory_space<semaphore_mem>>)
        %dma_wait3A = arith.constant 0 : i32
        %dma_wait3A_66 = tpu.memref_slice %arg11[%mul3A_61, %dma_wait3A] : memref<10000x128xf32, #tpu.memory_space<vmem_shared>> -> memref<624x128xf32, #tpu.memory_space<vmem_shared>>
        %dma_wait3A_67 = arith.constant 0 : i32
        %dma_wait3A_68 = tpu.memref_slice %arg5[%mul3A_59, %dma_wait3A_67] : memref<10000x128xf32, #tpu.memory_space<hbm>> -> memref<624x128xf32, #tpu.memory_space<hbm>>
        tpu.wait_dma2 semaphore(%run_scoped3A : memref<!tpu.dma_semaphore, #tpu.memory_space<semaphore_mem>>) src(%dma_wait3A_68 : memref<624x128xf32, #tpu.memory_space<hbm>>) dst(%dma_wait3A_66 : memref<624x128xf32, #tpu.memory_space<vmem_shared>>)
        tpu.yield
      }) : () -> ()
    } else {
    }
    %eq3A_7 = arith.constant 0 : i32
    %eq3A_8 = arith.cmpi eq, %arg0, %eq3A_7 : i32
    %eq3A_9 = arith.constant 15 : i32
    %eq3A_10 = arith.cmpi eq, %arg1, %eq3A_9 : i32
    %and3A = arith.andi %eq3A_8, %eq3A_10 : i1
    %convert_element_type3A_11 = arith.extui %and3A : i1 to i32
    %cond3A_12 = arith.constant 0 : i32
    %cond3A_13 = arith.cmpi ne, %convert_element_type3A_11, %cond3A_12 : i32
    scf.if %cond3A_13 {
      "tpu.region"() ({
        %run_scoped3A = tpu.sem_alloc : memref<!tpu.dma_semaphore, #tpu.memory_space<semaphore_mem>>
        %dma_start3A_58 = arith.constant 9984 : i32
        %dma_start3A_59 = arith.constant 0 : i32
        %dma_start3A_60 = tpu.memref_slice %arg11[%dma_start3A_58, %dma_start3A_59] : memref<10000x128xf32, #tpu.memory_space<vmem_shared>> -> memref<16x128xf32, #tpu.memory_space<vmem_shared>>
        %dma_start3A_61 = arith.constant 9984 : i32
        %dma_start3A_62 = arith.constant 0 : i32
        %dma_start3A_63 = tpu.memref_slice %arg2[%dma_start3A_61, %dma_start3A_62] : memref<10000x128xf32, #tpu.memory_space<hbm>> -> memref<16x128xf32, #tpu.memory_space<hbm>>
        tpu.enqueue_dma source(%dma_start3A_63 : memref<16x128xf32, #tpu.memory_space<hbm>>) target(%dma_start3A_60 : memref<16x128xf32, #tpu.memory_space<vmem_shared>>) target_semaphore(%run_scoped3A : memref<!tpu.dma_semaphore, #tpu.memory_space<semaphore_mem>>)
        %dma_wait3A = arith.constant 9984 : i32
        %dma_wait3A_64 = arith.constant 0 : i32
        %dma_wait3A_65 = tpu.memref_slice %arg11[%dma_wait3A, %dma_wait3A_64] : memref<10000x128xf32, #tpu.memory_space<vmem_shared>> -> memref<16x128xf32, #tpu.memory_space<vmem_shared>>
        %dma_wait3A_66 = arith.constant 9984 : i32
        %dma_wait3A_67 = arith.constant 0 : i32
        %dma_wait3A_68 = tpu.memref_slice %arg2[%dma_wait3A_66, %dma_wait3A_67] : memref<10000x128xf32, #tpu.memory_space<hbm>> -> memref<16x128xf32, #tpu.memory_space<hbm>>
        tpu.wait_dma2 semaphore(%run_scoped3A : memref<!tpu.dma_semaphore, #tpu.memory_space<semaphore_mem>>) src(%dma_wait3A_68 : memref<16x128xf32, #tpu.memory_space<hbm>>) dst(%dma_wait3A_65 : memref<16x128xf32, #tpu.memory_space<vmem_shared>>)
        tpu.yield
      }) : () -> ()
    } else {
    }
    %ne3A_14 = arith.constant 0 : i32
    %ne3A_15 = arith.cmpi ne, %arg0, %ne3A_14 : i32
    %eq3A_16 = arith.constant 15 : i32
    %eq3A_17 = arith.cmpi eq, %arg1, %eq3A_16 : i32
    %and3A_18 = arith.andi %ne3A_15, %eq3A_17 : i1
    %convert_element_type3A_19 = arith.extui %and3A_18 : i1 to i32
    %cond3A_20 = arith.constant 0 : i32
    %cond3A_21 = arith.cmpi ne, %convert_element_type3A_19, %cond3A_20 : i32
    scf.if %cond3A_21 {
      "tpu.region"() ({
        %run_scoped3A = tpu.sem_alloc : memref<!tpu.dma_semaphore, #tpu.memory_space<semaphore_mem>>
        %dma_start3A_58 = arith.constant 9984 : i32
        %dma_start3A_59 = arith.constant 0 : i32
        %dma_start3A_60 = tpu.memref_slice %arg11[%dma_start3A_58, %dma_start3A_59] : memref<10000x128xf32, #tpu.memory_space<vmem_shared>> -> memref<16x128xf32, #tpu.memory_space<vmem_shared>>
        %dma_start3A_61 = arith.constant 9984 : i32
        %dma_start3A_62 = arith.constant 0 : i32
        %dma_start3A_63 = tpu.memref_slice %arg5[%dma_start3A_61, %dma_start3A_62] : memref<10000x128xf32, #tpu.memory_space<hbm>> -> memref<16x128xf32, #tpu.memory_space<hbm>>
        tpu.enqueue_dma source(%dma_start3A_63 : memref<16x128xf32, #tpu.memory_space<hbm>>) target(%dma_start3A_60 : memref<16x128xf32, #tpu.memory_space<vmem_shared>>) target_semaphore(%run_scoped3A : memref<!tpu.dma_semaphore, #tpu.memory_space<semaphore_mem>>)
        %dma_wait3A = arith.constant 9984 : i32
        %dma_wait3A_64 = arith.constant 0 : i32
        %dma_wait3A_65 = tpu.memref_slice %arg11[%dma_wait3A, %dma_wait3A_64] : memref<10000x128xf32, #tpu.memory_space<vmem_shared>> -> memref<16x128xf32, #tpu.memory_space<vmem_shared>>
        %dma_wait3A_66 = arith.constant 9984 : i32
        %dma_wait3A_67 = arith.constant 0 : i32
        %dma_wait3A_68 = tpu.memref_slice %arg5[%dma_wait3A_66, %dma_wait3A_67] : memref<10000x128xf32, #tpu.memory_space<hbm>> -> memref<16x128xf32, #tpu.memory_space<hbm>>
        tpu.wait_dma2 semaphore(%run_scoped3A : memref<!tpu.dma_semaphore, #tpu.memory_space<semaphore_mem>>) src(%dma_wait3A_68 : memref<16x128xf32, #tpu.memory_space<hbm>>) dst(%dma_wait3A_65 : memref<16x128xf32, #tpu.memory_space<vmem_shared>>)
        tpu.yield
      }) : () -> ()
    } else {
    }
    %barrier3A = arith.constant 0 : index
    tpu.barrier barrier_id(%barrier3A)
    "tpu.region"() ({
      %run_scoped3A = tpu.sem_alloc : memref<!tpu.dma_semaphore, #tpu.memory_space<semaphore_mem>>
      %dma_start3A_58 = arith.constant 0 : i32
      %dma_start3A_59 = arith.constant 0 : i32
      %dma_start3A_60 = tpu.memref_slice %arg3[%add3A, %dma_start3A_58, %dma_start3A_59] : memref<32x80x125xi32, #tpu.memory_space<hbm>> -> memref<1x40x125xi32, #tpu.memory_space<hbm>>
      %dma_start3A_61 = tpu.memref_squeeze %dma_start3A_60 : memref<1x40x125xi32, #tpu.memory_space<hbm>> -> memref<40x125xi32, #tpu.memory_space<hbm>>
      %dma_start3A_62 = arith.constant 0 : i32
      %dma_start3A_63 = arith.constant 0 : i32
      %dma_start3A_64 = tpu.memref_slice %arg3[%add3A, %dma_start3A_62, %dma_start3A_63] : memref<32x80x125xi32, #tpu.memory_space<hbm>> -> memref<1x40x125xi32, #tpu.memory_space<hbm>>
      %dma_start3A_65 = tpu.memref_squeeze %dma_start3A_64 : memref<1x40x125xi32, #tpu.memory_space<hbm>> -> memref<40x125xi32, #tpu.memory_space<hbm>>
      tpu.enqueue_dma source(%dma_start3A_65 : memref<40x125xi32, #tpu.memory_space<hbm>>) target(%arg7 : memref<40x125xi32, #tpu.memory_space<vmem>>) target_semaphore(%run_scoped3A : memref<!tpu.dma_semaphore, #tpu.memory_space<semaphore_mem>>)
      %dma_wait3A = arith.constant 0 : i32
      %dma_wait3A_66 = arith.constant 0 : i32
      %dma_wait3A_67 = tpu.memref_slice %arg3[%add3A, %dma_wait3A, %dma_wait3A_66] : memref<32x80x125xi32, #tpu.memory_space<hbm>> -> memref<1x40x125xi32, #tpu.memory_space<hbm>>
      %dma_wait3A_68 = tpu.memref_squeeze %dma_wait3A_67 : memref<1x40x125xi32, #tpu.memory_space<hbm>> -> memref<40x125xi32, #tpu.memory_space<hbm>>
      %dma_wait3A_69 = arith.constant 0 : i32
      %dma_wait3A_70 = arith.constant 0 : i32
      %dma_wait3A_71 = tpu.memref_slice %arg3[%add3A, %dma_wait3A_69, %dma_wait3A_70] : memref<32x80x125xi32, #tpu.memory_space<hbm>> -> memref<1x40x125xi32, #tpu.memory_space<hbm>>
      %dma_wait3A_72 = tpu.memref_squeeze %dma_wait3A_71 : memref<1x40x125xi32, #tpu.memory_space<hbm>> -> memref<40x125xi32, #tpu.memory_space<hbm>>
      tpu.wait_dma2 semaphore(%run_scoped3A : memref<!tpu.dma_semaphore, #tpu.memory_space<semaphore_mem>>) src(%dma_wait3A_72 : memref<40x125xi32, #tpu.memory_space<hbm>>) dst(%arg7 : memref<40x125xi32, #tpu.memory_space<vmem>>)
      tpu.yield
    }) : () -> ()
    "tpu.region"() ({
      %run_scoped3A = tpu.sem_alloc : memref<!tpu.dma_semaphore, #tpu.memory_space<semaphore_mem>>
      %dma_start3A_58 = arith.constant 0 : i32
      %dma_start3A_59 = arith.constant 0 : i32
      %dma_start3A_60 = tpu.memref_slice %arg4[%add3A, %dma_start3A_58, %dma_start3A_59] : memref<32x80x125xi32, #tpu.memory_space<hbm>> -> memref<1x40x125xi32, #tpu.memory_space<hbm>>
      %dma_start3A_61 = tpu.memref_squeeze %dma_start3A_60 : memref<1x40x125xi32, #tpu.memory_space<hbm>> -> memref<40x125xi32, #tpu.memory_space<hbm>>
      %dma_start3A_62 = arith.constant 0 : i32
      %dma_start3A_63 = arith.constant 0 : i32
      %dma_start3A_64 = tpu.memref_slice %arg4[%add3A, %dma_start3A_62, %dma_start3A_63] : memref<32x80x125xi32, #tpu.memory_space<hbm>> -> memref<1x40x125xi32, #tpu.memory_space<hbm>>
      %dma_start3A_65 = tpu.memref_squeeze %dma_start3A_64 : memref<1x40x125xi32, #tpu.memory_space<hbm>> -> memref<40x125xi32, #tpu.memory_space<hbm>>
      tpu.enqueue_dma source(%dma_start3A_65 : memref<40x125xi32, #tpu.memory_space<hbm>>) target(%arg8 : memref<40x125xi32, #tpu.memory_space<vmem>>) target_semaphore(%run_scoped3A : memref<!tpu.dma_semaphore, #tpu.memory_space<semaphore_mem>>)
      %dma_wait3A = arith.constant 0 : i32
      %dma_wait3A_66 = arith.constant 0 : i32
      %dma_wait3A_67 = tpu.memref_slice %arg4[%add3A, %dma_wait3A, %dma_wait3A_66] : memref<32x80x125xi32, #tpu.memory_space<hbm>> -> memref<1x40x125xi32, #tpu.memory_space<hbm>>
      %dma_wait3A_68 = tpu.memref_squeeze %dma_wait3A_67 : memref<1x40x125xi32, #tpu.memory_space<hbm>> -> memref<40x125xi32, #tpu.memory_space<hbm>>
      %dma_wait3A_69 = arith.constant 0 : i32
      %dma_wait3A_70 = arith.constant 0 : i32
      %dma_wait3A_71 = tpu.memref_slice %arg4[%add3A, %dma_wait3A_69, %dma_wait3A_70] : memref<32x80x125xi32, #tpu.memory_space<hbm>> -> memref<1x40x125xi32, #tpu.memory_space<hbm>>
      %dma_wait3A_72 = tpu.memref_squeeze %dma_wait3A_71 : memref<1x40x125xi32, #tpu.memory_space<hbm>> -> memref<40x125xi32, #tpu.memory_space<hbm>>
      tpu.wait_dma2 semaphore(%run_scoped3A : memref<!tpu.dma_semaphore, #tpu.memory_space<semaphore_mem>>) src(%dma_wait3A_72 : memref<40x125xi32, #tpu.memory_space<hbm>>) dst(%arg8 : memref<40x125xi32, #tpu.memory_space<vmem>>)
      tpu.yield
    }) : () -> ()
    %dma_start3A = arith.constant 0 : i32
    %dma_start3A_22 = arith.constant 0 : i32
    %dma_start3A_23 = tpu.memref_slice %arg7[%dma_start3A, %dma_start3A_22] : memref<40x125xi32, #tpu.memory_space<vmem>> -> memref<1x125xi32, #tpu.memory_space<vmem>>
    %dma_start3A_24 = tpu.memref_squeeze %dma_start3A_23 : memref<1x125xi32, #tpu.memory_space<vmem>> -> memref<125xi32, #tpu.memory_space<vmem>>
    %dma_start3A_25 = arith.constant 0 : i32
    %dma_start3A_26 = arith.constant 0 : i32
    %dma_start3A_27 = tpu.memref_slice %arg2[%dma_start3A_25, %dma_start3A_26] : memref<10000x128xf32, #tpu.memory_space<hbm>> -> memref<10000x128xf32, #tpu.memory_space<hbm>>
    tpu.enqueue_indirect_dma source(%dma_start3A_27 : memref<10000x128xf32, #tpu.memory_space<hbm>>) target(%arg9 : memref<125x128xf32, #tpu.memory_space<vmem>>) offsets(%dma_start3A_24 : memref<125xi32, #tpu.memory_space<vmem>>) semaphore(%arg12 : memref<!tpu.dma_semaphore, #tpu.memory_space<semaphore_mem>>)
    %scan3A = arith.constant 0 : i32
    %scan3A_28 = arith.constant 0 : i32
    %scan3A_29 = arith.constant 20 : i32
    %scan3A_30 = arith.addi %scan3A_28, %scan3A_29 : i32
    %scan3A_31 = arith.constant 1 : i32
    %scan3A_32 = scf.for %scan3A_58 = %scan3A_28 to %scan3A_30 step %scan3A_31 iter_args(%scan3A_59 = %scan3A) -> (i32)  : i32 {
      %mul3A_60 = arith.constant 2 : i32
      %mul3A_61 = arith.muli %mul3A_60, %scan3A_58 : i32
      %mul3A_62 = arith.constant 2 : i32
      %mul3A_63 = arith.muli %mul3A_62, %scan3A_58 : i32
      %add3A_64 = arith.constant 1 : i32
      %add3A_65 = arith.addi %mul3A_63, %add3A_64 : i32
      %dma_wait3A = arith.constant 0 : i32
      %dma_wait3A_66 = tpu.memref_slice %arg7[%mul3A_61, %dma_wait3A] : memref<40x125xi32, #tpu.memory_space<vmem>> -> memref<1x125xi32, #tpu.memory_space<vmem>>
      %dma_wait3A_67 = tpu.memref_squeeze %dma_wait3A_66 : memref<1x125xi32, #tpu.memory_space<vmem>> -> memref<125xi32, #tpu.memory_space<vmem>>
      %dma_wait3A_68 = arith.constant 0 : i32
      %dma_wait3A_69 = arith.constant 0 : i32
      %dma_wait3A_70 = tpu.memref_slice %arg2[%dma_wait3A_68, %dma_wait3A_69] : memref<10000x128xf32, #tpu.memory_space<hbm>> -> memref<10000x128xf32, #tpu.memory_space<hbm>>
      tpu.wait_indirect_dma semaphore(%arg12 : memref<!tpu.dma_semaphore, #tpu.memory_space<semaphore_mem>>) src(%dma_wait3A_70 : memref<10000x128xf32, #tpu.memory_space<hbm>>) dst(%arg9 : memref<125x128xf32, #tpu.memory_space<vmem>>)
      %dma_start3A_71 = arith.constant 0 : i32
      %dma_start3A_72 = tpu.memref_slice %arg7[%add3A_65, %dma_start3A_71] : memref<40x125xi32, #tpu.memory_space<vmem>> -> memref<1x125xi32, #tpu.memory_space<vmem>>
      %dma_start3A_73 = tpu.memref_squeeze %dma_start3A_72 : memref<1x125xi32, #tpu.memory_space<vmem>> -> memref<125xi32, #tpu.memory_space<vmem>>
      %dma_start3A_74 = arith.constant 0 : i32
      %dma_start3A_75 = arith.constant 0 : i32
      %dma_start3A_76 = tpu.memref_slice %arg2[%dma_start3A_74, %dma_start3A_75] : memref<10000x128xf32, #tpu.memory_space<hbm>> -> memref<10000x128xf32, #tpu.memory_space<hbm>>
      tpu.enqueue_indirect_dma source(%dma_start3A_76 : memref<10000x128xf32, #tpu.memory_space<hbm>>) target(%arg10 : memref<125x128xf32, #tpu.memory_space<vmem>>) offsets(%dma_start3A_73 : memref<125xi32, #tpu.memory_space<vmem>>) semaphore(%arg13 : memref<!tpu.dma_semaphore, #tpu.memory_space<semaphore_mem>>)
      "tpu.region"() ({
        %run_scoped3A = tpu.sem_alloc : memref<!tpu.dma_semaphore, #tpu.memory_space<semaphore_mem>>
        %dma_start3A_88 = arith.constant 0 : i32
        %dma_start3A_89 = tpu.memref_slice %arg8[%mul3A_61, %dma_start3A_88] : memref<40x125xi32, #tpu.memory_space<vmem>> -> memref<1x125xi32, #tpu.memory_space<vmem>>
        %dma_start3A_90 = tpu.memref_squeeze %dma_start3A_89 : memref<1x125xi32, #tpu.memory_space<vmem>> -> memref<125xi32, #tpu.memory_space<vmem>>
        %dma_start3A_91 = arith.constant 0 : i32
        %dma_start3A_92 = arith.constant 0 : i32
        %dma_start3A_93 = tpu.memref_slice %arg11[%dma_start3A_91, %dma_start3A_92] : memref<10000x128xf32, #tpu.memory_space<vmem_shared>> -> memref<10000x128xf32, #tpu.memory_space<vmem_shared>>
        tpu.enqueue_indirect_dma source(%arg9 : memref<125x128xf32, #tpu.memory_space<vmem>>) target(%dma_start3A_93 : memref<10000x128xf32, #tpu.memory_space<vmem_shared>>) offsets(%dma_start3A_90 : memref<125xi32, #tpu.memory_space<vmem>>) semaphore(%run_scoped3A : memref<!tpu.dma_semaphore, #tpu.memory_space<semaphore_mem>>) {add = true}
        %dma_wait3A_94 = arith.constant 0 : i32
        %dma_wait3A_95 = tpu.memref_slice %arg8[%mul3A_61, %dma_wait3A_94] : memref<40x125xi32, #tpu.memory_space<vmem>> -> memref<1x125xi32, #tpu.memory_space<vmem>>
        %dma_wait3A_96 = tpu.memref_squeeze %dma_wait3A_95 : memref<1x125xi32, #tpu.memory_space<vmem>> -> memref<125xi32, #tpu.memory_space<vmem>>
        %dma_wait3A_97 = arith.constant 0 : i32
        %dma_wait3A_98 = arith.constant 0 : i32
        %dma_wait3A_99 = tpu.memref_slice %arg11[%dma_wait3A_97, %dma_wait3A_98] : memref<10000x128xf32, #tpu.memory_space<vmem_shared>> -> memref<10000x128xf32, #tpu.memory_space<vmem_shared>>
        tpu.wait_indirect_dma semaphore(%run_scoped3A : memref<!tpu.dma_semaphore, #tpu.memory_space<semaphore_mem>>) src(%arg9 : memref<125x128xf32, #tpu.memory_space<vmem>>) dst(%dma_wait3A_99 : memref<10000x128xf32, #tpu.memory_space<vmem_shared>>)
        tpu.yield
      }) : () -> ()
      %dma_wait3A_77 = arith.constant 0 : i32
      %dma_wait3A_78 = tpu.memref_slice %arg7[%add3A_65, %dma_wait3A_77] : memref<40x125xi32, #tpu.memory_space<vmem>> -> memref<1x125xi32, #tpu.memory_space<vmem>>
      %dma_wait3A_79 = tpu.memref_squeeze %dma_wait3A_78 : memref<1x125xi32, #tpu.memory_space<vmem>> -> memref<125xi32, #tpu.memory_space<vmem>>
      %dma_wait3A_80 = arith.constant 0 : i32
      %dma_wait3A_81 = arith.constant 0 : i32
      %dma_wait3A_82 = tpu.memref_slice %arg2[%dma_wait3A_80, %dma_wait3A_81] : memref<10000x128xf32, #tpu.memory_space<hbm>> -> memref<10000x128xf32, #tpu.memory_space<hbm>>
      tpu.wait_indirect_dma semaphore(%arg13 : memref<!tpu.dma_semaphore, #tpu.memory_space<semaphore_mem>>) src(%dma_wait3A_82 : memref<10000x128xf32, #tpu.memory_space<hbm>>) dst(%arg10 : memref<125x128xf32, #tpu.memory_space<vmem>>)
      %lt3A = arith.constant 19 : i32
      %lt3A_83 = arith.cmpi slt, %scan3A_58, %lt3A : i32
      %convert_element_type3A_84 = arith.extui %lt3A_83 : i1 to i32
      %cond3A_85 = arith.constant 0 : i32
      %cond3A_86 = arith.cmpi ne, %convert_element_type3A_84, %cond3A_85 : i32
      scf.if %cond3A_86 {
        %add3A_88 = arith.constant 2 : i32
        %add3A_89 = arith.addi %mul3A_61, %add3A_88 : i32
        %dma_start3A_90 = arith.constant 0 : i32
        %dma_start3A_91 = tpu.memref_slice %arg7[%add3A_89, %dma_start3A_90] : memref<40x125xi32, #tpu.memory_space<vmem>> -> memref<1x125xi32, #tpu.memory_space<vmem>>
        %dma_start3A_92 = tpu.memref_squeeze %dma_start3A_91 : memref<1x125xi32, #tpu.memory_space<vmem>> -> memref<125xi32, #tpu.memory_space<vmem>>
        %dma_start3A_93 = arith.constant 0 : i32
        %dma_start3A_94 = arith.constant 0 : i32
        %dma_start3A_95 = tpu.memref_slice %arg2[%dma_start3A_93, %dma_start3A_94] : memref<10000x128xf32, #tpu.memory_space<hbm>> -> memref<10000x128xf32, #tpu.memory_space<hbm>>
        tpu.enqueue_indirect_dma source(%dma_start3A_95 : memref<10000x128xf32, #tpu.memory_space<hbm>>) target(%arg9 : memref<125x128xf32, #tpu.memory_space<vmem>>) offsets(%dma_start3A_92 : memref<125xi32, #tpu.memory_space<vmem>>) semaphore(%arg12 : memref<!tpu.dma_semaphore, #tpu.memory_space<semaphore_mem>>)
      } else {
      }
      "tpu.region"() ({
        %run_scoped3A = tpu.sem_alloc : memref<!tpu.dma_semaphore, #tpu.memory_space<semaphore_mem>>
        %dma_start3A_88 = arith.constant 0 : i32
        %dma_start3A_89 = tpu.memref_slice %arg8[%add3A_65, %dma_start3A_88] : memref<40x125xi32, #tpu.memory_space<vmem>> -> memref<1x125xi32, #tpu.memory_space<vmem>>
        %dma_start3A_90 = tpu.memref_squeeze %dma_start3A_89 : memref<1x125xi32, #tpu.memory_space<vmem>> -> memref<125xi32, #tpu.memory_space<vmem>>
        %dma_start3A_91 = arith.constant 0 : i32
        %dma_start3A_92 = arith.constant 0 : i32
        %dma_start3A_93 = tpu.memref_slice %arg11[%dma_start3A_91, %dma_start3A_92] : memref<10000x128xf32, #tpu.memory_space<vmem_shared>> -> memref<10000x128xf32, #tpu.memory_space<vmem_shared>>
        tpu.enqueue_indirect_dma source(%arg10 : memref<125x128xf32, #tpu.memory_space<vmem>>) target(%dma_start3A_93 : memref<10000x128xf32, #tpu.memory_space<vmem_shared>>) offsets(%dma_start3A_90 : memref<125xi32, #tpu.memory_space<vmem>>) semaphore(%run_scoped3A : memref<!tpu.dma_semaphore, #tpu.memory_space<semaphore_mem>>) {add = true}
        %dma_wait3A_94 = arith.constant 0 : i32
        %dma_wait3A_95 = tpu.memref_slice %arg8[%add3A_65, %dma_wait3A_94] : memref<40x125xi32, #tpu.memory_space<vmem>> -> memref<1x125xi32, #tpu.memory_space<vmem>>
        %dma_wait3A_96 = tpu.memref_squeeze %dma_wait3A_95 : memref<1x125xi32, #tpu.memory_space<vmem>> -> memref<125xi32, #tpu.memory_space<vmem>>
        %dma_wait3A_97 = arith.constant 0 : i32
        %dma_wait3A_98 = arith.constant 0 : i32
        %dma_wait3A_99 = tpu.memref_slice %arg11[%dma_wait3A_97, %dma_wait3A_98] : memref<10000x128xf32, #tpu.memory_space<vmem_shared>> -> memref<10000x128xf32, #tpu.memory_space<vmem_shared>>
        tpu.wait_indirect_dma semaphore(%run_scoped3A : memref<!tpu.dma_semaphore, #tpu.memory_space<semaphore_mem>>) src(%arg10 : memref<125x128xf32, #tpu.memory_space<vmem>>) dst(%dma_wait3A_99 : memref<10000x128xf32, #tpu.memory_space<vmem_shared>>)
        tpu.yield
      }) : () -> ()
      %scan3A_87 = arith.constant 0 : i32
      scf.yield %scan3A_87 : i32
    }
    %scan3A_33 = arith.constant 20 : i32
    "tpu.region"() ({
      %run_scoped3A = tpu.sem_alloc : memref<!tpu.dma_semaphore, #tpu.memory_space<semaphore_mem>>
      %dma_start3A_58 = arith.constant 40 : i32
      %dma_start3A_59 = arith.constant 0 : i32
      %dma_start3A_60 = tpu.memref_slice %arg3[%add3A, %dma_start3A_58, %dma_start3A_59] : memref<32x80x125xi32, #tpu.memory_space<hbm>> -> memref<1x40x125xi32, #tpu.memory_space<hbm>>
      %dma_start3A_61 = tpu.memref_squeeze %dma_start3A_60 : memref<1x40x125xi32, #tpu.memory_space<hbm>> -> memref<40x125xi32, #tpu.memory_space<hbm>>
      %dma_start3A_62 = arith.constant 40 : i32
      %dma_start3A_63 = arith.constant 0 : i32
      %dma_start3A_64 = tpu.memref_slice %arg3[%add3A, %dma_start3A_62, %dma_start3A_63] : memref<32x80x125xi32, #tpu.memory_space<hbm>> -> memref<1x40x125xi32, #tpu.memory_space<hbm>>
      %dma_start3A_65 = tpu.memref_squeeze %dma_start3A_64 : memref<1x40x125xi32, #tpu.memory_space<hbm>> -> memref<40x125xi32, #tpu.memory_space<hbm>>
      tpu.enqueue_dma source(%dma_start3A_65 : memref<40x125xi32, #tpu.memory_space<hbm>>) target(%arg7 : memref<40x125xi32, #tpu.memory_space<vmem>>) target_semaphore(%run_scoped3A : memref<!tpu.dma_semaphore, #tpu.memory_space<semaphore_mem>>)
      %dma_wait3A = arith.constant 40 : i32
      %dma_wait3A_66 = arith.constant 0 : i32
      %dma_wait3A_67 = tpu.memref_slice %arg3[%add3A, %dma_wait3A, %dma_wait3A_66] : memref<32x80x125xi32, #tpu.memory_space<hbm>> -> memref<1x40x125xi32, #tpu.memory_space<hbm>>
      %dma_wait3A_68 = tpu.memref_squeeze %dma_wait3A_67 : memref<1x40x125xi32, #tpu.memory_space<hbm>> -> memref<40x125xi32, #tpu.memory_space<hbm>>
      %dma_wait3A_69 = arith.constant 40 : i32
      %dma_wait3A_70 = arith.constant 0 : i32
      %dma_wait3A_71 = tpu.memref_slice %arg3[%add3A, %dma_wait3A_69, %dma_wait3A_70] : memref<32x80x125xi32, #tpu.memory_space<hbm>> -> memref<1x40x125xi32, #tpu.memory_space<hbm>>
      %dma_wait3A_72 = tpu.memref_squeeze %dma_wait3A_71 : memref<1x40x125xi32, #tpu.memory_space<hbm>> -> memref<40x125xi32, #tpu.memory_space<hbm>>
      tpu.wait_dma2 semaphore(%run_scoped3A : memref<!tpu.dma_semaphore, #tpu.memory_space<semaphore_mem>>) src(%dma_wait3A_72 : memref<40x125xi32, #tpu.memory_space<hbm>>) dst(%arg7 : memref<40x125xi32, #tpu.memory_space<vmem>>)
      tpu.yield
    }) : () -> ()
    "tpu.region"() ({
      %run_scoped3A = tpu.sem_alloc : memref<!tpu.dma_semaphore, #tpu.memory_space<semaphore_mem>>
      %dma_start3A_58 = arith.constant 40 : i32
      %dma_start3A_59 = arith.constant 0 : i32
      %dma_start3A_60 = tpu.memref_slice %arg4[%add3A, %dma_start3A_58, %dma_start3A_59] : memref<32x80x125xi32, #tpu.memory_space<hbm>> -> memref<1x40x125xi32, #tpu.memory_space<hbm>>
      %dma_start3A_61 = tpu.memref_squeeze %dma_start3A_60 : memref<1x40x125xi32, #tpu.memory_space<hbm>> -> memref<40x125xi32, #tpu.memory_space<hbm>>
      %dma_start3A_62 = arith.constant 40 : i32
      %dma_start3A_63 = arith.constant 0 : i32
      %dma_start3A_64 = tpu.memref_slice %arg4[%add3A, %dma_start3A_62, %dma_start3A_63] : memref<32x80x125xi32, #tpu.memory_space<hbm>> -> memref<1x40x125xi32, #tpu.memory_space<hbm>>
      %dma_start3A_65 = tpu.memref_squeeze %dma_start3A_64 : memref<1x40x125xi32, #tpu.memory_space<hbm>> -> memref<40x125xi32, #tpu.memory_space<hbm>>
      tpu.enqueue_dma source(%dma_start3A_65 : memref<40x125xi32, #tpu.memory_space<hbm>>) target(%arg8 : memref<40x125xi32, #tpu.memory_space<vmem>>) target_semaphore(%run_scoped3A : memref<!tpu.dma_semaphore, #tpu.memory_space<semaphore_mem>>)
      %dma_wait3A = arith.constant 40 : i32
      %dma_wait3A_66 = arith.constant 0 : i32
      %dma_wait3A_67 = tpu.memref_slice %arg4[%add3A, %dma_wait3A, %dma_wait3A_66] : memref<32x80x125xi32, #tpu.memory_space<hbm>> -> memref<1x40x125xi32, #tpu.memory_space<hbm>>
      %dma_wait3A_68 = tpu.memref_squeeze %dma_wait3A_67 : memref<1x40x125xi32, #tpu.memory_space<hbm>> -> memref<40x125xi32, #tpu.memory_space<hbm>>
      %dma_wait3A_69 = arith.constant 40 : i32
      %dma_wait3A_70 = arith.constant 0 : i32
      %dma_wait3A_71 = tpu.memref_slice %arg4[%add3A, %dma_wait3A_69, %dma_wait3A_70] : memref<32x80x125xi32, #tpu.memory_space<hbm>> -> memref<1x40x125xi32, #tpu.memory_space<hbm>>
      %dma_wait3A_72 = tpu.memref_squeeze %dma_wait3A_71 : memref<1x40x125xi32, #tpu.memory_space<hbm>> -> memref<40x125xi32, #tpu.memory_space<hbm>>
      tpu.wait_dma2 semaphore(%run_scoped3A : memref<!tpu.dma_semaphore, #tpu.memory_space<semaphore_mem>>) src(%dma_wait3A_72 : memref<40x125xi32, #tpu.memory_space<hbm>>) dst(%arg8 : memref<40x125xi32, #tpu.memory_space<vmem>>)
      tpu.yield
    }) : () -> ()
    %dma_start3A_34 = arith.constant 0 : i32
    %dma_start3A_35 = arith.constant 0 : i32
    %dma_start3A_36 = tpu.memref_slice %arg7[%dma_start3A_34, %dma_start3A_35] : memref<40x125xi32, #tpu.memory_space<vmem>> -> memref<1x125xi32, #tpu.memory_space<vmem>>
    %dma_start3A_37 = tpu.memref_squeeze %dma_start3A_36 : memref<1x125xi32, #tpu.memory_space<vmem>> -> memref<125xi32, #tpu.memory_space<vmem>>
    %dma_start3A_38 = arith.constant 0 : i32
    %dma_start3A_39 = arith.constant 0 : i32
    %dma_start3A_40 = tpu.memref_slice %arg2[%dma_start3A_38, %dma_start3A_39] : memref<10000x128xf32, #tpu.memory_space<hbm>> -> memref<10000x128xf32, #tpu.memory_space<hbm>>
    tpu.enqueue_indirect_dma source(%dma_start3A_40 : memref<10000x128xf32, #tpu.memory_space<hbm>>) target(%arg9 : memref<125x128xf32, #tpu.memory_space<vmem>>) offsets(%dma_start3A_37 : memref<125xi32, #tpu.memory_space<vmem>>) semaphore(%arg12 : memref<!tpu.dma_semaphore, #tpu.memory_space<semaphore_mem>>)
    %scan3A_41 = arith.constant 0 : i32
    %scan3A_42 = arith.constant 0 : i32
    %scan3A_43 = arith.constant 20 : i32
    %scan3A_44 = arith.addi %scan3A_42, %scan3A_43 : i32
    %scan3A_45 = arith.constant 1 : i32
    %scan3A_46 = scf.for %scan3A_58 = %scan3A_42 to %scan3A_44 step %scan3A_45 iter_args(%scan3A_59 = %scan3A_41) -> (i32)  : i32 {
      %mul3A_60 = arith.constant 2 : i32
      %mul3A_61 = arith.muli %mul3A_60, %scan3A_58 : i32
      %mul3A_62 = arith.constant 2 : i32
      %mul3A_63 = arith.muli %mul3A_62, %scan3A_58 : i32
      %add3A_64 = arith.constant 1 : i32
      %add3A_65 = arith.addi %mul3A_63, %add3A_64 : i32
      %dma_wait3A = arith.constant 0 : i32
      %dma_wait3A_66 = tpu.memref_slice %arg7[%mul3A_61, %dma_wait3A] : memref<40x125xi32, #tpu.memory_space<vmem>> -> memref<1x125xi32, #tpu.memory_space<vmem>>
      %dma_wait3A_67 = tpu.memref_squeeze %dma_wait3A_66 : memref<1x125xi32, #tpu.memory_space<vmem>> -> memref<125xi32, #tpu.memory_space<vmem>>
      %dma_wait3A_68 = arith.constant 0 : i32
      %dma_wait3A_69 = arith.constant 0 : i32
      %dma_wait3A_70 = tpu.memref_slice %arg2[%dma_wait3A_68, %dma_wait3A_69] : memref<10000x128xf32, #tpu.memory_space<hbm>> -> memref<10000x128xf32, #tpu.memory_space<hbm>>
      tpu.wait_indirect_dma semaphore(%arg12 : memref<!tpu.dma_semaphore, #tpu.memory_space<semaphore_mem>>) src(%dma_wait3A_70 : memref<10000x128xf32, #tpu.memory_space<hbm>>) dst(%arg9 : memref<125x128xf32, #tpu.memory_space<vmem>>)
      %dma_start3A_71 = arith.constant 0 : i32
      %dma_start3A_72 = tpu.memref_slice %arg7[%add3A_65, %dma_start3A_71] : memref<40x125xi32, #tpu.memory_space<vmem>> -> memref<1x125xi32, #tpu.memory_space<vmem>>
      %dma_start3A_73 = tpu.memref_squeeze %dma_start3A_72 : memref<1x125xi32, #tpu.memory_space<vmem>> -> memref<125xi32, #tpu.memory_space<vmem>>
      %dma_start3A_74 = arith.constant 0 : i32
      %dma_start3A_75 = arith.constant 0 : i32
      %dma_start3A_76 = tpu.memref_slice %arg2[%dma_start3A_74, %dma_start3A_75] : memref<10000x128xf32, #tpu.memory_space<hbm>> -> memref<10000x128xf32, #tpu.memory_space<hbm>>
      tpu.enqueue_indirect_dma source(%dma_start3A_76 : memref<10000x128xf32, #tpu.memory_space<hbm>>) target(%arg10 : memref<125x128xf32, #tpu.memory_space<vmem>>) offsets(%dma_start3A_73 : memref<125xi32, #tpu.memory_space<vmem>>) semaphore(%arg13 : memref<!tpu.dma_semaphore, #tpu.memory_space<semaphore_mem>>)
      "tpu.region"() ({
        %run_scoped3A = tpu.sem_alloc : memref<!tpu.dma_semaphore, #tpu.memory_space<semaphore_mem>>
        %dma_start3A_88 = arith.constant 0 : i32
        %dma_start3A_89 = tpu.memref_slice %arg8[%mul3A_61, %dma_start3A_88] : memref<40x125xi32, #tpu.memory_space<vmem>> -> memref<1x125xi32, #tpu.memory_space<vmem>>
        %dma_start3A_90 = tpu.memref_squeeze %dma_start3A_89 : memref<1x125xi32, #tpu.memory_space<vmem>> -> memref<125xi32, #tpu.memory_space<vmem>>
        %dma_start3A_91 = arith.constant 0 : i32
        %dma_start3A_92 = arith.constant 0 : i32
        %dma_start3A_93 = tpu.memref_slice %arg11[%dma_start3A_91, %dma_start3A_92] : memref<10000x128xf32, #tpu.memory_space<vmem_shared>> -> memref<10000x128xf32, #tpu.memory_space<vmem_shared>>
        tpu.enqueue_indirect_dma source(%arg9 : memref<125x128xf32, #tpu.memory_space<vmem>>) target(%dma_start3A_93 : memref<10000x128xf32, #tpu.memory_space<vmem_shared>>) offsets(%dma_start3A_90 : memref<125xi32, #tpu.memory_space<vmem>>) semaphore(%run_scoped3A : memref<!tpu.dma_semaphore, #tpu.memory_space<semaphore_mem>>) {add = true}
        %dma_wait3A_94 = arith.constant 0 : i32
        %dma_wait3A_95 = tpu.memref_slice %arg8[%mul3A_61, %dma_wait3A_94] : memref<40x125xi32, #tpu.memory_space<vmem>> -> memref<1x125xi32, #tpu.memory_space<vmem>>
        %dma_wait3A_96 = tpu.memref_squeeze %dma_wait3A_95 : memref<1x125xi32, #tpu.memory_space<vmem>> -> memref<125xi32, #tpu.memory_space<vmem>>
        %dma_wait3A_97 = arith.constant 0 : i32
        %dma_wait3A_98 = arith.constant 0 : i32
        %dma_wait3A_99 = tpu.memref_slice %arg11[%dma_wait3A_97, %dma_wait3A_98] : memref<10000x128xf32, #tpu.memory_space<vmem_shared>> -> memref<10000x128xf32, #tpu.memory_space<vmem_shared>>
        tpu.wait_indirect_dma semaphore(%run_scoped3A : memref<!tpu.dma_semaphore, #tpu.memory_space<semaphore_mem>>) src(%arg9 : memref<125x128xf32, #tpu.memory_space<vmem>>) dst(%dma_wait3A_99 : memref<10000x128xf32, #tpu.memory_space<vmem_shared>>)
        tpu.yield
      }) : () -> ()
      %dma_wait3A_77 = arith.constant 0 : i32
      %dma_wait3A_78 = tpu.memref_slice %arg7[%add3A_65, %dma_wait3A_77] : memref<40x125xi32, #tpu.memory_space<vmem>> -> memref<1x125xi32, #tpu.memory_space<vmem>>
      %dma_wait3A_79 = tpu.memref_squeeze %dma_wait3A_78 : memref<1x125xi32, #tpu.memory_space<vmem>> -> memref<125xi32, #tpu.memory_space<vmem>>
      %dma_wait3A_80 = arith.constant 0 : i32
      %dma_wait3A_81 = arith.constant 0 : i32
      %dma_wait3A_82 = tpu.memref_slice %arg2[%dma_wait3A_80, %dma_wait3A_81] : memref<10000x128xf32, #tpu.memory_space<hbm>> -> memref<10000x128xf32, #tpu.memory_space<hbm>>
      tpu.wait_indirect_dma semaphore(%arg13 : memref<!tpu.dma_semaphore, #tpu.memory_space<semaphore_mem>>) src(%dma_wait3A_82 : memref<10000x128xf32, #tpu.memory_space<hbm>>) dst(%arg10 : memref<125x128xf32, #tpu.memory_space<vmem>>)
      %lt3A = arith.constant 19 : i32
      %lt3A_83 = arith.cmpi slt, %scan3A_58, %lt3A : i32
      %convert_element_type3A_84 = arith.extui %lt3A_83 : i1 to i32
      %cond3A_85 = arith.constant 0 : i32
      %cond3A_86 = arith.cmpi ne, %convert_element_type3A_84, %cond3A_85 : i32
      scf.if %cond3A_86 {
        %add3A_88 = arith.constant 2 : i32
        %add3A_89 = arith.addi %mul3A_61, %add3A_88 : i32
        %dma_start3A_90 = arith.constant 0 : i32
        %dma_start3A_91 = tpu.memref_slice %arg7[%add3A_89, %dma_start3A_90] : memref<40x125xi32, #tpu.memory_space<vmem>> -> memref<1x125xi32, #tpu.memory_space<vmem>>
        %dma_start3A_92 = tpu.memref_squeeze %dma_start3A_91 : memref<1x125xi32, #tpu.memory_space<vmem>> -> memref<125xi32, #tpu.memory_space<vmem>>
        %dma_start3A_93 = arith.constant 0 : i32
        %dma_start3A_94 = arith.constant 0 : i32
        %dma_start3A_95 = tpu.memref_slice %arg2[%dma_start3A_93, %dma_start3A_94] : memref<10000x128xf32, #tpu.memory_space<hbm>> -> memref<10000x128xf32, #tpu.memory_space<hbm>>
        tpu.enqueue_indirect_dma source(%dma_start3A_95 : memref<10000x128xf32, #tpu.memory_space<hbm>>) target(%arg9 : memref<125x128xf32, #tpu.memory_space<vmem>>) offsets(%dma_start3A_92 : memref<125xi32, #tpu.memory_space<vmem>>) semaphore(%arg12 : memref<!tpu.dma_semaphore, #tpu.memory_space<semaphore_mem>>)
      } else {
      }
      "tpu.region"() ({
        %run_scoped3A = tpu.sem_alloc : memref<!tpu.dma_semaphore, #tpu.memory_space<semaphore_mem>>
        %dma_start3A_88 = arith.constant 0 : i32
        %dma_start3A_89 = tpu.memref_slice %arg8[%add3A_65, %dma_start3A_88] : memref<40x125xi32, #tpu.memory_space<vmem>> -> memref<1x125xi32, #tpu.memory_space<vmem>>
        %dma_start3A_90 = tpu.memref_squeeze %dma_start3A_89 : memref<1x125xi32, #tpu.memory_space<vmem>> -> memref<125xi32, #tpu.memory_space<vmem>>
        %dma_start3A_91 = arith.constant 0 : i32
        %dma_start3A_92 = arith.constant 0 : i32
        %dma_start3A_93 = tpu.memref_slice %arg11[%dma_start3A_91, %dma_start3A_92] : memref<10000x128xf32, #tpu.memory_space<vmem_shared>> -> memref<10000x128xf32, #tpu.memory_space<vmem_shared>>
        tpu.enqueue_indirect_dma source(%arg10 : memref<125x128xf32, #tpu.memory_space<vmem>>) target(%dma_start3A_93 : memref<10000x128xf32, #tpu.memory_space<vmem_shared>>) offsets(%dma_start3A_90 : memref<125xi32, #tpu.memory_space<vmem>>) semaphore(%run_scoped3A : memref<!tpu.dma_semaphore, #tpu.memory_space<semaphore_mem>>) {add = true}
        %dma_wait3A_94 = arith.constant 0 : i32
        %dma_wait3A_95 = tpu.memref_slice %arg8[%add3A_65, %dma_wait3A_94] : memref<40x125xi32, #tpu.memory_space<vmem>> -> memref<1x125xi32, #tpu.memory_space<vmem>>
        %dma_wait3A_96 = tpu.memref_squeeze %dma_wait3A_95 : memref<1x125xi32, #tpu.memory_space<vmem>> -> memref<125xi32, #tpu.memory_space<vmem>>
        %dma_wait3A_97 = arith.constant 0 : i32
        %dma_wait3A_98 = arith.constant 0 : i32
        %dma_wait3A_99 = tpu.memref_slice %arg11[%dma_wait3A_97, %dma_wait3A_98] : memref<10000x128xf32, #tpu.memory_space<vmem_shared>> -> memref<10000x128xf32, #tpu.memory_space<vmem_shared>>
        tpu.wait_indirect_dma semaphore(%run_scoped3A : memref<!tpu.dma_semaphore, #tpu.memory_space<semaphore_mem>>) src(%arg10 : memref<125x128xf32, #tpu.memory_space<vmem>>) dst(%dma_wait3A_99 : memref<10000x128xf32, #tpu.memory_space<vmem_shared>>)
        tpu.yield
      }) : () -> ()
      %scan3A_87 = arith.constant 0 : i32
      scf.yield %scan3A_87 : i32
    }
    %scan3A_47 = arith.constant 20 : i32
    %barrier3A_48 = arith.constant 0 : index
    tpu.barrier barrier_id(%barrier3A_48)
    %mul3A_49 = arith.constant 624 : i32
    %mul3A_50 = arith.muli %arg1, %mul3A_49 : i32
    %mul3A_51 = arith.constant 624 : i32
    %mul3A_52 = arith.muli %arg1, %mul3A_51 : i32
    "tpu.region"() ({
      %run_scoped3A = tpu.sem_alloc : memref<!tpu.dma_semaphore, #tpu.memory_space<semaphore_mem>>
      %dma_start3A_58 = arith.constant 0 : i32
      %dma_start3A_59 = tpu.memref_slice %arg6[%arg0, %mul3A_52, %dma_start3A_58] : memref<2x10000x128xf32, #tpu.memory_space<hbm>> -> memref<1x624x128xf32, #tpu.memory_space<hbm>>
      %dma_start3A_60 = tpu.memref_squeeze %dma_start3A_59 : memref<1x624x128xf32, #tpu.memory_space<hbm>> -> memref<624x128xf32, #tpu.memory_space<hbm>>
      %dma_start3A_61 = arith.constant 0 : i32
      %dma_start3A_62 = tpu.memref_slice %arg11[%mul3A_50, %dma_start3A_61] : memref<10000x128xf32, #tpu.memory_space<vmem_shared>> -> memref<624x128xf32, #tpu.memory_space<vmem_shared>>
      tpu.enqueue_dma source(%dma_start3A_62 : memref<624x128xf32, #tpu.memory_space<vmem_shared>>) target(%dma_start3A_60 : memref<624x128xf32, #tpu.memory_space<hbm>>) target_semaphore(%run_scoped3A : memref<!tpu.dma_semaphore, #tpu.memory_space<semaphore_mem>>)
      %dma_wait3A = arith.constant 0 : i32
      %dma_wait3A_63 = tpu.memref_slice %arg6[%arg0, %mul3A_52, %dma_wait3A] : memref<2x10000x128xf32, #tpu.memory_space<hbm>> -> memref<1x624x128xf32, #tpu.memory_space<hbm>>
      %dma_wait3A_64 = tpu.memref_squeeze %dma_wait3A_63 : memref<1x624x128xf32, #tpu.memory_space<hbm>> -> memref<624x128xf32, #tpu.memory_space<hbm>>
      %dma_wait3A_65 = arith.constant 0 : i32
      %dma_wait3A_66 = tpu.memref_slice %arg11[%mul3A_50, %dma_wait3A_65] : memref<10000x128xf32, #tpu.memory_space<vmem_shared>> -> memref<624x128xf32, #tpu.memory_space<vmem_shared>>
      tpu.wait_dma2 semaphore(%run_scoped3A : memref<!tpu.dma_semaphore, #tpu.memory_space<semaphore_mem>>) src(%dma_wait3A_66 : memref<624x128xf32, #tpu.memory_space<vmem_shared>>) dst(%dma_wait3A_64 : memref<624x128xf32, #tpu.memory_space<hbm>>)
      tpu.yield
    }) : () -> ()
    %eq3A_53 = arith.constant 15 : i32
    %eq3A_54 = arith.cmpi eq, %arg1, %eq3A_53 : i32
    %convert_element_type3A_55 = arith.extui %eq3A_54 : i1 to i32
    %cond3A_56 = arith.constant 0 : i32
    %cond3A_57 = arith.cmpi ne, %convert_element_type3A_55, %cond3A_56 : i32
    scf.if %cond3A_57 {
      "tpu.region"() ({
        %run_scoped3A = tpu.sem_alloc : memref<!tpu.dma_semaphore, #tpu.memory_space<semaphore_mem>>
        %dma_start3A_58 = arith.constant 9984 : i32
        %dma_start3A_59 = arith.constant 0 : i32
        %dma_start3A_60 = tpu.memref_slice %arg6[%arg0, %dma_start3A_58, %dma_start3A_59] : memref<2x10000x128xf32, #tpu.memory_space<hbm>> -> memref<1x16x128xf32, #tpu.memory_space<hbm>>
        %dma_start3A_61 = tpu.memref_squeeze %dma_start3A_60 : memref<1x16x128xf32, #tpu.memory_space<hbm>> -> memref<16x128xf32, #tpu.memory_space<hbm>>
        %dma_start3A_62 = arith.constant 9984 : i32
        %dma_start3A_63 = arith.constant 0 : i32
        %dma_start3A_64 = tpu.memref_slice %arg11[%dma_start3A_62, %dma_start3A_63] : memref<10000x128xf32, #tpu.memory_space<vmem_shared>> -> memref<16x128xf32, #tpu.memory_space<vmem_shared>>
        tpu.enqueue_dma source(%dma_start3A_64 : memref<16x128xf32, #tpu.memory_space<vmem_shared>>) target(%dma_start3A_61 : memref<16x128xf32, #tpu.memory_space<hbm>>) target_semaphore(%run_scoped3A : memref<!tpu.dma_semaphore, #tpu.memory_space<semaphore_mem>>)
        %dma_wait3A = arith.constant 9984 : i32
        %dma_wait3A_65 = arith.constant 0 : i32
        %dma_wait3A_66 = tpu.memref_slice %arg6[%arg0, %dma_wait3A, %dma_wait3A_65] : memref<2x10000x128xf32, #tpu.memory_space<hbm>> -> memref<1x16x128xf32, #tpu.memory_space<hbm>>
        %dma_wait3A_67 = tpu.memref_squeeze %dma_wait3A_66 : memref<1x16x128xf32, #tpu.memory_space<hbm>> -> memref<16x128xf32, #tpu.memory_space<hbm>>
        %dma_wait3A_68 = arith.constant 9984 : i32
        %dma_wait3A_69 = arith.constant 0 : i32
        %dma_wait3A_70 = tpu.memref_slice %arg11[%dma_wait3A_68, %dma_wait3A_69] : memref<10000x128xf32, #tpu.memory_space<vmem_shared>> -> memref<16x128xf32, #tpu.memory_space<vmem_shared>>
        tpu.wait_dma2 semaphore(%run_scoped3A : memref<!tpu.dma_semaphore, #tpu.memory_space<semaphore_mem>>) src(%dma_wait3A_70 : memref<16x128xf32, #tpu.memory_space<vmem_shared>>) dst(%dma_wait3A_67 : memref<16x128xf32, #tpu.memory_space<hbm>>)
        tpu.yield
      }) : () -> ()
    } else {
    }
    return
  }
}

#map = affine_map<(d0, d1) -> (0, 0)>
#map1 = affine_map<(d0, d1) -> (0, 0, 0)>
module attributes {stable_mosaic.version = 14 : i64} {
  func.func @_edge_body(%arg0: i32, %arg1: i32, %arg2: memref<10000x128xf32, #tpu.memory_space<hbm>>, %arg3: memref<32x80x125xi32, #tpu.memory_space<hbm>>, %arg4: memref<32x80x125xi32, #tpu.memory_space<hbm>>, %arg5: memref<10000x128xf32, #tpu.memory_space<hbm>>, %arg6: memref<2x10000x128xf32, #tpu.memory_space<hbm>>, %arg7: memref<40x125xi32, #tpu.memory_space<vmem>>, %arg8: memref<40x125xi32, #tpu.memory_space<vmem>>, %arg9: memref<125x128xf32, #tpu.memory_space<vmem>>, %arg10: memref<125x128xf32, #tpu.memory_space<vmem>>, %arg11: memref<10000x128xf32, #tpu.memory_space<vmem_shared>>, %arg12: memref<!tpu.dma_semaphore, #tpu.memory_space<semaphore_mem>>, %arg13: memref<!tpu.dma_semaphore, #tpu.memory_space<semaphore_mem>>) attributes {dimension_semantics = [#tpu.dimension_semantics<core_parallel>, #tpu.dimension_semantics<subcore_parallel>], iteration_bounds = array<i64: 2, 16>, scalar_prefetch = 0 : i64, scratch_operands = 7 : i64, tpu.core_type = #tpu.core_type<sc_vector_subcore>, window_params = [{transform_indices = #map}, {transform_indices = #map1}, {transform_indices = #map1}, {transform_indices = #map}, {transform_indices = #map1}]} {
    %mul3A = arith.constant 2 : i32
    %mul3A_0 = arith.muli %arg1, %mul3A : i32
    %add3A = arith.addi %mul3A_0, %arg0 : i32
    %eq3A = arith.constant 0 : i32
    %eq3A_1 = arith.cmpi eq, %arg0, %eq3A : i32
    %convert_element_type3A = arith.extui %eq3A_1 : i1 to i32
    %cond3A = arith.constant 0 : i32
    %cond3A_2 = arith.cmpi ne, %convert_element_type3A, %cond3A : i32
    scf.if %cond3A_2 {
      %mul3A_58 = arith.constant 624 : i32
      %mul3A_59 = arith.muli %arg1, %mul3A_58 : i32
      %mul3A_60 = arith.constant 624 : i32
      %mul3A_61 = arith.muli %arg1, %mul3A_60 : i32
      "tpu.region"() ({
        %run_scoped3A = tpu.sem_alloc : memref<!tpu.dma_semaphore, #tpu.memory_space<semaphore_mem>>
        %dma_start3A_62 = arith.constant 0 : i32
        %dma_start3A_63 = tpu.memref_slice %arg11[%mul3A_61, %dma_start3A_62] : memref<10000x128xf32, #tpu.memory_space<vmem_shared>> -> memref<624x128xf32, #tpu.memory_space<vmem_shared>>
        %dma_start3A_64 = arith.constant 0 : i32
        %dma_start3A_65 = tpu.memref_slice %arg2[%mul3A_59, %dma_start3A_64] : memref<10000x128xf32, #tpu.memory_space<hbm>> -> memref<624x128xf32, #tpu.memory_space<hbm>>
        tpu.enqueue_dma source(%dma_start3A_65 : memref<624x128xf32, #tpu.memory_space<hbm>>) target(%dma_start3A_63 : memref<624x128xf32, #tpu.memory_space<vmem_shared>>) target_semaphore(%run_scoped3A : memref<!tpu.dma_semaphore, #tpu.memory_space<semaphore_mem>>)
        %dma_wait3A = arith.constant 0 : i32
        %dma_wait3A_66 = tpu.memref_slice %arg11[%mul3A_61, %dma_wait3A] : memref<10000x128xf32, #tpu.memory_space<vmem_shared>> -> memref<624x128xf32, #tpu.memory_space<vmem_shared>>
        %dma_wait3A_67 = arith.constant 0 : i32
        %dma_wait3A_68 = tpu.memref_slice %arg2[%mul3A_59, %dma_wait3A_67] : memref<10000x128xf32, #tpu.memory_space<hbm>> -> memref<624x128xf32, #tpu.memory_space<hbm>>
        tpu.wait_dma2 semaphore(%run_scoped3A : memref<!tpu.dma_semaphore, #tpu.memory_space<semaphore_mem>>) src(%dma_wait3A_68 : memref<624x128xf32, #tpu.memory_space<hbm>>) dst(%dma_wait3A_66 : memref<624x128xf32, #tpu.memory_space<vmem_shared>>)
        tpu.yield
      }) : () -> ()
    } else {
    }
    %ne3A = arith.constant 0 : i32
    %ne3A_3 = arith.cmpi ne, %arg0, %ne3A : i32
    %convert_element_type3A_4 = arith.extui %ne3A_3 : i1 to i32
    %cond3A_5 = arith.constant 0 : i32
    %cond3A_6 = arith.cmpi ne, %convert_element_type3A_4, %cond3A_5 : i32
    scf.if %cond3A_6 {
      %mul3A_58 = arith.constant 624 : i32
      %mul3A_59 = arith.muli %arg1, %mul3A_58 : i32
      %mul3A_60 = arith.constant 624 : i32
      %mul3A_61 = arith.muli %arg1, %mul3A_60 : i32
      "tpu.region"() ({
        %run_scoped3A = tpu.sem_alloc : memref<!tpu.dma_semaphore, #tpu.memory_space<semaphore_mem>>
        %dma_start3A_62 = arith.constant 0 : i32
        %dma_start3A_63 = tpu.memref_slice %arg11[%mul3A_61, %dma_start3A_62] : memref<10000x128xf32, #tpu.memory_space<vmem_shared>> -> memref<624x128xf32, #tpu.memory_space<vmem_shared>>
        %dma_start3A_64 = arith.constant 0 : i32
        %dma_start3A_65 = tpu.memref_slice %arg5[%mul3A_59, %dma_start3A_64] : memref<10000x128xf32, #tpu.memory_space<hbm>> -> memref<624x128xf32, #tpu.memory_space<hbm>>
        tpu.enqueue_dma source(%dma_start3A_65 : memref<624x128xf32, #tpu.memory_space<hbm>>) target(%dma_start3A_63 : memref<624x128xf32, #tpu.memory_space<vmem_shared>>) target_semaphore(%run_scoped3A : memref<!tpu.dma_semaphore, #tpu.memory_space<semaphore_mem>>)
        %dma_wait3A = arith.constant 0 : i32
        %dma_wait3A_66 = tpu.memref_slice %arg11[%mul3A_61, %dma_wait3A] : memref<10000x128xf32, #tpu.memory_space<vmem_shared>> -> memref<624x128xf32, #tpu.memory_space<vmem_shared>>
        %dma_wait3A_67 = arith.constant 0 : i32
        %dma_wait3A_68 = tpu.memref_slice %arg5[%mul3A_59, %dma_wait3A_67] : memref<10000x128xf32, #tpu.memory_space<hbm>> -> memref<624x128xf32, #tpu.memory_space<hbm>>
        tpu.wait_dma2 semaphore(%run_scoped3A : memref<!tpu.dma_semaphore, #tpu.memory_space<semaphore_mem>>) src(%dma_wait3A_68 : memref<624x128xf32, #tpu.memory_space<hbm>>) dst(%dma_wait3A_66 : memref<624x128xf32, #tpu.memory_space<vmem_shared>>)
        tpu.yield
      }) : () -> ()
    } else {
    }
    %eq3A_7 = arith.constant 0 : i32
    %eq3A_8 = arith.cmpi eq, %arg0, %eq3A_7 : i32
    %eq3A_9 = arith.constant 15 : i32
    %eq3A_10 = arith.cmpi eq, %arg1, %eq3A_9 : i32
    %and3A = arith.andi %eq3A_8, %eq3A_10 : i1
    %convert_element_type3A_11 = arith.extui %and3A : i1 to i32
    %cond3A_12 = arith.constant 0 : i32
    %cond3A_13 = arith.cmpi ne, %convert_element_type3A_11, %cond3A_12 : i32
    scf.if %cond3A_13 {
      "tpu.region"() ({
        %run_scoped3A = tpu.sem_alloc : memref<!tpu.dma_semaphore, #tpu.memory_space<semaphore_mem>>
        %dma_start3A_58 = arith.constant 9984 : i32
        %dma_start3A_59 = arith.constant 0 : i32
        %dma_start3A_60 = tpu.memref_slice %arg11[%dma_start3A_58, %dma_start3A_59] : memref<10000x128xf32, #tpu.memory_space<vmem_shared>> -> memref<16x128xf32, #tpu.memory_space<vmem_shared>>
        %dma_start3A_61 = arith.constant 9984 : i32
        %dma_start3A_62 = arith.constant 0 : i32
        %dma_start3A_63 = tpu.memref_slice %arg2[%dma_start3A_61, %dma_start3A_62] : memref<10000x128xf32, #tpu.memory_space<hbm>> -> memref<16x128xf32, #tpu.memory_space<hbm>>
        tpu.enqueue_dma source(%dma_start3A_63 : memref<16x128xf32, #tpu.memory_space<hbm>>) target(%dma_start3A_60 : memref<16x128xf32, #tpu.memory_space<vmem_shared>>) target_semaphore(%run_scoped3A : memref<!tpu.dma_semaphore, #tpu.memory_space<semaphore_mem>>)
        %dma_wait3A = arith.constant 9984 : i32
        %dma_wait3A_64 = arith.constant 0 : i32
        %dma_wait3A_65 = tpu.memref_slice %arg11[%dma_wait3A, %dma_wait3A_64] : memref<10000x128xf32, #tpu.memory_space<vmem_shared>> -> memref<16x128xf32, #tpu.memory_space<vmem_shared>>
        %dma_wait3A_66 = arith.constant 9984 : i32
        %dma_wait3A_67 = arith.constant 0 : i32
        %dma_wait3A_68 = tpu.memref_slice %arg2[%dma_wait3A_66, %dma_wait3A_67] : memref<10000x128xf32, #tpu.memory_space<hbm>> -> memref<16x128xf32, #tpu.memory_space<hbm>>
        tpu.wait_dma2 semaphore(%run_scoped3A : memref<!tpu.dma_semaphore, #tpu.memory_space<semaphore_mem>>) src(%dma_wait3A_68 : memref<16x128xf32, #tpu.memory_space<hbm>>) dst(%dma_wait3A_65 : memref<16x128xf32, #tpu.memory_space<vmem_shared>>)
        tpu.yield
      }) : () -> ()
    } else {
    }
    %ne3A_14 = arith.constant 0 : i32
    %ne3A_15 = arith.cmpi ne, %arg0, %ne3A_14 : i32
    %eq3A_16 = arith.constant 15 : i32
    %eq3A_17 = arith.cmpi eq, %arg1, %eq3A_16 : i32
    %and3A_18 = arith.andi %ne3A_15, %eq3A_17 : i1
    %convert_element_type3A_19 = arith.extui %and3A_18 : i1 to i32
    %cond3A_20 = arith.constant 0 : i32
    %cond3A_21 = arith.cmpi ne, %convert_element_type3A_19, %cond3A_20 : i32
    scf.if %cond3A_21 {
      "tpu.region"() ({
        %run_scoped3A = tpu.sem_alloc : memref<!tpu.dma_semaphore, #tpu.memory_space<semaphore_mem>>
        %dma_start3A_58 = arith.constant 9984 : i32
        %dma_start3A_59 = arith.constant 0 : i32
        %dma_start3A_60 = tpu.memref_slice %arg11[%dma_start3A_58, %dma_start3A_59] : memref<10000x128xf32, #tpu.memory_space<vmem_shared>> -> memref<16x128xf32, #tpu.memory_space<vmem_shared>>
        %dma_start3A_61 = arith.constant 9984 : i32
        %dma_start3A_62 = arith.constant 0 : i32
        %dma_start3A_63 = tpu.memref_slice %arg5[%dma_start3A_61, %dma_start3A_62] : memref<10000x128xf32, #tpu.memory_space<hbm>> -> memref<16x128xf32, #tpu.memory_space<hbm>>
        tpu.enqueue_dma source(%dma_start3A_63 : memref<16x128xf32, #tpu.memory_space<hbm>>) target(%dma_start3A_60 : memref<16x128xf32, #tpu.memory_space<vmem_shared>>) target_semaphore(%run_scoped3A : memref<!tpu.dma_semaphore, #tpu.memory_space<semaphore_mem>>)
        %dma_wait3A = arith.constant 9984 : i32
        %dma_wait3A_64 = arith.constant 0 : i32
        %dma_wait3A_65 = tpu.memref_slice %arg11[%dma_wait3A, %dma_wait3A_64] : memref<10000x128xf32, #tpu.memory_space<vmem_shared>> -> memref<16x128xf32, #tpu.memory_space<vmem_shared>>
        %dma_wait3A_66 = arith.constant 9984 : i32
        %dma_wait3A_67 = arith.constant 0 : i32
        %dma_wait3A_68 = tpu.memref_slice %arg5[%dma_wait3A_66, %dma_wait3A_67] : memref<10000x128xf32, #tpu.memory_space<hbm>> -> memref<16x128xf32, #tpu.memory_space<hbm>>
        tpu.wait_dma2 semaphore(%run_scoped3A : memref<!tpu.dma_semaphore, #tpu.memory_space<semaphore_mem>>) src(%dma_wait3A_68 : memref<16x128xf32, #tpu.memory_space<hbm>>) dst(%dma_wait3A_65 : memref<16x128xf32, #tpu.memory_space<vmem_shared>>)
        tpu.yield
      }) : () -> ()
    } else {
    }
    %barrier3A = arith.constant 0 : index
    tpu.barrier barrier_id(%barrier3A)
    "tpu.region"() ({
      %run_scoped3A = tpu.sem_alloc : memref<!tpu.dma_semaphore, #tpu.memory_space<semaphore_mem>>
      %dma_start3A_58 = arith.constant 0 : i32
      %dma_start3A_59 = arith.constant 0 : i32
      %dma_start3A_60 = tpu.memref_slice %arg3[%add3A, %dma_start3A_58, %dma_start3A_59] : memref<32x80x125xi32, #tpu.memory_space<hbm>> -> memref<1x40x125xi32, #tpu.memory_space<hbm>>
      %dma_start3A_61 = tpu.memref_squeeze %dma_start3A_60 : memref<1x40x125xi32, #tpu.memory_space<hbm>> -> memref<40x125xi32, #tpu.memory_space<hbm>>
      %dma_start3A_62 = arith.constant 0 : i32
      %dma_start3A_63 = arith.constant 0 : i32
      %dma_start3A_64 = tpu.memref_slice %arg3[%add3A, %dma_start3A_62, %dma_start3A_63] : memref<32x80x125xi32, #tpu.memory_space<hbm>> -> memref<1x40x125xi32, #tpu.memory_space<hbm>>
      %dma_start3A_65 = tpu.memref_squeeze %dma_start3A_64 : memref<1x40x125xi32, #tpu.memory_space<hbm>> -> memref<40x125xi32, #tpu.memory_space<hbm>>
      tpu.enqueue_dma source(%dma_start3A_65 : memref<40x125xi32, #tpu.memory_space<hbm>>) target(%arg7 : memref<40x125xi32, #tpu.memory_space<vmem>>) target_semaphore(%run_scoped3A : memref<!tpu.dma_semaphore, #tpu.memory_space<semaphore_mem>>)
      %dma_wait3A = arith.constant 0 : i32
      %dma_wait3A_66 = arith.constant 0 : i32
      %dma_wait3A_67 = tpu.memref_slice %arg3[%add3A, %dma_wait3A, %dma_wait3A_66] : memref<32x80x125xi32, #tpu.memory_space<hbm>> -> memref<1x40x125xi32, #tpu.memory_space<hbm>>
      %dma_wait3A_68 = tpu.memref_squeeze %dma_wait3A_67 : memref<1x40x125xi32, #tpu.memory_space<hbm>> -> memref<40x125xi32, #tpu.memory_space<hbm>>
      %dma_wait3A_69 = arith.constant 0 : i32
      %dma_wait3A_70 = arith.constant 0 : i32
      %dma_wait3A_71 = tpu.memref_slice %arg3[%add3A, %dma_wait3A_69, %dma_wait3A_70] : memref<32x80x125xi32, #tpu.memory_space<hbm>> -> memref<1x40x125xi32, #tpu.memory_space<hbm>>
      %dma_wait3A_72 = tpu.memref_squeeze %dma_wait3A_71 : memref<1x40x125xi32, #tpu.memory_space<hbm>> -> memref<40x125xi32, #tpu.memory_space<hbm>>
      tpu.wait_dma2 semaphore(%run_scoped3A : memref<!tpu.dma_semaphore, #tpu.memory_space<semaphore_mem>>) src(%dma_wait3A_72 : memref<40x125xi32, #tpu.memory_space<hbm>>) dst(%arg7 : memref<40x125xi32, #tpu.memory_space<vmem>>)
      tpu.yield
    }) : () -> ()
    "tpu.region"() ({
      %run_scoped3A = tpu.sem_alloc : memref<!tpu.dma_semaphore, #tpu.memory_space<semaphore_mem>>
      %dma_start3A_58 = arith.constant 0 : i32
      %dma_start3A_59 = arith.constant 0 : i32
      %dma_start3A_60 = tpu.memref_slice %arg4[%add3A, %dma_start3A_58, %dma_start3A_59] : memref<32x80x125xi32, #tpu.memory_space<hbm>> -> memref<1x40x125xi32, #tpu.memory_space<hbm>>
      %dma_start3A_61 = tpu.memref_squeeze %dma_start3A_60 : memref<1x40x125xi32, #tpu.memory_space<hbm>> -> memref<40x125xi32, #tpu.memory_space<hbm>>
      %dma_start3A_62 = arith.constant 0 : i32
      %dma_start3A_63 = arith.constant 0 : i32
      %dma_start3A_64 = tpu.memref_slice %arg4[%add3A, %dma_start3A_62, %dma_start3A_63] : memref<32x80x125xi32, #tpu.memory_space<hbm>> -> memref<1x40x125xi32, #tpu.memory_space<hbm>>
      %dma_start3A_65 = tpu.memref_squeeze %dma_start3A_64 : memref<1x40x125xi32, #tpu.memory_space<hbm>> -> memref<40x125xi32, #tpu.memory_space<hbm>>
      tpu.enqueue_dma source(%dma_start3A_65 : memref<40x125xi32, #tpu.memory_space<hbm>>) target(%arg8 : memref<40x125xi32, #tpu.memory_space<vmem>>) target_semaphore(%run_scoped3A : memref<!tpu.dma_semaphore, #tpu.memory_space<semaphore_mem>>)
      %dma_wait3A = arith.constant 0 : i32
      %dma_wait3A_66 = arith.constant 0 : i32
      %dma_wait3A_67 = tpu.memref_slice %arg4[%add3A, %dma_wait3A, %dma_wait3A_66] : memref<32x80x125xi32, #tpu.memory_space<hbm>> -> memref<1x40x125xi32, #tpu.memory_space<hbm>>
      %dma_wait3A_68 = tpu.memref_squeeze %dma_wait3A_67 : memref<1x40x125xi32, #tpu.memory_space<hbm>> -> memref<40x125xi32, #tpu.memory_space<hbm>>
      %dma_wait3A_69 = arith.constant 0 : i32
      %dma_wait3A_70 = arith.constant 0 : i32
      %dma_wait3A_71 = tpu.memref_slice %arg4[%add3A, %dma_wait3A_69, %dma_wait3A_70] : memref<32x80x125xi32, #tpu.memory_space<hbm>> -> memref<1x40x125xi32, #tpu.memory_space<hbm>>
      %dma_wait3A_72 = tpu.memref_squeeze %dma_wait3A_71 : memref<1x40x125xi32, #tpu.memory_space<hbm>> -> memref<40x125xi32, #tpu.memory_space<hbm>>
      tpu.wait_dma2 semaphore(%run_scoped3A : memref<!tpu.dma_semaphore, #tpu.memory_space<semaphore_mem>>) src(%dma_wait3A_72 : memref<40x125xi32, #tpu.memory_space<hbm>>) dst(%arg8 : memref<40x125xi32, #tpu.memory_space<vmem>>)
      tpu.yield
    }) : () -> ()
    %dma_start3A = arith.constant 0 : i32
    %dma_start3A_22 = arith.constant 0 : i32
    %dma_start3A_23 = tpu.memref_slice %arg7[%dma_start3A, %dma_start3A_22] : memref<40x125xi32, #tpu.memory_space<vmem>> -> memref<1x125xi32, #tpu.memory_space<vmem>>
    %dma_start3A_24 = tpu.memref_squeeze %dma_start3A_23 : memref<1x125xi32, #tpu.memory_space<vmem>> -> memref<125xi32, #tpu.memory_space<vmem>>
    %dma_start3A_25 = arith.constant 0 : i32
    %dma_start3A_26 = arith.constant 0 : i32
    %dma_start3A_27 = tpu.memref_slice %arg2[%dma_start3A_25, %dma_start3A_26] : memref<10000x128xf32, #tpu.memory_space<hbm>> -> memref<10000x128xf32, #tpu.memory_space<hbm>>
    tpu.enqueue_indirect_dma source(%dma_start3A_27 : memref<10000x128xf32, #tpu.memory_space<hbm>>) target(%arg9 : memref<125x128xf32, #tpu.memory_space<vmem>>) offsets(%dma_start3A_24 : memref<125xi32, #tpu.memory_space<vmem>>) semaphore(%arg12 : memref<!tpu.dma_semaphore, #tpu.memory_space<semaphore_mem>>)
    %scan3A = arith.constant 0 : i32
    %scan3A_28 = arith.constant 0 : i32
    %scan3A_29 = arith.constant 20 : i32
    %scan3A_30 = arith.addi %scan3A_28, %scan3A_29 : i32
    %scan3A_31 = arith.constant 1 : i32
    %scan3A_32 = scf.for %scan3A_58 = %scan3A_28 to %scan3A_30 step %scan3A_31 iter_args(%scan3A_59 = %scan3A) -> (i32)  : i32 {
      %mul3A_60 = arith.constant 2 : i32
      %mul3A_61 = arith.muli %mul3A_60, %scan3A_58 : i32
      %mul3A_62 = arith.constant 2 : i32
      %mul3A_63 = arith.muli %mul3A_62, %scan3A_58 : i32
      %add3A_64 = arith.constant 1 : i32
      %add3A_65 = arith.addi %mul3A_63, %add3A_64 : i32
      %dma_wait3A = arith.constant 0 : i32
      %dma_wait3A_66 = tpu.memref_slice %arg7[%mul3A_61, %dma_wait3A] : memref<40x125xi32, #tpu.memory_space<vmem>> -> memref<1x125xi32, #tpu.memory_space<vmem>>
      %dma_wait3A_67 = tpu.memref_squeeze %dma_wait3A_66 : memref<1x125xi32, #tpu.memory_space<vmem>> -> memref<125xi32, #tpu.memory_space<vmem>>
      %dma_wait3A_68 = arith.constant 0 : i32
      %dma_wait3A_69 = arith.constant 0 : i32
      %dma_wait3A_70 = tpu.memref_slice %arg2[%dma_wait3A_68, %dma_wait3A_69] : memref<10000x128xf32, #tpu.memory_space<hbm>> -> memref<10000x128xf32, #tpu.memory_space<hbm>>
      tpu.wait_indirect_dma semaphore(%arg12 : memref<!tpu.dma_semaphore, #tpu.memory_space<semaphore_mem>>) src(%dma_wait3A_70 : memref<10000x128xf32, #tpu.memory_space<hbm>>) dst(%arg9 : memref<125x128xf32, #tpu.memory_space<vmem>>)
      %dma_start3A_71 = arith.constant 0 : i32
      %dma_start3A_72 = tpu.memref_slice %arg7[%add3A_65, %dma_start3A_71] : memref<40x125xi32, #tpu.memory_space<vmem>> -> memref<1x125xi32, #tpu.memory_space<vmem>>
      %dma_start3A_73 = tpu.memref_squeeze %dma_start3A_72 : memref<1x125xi32, #tpu.memory_space<vmem>> -> memref<125xi32, #tpu.memory_space<vmem>>
      %dma_start3A_74 = arith.constant 0 : i32
      %dma_start3A_75 = arith.constant 0 : i32
      %dma_start3A_76 = tpu.memref_slice %arg2[%dma_start3A_74, %dma_start3A_75] : memref<10000x128xf32, #tpu.memory_space<hbm>> -> memref<10000x128xf32, #tpu.memory_space<hbm>>
      tpu.enqueue_indirect_dma source(%dma_start3A_76 : memref<10000x128xf32, #tpu.memory_space<hbm>>) target(%arg10 : memref<125x128xf32, #tpu.memory_space<vmem>>) offsets(%dma_start3A_73 : memref<125xi32, #tpu.memory_space<vmem>>) semaphore(%arg13 : memref<!tpu.dma_semaphore, #tpu.memory_space<semaphore_mem>>)
      "tpu.region"() ({
        %run_scoped3A = tpu.sem_alloc : memref<!tpu.dma_semaphore, #tpu.memory_space<semaphore_mem>>
        %dma_start3A_88 = arith.constant 0 : i32
        %dma_start3A_89 = tpu.memref_slice %arg8[%mul3A_61, %dma_start3A_88] : memref<40x125xi32, #tpu.memory_space<vmem>> -> memref<1x125xi32, #tpu.memory_space<vmem>>
        %dma_start3A_90 = tpu.memref_squeeze %dma_start3A_89 : memref<1x125xi32, #tpu.memory_space<vmem>> -> memref<125xi32, #tpu.memory_space<vmem>>
        %dma_start3A_91 = arith.constant 0 : i32
        %dma_start3A_92 = arith.constant 0 : i32
        %dma_start3A_93 = tpu.memref_slice %arg11[%dma_start3A_91, %dma_start3A_92] : memref<10000x128xf32, #tpu.memory_space<vmem_shared>> -> memref<10000x128xf32, #tpu.memory_space<vmem_shared>>
        tpu.enqueue_indirect_dma source(%arg9 : memref<125x128xf32, #tpu.memory_space<vmem>>) target(%dma_start3A_93 : memref<10000x128xf32, #tpu.memory_space<vmem_shared>>) offsets(%dma_start3A_90 : memref<125xi32, #tpu.memory_space<vmem>>) semaphore(%run_scoped3A : memref<!tpu.dma_semaphore, #tpu.memory_space<semaphore_mem>>) {add = true}
        %dma_wait3A_94 = arith.constant 0 : i32
        %dma_wait3A_95 = tpu.memref_slice %arg8[%mul3A_61, %dma_wait3A_94] : memref<40x125xi32, #tpu.memory_space<vmem>> -> memref<1x125xi32, #tpu.memory_space<vmem>>
        %dma_wait3A_96 = tpu.memref_squeeze %dma_wait3A_95 : memref<1x125xi32, #tpu.memory_space<vmem>> -> memref<125xi32, #tpu.memory_space<vmem>>
        %dma_wait3A_97 = arith.constant 0 : i32
        %dma_wait3A_98 = arith.constant 0 : i32
        %dma_wait3A_99 = tpu.memref_slice %arg11[%dma_wait3A_97, %dma_wait3A_98] : memref<10000x128xf32, #tpu.memory_space<vmem_shared>> -> memref<10000x128xf32, #tpu.memory_space<vmem_shared>>
        tpu.wait_indirect_dma semaphore(%run_scoped3A : memref<!tpu.dma_semaphore, #tpu.memory_space<semaphore_mem>>) src(%arg9 : memref<125x128xf32, #tpu.memory_space<vmem>>) dst(%dma_wait3A_99 : memref<10000x128xf32, #tpu.memory_space<vmem_shared>>)
        tpu.yield
      }) : () -> ()
      %dma_wait3A_77 = arith.constant 0 : i32
      %dma_wait3A_78 = tpu.memref_slice %arg7[%add3A_65, %dma_wait3A_77] : memref<40x125xi32, #tpu.memory_space<vmem>> -> memref<1x125xi32, #tpu.memory_space<vmem>>
      %dma_wait3A_79 = tpu.memref_squeeze %dma_wait3A_78 : memref<1x125xi32, #tpu.memory_space<vmem>> -> memref<125xi32, #tpu.memory_space<vmem>>
      %dma_wait3A_80 = arith.constant 0 : i32
      %dma_wait3A_81 = arith.constant 0 : i32
      %dma_wait3A_82 = tpu.memref_slice %arg2[%dma_wait3A_80, %dma_wait3A_81] : memref<10000x128xf32, #tpu.memory_space<hbm>> -> memref<10000x128xf32, #tpu.memory_space<hbm>>
      tpu.wait_indirect_dma semaphore(%arg13 : memref<!tpu.dma_semaphore, #tpu.memory_space<semaphore_mem>>) src(%dma_wait3A_82 : memref<10000x128xf32, #tpu.memory_space<hbm>>) dst(%arg10 : memref<125x128xf32, #tpu.memory_space<vmem>>)
      %lt3A = arith.constant 19 : i32
      %lt3A_83 = arith.cmpi slt, %scan3A_58, %lt3A : i32
      %convert_element_type3A_84 = arith.extui %lt3A_83 : i1 to i32
      %cond3A_85 = arith.constant 0 : i32
      %cond3A_86 = arith.cmpi ne, %convert_element_type3A_84, %cond3A_85 : i32
      scf.if %cond3A_86 {
        %add3A_88 = arith.constant 2 : i32
        %add3A_89 = arith.addi %mul3A_61, %add3A_88 : i32
        %dma_start3A_90 = arith.constant 0 : i32
        %dma_start3A_91 = tpu.memref_slice %arg7[%add3A_89, %dma_start3A_90] : memref<40x125xi32, #tpu.memory_space<vmem>> -> memref<1x125xi32, #tpu.memory_space<vmem>>
        %dma_start3A_92 = tpu.memref_squeeze %dma_start3A_91 : memref<1x125xi32, #tpu.memory_space<vmem>> -> memref<125xi32, #tpu.memory_space<vmem>>
        %dma_start3A_93 = arith.constant 0 : i32
        %dma_start3A_94 = arith.constant 0 : i32
        %dma_start3A_95 = tpu.memref_slice %arg2[%dma_start3A_93, %dma_start3A_94] : memref<10000x128xf32, #tpu.memory_space<hbm>> -> memref<10000x128xf32, #tpu.memory_space<hbm>>
        tpu.enqueue_indirect_dma source(%dma_start3A_95 : memref<10000x128xf32, #tpu.memory_space<hbm>>) target(%arg9 : memref<125x128xf32, #tpu.memory_space<vmem>>) offsets(%dma_start3A_92 : memref<125xi32, #tpu.memory_space<vmem>>) semaphore(%arg12 : memref<!tpu.dma_semaphore, #tpu.memory_space<semaphore_mem>>)
      } else {
      }
      "tpu.region"() ({
        %run_scoped3A = tpu.sem_alloc : memref<!tpu.dma_semaphore, #tpu.memory_space<semaphore_mem>>
        %dma_start3A_88 = arith.constant 0 : i32
        %dma_start3A_89 = tpu.memref_slice %arg8[%add3A_65, %dma_start3A_88] : memref<40x125xi32, #tpu.memory_space<vmem>> -> memref<1x125xi32, #tpu.memory_space<vmem>>
        %dma_start3A_90 = tpu.memref_squeeze %dma_start3A_89 : memref<1x125xi32, #tpu.memory_space<vmem>> -> memref<125xi32, #tpu.memory_space<vmem>>
        %dma_start3A_91 = arith.constant 0 : i32
        %dma_start3A_92 = arith.constant 0 : i32
        %dma_start3A_93 = tpu.memref_slice %arg11[%dma_start3A_91, %dma_start3A_92] : memref<10000x128xf32, #tpu.memory_space<vmem_shared>> -> memref<10000x128xf32, #tpu.memory_space<vmem_shared>>
        tpu.enqueue_indirect_dma source(%arg10 : memref<125x128xf32, #tpu.memory_space<vmem>>) target(%dma_start3A_93 : memref<10000x128xf32, #tpu.memory_space<vmem_shared>>) offsets(%dma_start3A_90 : memref<125xi32, #tpu.memory_space<vmem>>) semaphore(%run_scoped3A : memref<!tpu.dma_semaphore, #tpu.memory_space<semaphore_mem>>) {add = true}
        %dma_wait3A_94 = arith.constant 0 : i32
        %dma_wait3A_95 = tpu.memref_slice %arg8[%add3A_65, %dma_wait3A_94] : memref<40x125xi32, #tpu.memory_space<vmem>> -> memref<1x125xi32, #tpu.memory_space<vmem>>
        %dma_wait3A_96 = tpu.memref_squeeze %dma_wait3A_95 : memref<1x125xi32, #tpu.memory_space<vmem>> -> memref<125xi32, #tpu.memory_space<vmem>>
        %dma_wait3A_97 = arith.constant 0 : i32
        %dma_wait3A_98 = arith.constant 0 : i32
        %dma_wait3A_99 = tpu.memref_slice %arg11[%dma_wait3A_97, %dma_wait3A_98] : memref<10000x128xf32, #tpu.memory_space<vmem_shared>> -> memref<10000x128xf32, #tpu.memory_space<vmem_shared>>
        tpu.wait_indirect_dma semaphore(%run_scoped3A : memref<!tpu.dma_semaphore, #tpu.memory_space<semaphore_mem>>) src(%arg10 : memref<125x128xf32, #tpu.memory_space<vmem>>) dst(%dma_wait3A_99 : memref<10000x128xf32, #tpu.memory_space<vmem_shared>>)
        tpu.yield
      }) : () -> ()
      %scan3A_87 = arith.constant 0 : i32
      scf.yield %scan3A_87 : i32
    }
    %scan3A_33 = arith.constant 20 : i32
    "tpu.region"() ({
      %run_scoped3A = tpu.sem_alloc : memref<!tpu.dma_semaphore, #tpu.memory_space<semaphore_mem>>
      %dma_start3A_58 = arith.constant 40 : i32
      %dma_start3A_59 = arith.constant 0 : i32
      %dma_start3A_60 = tpu.memref_slice %arg3[%add3A, %dma_start3A_58, %dma_start3A_59] : memref<32x80x125xi32, #tpu.memory_space<hbm>> -> memref<1x40x125xi32, #tpu.memory_space<hbm>>
      %dma_start3A_61 = tpu.memref_squeeze %dma_start3A_60 : memref<1x40x125xi32, #tpu.memory_space<hbm>> -> memref<40x125xi32, #tpu.memory_space<hbm>>
      %dma_start3A_62 = arith.constant 40 : i32
      %dma_start3A_63 = arith.constant 0 : i32
      %dma_start3A_64 = tpu.memref_slice %arg3[%add3A, %dma_start3A_62, %dma_start3A_63] : memref<32x80x125xi32, #tpu.memory_space<hbm>> -> memref<1x40x125xi32, #tpu.memory_space<hbm>>
      %dma_start3A_65 = tpu.memref_squeeze %dma_start3A_64 : memref<1x40x125xi32, #tpu.memory_space<hbm>> -> memref<40x125xi32, #tpu.memory_space<hbm>>
      tpu.enqueue_dma source(%dma_start3A_65 : memref<40x125xi32, #tpu.memory_space<hbm>>) target(%arg7 : memref<40x125xi32, #tpu.memory_space<vmem>>) target_semaphore(%run_scoped3A : memref<!tpu.dma_semaphore, #tpu.memory_space<semaphore_mem>>)
      %dma_wait3A = arith.constant 40 : i32
      %dma_wait3A_66 = arith.constant 0 : i32
      %dma_wait3A_67 = tpu.memref_slice %arg3[%add3A, %dma_wait3A, %dma_wait3A_66] : memref<32x80x125xi32, #tpu.memory_space<hbm>> -> memref<1x40x125xi32, #tpu.memory_space<hbm>>
      %dma_wait3A_68 = tpu.memref_squeeze %dma_wait3A_67 : memref<1x40x125xi32, #tpu.memory_space<hbm>> -> memref<40x125xi32, #tpu.memory_space<hbm>>
      %dma_wait3A_69 = arith.constant 40 : i32
      %dma_wait3A_70 = arith.constant 0 : i32
      %dma_wait3A_71 = tpu.memref_slice %arg3[%add3A, %dma_wait3A_69, %dma_wait3A_70] : memref<32x80x125xi32, #tpu.memory_space<hbm>> -> memref<1x40x125xi32, #tpu.memory_space<hbm>>
      %dma_wait3A_72 = tpu.memref_squeeze %dma_wait3A_71 : memref<1x40x125xi32, #tpu.memory_space<hbm>> -> memref<40x125xi32, #tpu.memory_space<hbm>>
      tpu.wait_dma2 semaphore(%run_scoped3A : memref<!tpu.dma_semaphore, #tpu.memory_space<semaphore_mem>>) src(%dma_wait3A_72 : memref<40x125xi32, #tpu.memory_space<hbm>>) dst(%arg7 : memref<40x125xi32, #tpu.memory_space<vmem>>)
      tpu.yield
    }) : () -> ()
    "tpu.region"() ({
      %run_scoped3A = tpu.sem_alloc : memref<!tpu.dma_semaphore, #tpu.memory_space<semaphore_mem>>
      %dma_start3A_58 = arith.constant 40 : i32
      %dma_start3A_59 = arith.constant 0 : i32
      %dma_start3A_60 = tpu.memref_slice %arg4[%add3A, %dma_start3A_58, %dma_start3A_59] : memref<32x80x125xi32, #tpu.memory_space<hbm>> -> memref<1x40x125xi32, #tpu.memory_space<hbm>>
      %dma_start3A_61 = tpu.memref_squeeze %dma_start3A_60 : memref<1x40x125xi32, #tpu.memory_space<hbm>> -> memref<40x125xi32, #tpu.memory_space<hbm>>
      %dma_start3A_62 = arith.constant 40 : i32
      %dma_start3A_63 = arith.constant 0 : i32
      %dma_start3A_64 = tpu.memref_slice %arg4[%add3A, %dma_start3A_62, %dma_start3A_63] : memref<32x80x125xi32, #tpu.memory_space<hbm>> -> memref<1x40x125xi32, #tpu.memory_space<hbm>>
      %dma_start3A_65 = tpu.memref_squeeze %dma_start3A_64 : memref<1x40x125xi32, #tpu.memory_space<hbm>> -> memref<40x125xi32, #tpu.memory_space<hbm>>
      tpu.enqueue_dma source(%dma_start3A_65 : memref<40x125xi32, #tpu.memory_space<hbm>>) target(%arg8 : memref<40x125xi32, #tpu.memory_space<vmem>>) target_semaphore(%run_scoped3A : memref<!tpu.dma_semaphore, #tpu.memory_space<semaphore_mem>>)
      %dma_wait3A = arith.constant 40 : i32
      %dma_wait3A_66 = arith.constant 0 : i32
      %dma_wait3A_67 = tpu.memref_slice %arg4[%add3A, %dma_wait3A, %dma_wait3A_66] : memref<32x80x125xi32, #tpu.memory_space<hbm>> -> memref<1x40x125xi32, #tpu.memory_space<hbm>>
      %dma_wait3A_68 = tpu.memref_squeeze %dma_wait3A_67 : memref<1x40x125xi32, #tpu.memory_space<hbm>> -> memref<40x125xi32, #tpu.memory_space<hbm>>
      %dma_wait3A_69 = arith.constant 40 : i32
      %dma_wait3A_70 = arith.constant 0 : i32
      %dma_wait3A_71 = tpu.memref_slice %arg4[%add3A, %dma_wait3A_69, %dma_wait3A_70] : memref<32x80x125xi32, #tpu.memory_space<hbm>> -> memref<1x40x125xi32, #tpu.memory_space<hbm>>
      %dma_wait3A_72 = tpu.memref_squeeze %dma_wait3A_71 : memref<1x40x125xi32, #tpu.memory_space<hbm>> -> memref<40x125xi32, #tpu.memory_space<hbm>>
      tpu.wait_dma2 semaphore(%run_scoped3A : memref<!tpu.dma_semaphore, #tpu.memory_space<semaphore_mem>>) src(%dma_wait3A_72 : memref<40x125xi32, #tpu.memory_space<hbm>>) dst(%arg8 : memref<40x125xi32, #tpu.memory_space<vmem>>)
      tpu.yield
    }) : () -> ()
    %dma_start3A_34 = arith.constant 0 : i32
    %dma_start3A_35 = arith.constant 0 : i32
    %dma_start3A_36 = tpu.memref_slice %arg7[%dma_start3A_34, %dma_start3A_35] : memref<40x125xi32, #tpu.memory_space<vmem>> -> memref<1x125xi32, #tpu.memory_space<vmem>>
    %dma_start3A_37 = tpu.memref_squeeze %dma_start3A_36 : memref<1x125xi32, #tpu.memory_space<vmem>> -> memref<125xi32, #tpu.memory_space<vmem>>
    %dma_start3A_38 = arith.constant 0 : i32
    %dma_start3A_39 = arith.constant 0 : i32
    %dma_start3A_40 = tpu.memref_slice %arg2[%dma_start3A_38, %dma_start3A_39] : memref<10000x128xf32, #tpu.memory_space<hbm>> -> memref<10000x128xf32, #tpu.memory_space<hbm>>
    tpu.enqueue_indirect_dma source(%dma_start3A_40 : memref<10000x128xf32, #tpu.memory_space<hbm>>) target(%arg9 : memref<125x128xf32, #tpu.memory_space<vmem>>) offsets(%dma_start3A_37 : memref<125xi32, #tpu.memory_space<vmem>>) semaphore(%arg12 : memref<!tpu.dma_semaphore, #tpu.memory_space<semaphore_mem>>)
    %scan3A_41 = arith.constant 0 : i32
    %scan3A_42 = arith.constant 0 : i32
    %scan3A_43 = arith.constant 20 : i32
    %scan3A_44 = arith.addi %scan3A_42, %scan3A_43 : i32
    %scan3A_45 = arith.constant 1 : i32
    %scan3A_46 = scf.for %scan3A_58 = %scan3A_42 to %scan3A_44 step %scan3A_45 iter_args(%scan3A_59 = %scan3A_41) -> (i32)  : i32 {
      %mul3A_60 = arith.constant 2 : i32
      %mul3A_61 = arith.muli %mul3A_60, %scan3A_58 : i32
      %mul3A_62 = arith.constant 2 : i32
      %mul3A_63 = arith.muli %mul3A_62, %scan3A_58 : i32
      %add3A_64 = arith.constant 1 : i32
      %add3A_65 = arith.addi %mul3A_63, %add3A_64 : i32
      %dma_wait3A = arith.constant 0 : i32
      %dma_wait3A_66 = tpu.memref_slice %arg7[%mul3A_61, %dma_wait3A] : memref<40x125xi32, #tpu.memory_space<vmem>> -> memref<1x125xi32, #tpu.memory_space<vmem>>
      %dma_wait3A_67 = tpu.memref_squeeze %dma_wait3A_66 : memref<1x125xi32, #tpu.memory_space<vmem>> -> memref<125xi32, #tpu.memory_space<vmem>>
      %dma_wait3A_68 = arith.constant 0 : i32
      %dma_wait3A_69 = arith.constant 0 : i32
      %dma_wait3A_70 = tpu.memref_slice %arg2[%dma_wait3A_68, %dma_wait3A_69] : memref<10000x128xf32, #tpu.memory_space<hbm>> -> memref<10000x128xf32, #tpu.memory_space<hbm>>
      tpu.wait_indirect_dma semaphore(%arg12 : memref<!tpu.dma_semaphore, #tpu.memory_space<semaphore_mem>>) src(%dma_wait3A_70 : memref<10000x128xf32, #tpu.memory_space<hbm>>) dst(%arg9 : memref<125x128xf32, #tpu.memory_space<vmem>>)
      %dma_start3A_71 = arith.constant 0 : i32
      %dma_start3A_72 = tpu.memref_slice %arg7[%add3A_65, %dma_start3A_71] : memref<40x125xi32, #tpu.memory_space<vmem>> -> memref<1x125xi32, #tpu.memory_space<vmem>>
      %dma_start3A_73 = tpu.memref_squeeze %dma_start3A_72 : memref<1x125xi32, #tpu.memory_space<vmem>> -> memref<125xi32, #tpu.memory_space<vmem>>
      %dma_start3A_74 = arith.constant 0 : i32
      %dma_start3A_75 = arith.constant 0 : i32
      %dma_start3A_76 = tpu.memref_slice %arg2[%dma_start3A_74, %dma_start3A_75] : memref<10000x128xf32, #tpu.memory_space<hbm>> -> memref<10000x128xf32, #tpu.memory_space<hbm>>
      tpu.enqueue_indirect_dma source(%dma_start3A_76 : memref<10000x128xf32, #tpu.memory_space<hbm>>) target(%arg10 : memref<125x128xf32, #tpu.memory_space<vmem>>) offsets(%dma_start3A_73 : memref<125xi32, #tpu.memory_space<vmem>>) semaphore(%arg13 : memref<!tpu.dma_semaphore, #tpu.memory_space<semaphore_mem>>)
      "tpu.region"() ({
        %run_scoped3A = tpu.sem_alloc : memref<!tpu.dma_semaphore, #tpu.memory_space<semaphore_mem>>
        %dma_start3A_88 = arith.constant 0 : i32
        %dma_start3A_89 = tpu.memref_slice %arg8[%mul3A_61, %dma_start3A_88] : memref<40x125xi32, #tpu.memory_space<vmem>> -> memref<1x125xi32, #tpu.memory_space<vmem>>
        %dma_start3A_90 = tpu.memref_squeeze %dma_start3A_89 : memref<1x125xi32, #tpu.memory_space<vmem>> -> memref<125xi32, #tpu.memory_space<vmem>>
        %dma_start3A_91 = arith.constant 0 : i32
        %dma_start3A_92 = arith.constant 0 : i32
        %dma_start3A_93 = tpu.memref_slice %arg11[%dma_start3A_91, %dma_start3A_92] : memref<10000x128xf32, #tpu.memory_space<vmem_shared>> -> memref<10000x128xf32, #tpu.memory_space<vmem_shared>>
        tpu.enqueue_indirect_dma source(%arg9 : memref<125x128xf32, #tpu.memory_space<vmem>>) target(%dma_start3A_93 : memref<10000x128xf32, #tpu.memory_space<vmem_shared>>) offsets(%dma_start3A_90 : memref<125xi32, #tpu.memory_space<vmem>>) semaphore(%run_scoped3A : memref<!tpu.dma_semaphore, #tpu.memory_space<semaphore_mem>>) {add = true}
        %dma_wait3A_94 = arith.constant 0 : i32
        %dma_wait3A_95 = tpu.memref_slice %arg8[%mul3A_61, %dma_wait3A_94] : memref<40x125xi32, #tpu.memory_space<vmem>> -> memref<1x125xi32, #tpu.memory_space<vmem>>
        %dma_wait3A_96 = tpu.memref_squeeze %dma_wait3A_95 : memref<1x125xi32, #tpu.memory_space<vmem>> -> memref<125xi32, #tpu.memory_space<vmem>>
        %dma_wait3A_97 = arith.constant 0 : i32
        %dma_wait3A_98 = arith.constant 0 : i32
        %dma_wait3A_99 = tpu.memref_slice %arg11[%dma_wait3A_97, %dma_wait3A_98] : memref<10000x128xf32, #tpu.memory_space<vmem_shared>> -> memref<10000x128xf32, #tpu.memory_space<vmem_shared>>
        tpu.wait_indirect_dma semaphore(%run_scoped3A : memref<!tpu.dma_semaphore, #tpu.memory_space<semaphore_mem>>) src(%arg9 : memref<125x128xf32, #tpu.memory_space<vmem>>) dst(%dma_wait3A_99 : memref<10000x128xf32, #tpu.memory_space<vmem_shared>>)
        tpu.yield
      }) : () -> ()
      %dma_wait3A_77 = arith.constant 0 : i32
      %dma_wait3A_78 = tpu.memref_slice %arg7[%add3A_65, %dma_wait3A_77] : memref<40x125xi32, #tpu.memory_space<vmem>> -> memref<1x125xi32, #tpu.memory_space<vmem>>
      %dma_wait3A_79 = tpu.memref_squeeze %dma_wait3A_78 : memref<1x125xi32, #tpu.memory_space<vmem>> -> memref<125xi32, #tpu.memory_space<vmem>>
      %dma_wait3A_80 = arith.constant 0 : i32
      %dma_wait3A_81 = arith.constant 0 : i32
      %dma_wait3A_82 = tpu.memref_slice %arg2[%dma_wait3A_80, %dma_wait3A_81] : memref<10000x128xf32, #tpu.memory_space<hbm>> -> memref<10000x128xf32, #tpu.memory_space<hbm>>
      tpu.wait_indirect_dma semaphore(%arg13 : memref<!tpu.dma_semaphore, #tpu.memory_space<semaphore_mem>>) src(%dma_wait3A_82 : memref<10000x128xf32, #tpu.memory_space<hbm>>) dst(%arg10 : memref<125x128xf32, #tpu.memory_space<vmem>>)
      %lt3A = arith.constant 19 : i32
      %lt3A_83 = arith.cmpi slt, %scan3A_58, %lt3A : i32
      %convert_element_type3A_84 = arith.extui %lt3A_83 : i1 to i32
      %cond3A_85 = arith.constant 0 : i32
      %cond3A_86 = arith.cmpi ne, %convert_element_type3A_84, %cond3A_85 : i32
      scf.if %cond3A_86 {
        %add3A_88 = arith.constant 2 : i32
        %add3A_89 = arith.addi %mul3A_61, %add3A_88 : i32
        %dma_start3A_90 = arith.constant 0 : i32
        %dma_start3A_91 = tpu.memref_slice %arg7[%add3A_89, %dma_start3A_90] : memref<40x125xi32, #tpu.memory_space<vmem>> -> memref<1x125xi32, #tpu.memory_space<vmem>>
        %dma_start3A_92 = tpu.memref_squeeze %dma_start3A_91 : memref<1x125xi32, #tpu.memory_space<vmem>> -> memref<125xi32, #tpu.memory_space<vmem>>
        %dma_start3A_93 = arith.constant 0 : i32
        %dma_start3A_94 = arith.constant 0 : i32
        %dma_start3A_95 = tpu.memref_slice %arg2[%dma_start3A_93, %dma_start3A_94] : memref<10000x128xf32, #tpu.memory_space<hbm>> -> memref<10000x128xf32, #tpu.memory_space<hbm>>
        tpu.enqueue_indirect_dma source(%dma_start3A_95 : memref<10000x128xf32, #tpu.memory_space<hbm>>) target(%arg9 : memref<125x128xf32, #tpu.memory_space<vmem>>) offsets(%dma_start3A_92 : memref<125xi32, #tpu.memory_space<vmem>>) semaphore(%arg12 : memref<!tpu.dma_semaphore, #tpu.memory_space<semaphore_mem>>)
      } else {
      }
      "tpu.region"() ({
        %run_scoped3A = tpu.sem_alloc : memref<!tpu.dma_semaphore, #tpu.memory_space<semaphore_mem>>
        %dma_start3A_88 = arith.constant 0 : i32
        %dma_start3A_89 = tpu.memref_slice %arg8[%add3A_65, %dma_start3A_88] : memref<40x125xi32, #tpu.memory_space<vmem>> -> memref<1x125xi32, #tpu.memory_space<vmem>>
        %dma_start3A_90 = tpu.memref_squeeze %dma_start3A_89 : memref<1x125xi32, #tpu.memory_space<vmem>> -> memref<125xi32, #tpu.memory_space<vmem>>
        %dma_start3A_91 = arith.constant 0 : i32
        %dma_start3A_92 = arith.constant 0 : i32
        %dma_start3A_93 = tpu.memref_slice %arg11[%dma_start3A_91, %dma_start3A_92] : memref<10000x128xf32, #tpu.memory_space<vmem_shared>> -> memref<10000x128xf32, #tpu.memory_space<vmem_shared>>
        tpu.enqueue_indirect_dma source(%arg10 : memref<125x128xf32, #tpu.memory_space<vmem>>) target(%dma_start3A_93 : memref<10000x128xf32, #tpu.memory_space<vmem_shared>>) offsets(%dma_start3A_90 : memref<125xi32, #tpu.memory_space<vmem>>) semaphore(%run_scoped3A : memref<!tpu.dma_semaphore, #tpu.memory_space<semaphore_mem>>) {add = true}
        %dma_wait3A_94 = arith.constant 0 : i32
        %dma_wait3A_95 = tpu.memref_slice %arg8[%add3A_65, %dma_wait3A_94] : memref<40x125xi32, #tpu.memory_space<vmem>> -> memref<1x125xi32, #tpu.memory_space<vmem>>
        %dma_wait3A_96 = tpu.memref_squeeze %dma_wait3A_95 : memref<1x125xi32, #tpu.memory_space<vmem>> -> memref<125xi32, #tpu.memory_space<vmem>>
        %dma_wait3A_97 = arith.constant 0 : i32
        %dma_wait3A_98 = arith.constant 0 : i32
        %dma_wait3A_99 = tpu.memref_slice %arg11[%dma_wait3A_97, %dma_wait3A_98] : memref<10000x128xf32, #tpu.memory_space<vmem_shared>> -> memref<10000x128xf32, #tpu.memory_space<vmem_shared>>
        tpu.wait_indirect_dma semaphore(%run_scoped3A : memref<!tpu.dma_semaphore, #tpu.memory_space<semaphore_mem>>) src(%arg10 : memref<125x128xf32, #tpu.memory_space<vmem>>) dst(%dma_wait3A_99 : memref<10000x128xf32, #tpu.memory_space<vmem_shared>>)
        tpu.yield
      }) : () -> ()
      %scan3A_87 = arith.constant 0 : i32
      scf.yield %scan3A_87 : i32
    }
    %scan3A_47 = arith.constant 20 : i32
    %barrier3A_48 = arith.constant 0 : index
    tpu.barrier barrier_id(%barrier3A_48)
    %mul3A_49 = arith.constant 624 : i32
    %mul3A_50 = arith.muli %arg1, %mul3A_49 : i32
    %mul3A_51 = arith.constant 624 : i32
    %mul3A_52 = arith.muli %arg1, %mul3A_51 : i32
    "tpu.region"() ({
      %run_scoped3A = tpu.sem_alloc : memref<!tpu.dma_semaphore, #tpu.memory_space<semaphore_mem>>
      %dma_start3A_58 = arith.constant 0 : i32
      %dma_start3A_59 = tpu.memref_slice %arg6[%arg0, %mul3A_52, %dma_start3A_58] : memref<2x10000x128xf32, #tpu.memory_space<hbm>> -> memref<1x624x128xf32, #tpu.memory_space<hbm>>
      %dma_start3A_60 = tpu.memref_squeeze %dma_start3A_59 : memref<1x624x128xf32, #tpu.memory_space<hbm>> -> memref<624x128xf32, #tpu.memory_space<hbm>>
      %dma_start3A_61 = arith.constant 0 : i32
      %dma_start3A_62 = tpu.memref_slice %arg11[%mul3A_50, %dma_start3A_61] : memref<10000x128xf32, #tpu.memory_space<vmem_shared>> -> memref<624x128xf32, #tpu.memory_space<vmem_shared>>
      tpu.enqueue_dma source(%dma_start3A_62 : memref<624x128xf32, #tpu.memory_space<vmem_shared>>) target(%dma_start3A_60 : memref<624x128xf32, #tpu.memory_space<hbm>>) target_semaphore(%run_scoped3A : memref<!tpu.dma_semaphore, #tpu.memory_space<semaphore_mem>>)
      %dma_wait3A = arith.constant 0 : i32
      %dma_wait3A_63 = tpu.memref_slice %arg6[%arg0, %mul3A_52, %dma_wait3A] : memref<2x10000x128xf32, #tpu.memory_space<hbm>> -> memref<1x624x128xf32, #tpu.memory_space<hbm>>
      %dma_wait3A_64 = tpu.memref_squeeze %dma_wait3A_63 : memref<1x624x128xf32, #tpu.memory_space<hbm>> -> memref<624x128xf32, #tpu.memory_space<hbm>>
      %dma_wait3A_65 = arith.constant 0 : i32
      %dma_wait3A_66 = tpu.memref_slice %arg11[%mul3A_50, %dma_wait3A_65] : memref<10000x128xf32, #tpu.memory_space<vmem_shared>> -> memref<624x128xf32, #tpu.memory_space<vmem_shared>>
      tpu.wait_dma2 semaphore(%run_scoped3A : memref<!tpu.dma_semaphore, #tpu.memory_space<semaphore_mem>>) src(%dma_wait3A_66 : memref<624x128xf32, #tpu.memory_space<vmem_shared>>) dst(%dma_wait3A_64 : memref<624x128xf32, #tpu.memory_space<hbm>>)
      tpu.yield
    }) : () -> ()
    %eq3A_53 = arith.constant 15 : i32
    %eq3A_54 = arith.cmpi eq, %arg1, %eq3A_53 : i32
    %convert_element_type3A_55 = arith.extui %eq3A_54 : i1 to i32
    %cond3A_56 = arith.constant 0 : i32
    %cond3A_57 = arith.cmpi ne, %convert_element_type3A_55, %cond3A_56 : i32
    scf.if %cond3A_57 {
      "tpu.region"() ({
        %run_scoped3A = tpu.sem_alloc : memref<!tpu.dma_semaphore, #tpu.memory_space<semaphore_mem>>
        %dma_start3A_58 = arith.constant 9984 : i32
        %dma_start3A_59 = arith.constant 0 : i32
        %dma_start3A_60 = tpu.memref_slice %arg6[%arg0, %dma_start3A_58, %dma_start3A_59] : memref<2x10000x128xf32, #tpu.memory_space<hbm>> -> memref<1x16x128xf32, #tpu.memory_space<hbm>>
        %dma_start3A_61 = tpu.memref_squeeze %dma_start3A_60 : memref<1x16x128xf32, #tpu.memory_space<hbm>> -> memref<16x128xf32, #tpu.memory_space<hbm>>
        %dma_start3A_62 = arith.constant 9984 : i32
        %dma_start3A_63 = arith.constant 0 : i32
        %dma_start3A_64 = tpu.memref_slice %arg11[%dma_start3A_62, %dma_start3A_63] : memref<10000x128xf32, #tpu.memory_space<vmem_shared>> -> memref<16x128xf32, #tpu.memory_space<vmem_shared>>
        tpu.enqueue_dma source(%dma_start3A_64 : memref<16x128xf32, #tpu.memory_space<vmem_shared>>) target(%dma_start3A_61 : memref<16x128xf32, #tpu.memory_space<hbm>>) target_semaphore(%run_scoped3A : memref<!tpu.dma_semaphore, #tpu.memory_space<semaphore_mem>>)
        %dma_wait3A = arith.constant 9984 : i32
        %dma_wait3A_65 = arith.constant 0 : i32
        %dma_wait3A_66 = tpu.memref_slice %arg6[%arg0, %dma_wait3A, %dma_wait3A_65] : memref<2x10000x128xf32, #tpu.memory_space<hbm>> -> memref<1x16x128xf32, #tpu.memory_space<hbm>>
        %dma_wait3A_67 = tpu.memref_squeeze %dma_wait3A_66 : memref<1x16x128xf32, #tpu.memory_space<hbm>> -> memref<16x128xf32, #tpu.memory_space<hbm>>
        %dma_wait3A_68 = arith.constant 9984 : i32
        %dma_wait3A_69 = arith.constant 0 : i32
        %dma_wait3A_70 = tpu.memref_slice %arg11[%dma_wait3A_68, %dma_wait3A_69] : memref<10000x128xf32, #tpu.memory_space<vmem_shared>> -> memref<16x128xf32, #tpu.memory_space<vmem_shared>>
        tpu.wait_dma2 semaphore(%run_scoped3A : memref<!tpu.dma_semaphore, #tpu.memory_space<semaphore_mem>>) src(%dma_wait3A_70 : memref<16x128xf32, #tpu.memory_space<vmem_shared>>) dst(%dma_wait3A_67 : memref<16x128xf32, #tpu.memory_space<hbm>>)
        tpu.yield
      }) : () -> ()
    } else {
    }
    return
  }
}

#map = affine_map<(d0, d1) -> (0, 0)>
#map1 = affine_map<(d0, d1) -> (0, 0, 0)>
module attributes {stable_mosaic.version = 14 : i64} {
  func.func @_edge_body(%arg0: i32, %arg1: i32, %arg2: memref<10000x128xf32, #tpu.memory_space<hbm>>, %arg3: memref<32x80x125xi32, #tpu.memory_space<hbm>>, %arg4: memref<32x80x125xi32, #tpu.memory_space<hbm>>, %arg5: memref<10000x128xf32, #tpu.memory_space<hbm>>, %arg6: memref<2x10000x128xf32, #tpu.memory_space<hbm>>, %arg7: memref<40x125xi32, #tpu.memory_space<vmem>>, %arg8: memref<40x125xi32, #tpu.memory_space<vmem>>, %arg9: memref<125x128xf32, #tpu.memory_space<vmem>>, %arg10: memref<125x128xf32, #tpu.memory_space<vmem>>, %arg11: memref<10000x128xf32, #tpu.memory_space<vmem_shared>>, %arg12: memref<!tpu.dma_semaphore, #tpu.memory_space<semaphore_mem>>, %arg13: memref<!tpu.dma_semaphore, #tpu.memory_space<semaphore_mem>>) attributes {dimension_semantics = [#tpu.dimension_semantics<core_parallel>, #tpu.dimension_semantics<subcore_parallel>], iteration_bounds = array<i64: 2, 16>, scalar_prefetch = 0 : i64, scratch_operands = 7 : i64, tpu.core_type = #tpu.core_type<sc_vector_subcore>, window_params = [{transform_indices = #map}, {transform_indices = #map1}, {transform_indices = #map1}, {transform_indices = #map}, {transform_indices = #map1}]} {
    %mul3A = arith.constant 2 : i32
    %mul3A_0 = arith.muli %arg1, %mul3A : i32
    %add3A = arith.addi %mul3A_0, %arg0 : i32
    %eq3A = arith.constant 0 : i32
    %eq3A_1 = arith.cmpi eq, %arg0, %eq3A : i32
    %convert_element_type3A = arith.extui %eq3A_1 : i1 to i32
    %cond3A = arith.constant 0 : i32
    %cond3A_2 = arith.cmpi ne, %convert_element_type3A, %cond3A : i32
    scf.if %cond3A_2 {
      %mul3A_58 = arith.constant 624 : i32
      %mul3A_59 = arith.muli %arg1, %mul3A_58 : i32
      %mul3A_60 = arith.constant 624 : i32
      %mul3A_61 = arith.muli %arg1, %mul3A_60 : i32
      "tpu.region"() ({
        %run_scoped3A = tpu.sem_alloc : memref<!tpu.dma_semaphore, #tpu.memory_space<semaphore_mem>>
        %dma_start3A_62 = arith.constant 0 : i32
        %dma_start3A_63 = tpu.memref_slice %arg11[%mul3A_61, %dma_start3A_62] : memref<10000x128xf32, #tpu.memory_space<vmem_shared>> -> memref<624x128xf32, #tpu.memory_space<vmem_shared>>
        %dma_start3A_64 = arith.constant 0 : i32
        %dma_start3A_65 = tpu.memref_slice %arg2[%mul3A_59, %dma_start3A_64] : memref<10000x128xf32, #tpu.memory_space<hbm>> -> memref<624x128xf32, #tpu.memory_space<hbm>>
        tpu.enqueue_dma source(%dma_start3A_65 : memref<624x128xf32, #tpu.memory_space<hbm>>) target(%dma_start3A_63 : memref<624x128xf32, #tpu.memory_space<vmem_shared>>) target_semaphore(%run_scoped3A : memref<!tpu.dma_semaphore, #tpu.memory_space<semaphore_mem>>)
        %dma_wait3A = arith.constant 0 : i32
        %dma_wait3A_66 = tpu.memref_slice %arg11[%mul3A_61, %dma_wait3A] : memref<10000x128xf32, #tpu.memory_space<vmem_shared>> -> memref<624x128xf32, #tpu.memory_space<vmem_shared>>
        %dma_wait3A_67 = arith.constant 0 : i32
        %dma_wait3A_68 = tpu.memref_slice %arg2[%mul3A_59, %dma_wait3A_67] : memref<10000x128xf32, #tpu.memory_space<hbm>> -> memref<624x128xf32, #tpu.memory_space<hbm>>
        tpu.wait_dma2 semaphore(%run_scoped3A : memref<!tpu.dma_semaphore, #tpu.memory_space<semaphore_mem>>) src(%dma_wait3A_68 : memref<624x128xf32, #tpu.memory_space<hbm>>) dst(%dma_wait3A_66 : memref<624x128xf32, #tpu.memory_space<vmem_shared>>)
        tpu.yield
      }) : () -> ()
    } else {
    }
    %ne3A = arith.constant 0 : i32
    %ne3A_3 = arith.cmpi ne, %arg0, %ne3A : i32
    %convert_element_type3A_4 = arith.extui %ne3A_3 : i1 to i32
    %cond3A_5 = arith.constant 0 : i32
    %cond3A_6 = arith.cmpi ne, %convert_element_type3A_4, %cond3A_5 : i32
    scf.if %cond3A_6 {
      %mul3A_58 = arith.constant 624 : i32
      %mul3A_59 = arith.muli %arg1, %mul3A_58 : i32
      %mul3A_60 = arith.constant 624 : i32
      %mul3A_61 = arith.muli %arg1, %mul3A_60 : i32
      "tpu.region"() ({
        %run_scoped3A = tpu.sem_alloc : memref<!tpu.dma_semaphore, #tpu.memory_space<semaphore_mem>>
        %dma_start3A_62 = arith.constant 0 : i32
        %dma_start3A_63 = tpu.memref_slice %arg11[%mul3A_61, %dma_start3A_62] : memref<10000x128xf32, #tpu.memory_space<vmem_shared>> -> memref<624x128xf32, #tpu.memory_space<vmem_shared>>
        %dma_start3A_64 = arith.constant 0 : i32
        %dma_start3A_65 = tpu.memref_slice %arg5[%mul3A_59, %dma_start3A_64] : memref<10000x128xf32, #tpu.memory_space<hbm>> -> memref<624x128xf32, #tpu.memory_space<hbm>>
        tpu.enqueue_dma source(%dma_start3A_65 : memref<624x128xf32, #tpu.memory_space<hbm>>) target(%dma_start3A_63 : memref<624x128xf32, #tpu.memory_space<vmem_shared>>) target_semaphore(%run_scoped3A : memref<!tpu.dma_semaphore, #tpu.memory_space<semaphore_mem>>)
        %dma_wait3A = arith.constant 0 : i32
        %dma_wait3A_66 = tpu.memref_slice %arg11[%mul3A_61, %dma_wait3A] : memref<10000x128xf32, #tpu.memory_space<vmem_shared>> -> memref<624x128xf32, #tpu.memory_space<vmem_shared>>
        %dma_wait3A_67 = arith.constant 0 : i32
        %dma_wait3A_68 = tpu.memref_slice %arg5[%mul3A_59, %dma_wait3A_67] : memref<10000x128xf32, #tpu.memory_space<hbm>> -> memref<624x128xf32, #tpu.memory_space<hbm>>
        tpu.wait_dma2 semaphore(%run_scoped3A : memref<!tpu.dma_semaphore, #tpu.memory_space<semaphore_mem>>) src(%dma_wait3A_68 : memref<624x128xf32, #tpu.memory_space<hbm>>) dst(%dma_wait3A_66 : memref<624x128xf32, #tpu.memory_space<vmem_shared>>)
        tpu.yield
      }) : () -> ()
    } else {
    }
    %eq3A_7 = arith.constant 0 : i32
    %eq3A_8 = arith.cmpi eq, %arg0, %eq3A_7 : i32
    %eq3A_9 = arith.constant 15 : i32
    %eq3A_10 = arith.cmpi eq, %arg1, %eq3A_9 : i32
    %and3A = arith.andi %eq3A_8, %eq3A_10 : i1
    %convert_element_type3A_11 = arith.extui %and3A : i1 to i32
    %cond3A_12 = arith.constant 0 : i32
    %cond3A_13 = arith.cmpi ne, %convert_element_type3A_11, %cond3A_12 : i32
    scf.if %cond3A_13 {
      "tpu.region"() ({
        %run_scoped3A = tpu.sem_alloc : memref<!tpu.dma_semaphore, #tpu.memory_space<semaphore_mem>>
        %dma_start3A_58 = arith.constant 9984 : i32
        %dma_start3A_59 = arith.constant 0 : i32
        %dma_start3A_60 = tpu.memref_slice %arg11[%dma_start3A_58, %dma_start3A_59] : memref<10000x128xf32, #tpu.memory_space<vmem_shared>> -> memref<16x128xf32, #tpu.memory_space<vmem_shared>>
        %dma_start3A_61 = arith.constant 9984 : i32
        %dma_start3A_62 = arith.constant 0 : i32
        %dma_start3A_63 = tpu.memref_slice %arg2[%dma_start3A_61, %dma_start3A_62] : memref<10000x128xf32, #tpu.memory_space<hbm>> -> memref<16x128xf32, #tpu.memory_space<hbm>>
        tpu.enqueue_dma source(%dma_start3A_63 : memref<16x128xf32, #tpu.memory_space<hbm>>) target(%dma_start3A_60 : memref<16x128xf32, #tpu.memory_space<vmem_shared>>) target_semaphore(%run_scoped3A : memref<!tpu.dma_semaphore, #tpu.memory_space<semaphore_mem>>)
        %dma_wait3A = arith.constant 9984 : i32
        %dma_wait3A_64 = arith.constant 0 : i32
        %dma_wait3A_65 = tpu.memref_slice %arg11[%dma_wait3A, %dma_wait3A_64] : memref<10000x128xf32, #tpu.memory_space<vmem_shared>> -> memref<16x128xf32, #tpu.memory_space<vmem_shared>>
        %dma_wait3A_66 = arith.constant 9984 : i32
        %dma_wait3A_67 = arith.constant 0 : i32
        %dma_wait3A_68 = tpu.memref_slice %arg2[%dma_wait3A_66, %dma_wait3A_67] : memref<10000x128xf32, #tpu.memory_space<hbm>> -> memref<16x128xf32, #tpu.memory_space<hbm>>
        tpu.wait_dma2 semaphore(%run_scoped3A : memref<!tpu.dma_semaphore, #tpu.memory_space<semaphore_mem>>) src(%dma_wait3A_68 : memref<16x128xf32, #tpu.memory_space<hbm>>) dst(%dma_wait3A_65 : memref<16x128xf32, #tpu.memory_space<vmem_shared>>)
        tpu.yield
      }) : () -> ()
    } else {
    }
    %ne3A_14 = arith.constant 0 : i32
    %ne3A_15 = arith.cmpi ne, %arg0, %ne3A_14 : i32
    %eq3A_16 = arith.constant 15 : i32
    %eq3A_17 = arith.cmpi eq, %arg1, %eq3A_16 : i32
    %and3A_18 = arith.andi %ne3A_15, %eq3A_17 : i1
    %convert_element_type3A_19 = arith.extui %and3A_18 : i1 to i32
    %cond3A_20 = arith.constant 0 : i32
    %cond3A_21 = arith.cmpi ne, %convert_element_type3A_19, %cond3A_20 : i32
    scf.if %cond3A_21 {
      "tpu.region"() ({
        %run_scoped3A = tpu.sem_alloc : memref<!tpu.dma_semaphore, #tpu.memory_space<semaphore_mem>>
        %dma_start3A_58 = arith.constant 9984 : i32
        %dma_start3A_59 = arith.constant 0 : i32
        %dma_start3A_60 = tpu.memref_slice %arg11[%dma_start3A_58, %dma_start3A_59] : memref<10000x128xf32, #tpu.memory_space<vmem_shared>> -> memref<16x128xf32, #tpu.memory_space<vmem_shared>>
        %dma_start3A_61 = arith.constant 9984 : i32
        %dma_start3A_62 = arith.constant 0 : i32
        %dma_start3A_63 = tpu.memref_slice %arg5[%dma_start3A_61, %dma_start3A_62] : memref<10000x128xf32, #tpu.memory_space<hbm>> -> memref<16x128xf32, #tpu.memory_space<hbm>>
        tpu.enqueue_dma source(%dma_start3A_63 : memref<16x128xf32, #tpu.memory_space<hbm>>) target(%dma_start3A_60 : memref<16x128xf32, #tpu.memory_space<vmem_shared>>) target_semaphore(%run_scoped3A : memref<!tpu.dma_semaphore, #tpu.memory_space<semaphore_mem>>)
        %dma_wait3A = arith.constant 9984 : i32
        %dma_wait3A_64 = arith.constant 0 : i32
        %dma_wait3A_65 = tpu.memref_slice %arg11[%dma_wait3A, %dma_wait3A_64] : memref<10000x128xf32, #tpu.memory_space<vmem_shared>> -> memref<16x128xf32, #tpu.memory_space<vmem_shared>>
        %dma_wait3A_66 = arith.constant 9984 : i32
        %dma_wait3A_67 = arith.constant 0 : i32
        %dma_wait3A_68 = tpu.memref_slice %arg5[%dma_wait3A_66, %dma_wait3A_67] : memref<10000x128xf32, #tpu.memory_space<hbm>> -> memref<16x128xf32, #tpu.memory_space<hbm>>
        tpu.wait_dma2 semaphore(%run_scoped3A : memref<!tpu.dma_semaphore, #tpu.memory_space<semaphore_mem>>) src(%dma_wait3A_68 : memref<16x128xf32, #tpu.memory_space<hbm>>) dst(%dma_wait3A_65 : memref<16x128xf32, #tpu.memory_space<vmem_shared>>)
        tpu.yield
      }) : () -> ()
    } else {
    }
    %barrier3A = arith.constant 0 : index
    tpu.barrier barrier_id(%barrier3A)
    "tpu.region"() ({
      %run_scoped3A = tpu.sem_alloc : memref<!tpu.dma_semaphore, #tpu.memory_space<semaphore_mem>>
      %dma_start3A_58 = arith.constant 0 : i32
      %dma_start3A_59 = arith.constant 0 : i32
      %dma_start3A_60 = tpu.memref_slice %arg3[%add3A, %dma_start3A_58, %dma_start3A_59] : memref<32x80x125xi32, #tpu.memory_space<hbm>> -> memref<1x40x125xi32, #tpu.memory_space<hbm>>
      %dma_start3A_61 = tpu.memref_squeeze %dma_start3A_60 : memref<1x40x125xi32, #tpu.memory_space<hbm>> -> memref<40x125xi32, #tpu.memory_space<hbm>>
      %dma_start3A_62 = arith.constant 0 : i32
      %dma_start3A_63 = arith.constant 0 : i32
      %dma_start3A_64 = tpu.memref_slice %arg3[%add3A, %dma_start3A_62, %dma_start3A_63] : memref<32x80x125xi32, #tpu.memory_space<hbm>> -> memref<1x40x125xi32, #tpu.memory_space<hbm>>
      %dma_start3A_65 = tpu.memref_squeeze %dma_start3A_64 : memref<1x40x125xi32, #tpu.memory_space<hbm>> -> memref<40x125xi32, #tpu.memory_space<hbm>>
      tpu.enqueue_dma source(%dma_start3A_65 : memref<40x125xi32, #tpu.memory_space<hbm>>) target(%arg7 : memref<40x125xi32, #tpu.memory_space<vmem>>) target_semaphore(%run_scoped3A : memref<!tpu.dma_semaphore, #tpu.memory_space<semaphore_mem>>)
      %dma_wait3A = arith.constant 0 : i32
      %dma_wait3A_66 = arith.constant 0 : i32
      %dma_wait3A_67 = tpu.memref_slice %arg3[%add3A, %dma_wait3A, %dma_wait3A_66] : memref<32x80x125xi32, #tpu.memory_space<hbm>> -> memref<1x40x125xi32, #tpu.memory_space<hbm>>
      %dma_wait3A_68 = tpu.memref_squeeze %dma_wait3A_67 : memref<1x40x125xi32, #tpu.memory_space<hbm>> -> memref<40x125xi32, #tpu.memory_space<hbm>>
      %dma_wait3A_69 = arith.constant 0 : i32
      %dma_wait3A_70 = arith.constant 0 : i32
      %dma_wait3A_71 = tpu.memref_slice %arg3[%add3A, %dma_wait3A_69, %dma_wait3A_70] : memref<32x80x125xi32, #tpu.memory_space<hbm>> -> memref<1x40x125xi32, #tpu.memory_space<hbm>>
      %dma_wait3A_72 = tpu.memref_squeeze %dma_wait3A_71 : memref<1x40x125xi32, #tpu.memory_space<hbm>> -> memref<40x125xi32, #tpu.memory_space<hbm>>
      tpu.wait_dma2 semaphore(%run_scoped3A : memref<!tpu.dma_semaphore, #tpu.memory_space<semaphore_mem>>) src(%dma_wait3A_72 : memref<40x125xi32, #tpu.memory_space<hbm>>) dst(%arg7 : memref<40x125xi32, #tpu.memory_space<vmem>>)
      tpu.yield
    }) : () -> ()
    "tpu.region"() ({
      %run_scoped3A = tpu.sem_alloc : memref<!tpu.dma_semaphore, #tpu.memory_space<semaphore_mem>>
      %dma_start3A_58 = arith.constant 0 : i32
      %dma_start3A_59 = arith.constant 0 : i32
      %dma_start3A_60 = tpu.memref_slice %arg4[%add3A, %dma_start3A_58, %dma_start3A_59] : memref<32x80x125xi32, #tpu.memory_space<hbm>> -> memref<1x40x125xi32, #tpu.memory_space<hbm>>
      %dma_start3A_61 = tpu.memref_squeeze %dma_start3A_60 : memref<1x40x125xi32, #tpu.memory_space<hbm>> -> memref<40x125xi32, #tpu.memory_space<hbm>>
      %dma_start3A_62 = arith.constant 0 : i32
      %dma_start3A_63 = arith.constant 0 : i32
      %dma_start3A_64 = tpu.memref_slice %arg4[%add3A, %dma_start3A_62, %dma_start3A_63] : memref<32x80x125xi32, #tpu.memory_space<hbm>> -> memref<1x40x125xi32, #tpu.memory_space<hbm>>
      %dma_start3A_65 = tpu.memref_squeeze %dma_start3A_64 : memref<1x40x125xi32, #tpu.memory_space<hbm>> -> memref<40x125xi32, #tpu.memory_space<hbm>>
      tpu.enqueue_dma source(%dma_start3A_65 : memref<40x125xi32, #tpu.memory_space<hbm>>) target(%arg8 : memref<40x125xi32, #tpu.memory_space<vmem>>) target_semaphore(%run_scoped3A : memref<!tpu.dma_semaphore, #tpu.memory_space<semaphore_mem>>)
      %dma_wait3A = arith.constant 0 : i32
      %dma_wait3A_66 = arith.constant 0 : i32
      %dma_wait3A_67 = tpu.memref_slice %arg4[%add3A, %dma_wait3A, %dma_wait3A_66] : memref<32x80x125xi32, #tpu.memory_space<hbm>> -> memref<1x40x125xi32, #tpu.memory_space<hbm>>
      %dma_wait3A_68 = tpu.memref_squeeze %dma_wait3A_67 : memref<1x40x125xi32, #tpu.memory_space<hbm>> -> memref<40x125xi32, #tpu.memory_space<hbm>>
      %dma_wait3A_69 = arith.constant 0 : i32
      %dma_wait3A_70 = arith.constant 0 : i32
      %dma_wait3A_71 = tpu.memref_slice %arg4[%add3A, %dma_wait3A_69, %dma_wait3A_70] : memref<32x80x125xi32, #tpu.memory_space<hbm>> -> memref<1x40x125xi32, #tpu.memory_space<hbm>>
      %dma_wait3A_72 = tpu.memref_squeeze %dma_wait3A_71 : memref<1x40x125xi32, #tpu.memory_space<hbm>> -> memref<40x125xi32, #tpu.memory_space<hbm>>
      tpu.wait_dma2 semaphore(%run_scoped3A : memref<!tpu.dma_semaphore, #tpu.memory_space<semaphore_mem>>) src(%dma_wait3A_72 : memref<40x125xi32, #tpu.memory_space<hbm>>) dst(%arg8 : memref<40x125xi32, #tpu.memory_space<vmem>>)
      tpu.yield
    }) : () -> ()
    %dma_start3A = arith.constant 0 : i32
    %dma_start3A_22 = arith.constant 0 : i32
    %dma_start3A_23 = tpu.memref_slice %arg7[%dma_start3A, %dma_start3A_22] : memref<40x125xi32, #tpu.memory_space<vmem>> -> memref<1x125xi32, #tpu.memory_space<vmem>>
    %dma_start3A_24 = tpu.memref_squeeze %dma_start3A_23 : memref<1x125xi32, #tpu.memory_space<vmem>> -> memref<125xi32, #tpu.memory_space<vmem>>
    %dma_start3A_25 = arith.constant 0 : i32
    %dma_start3A_26 = arith.constant 0 : i32
    %dma_start3A_27 = tpu.memref_slice %arg2[%dma_start3A_25, %dma_start3A_26] : memref<10000x128xf32, #tpu.memory_space<hbm>> -> memref<10000x128xf32, #tpu.memory_space<hbm>>
    tpu.enqueue_indirect_dma source(%dma_start3A_27 : memref<10000x128xf32, #tpu.memory_space<hbm>>) target(%arg9 : memref<125x128xf32, #tpu.memory_space<vmem>>) offsets(%dma_start3A_24 : memref<125xi32, #tpu.memory_space<vmem>>) semaphore(%arg12 : memref<!tpu.dma_semaphore, #tpu.memory_space<semaphore_mem>>)
    %scan3A = arith.constant 0 : i32
    %scan3A_28 = arith.constant 0 : i32
    %scan3A_29 = arith.constant 20 : i32
    %scan3A_30 = arith.addi %scan3A_28, %scan3A_29 : i32
    %scan3A_31 = arith.constant 1 : i32
    %scan3A_32 = scf.for %scan3A_58 = %scan3A_28 to %scan3A_30 step %scan3A_31 iter_args(%scan3A_59 = %scan3A) -> (i32)  : i32 {
      %mul3A_60 = arith.constant 2 : i32
      %mul3A_61 = arith.muli %mul3A_60, %scan3A_58 : i32
      %mul3A_62 = arith.constant 2 : i32
      %mul3A_63 = arith.muli %mul3A_62, %scan3A_58 : i32
      %add3A_64 = arith.constant 1 : i32
      %add3A_65 = arith.addi %mul3A_63, %add3A_64 : i32
      %dma_wait3A = arith.constant 0 : i32
      %dma_wait3A_66 = tpu.memref_slice %arg7[%mul3A_61, %dma_wait3A] : memref<40x125xi32, #tpu.memory_space<vmem>> -> memref<1x125xi32, #tpu.memory_space<vmem>>
      %dma_wait3A_67 = tpu.memref_squeeze %dma_wait3A_66 : memref<1x125xi32, #tpu.memory_space<vmem>> -> memref<125xi32, #tpu.memory_space<vmem>>
      %dma_wait3A_68 = arith.constant 0 : i32
      %dma_wait3A_69 = arith.constant 0 : i32
      %dma_wait3A_70 = tpu.memref_slice %arg2[%dma_wait3A_68, %dma_wait3A_69] : memref<10000x128xf32, #tpu.memory_space<hbm>> -> memref<10000x128xf32, #tpu.memory_space<hbm>>
      tpu.wait_indirect_dma semaphore(%arg12 : memref<!tpu.dma_semaphore, #tpu.memory_space<semaphore_mem>>) src(%dma_wait3A_70 : memref<10000x128xf32, #tpu.memory_space<hbm>>) dst(%arg9 : memref<125x128xf32, #tpu.memory_space<vmem>>)
      %dma_start3A_71 = arith.constant 0 : i32
      %dma_start3A_72 = tpu.memref_slice %arg7[%add3A_65, %dma_start3A_71] : memref<40x125xi32, #tpu.memory_space<vmem>> -> memref<1x125xi32, #tpu.memory_space<vmem>>
      %dma_start3A_73 = tpu.memref_squeeze %dma_start3A_72 : memref<1x125xi32, #tpu.memory_space<vmem>> -> memref<125xi32, #tpu.memory_space<vmem>>
      %dma_start3A_74 = arith.constant 0 : i32
      %dma_start3A_75 = arith.constant 0 : i32
      %dma_start3A_76 = tpu.memref_slice %arg2[%dma_start3A_74, %dma_start3A_75] : memref<10000x128xf32, #tpu.memory_space<hbm>> -> memref<10000x128xf32, #tpu.memory_space<hbm>>
      tpu.enqueue_indirect_dma source(%dma_start3A_76 : memref<10000x128xf32, #tpu.memory_space<hbm>>) target(%arg10 : memref<125x128xf32, #tpu.memory_space<vmem>>) offsets(%dma_start3A_73 : memref<125xi32, #tpu.memory_space<vmem>>) semaphore(%arg13 : memref<!tpu.dma_semaphore, #tpu.memory_space<semaphore_mem>>)
      "tpu.region"() ({
        %run_scoped3A = tpu.sem_alloc : memref<!tpu.dma_semaphore, #tpu.memory_space<semaphore_mem>>
        %dma_start3A_88 = arith.constant 0 : i32
        %dma_start3A_89 = tpu.memref_slice %arg8[%mul3A_61, %dma_start3A_88] : memref<40x125xi32, #tpu.memory_space<vmem>> -> memref<1x125xi32, #tpu.memory_space<vmem>>
        %dma_start3A_90 = tpu.memref_squeeze %dma_start3A_89 : memref<1x125xi32, #tpu.memory_space<vmem>> -> memref<125xi32, #tpu.memory_space<vmem>>
        %dma_start3A_91 = arith.constant 0 : i32
        %dma_start3A_92 = arith.constant 0 : i32
        %dma_start3A_93 = tpu.memref_slice %arg11[%dma_start3A_91, %dma_start3A_92] : memref<10000x128xf32, #tpu.memory_space<vmem_shared>> -> memref<10000x128xf32, #tpu.memory_space<vmem_shared>>
        tpu.enqueue_indirect_dma source(%arg9 : memref<125x128xf32, #tpu.memory_space<vmem>>) target(%dma_start3A_93 : memref<10000x128xf32, #tpu.memory_space<vmem_shared>>) offsets(%dma_start3A_90 : memref<125xi32, #tpu.memory_space<vmem>>) semaphore(%run_scoped3A : memref<!tpu.dma_semaphore, #tpu.memory_space<semaphore_mem>>) {add = true}
        %dma_wait3A_94 = arith.constant 0 : i32
        %dma_wait3A_95 = tpu.memref_slice %arg8[%mul3A_61, %dma_wait3A_94] : memref<40x125xi32, #tpu.memory_space<vmem>> -> memref<1x125xi32, #tpu.memory_space<vmem>>
        %dma_wait3A_96 = tpu.memref_squeeze %dma_wait3A_95 : memref<1x125xi32, #tpu.memory_space<vmem>> -> memref<125xi32, #tpu.memory_space<vmem>>
        %dma_wait3A_97 = arith.constant 0 : i32
        %dma_wait3A_98 = arith.constant 0 : i32
        %dma_wait3A_99 = tpu.memref_slice %arg11[%dma_wait3A_97, %dma_wait3A_98] : memref<10000x128xf32, #tpu.memory_space<vmem_shared>> -> memref<10000x128xf32, #tpu.memory_space<vmem_shared>>
        tpu.wait_indirect_dma semaphore(%run_scoped3A : memref<!tpu.dma_semaphore, #tpu.memory_space<semaphore_mem>>) src(%arg9 : memref<125x128xf32, #tpu.memory_space<vmem>>) dst(%dma_wait3A_99 : memref<10000x128xf32, #tpu.memory_space<vmem_shared>>)
        tpu.yield
      }) : () -> ()
      %dma_wait3A_77 = arith.constant 0 : i32
      %dma_wait3A_78 = tpu.memref_slice %arg7[%add3A_65, %dma_wait3A_77] : memref<40x125xi32, #tpu.memory_space<vmem>> -> memref<1x125xi32, #tpu.memory_space<vmem>>
      %dma_wait3A_79 = tpu.memref_squeeze %dma_wait3A_78 : memref<1x125xi32, #tpu.memory_space<vmem>> -> memref<125xi32, #tpu.memory_space<vmem>>
      %dma_wait3A_80 = arith.constant 0 : i32
      %dma_wait3A_81 = arith.constant 0 : i32
      %dma_wait3A_82 = tpu.memref_slice %arg2[%dma_wait3A_80, %dma_wait3A_81] : memref<10000x128xf32, #tpu.memory_space<hbm>> -> memref<10000x128xf32, #tpu.memory_space<hbm>>
      tpu.wait_indirect_dma semaphore(%arg13 : memref<!tpu.dma_semaphore, #tpu.memory_space<semaphore_mem>>) src(%dma_wait3A_82 : memref<10000x128xf32, #tpu.memory_space<hbm>>) dst(%arg10 : memref<125x128xf32, #tpu.memory_space<vmem>>)
      %lt3A = arith.constant 19 : i32
      %lt3A_83 = arith.cmpi slt, %scan3A_58, %lt3A : i32
      %convert_element_type3A_84 = arith.extui %lt3A_83 : i1 to i32
      %cond3A_85 = arith.constant 0 : i32
      %cond3A_86 = arith.cmpi ne, %convert_element_type3A_84, %cond3A_85 : i32
      scf.if %cond3A_86 {
        %add3A_88 = arith.constant 2 : i32
        %add3A_89 = arith.addi %mul3A_61, %add3A_88 : i32
        %dma_start3A_90 = arith.constant 0 : i32
        %dma_start3A_91 = tpu.memref_slice %arg7[%add3A_89, %dma_start3A_90] : memref<40x125xi32, #tpu.memory_space<vmem>> -> memref<1x125xi32, #tpu.memory_space<vmem>>
        %dma_start3A_92 = tpu.memref_squeeze %dma_start3A_91 : memref<1x125xi32, #tpu.memory_space<vmem>> -> memref<125xi32, #tpu.memory_space<vmem>>
        %dma_start3A_93 = arith.constant 0 : i32
        %dma_start3A_94 = arith.constant 0 : i32
        %dma_start3A_95 = tpu.memref_slice %arg2[%dma_start3A_93, %dma_start3A_94] : memref<10000x128xf32, #tpu.memory_space<hbm>> -> memref<10000x128xf32, #tpu.memory_space<hbm>>
        tpu.enqueue_indirect_dma source(%dma_start3A_95 : memref<10000x128xf32, #tpu.memory_space<hbm>>) target(%arg9 : memref<125x128xf32, #tpu.memory_space<vmem>>) offsets(%dma_start3A_92 : memref<125xi32, #tpu.memory_space<vmem>>) semaphore(%arg12 : memref<!tpu.dma_semaphore, #tpu.memory_space<semaphore_mem>>)
      } else {
      }
      "tpu.region"() ({
        %run_scoped3A = tpu.sem_alloc : memref<!tpu.dma_semaphore, #tpu.memory_space<semaphore_mem>>
        %dma_start3A_88 = arith.constant 0 : i32
        %dma_start3A_89 = tpu.memref_slice %arg8[%add3A_65, %dma_start3A_88] : memref<40x125xi32, #tpu.memory_space<vmem>> -> memref<1x125xi32, #tpu.memory_space<vmem>>
        %dma_start3A_90 = tpu.memref_squeeze %dma_start3A_89 : memref<1x125xi32, #tpu.memory_space<vmem>> -> memref<125xi32, #tpu.memory_space<vmem>>
        %dma_start3A_91 = arith.constant 0 : i32
        %dma_start3A_92 = arith.constant 0 : i32
        %dma_start3A_93 = tpu.memref_slice %arg11[%dma_start3A_91, %dma_start3A_92] : memref<10000x128xf32, #tpu.memory_space<vmem_shared>> -> memref<10000x128xf32, #tpu.memory_space<vmem_shared>>
        tpu.enqueue_indirect_dma source(%arg10 : memref<125x128xf32, #tpu.memory_space<vmem>>) target(%dma_start3A_93 : memref<10000x128xf32, #tpu.memory_space<vmem_shared>>) offsets(%dma_start3A_90 : memref<125xi32, #tpu.memory_space<vmem>>) semaphore(%run_scoped3A : memref<!tpu.dma_semaphore, #tpu.memory_space<semaphore_mem>>) {add = true}
        %dma_wait3A_94 = arith.constant 0 : i32
        %dma_wait3A_95 = tpu.memref_slice %arg8[%add3A_65, %dma_wait3A_94] : memref<40x125xi32, #tpu.memory_space<vmem>> -> memref<1x125xi32, #tpu.memory_space<vmem>>
        %dma_wait3A_96 = tpu.memref_squeeze %dma_wait3A_95 : memref<1x125xi32, #tpu.memory_space<vmem>> -> memref<125xi32, #tpu.memory_space<vmem>>
        %dma_wait3A_97 = arith.constant 0 : i32
        %dma_wait3A_98 = arith.constant 0 : i32
        %dma_wait3A_99 = tpu.memref_slice %arg11[%dma_wait3A_97, %dma_wait3A_98] : memref<10000x128xf32, #tpu.memory_space<vmem_shared>> -> memref<10000x128xf32, #tpu.memory_space<vmem_shared>>
        tpu.wait_indirect_dma semaphore(%run_scoped3A : memref<!tpu.dma_semaphore, #tpu.memory_space<semaphore_mem>>) src(%arg10 : memref<125x128xf32, #tpu.memory_space<vmem>>) dst(%dma_wait3A_99 : memref<10000x128xf32, #tpu.memory_space<vmem_shared>>)
        tpu.yield
      }) : () -> ()
      %scan3A_87 = arith.constant 0 : i32
      scf.yield %scan3A_87 : i32
    }
    %scan3A_33 = arith.constant 20 : i32
    "tpu.region"() ({
      %run_scoped3A = tpu.sem_alloc : memref<!tpu.dma_semaphore, #tpu.memory_space<semaphore_mem>>
      %dma_start3A_58 = arith.constant 40 : i32
      %dma_start3A_59 = arith.constant 0 : i32
      %dma_start3A_60 = tpu.memref_slice %arg3[%add3A, %dma_start3A_58, %dma_start3A_59] : memref<32x80x125xi32, #tpu.memory_space<hbm>> -> memref<1x40x125xi32, #tpu.memory_space<hbm>>
      %dma_start3A_61 = tpu.memref_squeeze %dma_start3A_60 : memref<1x40x125xi32, #tpu.memory_space<hbm>> -> memref<40x125xi32, #tpu.memory_space<hbm>>
      %dma_start3A_62 = arith.constant 40 : i32
      %dma_start3A_63 = arith.constant 0 : i32
      %dma_start3A_64 = tpu.memref_slice %arg3[%add3A, %dma_start3A_62, %dma_start3A_63] : memref<32x80x125xi32, #tpu.memory_space<hbm>> -> memref<1x40x125xi32, #tpu.memory_space<hbm>>
      %dma_start3A_65 = tpu.memref_squeeze %dma_start3A_64 : memref<1x40x125xi32, #tpu.memory_space<hbm>> -> memref<40x125xi32, #tpu.memory_space<hbm>>
      tpu.enqueue_dma source(%dma_start3A_65 : memref<40x125xi32, #tpu.memory_space<hbm>>) target(%arg7 : memref<40x125xi32, #tpu.memory_space<vmem>>) target_semaphore(%run_scoped3A : memref<!tpu.dma_semaphore, #tpu.memory_space<semaphore_mem>>)
      %dma_wait3A = arith.constant 40 : i32
      %dma_wait3A_66 = arith.constant 0 : i32
      %dma_wait3A_67 = tpu.memref_slice %arg3[%add3A, %dma_wait3A, %dma_wait3A_66] : memref<32x80x125xi32, #tpu.memory_space<hbm>> -> memref<1x40x125xi32, #tpu.memory_space<hbm>>
      %dma_wait3A_68 = tpu.memref_squeeze %dma_wait3A_67 : memref<1x40x125xi32, #tpu.memory_space<hbm>> -> memref<40x125xi32, #tpu.memory_space<hbm>>
      %dma_wait3A_69 = arith.constant 40 : i32
      %dma_wait3A_70 = arith.constant 0 : i32
      %dma_wait3A_71 = tpu.memref_slice %arg3[%add3A, %dma_wait3A_69, %dma_wait3A_70] : memref<32x80x125xi32, #tpu.memory_space<hbm>> -> memref<1x40x125xi32, #tpu.memory_space<hbm>>
      %dma_wait3A_72 = tpu.memref_squeeze %dma_wait3A_71 : memref<1x40x125xi32, #tpu.memory_space<hbm>> -> memref<40x125xi32, #tpu.memory_space<hbm>>
      tpu.wait_dma2 semaphore(%run_scoped3A : memref<!tpu.dma_semaphore, #tpu.memory_space<semaphore_mem>>) src(%dma_wait3A_72 : memref<40x125xi32, #tpu.memory_space<hbm>>) dst(%arg7 : memref<40x125xi32, #tpu.memory_space<vmem>>)
      tpu.yield
    }) : () -> ()
    "tpu.region"() ({
      %run_scoped3A = tpu.sem_alloc : memref<!tpu.dma_semaphore, #tpu.memory_space<semaphore_mem>>
      %dma_start3A_58 = arith.constant 40 : i32
      %dma_start3A_59 = arith.constant 0 : i32
      %dma_start3A_60 = tpu.memref_slice %arg4[%add3A, %dma_start3A_58, %dma_start3A_59] : memref<32x80x125xi32, #tpu.memory_space<hbm>> -> memref<1x40x125xi32, #tpu.memory_space<hbm>>
      %dma_start3A_61 = tpu.memref_squeeze %dma_start3A_60 : memref<1x40x125xi32, #tpu.memory_space<hbm>> -> memref<40x125xi32, #tpu.memory_space<hbm>>
      %dma_start3A_62 = arith.constant 40 : i32
      %dma_start3A_63 = arith.constant 0 : i32
      %dma_start3A_64 = tpu.memref_slice %arg4[%add3A, %dma_start3A_62, %dma_start3A_63] : memref<32x80x125xi32, #tpu.memory_space<hbm>> -> memref<1x40x125xi32, #tpu.memory_space<hbm>>
      %dma_start3A_65 = tpu.memref_squeeze %dma_start3A_64 : memref<1x40x125xi32, #tpu.memory_space<hbm>> -> memref<40x125xi32, #tpu.memory_space<hbm>>
      tpu.enqueue_dma source(%dma_start3A_65 : memref<40x125xi32, #tpu.memory_space<hbm>>) target(%arg8 : memref<40x125xi32, #tpu.memory_space<vmem>>) target_semaphore(%run_scoped3A : memref<!tpu.dma_semaphore, #tpu.memory_space<semaphore_mem>>)
      %dma_wait3A = arith.constant 40 : i32
      %dma_wait3A_66 = arith.constant 0 : i32
      %dma_wait3A_67 = tpu.memref_slice %arg4[%add3A, %dma_wait3A, %dma_wait3A_66] : memref<32x80x125xi32, #tpu.memory_space<hbm>> -> memref<1x40x125xi32, #tpu.memory_space<hbm>>
      %dma_wait3A_68 = tpu.memref_squeeze %dma_wait3A_67 : memref<1x40x125xi32, #tpu.memory_space<hbm>> -> memref<40x125xi32, #tpu.memory_space<hbm>>
      %dma_wait3A_69 = arith.constant 40 : i32
      %dma_wait3A_70 = arith.constant 0 : i32
      %dma_wait3A_71 = tpu.memref_slice %arg4[%add3A, %dma_wait3A_69, %dma_wait3A_70] : memref<32x80x125xi32, #tpu.memory_space<hbm>> -> memref<1x40x125xi32, #tpu.memory_space<hbm>>
      %dma_wait3A_72 = tpu.memref_squeeze %dma_wait3A_71 : memref<1x40x125xi32, #tpu.memory_space<hbm>> -> memref<40x125xi32, #tpu.memory_space<hbm>>
      tpu.wait_dma2 semaphore(%run_scoped3A : memref<!tpu.dma_semaphore, #tpu.memory_space<semaphore_mem>>) src(%dma_wait3A_72 : memref<40x125xi32, #tpu.memory_space<hbm>>) dst(%arg8 : memref<40x125xi32, #tpu.memory_space<vmem>>)
      tpu.yield
    }) : () -> ()
    %dma_start3A_34 = arith.constant 0 : i32
    %dma_start3A_35 = arith.constant 0 : i32
    %dma_start3A_36 = tpu.memref_slice %arg7[%dma_start3A_34, %dma_start3A_35] : memref<40x125xi32, #tpu.memory_space<vmem>> -> memref<1x125xi32, #tpu.memory_space<vmem>>
    %dma_start3A_37 = tpu.memref_squeeze %dma_start3A_36 : memref<1x125xi32, #tpu.memory_space<vmem>> -> memref<125xi32, #tpu.memory_space<vmem>>
    %dma_start3A_38 = arith.constant 0 : i32
    %dma_start3A_39 = arith.constant 0 : i32
    %dma_start3A_40 = tpu.memref_slice %arg2[%dma_start3A_38, %dma_start3A_39] : memref<10000x128xf32, #tpu.memory_space<hbm>> -> memref<10000x128xf32, #tpu.memory_space<hbm>>
    tpu.enqueue_indirect_dma source(%dma_start3A_40 : memref<10000x128xf32, #tpu.memory_space<hbm>>) target(%arg9 : memref<125x128xf32, #tpu.memory_space<vmem>>) offsets(%dma_start3A_37 : memref<125xi32, #tpu.memory_space<vmem>>) semaphore(%arg12 : memref<!tpu.dma_semaphore, #tpu.memory_space<semaphore_mem>>)
    %scan3A_41 = arith.constant 0 : i32
    %scan3A_42 = arith.constant 0 : i32
    %scan3A_43 = arith.constant 20 : i32
    %scan3A_44 = arith.addi %scan3A_42, %scan3A_43 : i32
    %scan3A_45 = arith.constant 1 : i32
    %scan3A_46 = scf.for %scan3A_58 = %scan3A_42 to %scan3A_44 step %scan3A_45 iter_args(%scan3A_59 = %scan3A_41) -> (i32)  : i32 {
      %mul3A_60 = arith.constant 2 : i32
      %mul3A_61 = arith.muli %mul3A_60, %scan3A_58 : i32
      %mul3A_62 = arith.constant 2 : i32
      %mul3A_63 = arith.muli %mul3A_62, %scan3A_58 : i32
      %add3A_64 = arith.constant 1 : i32
      %add3A_65 = arith.addi %mul3A_63, %add3A_64 : i32
      %dma_wait3A = arith.constant 0 : i32
      %dma_wait3A_66 = tpu.memref_slice %arg7[%mul3A_61, %dma_wait3A] : memref<40x125xi32, #tpu.memory_space<vmem>> -> memref<1x125xi32, #tpu.memory_space<vmem>>
      %dma_wait3A_67 = tpu.memref_squeeze %dma_wait3A_66 : memref<1x125xi32, #tpu.memory_space<vmem>> -> memref<125xi32, #tpu.memory_space<vmem>>
      %dma_wait3A_68 = arith.constant 0 : i32
      %dma_wait3A_69 = arith.constant 0 : i32
      %dma_wait3A_70 = tpu.memref_slice %arg2[%dma_wait3A_68, %dma_wait3A_69] : memref<10000x128xf32, #tpu.memory_space<hbm>> -> memref<10000x128xf32, #tpu.memory_space<hbm>>
      tpu.wait_indirect_dma semaphore(%arg12 : memref<!tpu.dma_semaphore, #tpu.memory_space<semaphore_mem>>) src(%dma_wait3A_70 : memref<10000x128xf32, #tpu.memory_space<hbm>>) dst(%arg9 : memref<125x128xf32, #tpu.memory_space<vmem>>)
      %dma_start3A_71 = arith.constant 0 : i32
      %dma_start3A_72 = tpu.memref_slice %arg7[%add3A_65, %dma_start3A_71] : memref<40x125xi32, #tpu.memory_space<vmem>> -> memref<1x125xi32, #tpu.memory_space<vmem>>
      %dma_start3A_73 = tpu.memref_squeeze %dma_start3A_72 : memref<1x125xi32, #tpu.memory_space<vmem>> -> memref<125xi32, #tpu.memory_space<vmem>>
      %dma_start3A_74 = arith.constant 0 : i32
      %dma_start3A_75 = arith.constant 0 : i32
      %dma_start3A_76 = tpu.memref_slice %arg2[%dma_start3A_74, %dma_start3A_75] : memref<10000x128xf32, #tpu.memory_space<hbm>> -> memref<10000x128xf32, #tpu.memory_space<hbm>>
      tpu.enqueue_indirect_dma source(%dma_start3A_76 : memref<10000x128xf32, #tpu.memory_space<hbm>>) target(%arg10 : memref<125x128xf32, #tpu.memory_space<vmem>>) offsets(%dma_start3A_73 : memref<125xi32, #tpu.memory_space<vmem>>) semaphore(%arg13 : memref<!tpu.dma_semaphore, #tpu.memory_space<semaphore_mem>>)
      "tpu.region"() ({
        %run_scoped3A = tpu.sem_alloc : memref<!tpu.dma_semaphore, #tpu.memory_space<semaphore_mem>>
        %dma_start3A_88 = arith.constant 0 : i32
        %dma_start3A_89 = tpu.memref_slice %arg8[%mul3A_61, %dma_start3A_88] : memref<40x125xi32, #tpu.memory_space<vmem>> -> memref<1x125xi32, #tpu.memory_space<vmem>>
        %dma_start3A_90 = tpu.memref_squeeze %dma_start3A_89 : memref<1x125xi32, #tpu.memory_space<vmem>> -> memref<125xi32, #tpu.memory_space<vmem>>
        %dma_start3A_91 = arith.constant 0 : i32
        %dma_start3A_92 = arith.constant 0 : i32
        %dma_start3A_93 = tpu.memref_slice %arg11[%dma_start3A_91, %dma_start3A_92] : memref<10000x128xf32, #tpu.memory_space<vmem_shared>> -> memref<10000x128xf32, #tpu.memory_space<vmem_shared>>
        tpu.enqueue_indirect_dma source(%arg9 : memref<125x128xf32, #tpu.memory_space<vmem>>) target(%dma_start3A_93 : memref<10000x128xf32, #tpu.memory_space<vmem_shared>>) offsets(%dma_start3A_90 : memref<125xi32, #tpu.memory_space<vmem>>) semaphore(%run_scoped3A : memref<!tpu.dma_semaphore, #tpu.memory_space<semaphore_mem>>) {add = true}
        %dma_wait3A_94 = arith.constant 0 : i32
        %dma_wait3A_95 = tpu.memref_slice %arg8[%mul3A_61, %dma_wait3A_94] : memref<40x125xi32, #tpu.memory_space<vmem>> -> memref<1x125xi32, #tpu.memory_space<vmem>>
        %dma_wait3A_96 = tpu.memref_squeeze %dma_wait3A_95 : memref<1x125xi32, #tpu.memory_space<vmem>> -> memref<125xi32, #tpu.memory_space<vmem>>
        %dma_wait3A_97 = arith.constant 0 : i32
        %dma_wait3A_98 = arith.constant 0 : i32
        %dma_wait3A_99 = tpu.memref_slice %arg11[%dma_wait3A_97, %dma_wait3A_98] : memref<10000x128xf32, #tpu.memory_space<vmem_shared>> -> memref<10000x128xf32, #tpu.memory_space<vmem_shared>>
        tpu.wait_indirect_dma semaphore(%run_scoped3A : memref<!tpu.dma_semaphore, #tpu.memory_space<semaphore_mem>>) src(%arg9 : memref<125x128xf32, #tpu.memory_space<vmem>>) dst(%dma_wait3A_99 : memref<10000x128xf32, #tpu.memory_space<vmem_shared>>)
        tpu.yield
      }) : () -> ()
      %dma_wait3A_77 = arith.constant 0 : i32
      %dma_wait3A_78 = tpu.memref_slice %arg7[%add3A_65, %dma_wait3A_77] : memref<40x125xi32, #tpu.memory_space<vmem>> -> memref<1x125xi32, #tpu.memory_space<vmem>>
      %dma_wait3A_79 = tpu.memref_squeeze %dma_wait3A_78 : memref<1x125xi32, #tpu.memory_space<vmem>> -> memref<125xi32, #tpu.memory_space<vmem>>
      %dma_wait3A_80 = arith.constant 0 : i32
      %dma_wait3A_81 = arith.constant 0 : i32
      %dma_wait3A_82 = tpu.memref_slice %arg2[%dma_wait3A_80, %dma_wait3A_81] : memref<10000x128xf32, #tpu.memory_space<hbm>> -> memref<10000x128xf32, #tpu.memory_space<hbm>>
      tpu.wait_indirect_dma semaphore(%arg13 : memref<!tpu.dma_semaphore, #tpu.memory_space<semaphore_mem>>) src(%dma_wait3A_82 : memref<10000x128xf32, #tpu.memory_space<hbm>>) dst(%arg10 : memref<125x128xf32, #tpu.memory_space<vmem>>)
      %lt3A = arith.constant 19 : i32
      %lt3A_83 = arith.cmpi slt, %scan3A_58, %lt3A : i32
      %convert_element_type3A_84 = arith.extui %lt3A_83 : i1 to i32
      %cond3A_85 = arith.constant 0 : i32
      %cond3A_86 = arith.cmpi ne, %convert_element_type3A_84, %cond3A_85 : i32
      scf.if %cond3A_86 {
        %add3A_88 = arith.constant 2 : i32
        %add3A_89 = arith.addi %mul3A_61, %add3A_88 : i32
        %dma_start3A_90 = arith.constant 0 : i32
        %dma_start3A_91 = tpu.memref_slice %arg7[%add3A_89, %dma_start3A_90] : memref<40x125xi32, #tpu.memory_space<vmem>> -> memref<1x125xi32, #tpu.memory_space<vmem>>
        %dma_start3A_92 = tpu.memref_squeeze %dma_start3A_91 : memref<1x125xi32, #tpu.memory_space<vmem>> -> memref<125xi32, #tpu.memory_space<vmem>>
        %dma_start3A_93 = arith.constant 0 : i32
        %dma_start3A_94 = arith.constant 0 : i32
        %dma_start3A_95 = tpu.memref_slice %arg2[%dma_start3A_93, %dma_start3A_94] : memref<10000x128xf32, #tpu.memory_space<hbm>> -> memref<10000x128xf32, #tpu.memory_space<hbm>>
        tpu.enqueue_indirect_dma source(%dma_start3A_95 : memref<10000x128xf32, #tpu.memory_space<hbm>>) target(%arg9 : memref<125x128xf32, #tpu.memory_space<vmem>>) offsets(%dma_start3A_92 : memref<125xi32, #tpu.memory_space<vmem>>) semaphore(%arg12 : memref<!tpu.dma_semaphore, #tpu.memory_space<semaphore_mem>>)
      } else {
      }
      "tpu.region"() ({
        %run_scoped3A = tpu.sem_alloc : memref<!tpu.dma_semaphore, #tpu.memory_space<semaphore_mem>>
        %dma_start3A_88 = arith.constant 0 : i32
        %dma_start3A_89 = tpu.memref_slice %arg8[%add3A_65, %dma_start3A_88] : memref<40x125xi32, #tpu.memory_space<vmem>> -> memref<1x125xi32, #tpu.memory_space<vmem>>
        %dma_start3A_90 = tpu.memref_squeeze %dma_start3A_89 : memref<1x125xi32, #tpu.memory_space<vmem>> -> memref<125xi32, #tpu.memory_space<vmem>>
        %dma_start3A_91 = arith.constant 0 : i32
        %dma_start3A_92 = arith.constant 0 : i32
        %dma_start3A_93 = tpu.memref_slice %arg11[%dma_start3A_91, %dma_start3A_92] : memref<10000x128xf32, #tpu.memory_space<vmem_shared>> -> memref<10000x128xf32, #tpu.memory_space<vmem_shared>>
        tpu.enqueue_indirect_dma source(%arg10 : memref<125x128xf32, #tpu.memory_space<vmem>>) target(%dma_start3A_93 : memref<10000x128xf32, #tpu.memory_space<vmem_shared>>) offsets(%dma_start3A_90 : memref<125xi32, #tpu.memory_space<vmem>>) semaphore(%run_scoped3A : memref<!tpu.dma_semaphore, #tpu.memory_space<semaphore_mem>>) {add = true}
        %dma_wait3A_94 = arith.constant 0 : i32
        %dma_wait3A_95 = tpu.memref_slice %arg8[%add3A_65, %dma_wait3A_94] : memref<40x125xi32, #tpu.memory_space<vmem>> -> memref<1x125xi32, #tpu.memory_space<vmem>>
        %dma_wait3A_96 = tpu.memref_squeeze %dma_wait3A_95 : memref<1x125xi32, #tpu.memory_space<vmem>> -> memref<125xi32, #tpu.memory_space<vmem>>
        %dma_wait3A_97 = arith.constant 0 : i32
        %dma_wait3A_98 = arith.constant 0 : i32
        %dma_wait3A_99 = tpu.memref_slice %arg11[%dma_wait3A_97, %dma_wait3A_98] : memref<10000x128xf32, #tpu.memory_space<vmem_shared>> -> memref<10000x128xf32, #tpu.memory_space<vmem_shared>>
        tpu.wait_indirect_dma semaphore(%run_scoped3A : memref<!tpu.dma_semaphore, #tpu.memory_space<semaphore_mem>>) src(%arg10 : memref<125x128xf32, #tpu.memory_space<vmem>>) dst(%dma_wait3A_99 : memref<10000x128xf32, #tpu.memory_space<vmem_shared>>)
        tpu.yield
      }) : () -> ()
      %scan3A_87 = arith.constant 0 : i32
      scf.yield %scan3A_87 : i32
    }
    %scan3A_47 = arith.constant 20 : i32
    %barrier3A_48 = arith.constant 0 : index
    tpu.barrier barrier_id(%barrier3A_48)
    %mul3A_49 = arith.constant 624 : i32
    %mul3A_50 = arith.muli %arg1, %mul3A_49 : i32
    %mul3A_51 = arith.constant 624 : i32
    %mul3A_52 = arith.muli %arg1, %mul3A_51 : i32
    "tpu.region"() ({
      %run_scoped3A = tpu.sem_alloc : memref<!tpu.dma_semaphore, #tpu.memory_space<semaphore_mem>>
      %dma_start3A_58 = arith.constant 0 : i32
      %dma_start3A_59 = tpu.memref_slice %arg6[%arg0, %mul3A_52, %dma_start3A_58] : memref<2x10000x128xf32, #tpu.memory_space<hbm>> -> memref<1x624x128xf32, #tpu.memory_space<hbm>>
      %dma_start3A_60 = tpu.memref_squeeze %dma_start3A_59 : memref<1x624x128xf32, #tpu.memory_space<hbm>> -> memref<624x128xf32, #tpu.memory_space<hbm>>
      %dma_start3A_61 = arith.constant 0 : i32
      %dma_start3A_62 = tpu.memref_slice %arg11[%mul3A_50, %dma_start3A_61] : memref<10000x128xf32, #tpu.memory_space<vmem_shared>> -> memref<624x128xf32, #tpu.memory_space<vmem_shared>>
      tpu.enqueue_dma source(%dma_start3A_62 : memref<624x128xf32, #tpu.memory_space<vmem_shared>>) target(%dma_start3A_60 : memref<624x128xf32, #tpu.memory_space<hbm>>) target_semaphore(%run_scoped3A : memref<!tpu.dma_semaphore, #tpu.memory_space<semaphore_mem>>)
      %dma_wait3A = arith.constant 0 : i32
      %dma_wait3A_63 = tpu.memref_slice %arg6[%arg0, %mul3A_52, %dma_wait3A] : memref<2x10000x128xf32, #tpu.memory_space<hbm>> -> memref<1x624x128xf32, #tpu.memory_space<hbm>>
      %dma_wait3A_64 = tpu.memref_squeeze %dma_wait3A_63 : memref<1x624x128xf32, #tpu.memory_space<hbm>> -> memref<624x128xf32, #tpu.memory_space<hbm>>
      %dma_wait3A_65 = arith.constant 0 : i32
      %dma_wait3A_66 = tpu.memref_slice %arg11[%mul3A_50, %dma_wait3A_65] : memref<10000x128xf32, #tpu.memory_space<vmem_shared>> -> memref<624x128xf32, #tpu.memory_space<vmem_shared>>
      tpu.wait_dma2 semaphore(%run_scoped3A : memref<!tpu.dma_semaphore, #tpu.memory_space<semaphore_mem>>) src(%dma_wait3A_66 : memref<624x128xf32, #tpu.memory_space<vmem_shared>>) dst(%dma_wait3A_64 : memref<624x128xf32, #tpu.memory_space<hbm>>)
      tpu.yield
    }) : () -> ()
    %eq3A_53 = arith.constant 15 : i32
    %eq3A_54 = arith.cmpi eq, %arg1, %eq3A_53 : i32
    %convert_element_type3A_55 = arith.extui %eq3A_54 : i1 to i32
    %cond3A_56 = arith.constant 0 : i32
    %cond3A_57 = arith.cmpi ne, %convert_element_type3A_55, %cond3A_56 : i32
    scf.if %cond3A_57 {
      "tpu.region"() ({
        %run_scoped3A = tpu.sem_alloc : memref<!tpu.dma_semaphore, #tpu.memory_space<semaphore_mem>>
        %dma_start3A_58 = arith.constant 9984 : i32
        %dma_start3A_59 = arith.constant 0 : i32
        %dma_start3A_60 = tpu.memref_slice %arg6[%arg0, %dma_start3A_58, %dma_start3A_59] : memref<2x10000x128xf32, #tpu.memory_space<hbm>> -> memref<1x16x128xf32, #tpu.memory_space<hbm>>
        %dma_start3A_61 = tpu.memref_squeeze %dma_start3A_60 : memref<1x16x128xf32, #tpu.memory_space<hbm>> -> memref<16x128xf32, #tpu.memory_space<hbm>>
        %dma_start3A_62 = arith.constant 9984 : i32
        %dma_start3A_63 = arith.constant 0 : i32
        %dma_start3A_64 = tpu.memref_slice %arg11[%dma_start3A_62, %dma_start3A_63] : memref<10000x128xf32, #tpu.memory_space<vmem_shared>> -> memref<16x128xf32, #tpu.memory_space<vmem_shared>>
        tpu.enqueue_dma source(%dma_start3A_64 : memref<16x128xf32, #tpu.memory_space<vmem_shared>>) target(%dma_start3A_61 : memref<16x128xf32, #tpu.memory_space<hbm>>) target_semaphore(%run_scoped3A : memref<!tpu.dma_semaphore, #tpu.memory_space<semaphore_mem>>)
        %dma_wait3A = arith.constant 9984 : i32
        %dma_wait3A_65 = arith.constant 0 : i32
        %dma_wait3A_66 = tpu.memref_slice %arg6[%arg0, %dma_wait3A, %dma_wait3A_65] : memref<2x10000x128xf32, #tpu.memory_space<hbm>> -> memref<1x16x128xf32, #tpu.memory_space<hbm>>
        %dma_wait3A_67 = tpu.memref_squeeze %dma_wait3A_66 : memref<1x16x128xf32, #tpu.memory_space<hbm>> -> memref<16x128xf32, #tpu.memory_space<hbm>>
        %dma_wait3A_68 = arith.constant 9984 : i32
        %dma_wait3A_69 = arith.constant 0 : i32
        %dma_wait3A_70 = tpu.memref_slice %arg11[%dma_wait3A_68, %dma_wait3A_69] : memref<10000x128xf32, #tpu.memory_space<vmem_shared>> -> memref<16x128xf32, #tpu.memory_space<vmem_shared>>
        tpu.wait_dma2 semaphore(%run_scoped3A : memref<!tpu.dma_semaphore, #tpu.memory_space<semaphore_mem>>) src(%dma_wait3A_70 : memref<16x128xf32, #tpu.memory_space<vmem_shared>>) dst(%dma_wait3A_67 : memref<16x128xf32, #tpu.memory_space<hbm>>)
        tpu.yield
      }) : () -> ()
    } else {
    }
    return
  }
}

module attributes {stable_mosaic.version = 14 : i64} {
  func.func @_mm1_body(%arg0: i32, %arg1: memref<1000x128xf32, #tpu.memory_space<vmem>>, %arg2: memref<128x128xf32, #tpu.memory_space<vmem>>, %arg3: memref<1000x16xf32, #tpu.memory_space<vmem>>, %arg4: memref<1000x16xf32, #tpu.memory_space<vmem>>, %arg5: memref<1000x128xf32, #tpu.memory_space<vmem>>) attributes {dimension_semantics = [#tpu.dimension_semantics<arbitrary>], iteration_bounds = array<i64: 10>, scalar_prefetch = 0 : i64, scratch_operands = 0 : i64, tpu.core_type = #tpu.core_type<tc>, window_params = [{transform_indices = @transform_0, window_bounds = array<i64: 1000, 128>}, {pipeline_mode = #tpu.pipeline_mode<synchronous>, transform_indices = @transform_1, window_bounds = array<i64: 128, 128>}, {transform_indices = @transform_2, window_bounds = array<i64: 1000, 16>}, {transform_indices = @transform_3, window_bounds = array<i64: 1000, 16>}, {transform_indices = @transform_4, window_bounds = array<i64: 1000, 128>}]} {
    %get3A = arith.constant 0 : index
    %get3A_0 = arith.constant 0 : index
    %get3A_1 = vector.load %arg3[%get3A, %get3A_0] : memref<1000x16xf32, #tpu.memory_space<vmem>>, vector<1000x16xf32>
    %get3A_2 = arith.constant 0 : index
    %get3A_3 = arith.constant 0 : index
    %get3A_4 = vector.load %arg4[%get3A_2, %get3A_3] : memref<1000x16xf32, #tpu.memory_space<vmem>>, vector<1000x16xf32>
    %slice3A = vector.extract_strided_slice %get3A_1 {offsets = [0, 0], sizes = [1000, 1], strides = [1, 1]} : vector<1000x16xf32> to vector<1000x1xf32>
    %slice3A_5 = vector.extract_strided_slice %get3A_4 {offsets = [0, 0], sizes = [1000, 1], strides = [1, 1]} : vector<1000x16xf32> to vector<1000x1xf32>
    %add3A = arith.addf %slice3A, %slice3A_5 : vector<1000x1xf32>
    %add3A_6 = arith.constant 1.000000e+00 : f32
    %add3A_7 = vector.broadcast %add3A_6 : f32 to vector<1000x1xf32>
    %add3A_8 = arith.addf %add3A, %add3A_7 : vector<1000x1xf32>
    %rsqrt3A = math.rsqrt %add3A_8 : vector<1000x1xf32>
    %get3A_9 = arith.constant 0 : index
    %get3A_10 = arith.constant 0 : index
    %get3A_11 = vector.load %arg1[%get3A_9, %get3A_10] : memref<1000x128xf32, #tpu.memory_space<vmem>>, vector<1000x128xf32>
    %get3A_12 = arith.constant 0 : index
    %get3A_13 = arith.constant 0 : index
    %get3A_14 = vector.load %arg2[%get3A_12, %get3A_13] : memref<128x128xf32, #tpu.memory_space<vmem>>, vector<128x128xf32>
    %dot_general3A = arith.constant dense<0.000000e+00> : vector<1000x128xf32>
    %dot_general3A_15 = tpu.matmul %get3A_11, %get3A_14, %dot_general3A {dimension_numbers = #tpu.dot_dimension_numbers<[1], [0], [0], [1], [0, 0, 1, 1], [], []>, precision = #tpu.contract_precision<fp32>, transpose_lhs_hint = false} : vector<1000x128xf32>, vector<128x128xf32>, vector<1000x128xf32> -> vector<1000x128xf32>
    %mul3A = vector.broadcast %rsqrt3A : vector<1000x1xf32> to vector<1000x128xf32>
    %mul3A_16 = arith.mulf %mul3A, %dot_general3A_15 : vector<1000x128xf32>
    %swap3A = arith.constant 0 : index
    %swap3A_17 = arith.constant 0 : index
    %swap3A_18 = vector.load %arg5[%swap3A, %swap3A_17] : memref<1000x128xf32, #tpu.memory_space<vmem>>, vector<1000x128xf32>
    tpu.vector_store %arg5[%swap3A, %swap3A_17], %mul3A_16 {strides = array<i32>} : memref<1000x128xf32, #tpu.memory_space<vmem>>, vector<1000x128xf32>,
    return
  }
  func.func @transform_0(%arg0: i32) -> (i32, i32) {
    %c0_i32 = arith.constant 0 : i32
    %c0_i32_0 = arith.constant 0 : i32
    return %arg0, %c0_i32 : i32, i32
  }
  func.func @transform_1(%arg0: i32) -> (i32, i32) {
    %c0_i32 = arith.constant 0 : i32
    %c0_i32_0 = arith.constant 0 : i32
    %c0_i32_1 = arith.constant 0 : i32
    return %c0_i32, %c0_i32_0 : i32, i32
  }
  func.func @transform_2(%arg0: i32) -> (i32, i32) {
    %c0_i32 = arith.constant 0 : i32
    %c0_i32_0 = arith.constant 0 : i32
    return %arg0, %c0_i32 : i32, i32
  }
  func.func @transform_3(%arg0: i32) -> (i32, i32) {
    %c0_i32 = arith.constant 0 : i32
    %c0_i32_0 = arith.constant 0 : i32
    return %arg0, %c0_i32 : i32, i32
  }
  func.func @transform_4(%arg0: i32) -> (i32, i32) {
    %c0_i32 = arith.constant 0 : i32
    %c0_i32_0 = arith.constant 0 : i32
    return %arg0, %c0_i32 : i32, i32
  }
}

module attributes {stable_mosaic.version = 14 : i64} {
  func.func @_mm_body(%arg0: i32, %arg1: memref<1000x128xf32, #tpu.memory_space<vmem>>, %arg2: memref<1000x128xf32, #tpu.memory_space<vmem>>, %arg3: memref<1x128xf32, #tpu.memory_space<vmem>>, %arg4: memref<128x128xf32, #tpu.memory_space<vmem>>, %arg5: memref<1000x16xf32, #tpu.memory_space<vmem>>, %arg6: memref<1000x16xf32, #tpu.memory_space<vmem>>, %arg7: memref<1000x128xf32, #tpu.memory_space<vmem>>) attributes {dimension_semantics = [#tpu.dimension_semantics<arbitrary>], iteration_bounds = array<i64: 10>, scalar_prefetch = 0 : i64, scratch_operands = 0 : i64, tpu.core_type = #tpu.core_type<tc>, window_params = [{transform_indices = @transform_0, window_bounds = array<i64: 1000, 128>}, {transform_indices = @transform_1, window_bounds = array<i64: 1000, 128>}, {pipeline_mode = #tpu.pipeline_mode<synchronous>, transform_indices = @transform_2, window_bounds = array<i64: 1, 128>}, {pipeline_mode = #tpu.pipeline_mode<synchronous>, transform_indices = @transform_3, window_bounds = array<i64: 128, 128>}, {transform_indices = @transform_4, window_bounds = array<i64: 1000, 16>}, {transform_indices = @transform_5, window_bounds = array<i64: 1000, 16>}, {transform_indices = @transform_6, window_bounds = array<i64: 1000, 128>}]} {
    %get3A = arith.constant 0 : index
    %get3A_0 = arith.constant 0 : index
    %get3A_1 = vector.load %arg5[%get3A, %get3A_0] : memref<1000x16xf32, #tpu.memory_space<vmem>>, vector<1000x16xf32>
    %get3A_2 = arith.constant 0 : index
    %get3A_3 = arith.constant 0 : index
    %get3A_4 = vector.load %arg6[%get3A_2, %get3A_3] : memref<1000x16xf32, #tpu.memory_space<vmem>>, vector<1000x16xf32>
    %slice3A = vector.extract_strided_slice %get3A_1 {offsets = [0, 0], sizes = [1000, 1], strides = [1, 1]} : vector<1000x16xf32> to vector<1000x1xf32>
    %slice3A_5 = vector.extract_strided_slice %get3A_4 {offsets = [0, 0], sizes = [1000, 1], strides = [1, 1]} : vector<1000x16xf32> to vector<1000x1xf32>
    %add3A = arith.addf %slice3A, %slice3A_5 : vector<1000x1xf32>
    %add3A_6 = arith.constant 1.000000e+00 : f32
    %add3A_7 = vector.broadcast %add3A_6 : f32 to vector<1000x1xf32>
    %add3A_8 = arith.addf %add3A, %add3A_7 : vector<1000x1xf32>
    %rsqrt3A = math.rsqrt %add3A_8 : vector<1000x1xf32>
    %get3A_9 = arith.constant 0 : index
    %get3A_10 = arith.constant 0 : index
    %get3A_11 = vector.load %arg1[%get3A_9, %get3A_10] : memref<1000x128xf32, #tpu.memory_space<vmem>>, vector<1000x128xf32>
    %get3A_12 = arith.constant 0 : index
    %get3A_13 = arith.constant 0 : index
    %get3A_14 = vector.load %arg2[%get3A_12, %get3A_13] : memref<1000x128xf32, #tpu.memory_space<vmem>>, vector<1000x128xf32>
    %add3A_15 = arith.addf %get3A_11, %get3A_14 : vector<1000x128xf32>
    %mul3A = vector.broadcast %rsqrt3A : vector<1000x1xf32> to vector<1000x128xf32>
    %mul3A_16 = arith.mulf %mul3A, %add3A_15 : vector<1000x128xf32>
    %get3A_17 = arith.constant 0 : index
    %get3A_18 = arith.constant 0 : index
    %get3A_19 = vector.load %arg3[%get3A_17, %get3A_18] : memref<1x128xf32, #tpu.memory_space<vmem>>, vector<1x128xf32>
    %add3A_20 = vector.broadcast %get3A_19 : vector<1x128xf32> to vector<1000x128xf32>
    %add3A_21 = arith.addf %mul3A_16, %add3A_20 : vector<1000x128xf32>
    %max3A = arith.constant 0.000000e+00 : f32
    %max3A_22 = vector.broadcast %max3A : f32 to vector<1000x128xf32>
    %max3A_23 = arith.maximumf %add3A_21, %max3A_22 : vector<1000x128xf32>
    %get3A_24 = arith.constant 0 : index
    %get3A_25 = arith.constant 0 : index
    %get3A_26 = vector.load %arg4[%get3A_24, %get3A_25] : memref<128x128xf32, #tpu.memory_space<vmem>>, vector<128x128xf32>
    %dot_general3A = arith.constant dense<0.000000e+00> : vector<1000x128xf32>
    %dot_general3A_27 = tpu.matmul %max3A_23, %get3A_26, %dot_general3A {dimension_numbers = #tpu.dot_dimension_numbers<[1], [0], [0], [1], [0, 0, 1, 1], [], []>, precision = #tpu.contract_precision<fp32>, transpose_lhs_hint = false} : vector<1000x128xf32>, vector<128x128xf32>, vector<1000x128xf32> -> vector<1000x128xf32>
    %mul3A_28 = vector.broadcast %rsqrt3A : vector<1000x1xf32> to vector<1000x128xf32>
    %mul3A_29 = arith.mulf %mul3A_28, %dot_general3A_27 : vector<1000x128xf32>
    %swap3A = arith.constant 0 : index
    %swap3A_30 = arith.constant 0 : index
    %swap3A_31 = vector.load %arg7[%swap3A, %swap3A_30] : memref<1000x128xf32, #tpu.memory_space<vmem>>, vector<1000x128xf32>
    tpu.vector_store %arg7[%swap3A, %swap3A_30], %mul3A_29 {strides = array<i32>} : memref<1000x128xf32, #tpu.memory_space<vmem>>, vector<1000x128xf32>,
    return
  }
  func.func @transform_0(%arg0: i32) -> (i32, i32) {
    %c0_i32 = arith.constant 0 : i32
    %c0_i32_0 = arith.constant 0 : i32
    return %arg0, %c0_i32 : i32, i32
  }
  func.func @transform_1(%arg0: i32) -> (i32, i32) {
    %c0_i32 = arith.constant 0 : i32
    %c0_i32_0 = arith.constant 0 : i32
    return %arg0, %c0_i32 : i32, i32
  }
  func.func @transform_2(%arg0: i32) -> (i32, i32) {
    %c0_i32 = arith.constant 0 : i32
    %c0_i32_0 = arith.constant 0 : i32
    %c0_i32_1 = arith.constant 0 : i32
    return %c0_i32, %c0_i32_0 : i32, i32
  }
  func.func @transform_3(%arg0: i32) -> (i32, i32) {
    %c0_i32 = arith.constant 0 : i32
    %c0_i32_0 = arith.constant 0 : i32
    %c0_i32_1 = arith.constant 0 : i32
    return %c0_i32, %c0_i32_0 : i32, i32
  }
  func.func @transform_4(%arg0: i32) -> (i32, i32) {
    %c0_i32 = arith.constant 0 : i32
    %c0_i32_0 = arith.constant 0 : i32
    return %arg0, %c0_i32 : i32, i32
  }
  func.func @transform_5(%arg0: i32) -> (i32, i32) {
    %c0_i32 = arith.constant 0 : i32
    %c0_i32_0 = arith.constant 0 : i32
    return %arg0, %c0_i32 : i32, i32
  }
  func.func @transform_6(%arg0: i32) -> (i32, i32) {
    %c0_i32 = arith.constant 0 : i32
    %c0_i32_0 = arith.constant 0 : i32
    return %arg0, %c0_i32 : i32, i32
  }
}

module attributes {stable_mosaic.version = 14 : i64} {
  func.func @_pool_body(%arg0: i32, %arg1: memref<1000x128xf32, #tpu.memory_space<vmem>>, %arg2: memref<1000x128xf32, #tpu.memory_space<vmem>>, %arg3: memref<1x128xf32, #tpu.memory_space<vmem>>, %arg4: memref<1000x16xf32, #tpu.memory_space<vmem>>, %arg5: memref<1000x16xf32, #tpu.memory_space<vmem>>, %arg6: memref<1x1x1000xi32, #tpu.memory_space<vmem>>, %arg7: memref<128x64xf32, #tpu.memory_space<vmem>>, %arg8: memref<1x64xf32, #tpu.memory_space<vmem>>, %arg9: memref<64x128xf32, #tpu.memory_space<vmem>>, %arg10: memref<64x64xf32, #tpu.memory_space<vmem>>, %arg11: memref<64x128xf32, #tpu.memory_space<vmem>>, %arg12: memref<64x1xf32, #tpu.memory_space<vmem>>) attributes {dimension_semantics = [#tpu.dimension_semantics<arbitrary>], iteration_bounds = array<i64: 10>, scalar_prefetch = 0 : i64, scratch_operands = 2 : i64, tpu.core_type = #tpu.core_type<tc>, window_params = [{transform_indices = @transform_0, window_bounds = array<i64: 1000, 128>}, {transform_indices = @transform_1, window_bounds = array<i64: 1000, 128>}, {pipeline_mode = #tpu.pipeline_mode<synchronous>, transform_indices = @transform_2, window_bounds = array<i64: 1, 128>}, {transform_indices = @transform_3, window_bounds = array<i64: 1000, 16>}, {transform_indices = @transform_4, window_bounds = array<i64: 1000, 16>}, {transform_indices = @transform_5, window_bounds = array<i64: 1, 1, 1000>}, {pipeline_mode = #tpu.pipeline_mode<synchronous>, transform_indices = @transform_6, window_bounds = array<i64: 128, 64>}, {pipeline_mode = #tpu.pipeline_mode<synchronous>, transform_indices = @transform_7, window_bounds = array<i64: 1, 64>}, {pipeline_mode = #tpu.pipeline_mode<synchronous>, transform_indices = @transform_8, window_bounds = array<i64: 64, 128>}, {pipeline_mode = #tpu.pipeline_mode<synchronous>, transform_indices = @transform_9, window_bounds = array<i64: 64, 64>}]} {
    %eq3A = arith.constant 0 : i32
    %eq3A_0 = arith.cmpi eq, %arg0, %eq3A : i32
    %convert_element_type3A = arith.extui %eq3A_0 : i1 to i32
    %cond3A = arith.constant 0 : i32
    %cond3A_1 = arith.cmpi ne, %convert_element_type3A, %cond3A : i32
    scf.if %cond3A_1 {
      %broadcast_in_dim3A_54 = arith.constant 0.000000e+00 : f32
      %broadcast_in_dim3A_55 = vector.broadcast %broadcast_in_dim3A_54 : f32 to vector<64x128xf32>
      %swap3A_56 = arith.constant 0 : index
      %swap3A_57 = arith.constant 0 : index
      %swap3A_58 = vector.load %arg11[%swap3A_56, %swap3A_57] : memref<64x128xf32, #tpu.memory_space<vmem>>, vector<64x128xf32>
      tpu.vector_store %arg11[%swap3A_56, %swap3A_57], %broadcast_in_dim3A_55 {strides = array<i32>} : memref<64x128xf32, #tpu.memory_space<vmem>>, vector<64x128xf32>,
      %broadcast_in_dim3A_59 = arith.constant 0.000000e+00 : f32
      %broadcast_in_dim3A_60 = vector.broadcast %broadcast_in_dim3A_59 : f32 to vector<64x1xf32>
      %swap3A_61 = arith.constant 0 : index
      %swap3A_62 = arith.constant 0 : index
      %swap3A_63 = vector.load %arg12[%swap3A_61, %swap3A_62] : memref<64x1xf32, #tpu.memory_space<vmem>>, vector<64x1xf32>
      tpu.vector_store %arg12[%swap3A_61, %swap3A_62], %broadcast_in_dim3A_60 {strides = array<i32>} : memref<64x1xf32, #tpu.memory_space<vmem>>, vector<64x1xf32>,
    } else {
    }
    %get3A = arith.constant 0 : index
    %get3A_2 = arith.constant 0 : index
    %get3A_3 = vector.load %arg4[%get3A, %get3A_2] : memref<1000x16xf32, #tpu.memory_space<vmem>>, vector<1000x16xf32>
    %get3A_4 = arith.constant 0 : index
    %get3A_5 = arith.constant 0 : index
    %get3A_6 = vector.load %arg5[%get3A_4, %get3A_5] : memref<1000x16xf32, #tpu.memory_space<vmem>>, vector<1000x16xf32>
    %slice3A = vector.extract_strided_slice %get3A_3 {offsets = [0, 0], sizes = [1000, 1], strides = [1, 1]} : vector<1000x16xf32> to vector<1000x1xf32>
    %slice3A_7 = vector.extract_strided_slice %get3A_6 {offsets = [0, 0], sizes = [1000, 1], strides = [1, 1]} : vector<1000x16xf32> to vector<1000x1xf32>
    %add3A = arith.addf %slice3A, %slice3A_7 : vector<1000x1xf32>
    %add3A_8 = arith.constant 1.000000e+00 : f32
    %add3A_9 = vector.broadcast %add3A_8 : f32 to vector<1000x1xf32>
    %add3A_10 = arith.addf %add3A, %add3A_9 : vector<1000x1xf32>
    %rsqrt3A = math.rsqrt %add3A_10 : vector<1000x1xf32>
    %get3A_11 = arith.constant 0 : index
    %get3A_12 = arith.constant 0 : index
    %get3A_13 = vector.load %arg1[%get3A_11, %get3A_12] : memref<1000x128xf32, #tpu.memory_space<vmem>>, vector<1000x128xf32>
    %get3A_14 = arith.constant 0 : index
    %get3A_15 = arith.constant 0 : index
    %get3A_16 = vector.load %arg2[%get3A_14, %get3A_15] : memref<1000x128xf32, #tpu.memory_space<vmem>>, vector<1000x128xf32>
    %add3A_17 = arith.addf %get3A_13, %get3A_16 : vector<1000x128xf32>
    %mul3A = vector.broadcast %rsqrt3A : vector<1000x1xf32> to vector<1000x128xf32>
    %mul3A_18 = arith.mulf %mul3A, %add3A_17 : vector<1000x128xf32>
    %get3A_19 = arith.constant 0 : index
    %get3A_20 = arith.constant 0 : index
    %get3A_21 = vector.load %arg3[%get3A_19, %get3A_20] : memref<1x128xf32, #tpu.memory_space<vmem>>, vector<1x128xf32>
    %add3A_22 = vector.broadcast %get3A_21 : vector<1x128xf32> to vector<1000x128xf32>
    %add3A_23 = arith.addf %mul3A_18, %add3A_22 : vector<1000x128xf32>
    %max3A = arith.constant 0.000000e+00 : f32
    %max3A_24 = vector.broadcast %max3A : f32 to vector<1000x128xf32>
    %max3A_25 = arith.maximumf %add3A_23, %max3A_24 : vector<1000x128xf32>
    %get3A_26 = arith.constant 0 : index
    %get3A_27 = arith.constant 0 : index
    %get3A_28 = arith.constant 0 : index
    %get3A_29 = vector.load %arg6[%get3A_26, %get3A_27, %get3A_28] : memref<1x1x1000xi32, #tpu.memory_space<vmem>>, vector<1x1x1000xi32>
    %reshape3A = vector.shape_cast %get3A_29 : vector<1x1x1000xi32> to vector<1x1000xi32>
    %iota3A = tpu.iota {dimensions = array<i32: 0>} : vector<64x1000xi32>
    %eq3A_30 = vector.broadcast %reshape3A : vector<1x1000xi32> to vector<64x1000xi32>
    %eq3A_31 = arith.cmpi eq, %eq3A_30, %iota3A : vector<64x1000xi32>
    %convert_element_type3A_32 = arith.extui %eq3A_31 : vector<64x1000xi1> to vector<64x1000xi32>
    %convert_element_type3A_33 = arith.sitofp %convert_element_type3A_32 : vector<64x1000xi32> to vector<64x1000xf32>
    %get3A_34 = arith.constant 0 : index
    %get3A_35 = arith.constant 0 : index
    %get3A_36 = vector.load %arg11[%get3A_34, %get3A_35] : memref<64x128xf32, #tpu.memory_space<vmem>>, vector<64x128xf32>
    %dot_general3A = arith.constant dense<0.000000e+00> : vector<64x128xf32>
    %dot_general3A_37 = tpu.matmul %convert_element_type3A_33, %max3A_25, %dot_general3A {dimension_numbers = #tpu.dot_dimension_numbers<[1], [0], [0], [1], [0, 0, 1, 1], [], []>, precision = #tpu.contract_precision<fp32>, transpose_lhs_hint = false} : vector<64x1000xf32>, vector<1000x128xf32>, vector<64x128xf32> -> vector<64x128xf32>
    %add3A_38 = arith.addf %get3A_36, %dot_general3A_37 : vector<64x128xf32>
    %swap3A = arith.constant 0 : index
    %swap3A_39 = arith.constant 0 : index
    %swap3A_40 = vector.load %arg11[%swap3A, %swap3A_39] : memref<64x128xf32, #tpu.memory_space<vmem>>, vector<64x128xf32>
    tpu.vector_store %arg11[%swap3A, %swap3A_39], %add3A_38 {strides = array<i32>} : memref<64x128xf32, #tpu.memory_space<vmem>>, vector<64x128xf32>,
    %get3A_41 = arith.constant 0 : index
    %get3A_42 = arith.constant 0 : index
    %get3A_43 = vector.load %arg12[%get3A_41, %get3A_42] : memref<64x1xf32, #tpu.memory_space<vmem>>, vector<64x1xf32>
    %reduce_sum3A = arith.constant dense<0.000000e+00> : vector<64xf32>
    %reduce_sum3A_44 = vector.multi_reduction <add>, %convert_element_type3A_33, %reduce_sum3A [1] : vector<64x1000xf32> to vector<64xf32>
    %broadcast_in_dim3A = vector.shape_cast %reduce_sum3A_44 : vector<64xf32> to vector<64x1xf32>
    %add3A_45 = arith.addf %get3A_43, %broadcast_in_dim3A : vector<64x1xf32>
    %swap3A_46 = arith.constant 0 : index
    %swap3A_47 = arith.constant 0 : index
    %swap3A_48 = vector.load %arg12[%swap3A_46, %swap3A_47] : memref<64x1xf32, #tpu.memory_space<vmem>>, vector<64x1xf32>
    tpu.vector_store %arg12[%swap3A_46, %swap3A_47], %add3A_45 {strides = array<i32>} : memref<64x1xf32, #tpu.memory_space<vmem>>, vector<64x1xf32>,
    %eq3A_49 = arith.constant 9 : i32
    %eq3A_50 = arith.cmpi eq, %arg0, %eq3A_49 : i32
    %convert_element_type3A_51 = arith.extui %eq3A_50 : i1 to i32
    %cond3A_52 = arith.constant 0 : i32
    %cond3A_53 = arith.cmpi ne, %convert_element_type3A_51, %cond3A_52 : i32
    scf.if %cond3A_53 {
      %get3A_54 = arith.constant 0 : index
      %get3A_55 = arith.constant 0 : index
      %get3A_56 = vector.load %arg11[%get3A_54, %get3A_55] : memref<64x128xf32, #tpu.memory_space<vmem>>, vector<64x128xf32>
      %get3A_57 = arith.constant 0 : index
      %get3A_58 = arith.constant 0 : index
      %get3A_59 = vector.load %arg12[%get3A_57, %get3A_58] : memref<64x1xf32, #tpu.memory_space<vmem>>, vector<64x1xf32>
      %max3A_60 = arith.constant 1.000000e+00 : f32
      %max3A_61 = vector.broadcast %max3A_60 : f32 to vector<64x1xf32>
      %max3A_62 = arith.maximumf %get3A_59, %max3A_61 : vector<64x1xf32>
      %div3A = vector.broadcast %max3A_62 : vector<64x1xf32> to vector<64x128xf32>
      %div3A_63 = arith.divf %get3A_56, %div3A : vector<64x128xf32>
      %swap3A_64 = arith.constant 0 : index
      %swap3A_65 = arith.constant 0 : index
      %swap3A_66 = vector.load %arg9[%swap3A_64, %swap3A_65] : memref<64x128xf32, #tpu.memory_space<vmem>>, vector<64x128xf32>
      tpu.vector_store %arg9[%swap3A_64, %swap3A_65], %div3A_63 {strides = array<i32>} : memref<64x128xf32, #tpu.memory_space<vmem>>, vector<64x128xf32>,
      %get3A_67 = arith.constant 0 : index
      %get3A_68 = arith.constant 0 : index
      %get3A_69 = vector.load %arg7[%get3A_67, %get3A_68] : memref<128x64xf32, #tpu.memory_space<vmem>>, vector<128x64xf32>
      %dot_general3A_70 = arith.constant dense<0.000000e+00> : vector<64x64xf32>
      %dot_general3A_71 = tpu.matmul %div3A_63, %get3A_69, %dot_general3A_70 {dimension_numbers = #tpu.dot_dimension_numbers<[1], [0], [0], [1], [0, 0, 1, 1], [], []>, precision = #tpu.contract_precision<fp32>, transpose_lhs_hint = false} : vector<64x128xf32>, vector<128x64xf32>, vector<64x64xf32> -> vector<64x64xf32>
      %get3A_72 = arith.constant 0 : index
      %get3A_73 = arith.constant 0 : index
      %get3A_74 = vector.load %arg8[%get3A_72, %get3A_73] : memref<1x64xf32, #tpu.memory_space<vmem>>, vector<1x64xf32>
      %add3A_75 = vector.broadcast %get3A_74 : vector<1x64xf32> to vector<64x64xf32>
      %add3A_76 = arith.addf %dot_general3A_71, %add3A_75 : vector<64x64xf32>
      %swap3A_77 = arith.constant 0 : index
      %swap3A_78 = arith.constant 0 : index
      %swap3A_79 = vector.load %arg10[%swap3A_77, %swap3A_78] : memref<64x64xf32, #tpu.memory_space<vmem>>, vector<64x64xf32>
      tpu.vector_store %arg10[%swap3A_77, %swap3A_78], %add3A_76 {strides = array<i32>} : memref<64x64xf32, #tpu.memory_space<vmem>>, vector<64x64xf32>,
    } else {
    }
    return
  }
  func.func @transform_0(%arg0: i32) -> (i32, i32) {
    %c0_i32 = arith.constant 0 : i32
    %c0_i32_0 = arith.constant 0 : i32
    return %arg0, %c0_i32 : i32, i32
  }
  func.func @transform_1(%arg0: i32) -> (i32, i32) {
    %c0_i32 = arith.constant 0 : i32
    %c0_i32_0 = arith.constant 0 : i32
    return %arg0, %c0_i32 : i32, i32
  }
  func.func @transform_2(%arg0: i32) -> (i32, i32) {
    %c0_i32 = arith.constant 0 : i32
    %c0_i32_0 = arith.constant 0 : i32
    %c0_i32_1 = arith.constant 0 : i32
    return %c0_i32, %c0_i32_0 : i32, i32
  }
  func.func @transform_3(%arg0: i32) -> (i32, i32) {
    %c0_i32 = arith.constant 0 : i32
    %c0_i32_0 = arith.constant 0 : i32
    return %arg0, %c0_i32 : i32, i32
  }
  func.func @transform_4(%arg0: i32) -> (i32, i32) {
    %c0_i32 = arith.constant 0 : i32
    %c0_i32_0 = arith.constant 0 : i32
    return %arg0, %c0_i32 : i32, i32
  }
  func.func @transform_5(%arg0: i32) -> (i32, i32, i32) {
    %c0_i32 = arith.constant 0 : i32
    %c0_i32_0 = arith.constant 0 : i32
    %c0_i32_1 = arith.constant 0 : i32
    return %arg0, %c0_i32, %c0_i32_0 : i32, i32, i32
  }
  func.func @transform_6(%arg0: i32) -> (i32, i32) {
    %c0_i32 = arith.constant 0 : i32
    %c0_i32_0 = arith.constant 0 : i32
    %c0_i32_1 = arith.constant 0 : i32
    return %c0_i32, %c0_i32_0 : i32, i32
  }
  func.func @transform_7(%arg0: i32) -> (i32, i32) {
    %c0_i32 = arith.constant 0 : i32
    %c0_i32_0 = arith.constant 0 : i32
    %c0_i32_1 = arith.constant 0 : i32
    return %c0_i32, %c0_i32_0 : i32, i32
  }
  func.func @transform_8(%arg0: i32) -> (i32, i32) {
    %c0_i32 = arith.constant 0 : i32
    %c0_i32_0 = arith.constant 0 : i32
    %c0_i32_1 = arith.constant 0 : i32
    return %c0_i32, %c0_i32_0 : i32, i32
  }
  func.func @transform_9(%arg0: i32) -> (i32, i32) {
    %c0_i32 = arith.constant 0 : i32
    %c0_i32_0 = arith.constant 0 : i32
    %c0_i32_1 = arith.constant 0 : i32
    return %c0_i32, %c0_i32_0 : i32, i32
  }
}

</mosaic_0001>

<sc_bundles>
// kernel: kernel.12.cloned.1.call-start
scs
__scs_entry_jumppad:
0x0: {  	(pc) =	sbr.rel $0x88, $3  }
0x1: {  	(tag) =	ssettag $0x0;
	lr =	simm.s32 $0x1  }
0x2: {  	[smem:$0x3F94] =	sst lr;
	_ =	strace $0xD0000000  }
0x3: {  	_ = 	snop  }
0x4: {  	_ = 	snop  }
0x5: {  	_ = 	snop  }
0x6: {  	_ = 	snop  }
0x7: {  	_ = 	snop  }
__scs_overlays_trampoline_lowered:
0x8: {  	[smem:$0x3FA3] =	sst s0  }
0x9: {  	[smem:$0x3FA4] =	sst s1  }
0xa: {  	[smem:$0x3FA5] =	sst s2  }
0xb: {  	[smem:$0x3FA6] =	sst s3  }
0xc: {  	[smem:$0x3FA7] =	sst s4  }
0xd: {  	[smem:$0x3FA8] =	sst s5  }
0xe: {  	[smem:$0x3FA9] =	sst s6  }
0xf: {  	[smem:$0x3FAA] =	sst s7  }
0x10: {  	[smem:$0x3FAB] =	sst s8  }
0x11: {  	[smem:$0x3FAC] =	sst s9;
	s0 =	simm.s32 @!p0 $0x0  }
0x12: {  	s1 =	sld [smem:$0x3F92];
	s0 =	simm.s32 @p0 $0x1  }
0x13: {  	[smem:$0x3FAD] =	sst s0;
	s0 =	simm.s32 @!p1 $0x0  }
0x14: {  	s2 =	sld [smem:$0x3F91];
	s0 =	simm.s32 @p1 $0x1  }
0x15: {  	[smem:$0x3FAE] =	sst s0;
	s0 =	simm.s32 @!p2 $0x0  }
0x16: {  	s3 =	sld [smem:$0x3FDB];
	s0 =	simm.s32 @p2 $0x1  }
0x17: {  	s4 =	simm.s32 $0x1BF5;
	[smem:$0x3FB0] =	sst s0  }
0x18: {  	s0 =	sld [smem:$0x3F93];
	_ =	swait.ge [sflag:s4], $0x0  }
0x19: {  	s7 =	sld [smem:$0x3F94]  }
0x1a: {  	s8 =	sadd.s32 $0xFFFFE003, lr  }
0x1b: {  	s9 =	sadd.s32 $0xFFFFFEF7, lr;
	s5 =	simm.s32 $0xFFFFFFFF;
	p2 =	slt.u32 s8, $0xFFFFF086  }
0x1c: {  	p1 =	slt.u32 s9, $0xF7A;
	s5 =	simm.s32 @!p2 $0x0  }
0x1d: {  	s5 =	simm.s32 @p1 $0x1;
	p0 =	seq.s32 s7, s2  }
0x1e: {  	s7 =	smul.u32 @!p0 $0xF7A, s2;
	p2 =	seq.s32 @!p0 s5, $0x0  }
0x1f: {  	s9 =	smul.u32 $0xF7A, s1;
	s8 =	simm.s32 @!p0 $0x1BF5;
	p2 =	por !p2, p0  }
0x20: {  	[sflag:s8] =	ssyncset.s32 @!p0 $0xFFFFF086;
	s6 =	sadd.s32 @!p0 s3, s7;
	s7 =	simm.s32 @!p0 $0x108  }
0x21: {  	s3 =	sadd.s32 s3, s9;
	s6 =	sadd.s32 @!p0 $0x88, s6;
	s7 =	simm.s32 @p2 $0x1082  }
0x22: {  	[simem:s7], [sflag:s8] =	dma.local @!p0 [hbm:s6], $0xF7A  }
0x23: {  	s9 =	sor.u32 $0xD0000000, s2;
	s6 =	simm.s32 $0x108;
	_ =	swait.ge @!p0 [sflag:s8], $0x0  }
0x24: {  	s3 =	sadd.s32 $0x88, s3;
	s6 =	simm.s32 @!p1 $0x1082;
	[sflag:s4] =	ssyncset.s32 $0xFFFFF086  }
0x25: {  	[simem:s6], [sflag:s4] =	dma.local [hbm:s3], $0xF7A  }
0x26: {  	[smem:$0x3F94] =	sst s1;
	(tag) =	ssettag s2;
	_ =	strace s9  }
0x27: {  	s1 =	sld [smem:$0x3FA4]  }
0x28: {  	s2 =	sld [smem:$0x3FA5]  }
0x29: {  	s4 =	sld [smem:$0x3FA7]  }
0x2a: {  	p0 =	seq.s32 s5, $0x0;
	s5 =	sld [smem:$0x3FA8]  }
0x2b: {  	s6 =	sld [smem:$0x3FA9]  }
0x2c: {  	s7 =	sld [smem:$0x3FAA]  }
0x2d: {  	s3 =	simm.s32 $0x108;
	s8 =	sld [smem:$0x3FAB]  }
0x2e: {  	s3 =	simm.s32 @!p0 $0x1082;
	s9 =	sld [smem:$0x3FAC]  }
0x2f: {  	lr =	sadd.s32 s0, s3;
	s0 =	sld [smem:$0x3FA3]  }
0x30: {  	s3 =	sld [smem:$0x3FA6]  }
0x31: {  	[smem:$0x3FAF] =	sst s10  }
0x32: {  	s10 =	sld [smem:$0x3FAD];
	_ =	sdelay $0x3  }
0x33: {  	p0 =	seq.s32 s10, $0x1;
	s10 =	sld [smem:$0x3FAF];
	_ =	sdelay $0x3  }
0x34: {  	[smem:$0x3FAF] =	sst s10  }
0x35: {  	s10 =	sld [smem:$0x3FAE];
	_ =	sdelay $0x3  }
0x36: {  	p1 =	seq.s32 s10, $0x1;
	s10 =	sld [smem:$0x3FAF];
	_ =	sdelay $0x3  }
0x37: {  	[smem:$0x3FAF] =	sst s10  }
0x38: {  	s10 =	sld [smem:$0x3FB0]  }
0x39: {  	_ = 	snop;
	(pc) =	sbr.ind lr, $3  }
0x3a: {  	_ = 	snop  }
0x3b: {  	_ = 	snop  }
0x3c: {  	p2 =	seq.s32 s10, $0x1;
	s10 =	sld [smem:$0x3FAF]  }
0x3d: {  	_ =	shalt  }
0x3e: {  	_ =	shalt  }
0x3f: {  	_ =	shalt  }
0x40: {  	_ =	shalt  }
0x41: {  	_ =	shalt  }
0x42: {  	_ =	shalt  }
0x43: {  	_ =	shalt  }
0x44: {  	_ =	shalt  }
0x45: {  	_ =	shalt  }
0x46: {  	_ =	shalt  }
0x47: {  	_ =	shalt  }
0x48: {  	_ =	shalt  }
0x49: {  	_ =	shalt  }
0x4a: {  	_ =	shalt  }
0x4b: {  	_ =	shalt  }
0x4c: {  	_ =	shalt  }
0x4d: {  	_ =	shalt  }
0x4e: {  	_ =	shalt  }
0x4f: {  	_ =	shalt  }
0x50: {  	_ =	shalt  }
0x51: {  	_ =	shalt  }
0x52: {  	_ =	shalt  }
0x53: {  	_ =	shalt  }
0x54: {  	_ =	shalt  }
0x55: {  	_ =	shalt  }
0x56: {  	_ =	shalt  }
0x57: {  	_ =	shalt  }
0x58: {  	_ =	shalt  }
0x59: {  	_ =	shalt  }
0x5a: {  	_ =	shalt  }
0x5b: {  	_ =	shalt  }
0x5c: {  	_ =	shalt  }
0x5d: {  	_ =	shalt  }
0x5e: {  	_ =	shalt  }
0x5f: {  	_ =	shalt  }
0x60: {  	_ =	shalt  }
0x61: {  	_ =	shalt  }
0x62: {  	_ =	shalt  }
0x63: {  	_ =	shalt  }
0x64: {  	_ =	shalt  }
0x65: {  	_ =	shalt  }
0x66: {  	_ =	shalt  }
0x67: {  	_ =	shalt  }
0x68: {  	_ =	shalt  }
0x69: {  	_ =	shalt  }
0x6a: {  	_ =	shalt  }
0x6b: {  	_ =	shalt  }
0x6c: {  	_ =	shalt  }
0x6d: {  	_ =	shalt  }
0x6e: {  	_ =	shalt  }
0x6f: {  	_ =	shalt  }
0x70: {  	_ =	shalt  }
0x71: {  	_ =	shalt  }
0x72: {  	_ =	shalt  }
0x73: {  	_ =	shalt  }
0x74: {  	_ =	shalt  }
0x75: {  	_ =	shalt  }
0x76: {  	_ =	shalt  }
0x77: {  	_ =	shalt  }
0x78: {  	_ =	shalt  }
0x79: {  	_ =	shalt  }
0x7a: {  	_ =	shalt  }
0x7b: {  	_ =	shalt  }
0x7c: {  	_ =	shalt  }
0x7d: {  	_ =	shalt  }
0x7e: {  	_ =	shalt  }
0x7f: {  	_ =	shalt  }
0x80: {  	_ =	shalt  }
0x81: {  	_ =	shalt  }
0x82: {  	_ =	shalt  }
0x83: {  	_ =	shalt  }
0x84: {  	_ =	shalt  }
0x85: {  	_ =	shalt  }
0x86: {  	_ =	shalt  }
0x87: {  	_ =	shalt  }
.Lfunc_end0:
.L_simem_size_0:
called_computation_lowered:
.L_overlay_start_0:
0x88: {  	s2 =	sld [smem:$0x3FD9]  }
0x89: {  	s3 =	sld [smem:$0x3FFE];
	_ =	sdelay $0x1  }
0x8a: {  	s1 =	srdreg.scid  }
0x8b: {  	s0 =	sand.u32 $0x1, s1  }
0x8c: {  	s16 =	sshll.u32 s0, $0xA;
	s2 =	sadd.s32 s3, s2  }
0x8d: {  	s2 =	sadd.s32 s2, s16  }
0x8e: {  	[smem:$0x3FBB] =	sst s2  }
0x8f: {  	_ = 	snop  }
0x90: {  	(tm) =	ssettm $0x1  }
0x91: {  	s17 =	sld [smem:$0x3FFB];
	_ =	sdelay $0x3  }
0x92: {  	_ =	strace s17  }
0x93: {  	s2 =	sld [smem:$0x3FFC];
	_ =	sdelay $0x3  }
0x94: {  	_ =	strace s2  }
0x95: {  	s2 =	sld [smem:$0x3FFD];
	_ =	sdelay $0x3  }
0x96: {  	_ =	strace s2  }
0x97: {  	_ =	strace $0x8FFFFFFF  }
0x98: {  	s18 =	sld [smem:$0x3FDB];
	_ =	sdelay $0x1  }
0x99: {  	s19 =	simm.s32 $_scs_section_size  }
0x9a: {  	s4 =	simm.s32 $_size__tile_overlayer_lowered;
	s5 =	simm.s32 $_tile_overlayer_lowered  }
0x9b: {  	s22 =	simm.s32 $0x1BFF;
	s21 =	sshll.u32 s5, $0x1;
	s2 =	sadd.s32 s19, s18  }
0x9c: {  	s6 =	simm.s32 $0x0;
	s20 =	sshll.u32 s4, $0x1;
	s4 =	sadd.s32 s21, s2  }
0x9d: {  	[timem:s6], [sflag:s22] =	dma.local [hbm:s4], s20  }
0x9e: {  	_ =	swait.ge [sflag:s22], s20  }
0x9f: {  	s3 =	ssub.s32 $0x0, s20;
	[sflag:s22] =	ssyncset.done $0x0  }
0xa0: {  	[sflag:s22] =	ssyncadd.s32 s3;
	_ =	sdelay $0x1  }
0xa1: {  	s23 =	simm.s32 $0x1B8B  }
0xa2: {  	_ =	swait.ge [sflag:s23], $0x1  }
0xa3: {  	[sflag:s23] =	ssyncset.done $0x0  }
0xa4: {  	s25 =	simm.s32 $0x1B8E;
	s24 =	sld [smem:$0x3FFE];
	[sflag:s23] =	ssyncadd.s32 $0xFFFFFFFF  }
0xa5: {  	s26 =	simm.s32 $execute0_lowered;
	[smem:$0x3FD2] =	sst s25  }
0xa6: {  	s4 =	sshll.u32 s26, $0x1;
	_ =	strace $0x80000046;
	[dreg:$0x1] =	wrdreg $0xFFFFFFFF  }
0xa7: {  	s28 =	simm.s32 $_size_execute0_lowered;
	s2 =	sadd.s32 s2, s4;
	[dreg:$0x0] =	wrdreg $0x0  }
0xa8: {  	s4 =	sshll.u32 s28, $0x1;
	[dreg:$0x2] =	wrdreg s2  }
0xa9: {  	[dreg:$0x3] =	wrdreg s4  }
0xaa: {  	[dreg:$0x4] =	wrdreg $0xC0  }
0xab: {  	_ =	task [dreg:s6], $0x5FFFF  }
0xac: {  	[dreg:$0x1] =	wrdreg $0xFFFFFFFF  }
0xad: {  	[dreg:$0x0] =	wrdreg $0x60  }
0xae: {  	[dreg:$0x2] =	wrdreg s24  }
0xaf: {  	[dreg:$0x3] =	wrdreg $0x68000  }
0xb0: {  	[dreg:$0x4] =	wrdreg $0x9  }
0xb1: {  	_ =	task.clear_ibuf [dreg:s6], $0x5FFFF;
	_ =	strace $0x90000046  }
0xb2: {  	s29 =	simm.s32 $0x9;
	_ =	strace $0x80000048  }
0xb3: {  	_ =	swait.ge [sflag:s29], $0x1  }
0xb4: {  	[sflag:s29] =	ssyncadd.s32 $0xFFFFFFFF  }
0xb5: {  	_ =	strace $0x90000048  }
0xb6: {  	_ =	sfence  }
0xb7: {  	s30 =	sld [smem:$0x0];
	_ =	sdelay $0x2  }
0xb8: {  	s31 =	sshll.u32 s1, $0xD;
	s1 =	sshrl.u32 s1, $0x2  }
0xb9: {  	s3 =	sand.u32 $0x4000, s31;
	s1 =	sadd.s32 s1, s30  }
0xba: {  	s0 =	sor.u32 s3, s0;
	s1 =	sshll.u32 s1, $0x11  }
0xbb: {  	s0 =	sor.u32 s1, s0  }
0xbc: {  	s0 =	sadd.s32 $0x8F2B, s0  }
0xbd: {  	[sflag:s0] =	ssyncadd.remote.s32 $0x1  }
0xbe: {  	_ =	sfence.sel $0xFFFF  }
0xbf: {  	[dreg:$0x0] =	wrdreg $0xFFFFFFFF;
	(pc) =	sbr.abs _section_cstart, $3  }
0xc0: {  	[dreg:$0x1] =	wrdreg $0xFFFFFFFF  }
0xc1: {  	_ =	task.clear_ibuf [dreg:s6], $0x2FFFF;
	_ =	strace $0x9FFFFFFF  }
0xc2: {  	(tm) =	ssettm $0x7FFFFFFF  }
0xc3: {  	_ =	shalt  }
tec
execute0_lowered:
.L_overlay_start_1:
0x0: {  	(tag) =	ssettag $0x1  }
0x1: {  	s1 =	srdreg.scid;
	s6 =	rddreg [dreg:$0x0]  }
0x2: {  	s0 =	stileid.u32;
	s2 =	rddreg [dreg:$0x1];
	s3 =	simm.s32 $0x0  }
0x3: {  	s15 =	simm.s32 $0x2800;
	s16 =	simm.s32 $0x0;
	s4 =	sand.u32 $0x1, s1  }
0x4: {  	s24 =	sshll.u32 s0, $0x1;
	s1 =	rddreg [dreg:$0x2];
	s7 =	smul.u32 $0x13800, s0  }
0x5: {  	[smem:$0x7FF] =	sst s3;
	s10 =	smul.u32 $0x4E000, s0;
	s11 =	sadd.s32 $0x35800, s6  }
0x6: {  	s29 =	sshll.u32 s0, $0x6;
	s14 =	sadd.s32 $0x138000, s2;
	p0 =	sne.s32 s0, $0xF  }
0x7: {  	s5 =	sor.u32 s4, s24;
	s9 =	ssub.s32 $0x2, s4;
	s28 =	smul.u32 $0x138800, s4  }
0x8: {  	_ =	strace $0x80000047;
	s5 =	smul.u32 $0x500, s5;
	s12 =	sshrl.u32 s9, $0x1  }
0x9: {  	s25 =	sshrl.u32 s7, $0x3;
	s26 =	sshrl.u32 s10, $0x2;
	s12 =	ssub.s32 s9, s12  }
0xa: {  	s13 =	sadd.s32 s26, s2;
	s7 =	sadd.s32 s7, s28;
	s10 =	sshrl.u32 s28, $0x3  }
0xb: {  	s8 =	sadd.s32 s5, s6;
	s5 =	sadd.s32 s25, s6;
	s6 =	sadd.s32 $0x35600, s6  }
0xc: {  	s30 =	sshrl.u32 s7, $0x3;
	s31 =	sadd.s32 s11, s10;
	s10 =	smax.u32 s12, $0x1  }
0xd: {  	s12 =	simm.s32 $0x1;
	s4 =	sadd.s32 $0xE600, s5;
	s5 =	sor.u32 $0x1C01, s29  }
0xe: {  	s7 =	sadd.s32 $0x4600, s8;
	s8 =	sadd.s32 s11, s30;
	s9 =	sadd.s32 $0x27000, s31  }
0xf: {  	v0 =	vimm.f32 $1.000000000e+00;
	s11 =	sshrl.u32 s13, $0x3;
	s13 =	sshrl.u32 @!p0 s14, $0x3;
	s14 =	simm.s32 $0x7D  }
.LBB2_1:
0x10: {  	[spmem:s11], [sflag:s5] =	dma.local [hbm:s4], $0x2700  }
0x11: {  	_ =	swait.ge [sflag:s12], $0x2700  }
0x12: {  	[sflag:s12] =	ssyncset.done $0x0  }
0x13: {  	s17 =	simm.s32 @!p0 $0x1;
	[sflag:s12] =	ssyncadd.s32 $0xFFFFD900  }
0x14: {  	[spmem:s13], [sflag:s5] =	dma.local @!p0 [hbm:s6], $0x100  }
0x15: {  	_ =	swait.ge @!p0 [sflag:s17], $0x100  }
0x16: {  	[sflag:s17] =	ssyncset.done @!p0 $0x0  }
0x17: {  	[sflag:s17] =	ssyncadd.s32 @!p0 $0xFFFFFF00  }
0x18: {  	[tilespmem:s3], [sflag:$0x1] =	stream.linear.gather [hbm4b:s7+s3], $0x2800, $0x38;
	[tilespmem:$0x8F10] =	vst v63  }
0x19: {  	_ =	swait.ge [sflag:s12], $0x2800  }
0x1a: {  	[sflag:s12] =	ssyncset.done $0x0  }
0x1b: {  	s18 =	simm.s32 $0x0;
	s17 =	simm.s32 $0x200;
	[sflag:s12] =	ssyncadd.s32 $0xFFFFD800  }
.LBB2_2:
0x1c: {  	p1 =	sne.s32 s17, $0xF800;
	[tilespmem:s18+$0x2800] =	vst v0;
	s18 =	smov.u32 s17;
	s17 =	sadd.s32 $0x200, s17  }
.Ltmp0:
0x1d: {  	(pc) =	sbr.rel @p1 .LBB2_2-.Ltmp0, $2  }
0x1e: {  	_ =	sdelay $0x2  }
0x1f: {  	s18 =	sshra.s32 s18, $0x2  }
0x20: {  	[tilespmem:s18+$0x2800] =	vst v0  }
0x21: {  	s17 =	simm.s32 $0x0;
	[bflag:$0x0] =	sbarrier.arrive $0xFFFF  }
0x22: {  	[spmem:s2] =	stream.indirect.scatter.add.f32 [tilespmem:s15], [sflag:$0x1], $0x10, s17, s14, $0xb8;
	[tilespmem:$0x8F10] =	vst v63  }
0x23: {  	_ =	swait.ge [sflag:s12], $0x7D0  }
0x24: {  	s17 =	simm.s32 $0x200;
	[sflag:s12] =	ssyncset.done $0x0  }
.LBB2_4:
0x25: {  	s18 =	sshra.s32 s17, $0x2;
	[sflag:s12] =	ssyncadd.s32 $0xFFFFF830;
	p1 =	sne.s32 s17, $0x9E00  }
0x26: {  	[spmem:s2] =	stream.indirect.scatter.add.f32 [tilespmem:s15], [sflag:$0x1], $0x10, s18, s14, $0xb8;
	[tilespmem:$0x8F10] =	vst v63  }
.Ltmp1:
0x27: {  	_ = 	snop;
	(pc) =	sbr.rel @p1 .LBB2_4-.Ltmp1, $4  }
0x28: {  	_ = 	snop  }
0x29: {  	s17 =	sadd.s32 $0x200, s17  }
0x2a: {  	_ =	swait.ge [sflag:s12], $0x7D0  }
0x2b: {  	[sflag:s12] =	ssyncset.done $0x0  }
0x2c: {  	[sflag:s12] =	ssyncadd.s32 $0xFFFFF830  }
0x2d: {  	[bflag:$0x0] =	sbarrier.arrive $0xFFFF  }
0x2e: {  	[hbm:s8], [sflag:s5] =	dma.local [spmem:s11], $0x2700  }
0x2f: {  	s16 =	sadd.s32 $0x1, s16;
	_ =	swait.ge [sflag:s12], $0x2700  }
0x30: {  	p1 =	sne.s32 s16, s10;
	[sflag:s12] =	ssyncset.done $0x0  }
.Ltmp2:
0x31: {  	s17 =	simm.s32 @!p0 $0x1;
	[sflag:s12] =	ssyncadd.s32 $0xFFFFD900;
	(pc) =	sbr.rel @p1 .LBB2_1-.Ltmp2, $4  }
0x32: {  	[hbm:s9], [sflag:s5] =	dma.local @!p0 [spmem:s13], $0x100  }
0x33: {  	_ =	swait.ge @!p0 [sflag:s17], $0x100  }
0x34: {  	[sflag:s17] =	ssyncset.done @!p0 $0x0  }
0x35: {  	[sflag:s17] =	ssyncadd.s32 @!p0 $0xFFFFFF00  }
0x36: {  	_ =	sfence.sel $0x180000  }
0x37: {  	[bflag:$0x0] =	sbarrier.arrive $0xFFFF  }
0x38: {  	p0 =	sne.s32 s0, $0x0;
	_ =	strace $0x90000047  }
0x39: {  	s0 =	sadd.s32 @!p0 $0x100000, s1;
	[bflag:$0x2] =	sbarrier.arrive $0xFFFF  }
0x3a: {  	[sflag:s0] =	ssyncadd.tile.s32 @!p0 $0x1;
	_ =	shalt  }
.Lfunc_end2:
_tile_overlayer_lowered:
.L_overlay_start_2:
0x3b: {  	(tag) =	ssettag $0x2  }
0x3c: {  	s0 =	rddreg [dreg:$0x0];
	s2 =	stileid.u32  }
0x3d: {  	s1 =	rddreg [dreg:$0x1];
	p0 =	sne.s32 s2, $0x0  }
0x3e: {  	s3 =	rddreg [dreg:$0x2];
	[bflag:$0x3] =	sbarrier.arrive $0xFFFF;
	s2 =	simm.s32 @!p0 $0x1C01  }
0x3f: {  	[timem:s3], [sflag:s2] =	dma.local @!p0 [hbm:s0], s1  }
0x40: {  	s0 =	simm.s32 @!p0 $0x1  }
0x41: {  	_ =	swait.ge @!p0 [sflag:s0], s1  }
0x42: {  	s1 =	ssub.s32 @!p0 $0x0, s1;
	[sflag:s0] =	ssyncset.done @!p0 $0x0  }
0x43: {  	[sflag:s0] =	ssyncadd.s32 @!p0 s1  }
0x44: {  	[bflag:$0x3] =	sbarrier.arrive $0xFFFF  }
0x45: {  	_ =	shalt  }

// kernel: kernel.15.cloned.1.call-start
scs
__scs_entry_jumppad:
0x0: {  	(pc) =	sbr.rel $0x88, $3  }
0x1: {  	(tag) =	ssettag $0x0;
	lr =	simm.s32 $0x1  }
0x2: {  	[smem:$0x3F94] =	sst lr;
	_ =	strace $0xD0000000  }
0x3: {  	_ = 	snop  }
0x4: {  	_ = 	snop  }
0x5: {  	_ = 	snop  }
0x6: {  	_ = 	snop  }
0x7: {  	_ = 	snop  }
__scs_overlays_trampoline_lowered:
0x8: {  	[smem:$0x3FA3] =	sst s0  }
0x9: {  	[smem:$0x3FA4] =	sst s1  }
0xa: {  	[smem:$0x3FA5] =	sst s2  }
0xb: {  	[smem:$0x3FA6] =	sst s3  }
0xc: {  	[smem:$0x3FA7] =	sst s4  }
0xd: {  	[smem:$0x3FA8] =	sst s5  }
0xe: {  	[smem:$0x3FA9] =	sst s6  }
0xf: {  	[smem:$0x3FAA] =	sst s7  }
0x10: {  	[smem:$0x3FAB] =	sst s8  }
0x11: {  	[smem:$0x3FAC] =	sst s9;
	s0 =	simm.s32 @!p0 $0x0  }
0x12: {  	s1 =	sld [smem:$0x3F92];
	s0 =	simm.s32 @p0 $0x1  }
0x13: {  	[smem:$0x3FAD] =	sst s0;
	s0 =	simm.s32 @!p1 $0x0  }
0x14: {  	s2 =	sld [smem:$0x3F91];
	s0 =	simm.s32 @p1 $0x1  }
0x15: {  	[smem:$0x3FAE] =	sst s0;
	s0 =	simm.s32 @!p2 $0x0  }
0x16: {  	s3 =	sld [smem:$0x3FDB];
	s0 =	simm.s32 @p2 $0x1  }
0x17: {  	s4 =	simm.s32 $0x1BF5;
	[smem:$0x3FB0] =	sst s0  }
0x18: {  	s0 =	sld [smem:$0x3F93];
	_ =	swait.ge [sflag:s4], $0x0  }
0x19: {  	s7 =	sld [smem:$0x3F94]  }
0x1a: {  	s8 =	sadd.s32 $0xFFFFE003, lr  }
0x1b: {  	s9 =	sadd.s32 $0xFFFFFEF7, lr;
	s5 =	simm.s32 $0xFFFFFFFF;
	p2 =	slt.u32 s8, $0xFFFFF086  }
0x1c: {  	p1 =	slt.u32 s9, $0xF7A;
	s5 =	simm.s32 @!p2 $0x0  }
0x1d: {  	s5 =	simm.s32 @p1 $0x1;
	p0 =	seq.s32 s7, s2  }
0x1e: {  	s7 =	smul.u32 @!p0 $0xF7A, s2;
	p2 =	seq.s32 @!p0 s5, $0x0  }
0x1f: {  	s9 =	smul.u32 $0xF7A, s1;
	s8 =	simm.s32 @!p0 $0x1BF5;
	p2 =	por !p2, p0  }
0x20: {  	[sflag:s8] =	ssyncset.s32 @!p0 $0xFFFFF086;
	s6 =	sadd.s32 @!p0 s3, s7;
	s7 =	simm.s32 @!p0 $0x108  }
0x21: {  	s3 =	sadd.s32 s3, s9;
	s6 =	sadd.s32 @!p0 $0x88, s6;
	s7 =	simm.s32 @p2 $0x1082  }
0x22: {  	[simem:s7], [sflag:s8] =	dma.local @!p0 [hbm:s6], $0xF7A  }
0x23: {  	s9 =	sor.u32 $0xD0000000, s2;
	s6 =	simm.s32 $0x108;
	_ =	swait.ge @!p0 [sflag:s8], $0x0  }
0x24: {  	s3 =	sadd.s32 $0x88, s3;
	s6 =	simm.s32 @!p1 $0x1082;
	[sflag:s4] =	ssyncset.s32 $0xFFFFF086  }
0x25: {  	[simem:s6], [sflag:s4] =	dma.local [hbm:s3], $0xF7A  }
0x26: {  	[smem:$0x3F94] =	sst s1;
	(tag) =	ssettag s2;
	_ =	strace s9  }
0x27: {  	s1 =	sld [smem:$0x3FA4]  }
0x28: {  	s2 =	sld [smem:$0x3FA5]  }
0x29: {  	s4 =	sld [smem:$0x3FA7]  }
0x2a: {  	p0 =	seq.s32 s5, $0x0;
	s5 =	sld [smem:$0x3FA8]  }
0x2b: {  	s6 =	sld [smem:$0x3FA9]  }
0x2c: {  	s7 =	sld [smem:$0x3FAA]  }
0x2d: {  	s3 =	simm.s32 $0x108;
	s8 =	sld [smem:$0x3FAB]  }
0x2e: {  	s3 =	simm.s32 @!p0 $0x1082;
	s9 =	sld [smem:$0x3FAC]  }
0x2f: {  	lr =	sadd.s32 s0, s3;
	s0 =	sld [smem:$0x3FA3]  }
0x30: {  	s3 =	sld [smem:$0x3FA6]  }
0x31: {  	[smem:$0x3FAF] =	sst s10  }
0x32: {  	s10 =	sld [smem:$0x3FAD];
	_ =	sdelay $0x3  }
0x33: {  	p0 =	seq.s32 s10, $0x1;
	s10 =	sld [smem:$0x3FAF];
	_ =	sdelay $0x3  }
0x34: {  	[smem:$0x3FAF] =	sst s10  }
0x35: {  	s10 =	sld [smem:$0x3FAE];
	_ =	sdelay $0x3  }
0x36: {  	p1 =	seq.s32 s10, $0x1;
	s10 =	sld [smem:$0x3FAF];
	_ =	sdelay $0x3  }
0x37: {  	[smem:$0x3FAF] =	sst s10  }
0x38: {  	s10 =	sld [smem:$0x3FB0]  }
0x39: {  	_ = 	snop;
	(pc) =	sbr.ind lr, $3  }
0x3a: {  	_ = 	snop  }
0x3b: {  	_ = 	snop  }
0x3c: {  	p2 =	seq.s32 s10, $0x1;
	s10 =	sld [smem:$0x3FAF]  }
0x3d: {  	_ =	shalt  }
0x3e: {  	_ =	shalt  }
0x3f: {  	_ =	shalt  }
0x40: {  	_ =	shalt  }
0x41: {  	_ =	shalt  }
0x42: {  	_ =	shalt  }
0x43: {  	_ =	shalt  }
0x44: {  	_ =	shalt  }
0x45: {  	_ =	shalt  }
0x46: {  	_ =	shalt  }
0x47: {  	_ =	shalt  }
0x48: {  	_ =	shalt  }
0x49: {  	_ =	shalt  }
0x4a: {  	_ =	shalt  }
0x4b: {  	_ =	shalt  }
0x4c: {  	_ =	shalt  }
0x4d: {  	_ =	shalt  }
0x4e: {  	_ =	shalt  }
0x4f: {  	_ =	shalt  }
0x50: {  	_ =	shalt  }
0x51: {  	_ =	shalt  }
0x52: {  	_ =	shalt  }
0x53: {  	_ =	shalt  }
0x54: {  	_ =	shalt  }
0x55: {  	_ =	shalt  }
0x56: {  	_ =	shalt  }
0x57: {  	_ =	shalt  }
0x58: {  	_ =	shalt  }
0x59: {  	_ =	shalt  }
0x5a: {  	_ =	shalt  }
0x5b: {  	_ =	shalt  }
0x5c: {  	_ =	shalt  }
0x5d: {  	_ =	shalt  }
0x5e: {  	_ =	shalt  }
0x5f: {  	_ =	shalt  }
0x60: {  	_ =	shalt  }
0x61: {  	_ =	shalt  }
0x62: {  	_ =	shalt  }
0x63: {  	_ =	shalt  }
0x64: {  	_ =	shalt  }
0x65: {  	_ =	shalt  }
0x66: {  	_ =	shalt  }
0x67: {  	_ =	shalt  }
0x68: {  	_ =	shalt  }
0x69: {  	_ =	shalt  }
0x6a: {  	_ =	shalt  }
0x6b: {  	_ =	shalt  }
0x6c: {  	_ =	shalt  }
0x6d: {  	_ =	shalt  }
0x6e: {  	_ =	shalt  }
0x6f: {  	_ =	shalt  }
0x70: {  	_ =	shalt  }
0x71: {  	_ =	shalt  }
0x72: {  	_ =	shalt  }
0x73: {  	_ =	shalt  }
0x74: {  	_ =	shalt  }
0x75: {  	_ =	shalt  }
0x76: {  	_ =	shalt  }
0x77: {  	_ =	shalt  }
0x78: {  	_ =	shalt  }
0x79: {  	_ =	shalt  }
0x7a: {  	_ =	shalt  }
0x7b: {  	_ =	shalt  }
0x7c: {  	_ =	shalt  }
0x7d: {  	_ =	shalt  }
0x7e: {  	_ =	shalt  }
0x7f: {  	_ =	shalt  }
0x80: {  	_ =	shalt  }
0x81: {  	_ =	shalt  }
0x82: {  	_ =	shalt  }
0x83: {  	_ =	shalt  }
0x84: {  	_ =	shalt  }
0x85: {  	_ =	shalt  }
0x86: {  	_ =	shalt  }
0x87: {  	_ =	shalt  }
.Lfunc_end0:
.L_simem_size_0:
called_computation.1_lowered:
.L_overlay_start_0:
0x88: {  	s2 =	sld [smem:$0x3FD9]  }
0x89: {  	s3 =	sld [smem:$0x3FFE];
	_ =	sdelay $0x1  }
0x8a: {  	s1 =	srdreg.scid  }
0x8b: {  	s0 =	sand.u32 $0x1, s1  }
0x8c: {  	s16 =	sshll.u32 s0, $0xA;
	s2 =	sadd.s32 s3, s2  }
0x8d: {  	s2 =	sadd.s32 s2, s16  }
0x8e: {  	[smem:$0x3FBB] =	sst s2  }
0x8f: {  	_ = 	snop  }
0x90: {  	(tm) =	ssettm $0x1  }
0x91: {  	s17 =	sld [smem:$0x3FFB];
	_ =	sdelay $0x3  }
0x92: {  	_ =	strace s17  }
0x93: {  	s2 =	sld [smem:$0x3FFC];
	_ =	sdelay $0x3  }
0x94: {  	_ =	strace s2  }
0x95: {  	s2 =	sld [smem:$0x3FFD];
	_ =	sdelay $0x3  }
0x96: {  	_ =	strace s2  }
0x97: {  	_ =	strace $0x8FFFFFFF  }
0x98: {  	s18 =	sld [smem:$0x3FDB];
	_ =	sdelay $0x1  }
0x99: {  	s19 =	simm.s32 $_scs_section_size  }
0x9a: {  	s4 =	simm.s32 $_size__tile_overlayer_lowered;
	s5 =	simm.s32 $_tile_overlayer_lowered  }
0x9b: {  	s22 =	simm.s32 $0x1BFF;
	s21 =	sshll.u32 s5, $0x1;
	s2 =	sadd.s32 s19, s18  }
0x9c: {  	s6 =	simm.s32 $0x0;
	s20 =	sshll.u32 s4, $0x1;
	s4 =	sadd.s32 s21, s2  }
0x9d: {  	[timem:s6], [sflag:s22] =	dma.local [hbm:s4], s20  }
0x9e: {  	_ =	swait.ge [sflag:s22], s20  }
0x9f: {  	s3 =	ssub.s32 $0x0, s20;
	[sflag:s22] =	ssyncset.done $0x0  }
0xa0: {  	[sflag:s22] =	ssyncadd.s32 s3;
	_ =	sdelay $0x1  }
0xa1: {  	s23 =	simm.s32 $0x1B8B  }
0xa2: {  	_ =	swait.ge [sflag:s23], $0x1  }
0xa3: {  	[sflag:s23] =	ssyncset.done $0x0  }
0xa4: {  	s25 =	simm.s32 $0x1B8E;
	s24 =	sld [smem:$0x3FFE];
	[sflag:s23] =	ssyncadd.s32 $0xFFFFFFFF  }
0xa5: {  	s26 =	simm.s32 $execute0_lowered;
	[smem:$0x3FD2] =	sst s25  }
0xa6: {  	s4 =	sshll.u32 s26, $0x1;
	_ =	strace $0x80000049;
	[dreg:$0x1] =	wrdreg $0xFFFFFFFF  }
0xa7: {  	s28 =	simm.s32 $_size_execute0_lowered;
	s2 =	sadd.s32 s2, s4;
	[dreg:$0x0] =	wrdreg $0x0  }
0xa8: {  	s4 =	sshll.u32 s28, $0x1;
	[dreg:$0x2] =	wrdreg s2  }
0xa9: {  	[dreg:$0x3] =	wrdreg s4  }
0xaa: {  	[dreg:$0x4] =	wrdreg $0xC0  }
0xab: {  	_ =	task [dreg:s6], $0x5FFFF  }
0xac: {  	[dreg:$0x1] =	wrdreg $0xFFFFFFFF  }
0xad: {  	[dreg:$0x0] =	wrdreg $0x60  }
0xae: {  	[dreg:$0x2] =	wrdreg s24  }
0xaf: {  	[dreg:$0x3] =	wrdreg $0xA8000  }
0xb0: {  	[dreg:$0x4] =	wrdreg $0x9  }
0xb1: {  	_ =	task.clear_ibuf [dreg:s6], $0x5FFFF;
	_ =	strace $0x90000049  }
0xb2: {  	s29 =	simm.s32 $0x9;
	_ =	strace $0x8000004B  }
0xb3: {  	_ =	swait.ge [sflag:s29], $0x1  }
0xb4: {  	[sflag:s29] =	ssyncadd.s32 $0xFFFFFFFF  }
0xb5: {  	_ =	strace $0x9000004B  }
0xb6: {  	_ =	sfence  }
0xb7: {  	s30 =	sld [smem:$0x0];
	_ =	sdelay $0x2  }
0xb8: {  	s31 =	sshll.u32 s1, $0xD;
	s1 =	sshrl.u32 s1, $0x2  }
0xb9: {  	s3 =	sand.u32 $0x4000, s31;
	s1 =	sadd.s32 s1, s30  }
0xba: {  	s0 =	sor.u32 s3, s0;
	s1 =	sshll.u32 s1, $0x11  }
0xbb: {  	s0 =	sor.u32 s1, s0  }
0xbc: {  	s0 =	sadd.s32 $0x8F2B, s0  }
0xbd: {  	[sflag:s0] =	ssyncadd.remote.s32 $0x1  }
0xbe: {  	_ =	sfence.sel $0xFFFF  }
0xbf: {  	[dreg:$0x0] =	wrdreg $0xFFFFFFFF;
	(pc) =	sbr.abs _section_cstart, $3  }
0xc0: {  	[dreg:$0x1] =	wrdreg $0xFFFFFFFF  }
0xc1: {  	_ =	task.clear_ibuf [dreg:s6], $0x2FFFF;
	_ =	strace $0x9FFFFFFF  }
0xc2: {  	(tm) =	ssettm $0x7FFFFFFF  }
0xc3: {  	_ =	shalt  }
tec
execute0_lowered:
.L_overlay_start_1:
0x0: {  	(tag) =	ssettag $0x1  }
0x1: {  	s0 =	rddreg [dreg:$0x0]  }
0x2: {  	s1 =	rddreg [dreg:$0x1]  }
0x3: {  	s3 =	simm.s32 $0x0;
	s2 =	stileid.u32;
	s5 =	srdreg.scid  }
0x4: {  	s20 =	simm.s32 $0x3;
	s21 =	simm.s32 $0x1400;
	s28 =	simm.s32 $0x1380  }
0x5: {  	s29 =	simm.s32 $0x2700;
	s30 =	simm.s32 $0x2780;
	s31 =	simm.s32 $0x0  }
0x6: {  	[smem:$0x7FF] =	sst s3;
	s4 =	sadd.s32 $0x35800, s0;
	s6 =	smul.u32 $0x2700, s2  }
0x7: {  	s13 =	sadd.s32 $0x83A00, s0;
	s14 =	sadd.s32 $0x4600, s0;
	s15 =	sand.u32 $0x1, s5  }
0x8: {  	s8 =	smul.u32 $0x4E000, s2;
	s16 =	sadd.s32 $0xB4C00, s0;
	s10 =	sshll.u32 s2, $0x1  }
0x9: {  	p2 =	seq.s32 s2, $0xF;
	s19 =	smul.u32 $0x13800, s2;
	p4 =	sne.s32 s2, $0xF  }
0xa: {  	_ =	strace $0x8000004A;
	s5 =	ssub.s32 $0x2, s15;
	s22 =	sor.u32 s15, s10  }
0xb: {  	p1 =	seq.s32 s15, $0x0;
	p0 =	seq.s32 s15, $0x1;
	s18 =	smul.u32 $0x138800, s15  }
0xc: {  	p3 =	sne.s32 s15, $0x0;
	s7 =	sadd.s32 s6, s0;
	s9 =	sshrl.u32 s5, $0x1  }
0xd: {  	s23 =	sshrl.u32 s8, $0x2;
	s6 =	sadd.s32 s4, s6;
	p1 =	por !p1, !p2  }
0xe: {  	s10 =	smul.u32 $0x2800, s22;
	s8 =	sadd.s32 $0x138000, s1;
	p2 =	por !p2, !p0  }
0xf: {  	s22 =	simm.s32 $0x7D;
	s17 =	ssub.s32 s5, s9;
	s5 =	sadd.s32 s23, s1  }
0x10: {  	[dreg:$0x3] =	wrdreg s6;
	s24 =	sadd.s32 $0x8DA00, s7;
	p1 =	por !p1, !p1  }
0x11: {  	s9 =	sadd.s32 $0x5C800, s0;
	p2 =	por !p2, !p2;
	s26 =	sadd.s32 s19, s18  }
0x12: {  	s18 =	sshrl.u32 s18, $0x3;
	s23 =	simm.s32 $0x2800;
	[dreg:$0x4] =	wrdreg s24  }
0x13: {  	s12 =	sshrl.u32 s10, $0x3;
	s10 =	sadd.s32 $0xB4A00, s0;
	s0 =	sshrl.u32 s26, $0x3  }
0x14: {  	s18 =	sadd.s32 s16, s18;
	s17 =	smax.u32 s17, $0x1;
	s19 =	sshrl.u32 @!p3 s5, $0x3  }
0x15: {  	s24 =	simm.s32 $0x1;
	s26 =	simm.s32 $0x2;
	s25 =	sadd.s32 $0x280, s12  }
0x16: {  	s11 =	sadd.s32 s13, s12;
	s12 =	sadd.s32 s14, s12;
	s15 =	sadd.s32 s16, s0  }
0x17: {  	s16 =	sadd.s32 $0x27000, s18;
	s0 =	sshll.u32 @!p3 s2, $0x6;
	s13 =	sadd.s32 s13, s25  }
0x18: {  	s14 =	sadd.s32 s14, s25;
	s18 =	sor.u32 @!p3 $0x1C03, s0;
	s25 =	simm.s32 $0x6800  }
.LBB2_1:
0x19: {  	s0 =	rddreg [dreg:$0x3]  }
0x1a: {  	[spmem:s19], [sflag:s18] =	dma.local @!p3 [hbm:s0], $0x2700  }
0x1b: {  	s0 =	simm.s32 @!p3 $0x3  }
0x1c: {  	_ =	swait.ge @!p3 [sflag:s0], $0x2700  }
0x1d: {  	s6 =	sshll.u32 @p0 s2, $0x6;
	[sflag:s0] =	ssyncset.done @!p3 $0x0;
	s7 =	rddreg [dreg:$0x4]  }
0x1e: {  	[sflag:s0] =	ssyncadd.s32 @!p3 $0xFFFFD900;
	s0 =	sor.u32 @p0 $0x1C03, s6;
	s6 =	sshrl.u32 @p0 s5, $0x3  }
0x1f: {  	[spmem:s6], [sflag:s0] =	dma.local @p0 [hbm:s7], $0x2700  }
0x20: {  	s0 =	simm.s32 @p0 $0x3  }
0x21: {  	_ =	swait.ge @p0 [sflag:s0], $0x2700  }
0x22: {  	[sflag:s0] =	ssyncset.done @p0 $0x0  }
0x23: {  	s6 =	simm.s32 @p1 $0x1FC3;
	[sflag:s0] =	ssyncadd.s32 @p0 $0xFFFFD900;
	s0 =	sshrl.u32 @p1 s8, $0x3  }
0x24: {  	[spmem:s0], [sflag:s6] =	dma.local @p1 [hbm:s9], $0x100  }
0x25: {  	s0 =	simm.s32 @p1 $0x3  }
0x26: {  	_ =	swait.ge @p1 [sflag:s0], $0x100  }
0x27: {  	[sflag:s0] =	ssyncset.done @p1 $0x0  }
0x28: {  	s6 =	simm.s32 @p2 $0x1FC3;
	[sflag:s0] =	ssyncadd.s32 @p1 $0xFFFFFF00;
	s0 =	sshrl.u32 @p2 s8, $0x3  }
0x29: {  	[spmem:s0], [sflag:s6] =	dma.local @p2 [hbm:s10], $0x100  }
0x2a: {  	s0 =	simm.s32 @p2 $0x3  }
0x2b: {  	_ =	swait.ge @p2 [sflag:s0], $0x100  }
0x2c: {  	[sflag:s0] =	ssyncset.done @p2 $0x0  }
0x2d: {  	[sflag:s0] =	ssyncadd.s32 @p2 $0xFFFFFF00  }
0x2e: {  	[bflag:$0x0] =	sbarrier.arrive $0xFFFF  }
0x2f: {  	[tilespmem:s3], [sflag:$0x3] =	stream.linear.gather [hbm4b:s11+s3], $0x1400, $0x38;
	[tilespmem:$0x1E080] =	vst v63  }
0x30: {  	_ =	swait.ge [sflag:s20], $0x1400  }
0x31: {  	[sflag:s20] =	ssyncset.done $0x0  }
0x32: {  	[sflag:s20] =	ssyncadd.s32 $0xFFFFEC00  }
0x33: {  	[tilespmem:s21], [sflag:$0x3] =	stream.linear.gather [hbm4b:s12+s3], $0x1400, $0x38;
	[tilespmem:$0x1E080] =	vst v63  }
0x34: {  	_ =	swait.ge [sflag:s20], $0x1400  }
0x35: {  	[sflag:s20] =	ssyncset.done $0x0  }
0x36: {  	[sflag:s20] =	ssyncadd.s32 $0xFFFFEC00  }
0x37: {  	[tilespmem:s23], [sflag:$0x1] =	stream.indirect.gather [hbm4b:s4+s22], $0x80, s3, s22, $0xb8;
	[tilespmem:$0x1E080] =	vst v63  }
0x38: {  	_ =	swait.ge [sflag:s24], $0x3E80  }
0x39: {  	[sflag:s24] =	ssyncset.done $0x0  }
0x3a: {  	s6 =	simm.s32 $0x80;
	[sflag:s24] =	ssyncadd.s32 $0xFFFFC180  }
0x3b: {  	[tilespmem:s25], [sflag:$0x2] =	stream.indirect.gather [hbm4b:s4+s22], $0x80, s6, s22, $0xb8;
	[tilespmem:$0x1E080] =	vst v63  }
0x3c: {  	s7 =	simm.s32 $0x1400  }
0x3d: {  	[spmem:s1] =	stream.indirect.scatter.add.f32 [tilespmem:s23], [sflag:$0x3], $0x80, s7, s22, $0xb8;
	[tilespmem:$0x1E080] =	vst v63  }
0x3e: {  	_ =	swait.ge [sflag:s20], $0x3E80  }
0x3f: {  	[sflag:s20] =	ssyncset.done $0x0  }
0x40: {  	[sflag:s20] =	ssyncadd.s32 $0xFFFFC180  }
0x41: {  	_ =	swait.ge [sflag:s26], $0x3E80  }
0x42: {  	[sflag:s26] =	ssyncset.done $0x0  }
0x43: {  	s6 =	simm.s32 $0x100;
	[sflag:s26] =	ssyncadd.s32 $0xFFFFC180  }
0x44: {  	[tilespmem:s23], [sflag:$0x1] =	stream.indirect.gather [hbm4b:s4+s22], $0x80, s6, s22, $0xb8;
	[tilespmem:$0x1E080] =	vst v63  }
0x45: {  	s7 =	simm.s32 $0x1480  }
0x46: {  	[spmem:s1] =	stream.indirect.scatter.add.f32 [tilespmem:s25], [sflag:$0x3], $0x80, s7, s22, $0xb8;
	[tilespmem:$0x1E080] =	vst v63  }
0x47: {  	_ =	swait.ge [sflag:s20], $0x3E80  }
0x48: {  	s0 =	simm.s32 $0x400;
	[sflag:s20] =	ssyncset.done $0x0  }
.LBB2_2:
0x49: {  	p5 =	sne.s32 s0, $0x4800  }
0x4a: {  	[sflag:s20] =	ssyncadd.s32 $0xFFFFC180;
	s6 =	smov.u32 s0;
	s0 =	sadd.s32 $0x400, s0  }
0x4b: {  	_ = 	snop  }
0x4c: {  	_ =	swait.ge [sflag:s24], $0x3E80  }
0x4d: {  	s6 =	sshra.s32 s6, $0x2;
	[sflag:s24] =	ssyncset.done $0x0  }
0x4e: {  	s7 =	sadd.s32 $0x80, s6;
	[sflag:s24] =	ssyncadd.s32 $0xFFFFC180  }
0x4f: {  	[tilespmem:s25], [sflag:$0x2] =	stream.indirect.gather [hbm4b:s4+s22], $0x80, s7, s22, $0xb8;
	[tilespmem:$0x1E080] =	vst v63  }
0x50: {  	s7 =	sadd.s32 $0x1400, s6  }
0x51: {  	[spmem:s1] =	stream.indirect.scatter.add.f32 [tilespmem:s23], [sflag:$0x3], $0x80, s7, s22, $0xb8;
	[tilespmem:$0x1E080] =	vst v63  }
0x52: {  	_ =	swait.ge [sflag:s20], $0x3E80  }
0x53: {  	[sflag:s20] =	ssyncset.done $0x0  }
0x54: {  	[sflag:s20] =	ssyncadd.s32 $0xFFFFC180  }
0x55: {  	_ =	swait.ge [sflag:s26], $0x3E80  }
0x56: {  	[sflag:s26] =	ssyncset.done $0x0  }
0x57: {  	s7 =	sadd.s32 $0x100, s6;
	[sflag:s26] =	ssyncadd.s32 $0xFFFFC180  }
0x58: {  	[tilespmem:s23], [sflag:$0x1] =	stream.indirect.gather [hbm4b:s4+s22], $0x80, s7, s22, $0xb8;
	[tilespmem:$0x1E080] =	vst v63  }
.Ltmp0:
0x59: {  	_ = 	snop;
	(pc) =	sbr.rel @p5 .LBB2_2-.Ltmp0, $4  }
0x5a: {  	s6 =	sadd.s32 $0x1480, s6  }
0x5b: {  	[spmem:s1] =	stream.indirect.scatter.add.f32 [tilespmem:s25], [sflag:$0x3], $0x80, s6, s22, $0xb8;
	[tilespmem:$0x1E080] =	vst v63  }
0x5c: {  	_ =	swait.ge [sflag:s20], $0x3E80  }
0x5d: {  	[sflag:s20] =	ssyncset.done $0x0  }
0x5e: {  	[sflag:s20] =	ssyncadd.s32 $0xFFFFC180  }
0x5f: {  	_ =	swait.ge [sflag:s24], $0x3E80  }
0x60: {  	[sflag:s24] =	ssyncset.done $0x0  }
0x61: {  	[sflag:s24] =	ssyncadd.s32 $0xFFFFC180  }
0x62: {  	[tilespmem:s25], [sflag:$0x2] =	stream.indirect.gather [hbm4b:s4+s22], $0x80, s28, s22, $0xb8;
	[tilespmem:$0x1E080] =	vst v63  }
0x63: {  	_ = 	snop  }
0x64: {  	[spmem:s1] =	stream.indirect.scatter.add.f32 [tilespmem:s23], [sflag:$0x3], $0x80, s29, s22, $0xb8;
	[tilespmem:$0x1E080] =	vst v63  }
0x65: {  	_ =	swait.ge [sflag:s20], $0x3E80  }
0x66: {  	[sflag:s20] =	ssyncset.done $0x0  }
0x67: {  	[sflag:s20] =	ssyncadd.s32 $0xFFFFC180  }
0x68: {  	_ =	swait.ge [sflag:s26], $0x3E80  }
0x69: {  	[sflag:s26] =	ssyncset.done $0x0  }
0x6a: {  	[sflag:s26] =	ssyncadd.s32 $0xFFFFC180  }
0x6b: {  	[spmem:s1] =	stream.indirect.scatter.add.f32 [tilespmem:s25], [sflag:$0x3], $0x80, s30, s22, $0xb8;
	[tilespmem:$0x1E080] =	vst v63  }
0x6c: {  	_ =	swait.ge [sflag:s20], $0x3E80  }
0x6d: {  	[sflag:s20] =	ssyncset.done $0x0  }
0x6e: {  	s0 =	simm.s32 $0x0;
	[sflag:s20] =	ssyncadd.s32 $0xFFFFC180  }
0x6f: {  	[tilespmem:s0], [sflag:$0x3] =	stream.linear.gather [hbm4b:s13+s0], $0x1400, $0x38;
	[tilespmem:$0x1E080] =	vst v63  }
0x70: {  	_ =	swait.ge [sflag:s20], $0x1400  }
0x71: {  	[sflag:s20] =	ssyncset.done $0x0  }
0x72: {  	[sflag:s20] =	ssyncadd.s32 $0xFFFFEC00  }
0x73: {  	[tilespmem:s21], [sflag:$0x3] =	stream.linear.gather [hbm4b:s14+s0], $0x1400, $0x38;
	[tilespmem:$0x1E080] =	vst v63  }
0x74: {  	_ =	swait.ge [sflag:s20], $0x1400  }
0x75: {  	[sflag:s20] =	ssyncset.done $0x0  }
0x76: {  	[sflag:s20] =	ssyncadd.s32 $0xFFFFEC00  }
0x77: {  	[tilespmem:s23], [sflag:$0x1] =	stream.indirect.gather [hbm4b:s4+s22], $0x80, s0, s22, $0xb8;
	[tilespmem:$0x1E080] =	vst v63  }
0x78: {  	_ =	swait.ge [sflag:s24], $0x3E80  }
0x79: {  	[sflag:s24] =	ssyncset.done $0x0  }
0x7a: {  	s6 =	simm.s32 $0x80;
	[sflag:s24] =	ssyncadd.s32 $0xFFFFC180  }
0x7b: {  	[tilespmem:s25], [sflag:$0x2] =	stream.indirect.gather [hbm4b:s4+s22], $0x80, s6, s22, $0xb8;
	[tilespmem:$0x1E080] =	vst v63  }
0x7c: {  	s7 =	simm.s32 $0x1400  }
0x7d: {  	[spmem:s1] =	stream.indirect.scatter.add.f32 [tilespmem:s23], [sflag:$0x3], $0x80, s7, s22, $0xb8;
	[tilespmem:$0x1E080] =	vst v63  }
0x7e: {  	_ =	swait.ge [sflag:s20], $0x3E80  }
0x7f: {  	[sflag:s20] =	ssyncset.done $0x0  }
0x80: {  	[sflag:s20] =	ssyncadd.s32 $0xFFFFC180  }
0x81: {  	_ =	swait.ge [sflag:s26], $0x3E80  }
0x82: {  	[sflag:s26] =	ssyncset.done $0x0  }
0x83: {  	s6 =	simm.s32 $0x100;
	[sflag:s26] =	ssyncadd.s32 $0xFFFFC180  }
0x84: {  	[tilespmem:s23], [sflag:$0x1] =	stream.indirect.gather [hbm4b:s4+s22], $0x80, s6, s22, $0xb8;
	[tilespmem:$0x1E080] =	vst v63  }
0x85: {  	s7 =	simm.s32 $0x1480  }
0x86: {  	[spmem:s1] =	stream.indirect.scatter.add.f32 [tilespmem:s25], [sflag:$0x3], $0x80, s7, s22, $0xb8;
	[tilespmem:$0x1E080] =	vst v63  }
0x87: {  	_ =	swait.ge [sflag:s20], $0x3E80  }
0x88: {  	s0 =	simm.s32 $0x400;
	[sflag:s20] =	ssyncset.done $0x0  }
.LBB2_4:
0x89: {  	p5 =	sne.s32 s0, $0x4800  }
0x8a: {  	[sflag:s20] =	ssyncadd.s32 $0xFFFFC180;
	s6 =	smov.u32 s0;
	s0 =	sadd.s32 $0x400, s0  }
0x8b: {  	_ = 	snop  }
0x8c: {  	_ =	swait.ge [sflag:s24], $0x3E80  }
0x8d: {  	s6 =	sshra.s32 s6, $0x2;
	[sflag:s24] =	ssyncset.done $0x0  }
0x8e: {  	s7 =	sadd.s32 $0x80, s6;
	[sflag:s24] =	ssyncadd.s32 $0xFFFFC180  }
0x8f: {  	[tilespmem:s25], [sflag:$0x2] =	stream.indirect.gather [hbm4b:s4+s22], $0x80, s7, s22, $0xb8;
	[tilespmem:$0x1E080] =	vst v63  }
0x90: {  	s7 =	sadd.s32 $0x1400, s6  }
0x91: {  	[spmem:s1] =	stream.indirect.scatter.add.f32 [tilespmem:s23], [sflag:$0x3], $0x80, s7, s22, $0xb8;
	[tilespmem:$0x1E080] =	vst v63  }
0x92: {  	_ =	swait.ge [sflag:s20], $0x3E80  }
0x93: {  	[sflag:s20] =	ssyncset.done $0x0  }
0x94: {  	[sflag:s20] =	ssyncadd.s32 $0xFFFFC180  }
0x95: {  	_ =	swait.ge [sflag:s26], $0x3E80  }
0x96: {  	[sflag:s26] =	ssyncset.done $0x0  }
0x97: {  	s7 =	sadd.s32 $0x100, s6;
	[sflag:s26] =	ssyncadd.s32 $0xFFFFC180  }
0x98: {  	[tilespmem:s23], [sflag:$0x1] =	stream.indirect.gather [hbm4b:s4+s22], $0x80, s7, s22, $0xb8;
	[tilespmem:$0x1E080] =	vst v63  }
.Ltmp1:
0x99: {  	_ = 	snop;
	(pc) =	sbr.rel @p5 .LBB2_4-.Ltmp1, $4  }
0x9a: {  	s6 =	sadd.s32 $0x1480, s6  }
0x9b: {  	[spmem:s1] =	stream.indirect.scatter.add.f32 [tilespmem:s25], [sflag:$0x3], $0x80, s6, s22, $0xb8;
	[tilespmem:$0x1E080] =	vst v63  }
0x9c: {  	_ =	swait.ge [sflag:s20], $0x3E80  }
0x9d: {  	[sflag:s20] =	ssyncset.done $0x0  }
0x9e: {  	[sflag:s20] =	ssyncadd.s32 $0xFFFFC180  }
0x9f: {  	_ =	swait.ge [sflag:s24], $0x3E80  }
0xa0: {  	[sflag:s24] =	ssyncset.done $0x0  }
0xa1: {  	[sflag:s24] =	ssyncadd.s32 $0xFFFFC180  }
0xa2: {  	[tilespmem:s25], [sflag:$0x2] =	stream.indirect.gather [hbm4b:s4+s22], $0x80, s28, s22, $0xb8;
	[tilespmem:$0x1E080] =	vst v63  }
0xa3: {  	_ = 	snop  }
0xa4: {  	[spmem:s1] =	stream.indirect.scatter.add.f32 [tilespmem:s23], [sflag:$0x3], $0x80, s29, s22, $0xb8;
	[tilespmem:$0x1E080] =	vst v63  }
0xa5: {  	_ =	swait.ge [sflag:s20], $0x3E80  }
0xa6: {  	[sflag:s20] =	ssyncset.done $0x0  }
0xa7: {  	[sflag:s20] =	ssyncadd.s32 $0xFFFFC180  }
0xa8: {  	_ =	swait.ge [sflag:s26], $0x3E80  }
0xa9: {  	[sflag:s26] =	ssyncset.done $0x0  }
0xaa: {  	[sflag:s26] =	ssyncadd.s32 $0xFFFFC180  }
0xab: {  	[spmem:s1] =	stream.indirect.scatter.add.f32 [tilespmem:s25], [sflag:$0x3], $0x80, s30, s22, $0xb8;
	[tilespmem:$0x1E080] =	vst v63  }
0xac: {  	_ =	swait.ge [sflag:s20], $0x3E80  }
0xad: {  	[sflag:s20] =	ssyncset.done $0x0  }
0xae: {  	s0 =	sshll.u32 s2, $0x6;
	[sflag:s20] =	ssyncadd.s32 $0xFFFFC180  }
0xaf: {  	s6 =	sshrl.u32 s5, $0x3;
	s0 =	sor.u32 $0x1C03, s0;
	[bflag:$0x0] =	sbarrier.arrive $0xFFFF  }
0xb0: {  	[hbm:s15], [sflag:s0] =	dma.local [spmem:s6], $0x2700  }
0xb1: {  	_ =	swait.ge [sflag:s20], $0x2700  }
0xb2: {  	s31 =	sadd.s32 $0x1, s31;
	[sflag:s20] =	ssyncset.done $0x0  }
0xb3: {  	p5 =	sne.s32 s31, s17;
	s6 =	sshrl.u32 @!p4 s8, $0x3;
	[sflag:s20] =	ssyncadd.s32 $0xFFFFD900  }
0xb4: {  	[hbm:s16], [sflag:s0] =	dma.local @!p4 [spmem:s6], $0x100  }
.Ltmp2:
0xb5: {  	_ = 	snop;
	(pc) =	sbr.rel @p5 .LBB2_1-.Ltmp2, $4  }
0xb6: {  	s0 =	simm.s32 @!p4 $0x3  }
0xb7: {  	_ =	swait.ge @!p4 [sflag:s0], $0x100  }
0xb8: {  	[sflag:s0] =	ssyncset.done @!p4 $0x0  }
0xb9: {  	[sflag:s0] =	ssyncadd.s32 @!p4 $0xFFFFFF00  }
0xba: {  	_ =	sfence.sel $0x180000  }
0xbb: {  	[bflag:$0x0] =	sbarrier.arrive $0xFFFF  }
0xbc: {  	_ =	strace $0x9000004A  }
0xbd: {  	[bflag:$0x2] =	sbarrier.arrive $0xFFFF  }
0xbe: {  	p0 =	sne.s32 s2, $0x0;
	s0 =	rddreg [dreg:$0x2]  }
0xbf: {  	s0 =	sadd.s32 @!p0 $0x100000, s0  }
0xc0: {  	[sflag:s0] =	ssyncadd.tile.s32 @!p0 $0x1;
	_ =	shalt  }
.Lfunc_end2:
_tile_overlayer_lowered:
.L_overlay_start_2:
0xc1: {  	(tag) =	ssettag $0x2  }
0xc2: {  	s0 =	rddreg [dreg:$0x0];
	s2 =	stileid.u32  }
0xc3: {  	s1 =	rddreg [dreg:$0x1];
	p0 =	sne.s32 s2, $0x0  }
0xc4: {  	s3 =	rddreg [dreg:$0x2];
	[bflag:$0x3] =	sbarrier.arrive $0xFFFF;
	s2 =	simm.s32 @!p0 $0x1C03  }
0xc5: {  	[timem:s3], [sflag:s2] =	dma.local @!p0 [hbm:s0], s1  }
0xc6: {  	s0 =	simm.s32 @!p0 $0x3  }
0xc7: {  	_ =	swait.ge @!p0 [sflag:s0], s1  }
0xc8: {  	s1 =	ssub.s32 @!p0 $0x0, s1;
	[sflag:s0] =	ssyncset.done @!p0 $0x0  }
0xc9: {  	[sflag:s0] =	ssyncadd.s32 @!p0 s1  }
0xca: {  	[bflag:$0x3] =	sbarrier.arrive $0xFFFF  }
0xcb: {  	_ =	shalt  }

// kernel: kernel.18.cloned.1.call-start
scs
__scs_entry_jumppad:
0x0: {  	(pc) =	sbr.rel $0x88, $3  }
0x1: {  	(tag) =	ssettag $0x0;
	lr =	simm.s32 $0x1  }
0x2: {  	[smem:$0x3F94] =	sst lr;
	_ =	strace $0xD0000000  }
0x3: {  	_ = 	snop  }
0x4: {  	_ = 	snop  }
0x5: {  	_ = 	snop  }
0x6: {  	_ = 	snop  }
0x7: {  	_ = 	snop  }
__scs_overlays_trampoline_lowered:
0x8: {  	[smem:$0x3FA3] =	sst s0  }
0x9: {  	[smem:$0x3FA4] =	sst s1  }
0xa: {  	[smem:$0x3FA5] =	sst s2  }
0xb: {  	[smem:$0x3FA6] =	sst s3  }
0xc: {  	[smem:$0x3FA7] =	sst s4  }
0xd: {  	[smem:$0x3FA8] =	sst s5  }
0xe: {  	[smem:$0x3FA9] =	sst s6  }
0xf: {  	[smem:$0x3FAA] =	sst s7  }
0x10: {  	[smem:$0x3FAB] =	sst s8  }
0x11: {  	[smem:$0x3FAC] =	sst s9;
	s0 =	simm.s32 @!p0 $0x0  }
0x12: {  	s1 =	sld [smem:$0x3F92];
	s0 =	simm.s32 @p0 $0x1  }
0x13: {  	[smem:$0x3FAD] =	sst s0;
	s0 =	simm.s32 @!p1 $0x0  }
0x14: {  	s2 =	sld [smem:$0x3F91];
	s0 =	simm.s32 @p1 $0x1  }
0x15: {  	[smem:$0x3FAE] =	sst s0;
	s0 =	simm.s32 @!p2 $0x0  }
0x16: {  	s3 =	sld [smem:$0x3FDB];
	s0 =	simm.s32 @p2 $0x1  }
0x17: {  	s4 =	simm.s32 $0x1BF5;
	[smem:$0x3FB0] =	sst s0  }
0x18: {  	s0 =	sld [smem:$0x3F93];
	_ =	swait.ge [sflag:s4], $0x0  }
0x19: {  	s7 =	sld [smem:$0x3F94]  }
0x1a: {  	s8 =	sadd.s32 $0xFFFFE003, lr  }
0x1b: {  	s9 =	sadd.s32 $0xFFFFFEF7, lr;
	s5 =	simm.s32 $0xFFFFFFFF;
	p2 =	slt.u32 s8, $0xFFFFF086  }
0x1c: {  	p1 =	slt.u32 s9, $0xF7A;
	s5 =	simm.s32 @!p2 $0x0  }
0x1d: {  	s5 =	simm.s32 @p1 $0x1;
	p0 =	seq.s32 s7, s2  }
0x1e: {  	s7 =	smul.u32 @!p0 $0xF7A, s2;
	p2 =	seq.s32 @!p0 s5, $0x0  }
0x1f: {  	s9 =	smul.u32 $0xF7A, s1;
	s8 =	simm.s32 @!p0 $0x1BF5;
	p2 =	por !p2, p0  }
0x20: {  	[sflag:s8] =	ssyncset.s32 @!p0 $0xFFFFF086;
	s6 =	sadd.s32 @!p0 s3, s7;
	s7 =	simm.s32 @!p0 $0x108  }
0x21: {  	s3 =	sadd.s32 s3, s9;
	s6 =	sadd.s32 @!p0 $0x88, s6;
	s7 =	simm.s32 @p2 $0x1082  }
0x22: {  	[simem:s7], [sflag:s8] =	dma.local @!p0 [hbm:s6], $0xF7A  }
0x23: {  	s9 =	sor.u32 $0xD0000000, s2;
	s6 =	simm.s32 $0x108;
	_ =	swait.ge @!p0 [sflag:s8], $0x0  }
0x24: {  	s3 =	sadd.s32 $0x88, s3;
	s6 =	simm.s32 @!p1 $0x1082;
	[sflag:s4] =	ssyncset.s32 $0xFFFFF086  }
0x25: {  	[simem:s6], [sflag:s4] =	dma.local [hbm:s3], $0xF7A  }
0x26: {  	[smem:$0x3F94] =	sst s1;
	(tag) =	ssettag s2;
	_ =	strace s9  }
0x27: {  	s1 =	sld [smem:$0x3FA4]  }
0x28: {  	s2 =	sld [smem:$0x3FA5]  }
0x29: {  	s4 =	sld [smem:$0x3FA7]  }
0x2a: {  	p0 =	seq.s32 s5, $0x0;
	s5 =	sld [smem:$0x3FA8]  }
0x2b: {  	s6 =	sld [smem:$0x3FA9]  }
0x2c: {  	s7 =	sld [smem:$0x3FAA]  }
0x2d: {  	s3 =	simm.s32 $0x108;
	s8 =	sld [smem:$0x3FAB]  }
0x2e: {  	s3 =	simm.s32 @!p0 $0x1082;
	s9 =	sld [smem:$0x3FAC]  }
0x2f: {  	lr =	sadd.s32 s0, s3;
	s0 =	sld [smem:$0x3FA3]  }
0x30: {  	s3 =	sld [smem:$0x3FA6]  }
0x31: {  	[smem:$0x3FAF] =	sst s10  }
0x32: {  	s10 =	sld [smem:$0x3FAD];
	_ =	sdelay $0x3  }
0x33: {  	p0 =	seq.s32 s10, $0x1;
	s10 =	sld [smem:$0x3FAF];
	_ =	sdelay $0x3  }
0x34: {  	[smem:$0x3FAF] =	sst s10  }
0x35: {  	s10 =	sld [smem:$0x3FAE];
	_ =	sdelay $0x3  }
0x36: {  	p1 =	seq.s32 s10, $0x1;
	s10 =	sld [smem:$0x3FAF];
	_ =	sdelay $0x3  }
0x37: {  	[smem:$0x3FAF] =	sst s10  }
0x38: {  	s10 =	sld [smem:$0x3FB0]  }
0x39: {  	_ = 	snop;
	(pc) =	sbr.ind lr, $3  }
0x3a: {  	_ = 	snop  }
0x3b: {  	_ = 	snop  }
0x3c: {  	p2 =	seq.s32 s10, $0x1;
	s10 =	sld [smem:$0x3FAF]  }
0x3d: {  	_ =	shalt  }
0x3e: {  	_ =	shalt  }
0x3f: {  	_ =	shalt  }
0x40: {  	_ =	shalt  }
0x41: {  	_ =	shalt  }
0x42: {  	_ =	shalt  }
0x43: {  	_ =	shalt  }
0x44: {  	_ =	shalt  }
0x45: {  	_ =	shalt  }
0x46: {  	_ =	shalt  }
0x47: {  	_ =	shalt  }
0x48: {  	_ =	shalt  }
0x49: {  	_ =	shalt  }
0x4a: {  	_ =	shalt  }
0x4b: {  	_ =	shalt  }
0x4c: {  	_ =	shalt  }
0x4d: {  	_ =	shalt  }
0x4e: {  	_ =	shalt  }
0x4f: {  	_ =	shalt  }
0x50: {  	_ =	shalt  }
0x51: {  	_ =	shalt  }
0x52: {  	_ =	shalt  }
0x53: {  	_ =	shalt  }
0x54: {  	_ =	shalt  }
0x55: {  	_ =	shalt  }
0x56: {  	_ =	shalt  }
0x57: {  	_ =	shalt  }
0x58: {  	_ =	shalt  }
0x59: {  	_ =	shalt  }
0x5a: {  	_ =	shalt  }
0x5b: {  	_ =	shalt  }
0x5c: {  	_ =	shalt  }
0x5d: {  	_ =	shalt  }
0x5e: {  	_ =	shalt  }
0x5f: {  	_ =	shalt  }
0x60: {  	_ =	shalt  }
0x61: {  	_ =	shalt  }
0x62: {  	_ =	shalt  }
0x63: {  	_ =	shalt  }
0x64: {  	_ =	shalt  }
0x65: {  	_ =	shalt  }
0x66: {  	_ =	shalt  }
0x67: {  	_ =	shalt  }
0x68: {  	_ =	shalt  }
0x69: {  	_ =	shalt  }
0x6a: {  	_ =	shalt  }
0x6b: {  	_ =	shalt  }
0x6c: {  	_ =	shalt  }
0x6d: {  	_ =	shalt  }
0x6e: {  	_ =	shalt  }
0x6f: {  	_ =	shalt  }
0x70: {  	_ =	shalt  }
0x71: {  	_ =	shalt  }
0x72: {  	_ =	shalt  }
0x73: {  	_ =	shalt  }
0x74: {  	_ =	shalt  }
0x75: {  	_ =	shalt  }
0x76: {  	_ =	shalt  }
0x77: {  	_ =	shalt  }
0x78: {  	_ =	shalt  }
0x79: {  	_ =	shalt  }
0x7a: {  	_ =	shalt  }
0x7b: {  	_ =	shalt  }
0x7c: {  	_ =	shalt  }
0x7d: {  	_ =	shalt  }
0x7e: {  	_ =	shalt  }
0x7f: {  	_ =	shalt  }
0x80: {  	_ =	shalt  }
0x81: {  	_ =	shalt  }
0x82: {  	_ =	shalt  }
0x83: {  	_ =	shalt  }
0x84: {  	_ =	shalt  }
0x85: {  	_ =	shalt  }
0x86: {  	_ =	shalt  }
0x87: {  	_ =	shalt  }
.Lfunc_end0:
.L_simem_size_0:
called_computation.2_lowered:
.L_overlay_start_0:
0x88: {  	s2 =	sld [smem:$0x3FD9]  }
0x89: {  	s3 =	sld [smem:$0x3FFE];
	_ =	sdelay $0x1  }
0x8a: {  	s1 =	srdreg.scid  }
0x8b: {  	s0 =	sand.u32 $0x1, s1  }
0x8c: {  	s16 =	sshll.u32 s0, $0xA;
	s2 =	sadd.s32 s3, s2  }
0x8d: {  	s2 =	sadd.s32 s2, s16  }
0x8e: {  	[smem:$0x3FBB] =	sst s2  }
0x8f: {  	_ = 	snop  }
0x90: {  	(tm) =	ssettm $0x1  }
0x91: {  	s17 =	sld [smem:$0x3FFB];
	_ =	sdelay $0x3  }
0x92: {  	_ =	strace s17  }
0x93: {  	s2 =	sld [smem:$0x3FFC];
	_ =	sdelay $0x3  }
0x94: {  	_ =	strace s2  }
0x95: {  	s2 =	sld [smem:$0x3FFD];
	_ =	sdelay $0x3  }
0x96: {  	_ =	strace s2  }
0x97: {  	_ =	strace $0x8FFFFFFF  }
0x98: {  	s18 =	sld [smem:$0x3FDB];
	_ =	sdelay $0x1  }
0x99: {  	s19 =	simm.s32 $_scs_section_size  }
0x9a: {  	s4 =	simm.s32 $_size__tile_overlayer_lowered;
	s5 =	simm.s32 $_tile_overlayer_lowered  }
0x9b: {  	s22 =	simm.s32 $0x1BFF;
	s21 =	sshll.u32 s5, $0x1;
	s2 =	sadd.s32 s19, s18  }
0x9c: {  	s6 =	simm.s32 $0x0;
	s20 =	sshll.u32 s4, $0x1;
	s4 =	sadd.s32 s21, s2  }
0x9d: {  	[timem:s6], [sflag:s22] =	dma.local [hbm:s4], s20  }
0x9e: {  	_ =	swait.ge [sflag:s22], s20  }
0x9f: {  	s3 =	ssub.s32 $0x0, s20;
	[sflag:s22] =	ssyncset.done $0x0  }
0xa0: {  	[sflag:s22] =	ssyncadd.s32 s3;
	_ =	sdelay $0x1  }
0xa1: {  	s23 =	simm.s32 $0x1B8B  }
0xa2: {  	_ =	swait.ge [sflag:s23], $0x1  }
0xa3: {  	[sflag:s23] =	ssyncset.done $0x0  }
0xa4: {  	s25 =	simm.s32 $0x1B8E;
	s24 =	sld [smem:$0x3FFE];
	[sflag:s23] =	ssyncadd.s32 $0xFFFFFFFF  }
0xa5: {  	s26 =	simm.s32 $execute0_lowered;
	[smem:$0x3FD2] =	sst s25  }
0xa6: {  	s4 =	sshll.u32 s26, $0x1;
	_ =	strace $0x8000004C;
	[dreg:$0x1] =	wrdreg $0xFFFFFFFF  }
0xa7: {  	s28 =	simm.s32 $_size_execute0_lowered;
	s2 =	sadd.s32 s2, s4;
	[dreg:$0x0] =	wrdreg $0x0  }
0xa8: {  	s4 =	sshll.u32 s28, $0x1;
	[dreg:$0x2] =	wrdreg s2  }
0xa9: {  	[dreg:$0x3] =	wrdreg s4  }
0xaa: {  	[dreg:$0x4] =	wrdreg $0xC0  }
0xab: {  	_ =	task [dreg:s6], $0x5FFFF  }
0xac: {  	[dreg:$0x1] =	wrdreg $0xFFFFFFFF  }
0xad: {  	[dreg:$0x0] =	wrdreg $0x60  }
0xae: {  	[dreg:$0x2] =	wrdreg s24  }
0xaf: {  	[dreg:$0x3] =	wrdreg $0xA8000  }
0xb0: {  	[dreg:$0x4] =	wrdreg $0x9  }
0xb1: {  	_ =	task.clear_ibuf [dreg:s6], $0x5FFFF;
	_ =	strace $0x9000004C  }
0xb2: {  	s29 =	simm.s32 $0x9;
	_ =	strace $0x8000004E  }
0xb3: {  	_ =	swait.ge [sflag:s29], $0x1  }
0xb4: {  	[sflag:s29] =	ssyncadd.s32 $0xFFFFFFFF  }
0xb5: {  	_ =	strace $0x9000004E  }
0xb6: {  	_ =	sfence  }
0xb7: {  	s30 =	sld [smem:$0x0];
	_ =	sdelay $0x2  }
0xb8: {  	s31 =	sshll.u32 s1, $0xD;
	s1 =	sshrl.u32 s1, $0x2  }
0xb9: {  	s3 =	sand.u32 $0x4000, s31;
	s1 =	sadd.s32 s1, s30  }
0xba: {  	s0 =	sor.u32 s3, s0;
	s1 =	sshll.u32 s1, $0x11  }
0xbb: {  	s0 =	sor.u32 s1, s0  }
0xbc: {  	s0 =	sadd.s32 $0x8F2B, s0  }
0xbd: {  	[sflag:s0] =	ssyncadd.remote.s32 $0x1  }
0xbe: {  	_ =	sfence.sel $0xFFFF  }
0xbf: {  	[dreg:$0x0] =	wrdreg $0xFFFFFFFF;
	(pc) =	sbr.abs _section_cstart, $3  }
0xc0: {  	[dreg:$0x1] =	wrdreg $0xFFFFFFFF  }
0xc1: {  	_ =	task.clear_ibuf [dreg:s6], $0x2FFFF;
	_ =	strace $0x9FFFFFFF  }
0xc2: {  	(tm) =	ssettm $0x7FFFFFFF  }
0xc3: {  	_ =	shalt  }
tec
execute0_lowered:
.L_overlay_start_1:
0x0: {  	(tag) =	ssettag $0x1  }
0x1: {  	s0 =	rddreg [dreg:$0x0]  }
0x2: {  	s1 =	rddreg [dreg:$0x1]  }
0x3: {  	s3 =	simm.s32 $0x0;
	s2 =	stileid.u32;
	s5 =	srdreg.scid  }
0x4: {  	s20 =	simm.s32 $0x3;
	s21 =	simm.s32 $0x1400;
	s28 =	simm.s32 $0x1380  }
0x5: {  	s29 =	simm.s32 $0x2700;
	s30 =	simm.s32 $0x2780;
	s31 =	simm.s32 $0x0  }
0x6: {  	[smem:$0x7FF] =	sst s3;
	s4 =	sadd.s32 $0x35800, s0;
	s6 =	smul.u32 $0x2700, s2  }
0x7: {  	s13 =	sadd.s32 $0x83A00, s0;
	s14 =	sadd.s32 $0x4600, s0;
	s15 =	sand.u32 $0x1, s5  }
0x8: {  	s8 =	smul.u32 $0x4E000, s2;
	s16 =	sadd.s32 $0xB4C00, s0;
	s10 =	sshll.u32 s2, $0x1  }
0x9: {  	p2 =	seq.s32 s2, $0xF;
	s19 =	smul.u32 $0x13800, s2;
	p4 =	sne.s32 s2, $0xF  }
0xa: {  	_ =	strace $0x8000004D;
	s5 =	ssub.s32 $0x2, s15;
	s22 =	sor.u32 s15, s10  }
0xb: {  	p1 =	seq.s32 s15, $0x0;
	p0 =	seq.s32 s15, $0x1;
	s18 =	smul.u32 $0x138800, s15  }
0xc: {  	p3 =	sne.s32 s15, $0x0;
	s7 =	sadd.s32 s6, s0;
	s9 =	sshrl.u32 s5, $0x1  }
0xd: {  	s23 =	sshrl.u32 s8, $0x2;
	s6 =	sadd.s32 s4, s6;
	p1 =	por !p1, !p2  }
0xe: {  	s10 =	smul.u32 $0x2800, s22;
	s8 =	sadd.s32 $0x138000, s1;
	p2 =	por !p2, !p0  }
0xf: {  	s22 =	simm.s32 $0x7D;
	s17 =	ssub.s32 s5, s9;
	s5 =	sadd.s32 s23, s1  }
0x10: {  	[dreg:$0x3] =	wrdreg s6;
	s24 =	sadd.s32 $0x8DA00, s7;
	p1 =	por !p1, !p1  }
0x11: {  	s9 =	sadd.s32 $0x5C800, s0;
	p2 =	por !p2, !p2;
	s26 =	sadd.s32 s19, s18  }
0x12: {  	s18 =	sshrl.u32 s18, $0x3;
	s23 =	simm.s32 $0x2800;
	[dreg:$0x4] =	wrdreg s24  }
0x13: {  	s12 =	sshrl.u32 s10, $0x3;
	s10 =	sadd.s32 $0xB4A00, s0;
	s0 =	sshrl.u32 s26, $0x3  }
0x14: {  	s18 =	sadd.s32 s16, s18;
	s17 =	smax.u32 s17, $0x1;
	s19 =	sshrl.u32 @!p3 s5, $0x3  }
0x15: {  	s24 =	simm.s32 $0x1;
	s26 =	simm.s32 $0x2;
	s25 =	sadd.s32 $0x280, s12  }
0x16: {  	s11 =	sadd.s32 s13, s12;
	s12 =	sadd.s32 s14, s12;
	s15 =	sadd.s32 s16, s0  }
0x17: {  	s16 =	sadd.s32 $0x27000, s18;
	s0 =	sshll.u32 @!p3 s2, $0x6;
	s13 =	sadd.s32 s13, s25  }
0x18: {  	s14 =	sadd.s32 s14, s25;
	s18 =	sor.u32 @!p3 $0x1C03, s0;
	s25 =	simm.s32 $0x6800  }
.LBB2_1:
0x19: {  	s0 =	rddreg [dreg:$0x3]  }
0x1a: {  	[spmem:s19], [sflag:s18] =	dma.local @!p3 [hbm:s0], $0x2700  }
0x1b: {  	s0 =	simm.s32 @!p3 $0x3  }
0x1c: {  	_ =	swait.ge @!p3 [sflag:s0], $0x2700  }
0x1d: {  	s6 =	sshll.u32 @p0 s2, $0x6;
	[sflag:s0] =	ssyncset.done @!p3 $0x0;
	s7 =	rddreg [dreg:$0x4]  }
0x1e: {  	[sflag:s0] =	ssyncadd.s32 @!p3 $0xFFFFD900;
	s0 =	sor.u32 @p0 $0x1C03, s6;
	s6 =	sshrl.u32 @p0 s5, $0x3  }
0x1f: {  	[spmem:s6], [sflag:s0] =	dma.local @p0 [hbm:s7], $0x2700  }
0x20: {  	s0 =	simm.s32 @p0 $0x3  }
0x21: {  	_ =	swait.ge @p0 [sflag:s0], $0x2700  }
0x22: {  	[sflag:s0] =	ssyncset.done @p0 $0x0  }
0x23: {  	s6 =	simm.s32 @p1 $0x1FC3;
	[sflag:s0] =	ssyncadd.s32 @p0 $0xFFFFD900;
	s0 =	sshrl.u32 @p1 s8, $0x3  }
0x24: {  	[spmem:s0], [sflag:s6] =	dma.local @p1 [hbm:s9], $0x100  }
0x25: {  	s0 =	simm.s32 @p1 $0x3  }
0x26: {  	_ =	swait.ge @p1 [sflag:s0], $0x100  }
0x27: {  	[sflag:s0] =	ssyncset.done @p1 $0x0  }
0x28: {  	s6 =	simm.s32 @p2 $0x1FC3;
	[sflag:s0] =	ssyncadd.s32 @p1 $0xFFFFFF00;
	s0 =	sshrl.u32 @p2 s8, $0x3  }
0x29: {  	[spmem:s0], [sflag:s6] =	dma.local @p2 [hbm:s10], $0x100  }
0x2a: {  	s0 =	simm.s32 @p2 $0x3  }
0x2b: {  	_ =	swait.ge @p2 [sflag:s0], $0x100  }
0x2c: {  	[sflag:s0] =	ssyncset.done @p2 $0x0  }
0x2d: {  	[sflag:s0] =	ssyncadd.s32 @p2 $0xFFFFFF00  }
0x2e: {  	[bflag:$0x0] =	sbarrier.arrive $0xFFFF  }
0x2f: {  	[tilespmem:s3], [sflag:$0x3] =	stream.linear.gather [hbm4b:s11+s3], $0x1400, $0x38;
	[tilespmem:$0x1E080] =	vst v63  }
0x30: {  	_ =	swait.ge [sflag:s20], $0x1400  }
0x31: {  	[sflag:s20] =	ssyncset.done $0x0  }
0x32: {  	[sflag:s20] =	ssyncadd.s32 $0xFFFFEC00  }
0x33: {  	[tilespmem:s21], [sflag:$0x3] =	stream.linear.gather [hbm4b:s12+s3], $0x1400, $0x38;
	[tilespmem:$0x1E080] =	vst v63  }
0x34: {  	_ =	swait.ge [sflag:s20], $0x1400  }
0x35: {  	[sflag:s20] =	ssyncset.done $0x0  }
0x36: {  	[sflag:s20] =	ssyncadd.s32 $0xFFFFEC00  }
0x37: {  	[tilespmem:s23], [sflag:$0x1] =	stream.indirect.gather [hbm4b:s4+s22], $0x80, s3, s22, $0xb8;
	[tilespmem:$0x1E080] =	vst v63  }
0x38: {  	_ =	swait.ge [sflag:s24], $0x3E80  }
0x39: {  	[sflag:s24] =	ssyncset.done $0x0  }
0x3a: {  	s6 =	simm.s32 $0x80;
	[sflag:s24] =	ssyncadd.s32 $0xFFFFC180  }
0x3b: {  	[tilespmem:s25], [sflag:$0x2] =	stream.indirect.gather [hbm4b:s4+s22], $0x80, s6, s22, $0xb8;
	[tilespmem:$0x1E080] =	vst v63  }
0x3c: {  	s7 =	simm.s32 $0x1400  }
0x3d: {  	[spmem:s1] =	stream.indirect.scatter.add.f32 [tilespmem:s23], [sflag:$0x3], $0x80, s7, s22, $0xb8;
	[tilespmem:$0x1E080] =	vst v63  }
0x3e: {  	_ =	swait.ge [sflag:s20], $0x3E80  }
0x3f: {  	[sflag:s20] =	ssyncset.done $0x0  }
0x40: {  	[sflag:s20] =	ssyncadd.s32 $0xFFFFC180  }
0x41: {  	_ =	swait.ge [sflag:s26], $0x3E80  }
0x42: {  	[sflag:s26] =	ssyncset.done $0x0  }
0x43: {  	s6 =	simm.s32 $0x100;
	[sflag:s26] =	ssyncadd.s32 $0xFFFFC180  }
0x44: {  	[tilespmem:s23], [sflag:$0x1] =	stream.indirect.gather [hbm4b:s4+s22], $0x80, s6, s22, $0xb8;
	[tilespmem:$0x1E080] =	vst v63  }
0x45: {  	s7 =	simm.s32 $0x1480  }
0x46: {  	[spmem:s1] =	stream.indirect.scatter.add.f32 [tilespmem:s25], [sflag:$0x3], $0x80, s7, s22, $0xb8;
	[tilespmem:$0x1E080] =	vst v63  }
0x47: {  	_ =	swait.ge [sflag:s20], $0x3E80  }
0x48: {  	s0 =	simm.s32 $0x400;
	[sflag:s20] =	ssyncset.done $0x0  }
.LBB2_2:
0x49: {  	p5 =	sne.s32 s0, $0x4800  }
0x4a: {  	[sflag:s20] =	ssyncadd.s32 $0xFFFFC180;
	s6 =	smov.u32 s0;
	s0 =	sadd.s32 $0x400, s0  }
0x4b: {  	_ = 	snop  }
0x4c: {  	_ =	swait.ge [sflag:s24], $0x3E80  }
0x4d: {  	s6 =	sshra.s32 s6, $0x2;
	[sflag:s24] =	ssyncset.done $0x0  }
0x4e: {  	s7 =	sadd.s32 $0x80, s6;
	[sflag:s24] =	ssyncadd.s32 $0xFFFFC180  }
0x4f: {  	[tilespmem:s25], [sflag:$0x2] =	stream.indirect.gather [hbm4b:s4+s22], $0x80, s7, s22, $0xb8;
	[tilespmem:$0x1E080] =	vst v63  }
0x50: {  	s7 =	sadd.s32 $0x1400, s6  }
0x51: {  	[spmem:s1] =	stream.indirect.scatter.add.f32 [tilespmem:s23], [sflag:$0x3], $0x80, s7, s22, $0xb8;
	[tilespmem:$0x1E080] =	vst v63  }
0x52: {  	_ =	swait.ge [sflag:s20], $0x3E80  }
0x53: {  	[sflag:s20] =	ssyncset.done $0x0  }
0x54: {  	[sflag:s20] =	ssyncadd.s32 $0xFFFFC180  }
0x55: {  	_ =	swait.ge [sflag:s26], $0x3E80  }
0x56: {  	[sflag:s26] =	ssyncset.done $0x0  }
0x57: {  	s7 =	sadd.s32 $0x100, s6;
	[sflag:s26] =	ssyncadd.s32 $0xFFFFC180  }
0x58: {  	[tilespmem:s23], [sflag:$0x1] =	stream.indirect.gather [hbm4b:s4+s22], $0x80, s7, s22, $0xb8;
	[tilespmem:$0x1E080] =	vst v63  }
.Ltmp0:
0x59: {  	_ = 	snop;
	(pc) =	sbr.rel @p5 .LBB2_2-.Ltmp0, $4  }
0x5a: {  	s6 =	sadd.s32 $0x1480, s6  }
0x5b: {  	[spmem:s1] =	stream.indirect.scatter.add.f32 [tilespmem:s25], [sflag:$0x3], $0x80, s6, s22, $0xb8;
	[tilespmem:$0x1E080] =	vst v63  }
0x5c: {  	_ =	swait.ge [sflag:s20], $0x3E80  }
0x5d: {  	[sflag:s20] =	ssyncset.done $0x0  }
0x5e: {  	[sflag:s20] =	ssyncadd.s32 $0xFFFFC180  }
0x5f: {  	_ =	swait.ge [sflag:s24], $0x3E80  }
0x60: {  	[sflag:s24] =	ssyncset.done $0x0  }
0x61: {  	[sflag:s24] =	ssyncadd.s32 $0xFFFFC180  }
0x62: {  	[tilespmem:s25], [sflag:$0x2] =	stream.indirect.gather [hbm4b:s4+s22], $0x80, s28, s22, $0xb8;
	[tilespmem:$0x1E080] =	vst v63  }
0x63: {  	_ = 	snop  }
0x64: {  	[spmem:s1] =	stream.indirect.scatter.add.f32 [tilespmem:s23], [sflag:$0x3], $0x80, s29, s22, $0xb8;
	[tilespmem:$0x1E080] =	vst v63  }
0x65: {  	_ =	swait.ge [sflag:s20], $0x3E80  }
0x66: {  	[sflag:s20] =	ssyncset.done $0x0  }
0x67: {  	[sflag:s20] =	ssyncadd.s32 $0xFFFFC180  }
0x68: {  	_ =	swait.ge [sflag:s26], $0x3E80  }
0x69: {  	[sflag:s26] =	ssyncset.done $0x0  }
0x6a: {  	[sflag:s26] =	ssyncadd.s32 $0xFFFFC180  }
0x6b: {  	[spmem:s1] =	stream.indirect.scatter.add.f32 [tilespmem:s25], [sflag:$0x3], $0x80, s30, s22, $0xb8;
	[tilespmem:$0x1E080] =	vst v63  }
0x6c: {  	_ =	swait.ge [sflag:s20], $0x3E80  }
0x6d: {  	[sflag:s20] =	ssyncset.done $0x0  }
0x6e: {  	s0 =	simm.s32 $0x0;
	[sflag:s20] =	ssyncadd.s32 $0xFFFFC180  }
0x6f: {  	[tilespmem:s0], [sflag:$0x3] =	stream.linear.gather [hbm4b:s13+s0], $0x1400, $0x38;
	[tilespmem:$0x1E080] =	vst v63  }
0x70: {  	_ =	swait.ge [sflag:s20], $0x1400  }
0x71: {  	[sflag:s20] =	ssyncset.done $0x0  }
0x72: {  	[sflag:s20] =	ssyncadd.s32 $0xFFFFEC00  }
0x73: {  	[tilespmem:s21], [sflag:$0x3] =	stream.linear.gather [hbm4b:s14+s0], $0x1400, $0x38;
	[tilespmem:$0x1E080] =	vst v63  }
0x74: {  	_ =	swait.ge [sflag:s20], $0x1400  }
0x75: {  	[sflag:s20] =	ssyncset.done $0x0  }
0x76: {  	[sflag:s20] =	ssyncadd.s32 $0xFFFFEC00  }
0x77: {  	[tilespmem:s23], [sflag:$0x1] =	stream.indirect.gather [hbm4b:s4+s22], $0x80, s0, s22, $0xb8;
	[tilespmem:$0x1E080] =	vst v63  }
0x78: {  	_ =	swait.ge [sflag:s24], $0x3E80  }
0x79: {  	[sflag:s24] =	ssyncset.done $0x0  }
0x7a: {  	s6 =	simm.s32 $0x80;
	[sflag:s24] =	ssyncadd.s32 $0xFFFFC180  }
0x7b: {  	[tilespmem:s25], [sflag:$0x2] =	stream.indirect.gather [hbm4b:s4+s22], $0x80, s6, s22, $0xb8;
	[tilespmem:$0x1E080] =	vst v63  }
0x7c: {  	s7 =	simm.s32 $0x1400  }
0x7d: {  	[spmem:s1] =	stream.indirect.scatter.add.f32 [tilespmem:s23], [sflag:$0x3], $0x80, s7, s22, $0xb8;
	[tilespmem:$0x1E080] =	vst v63  }
0x7e: {  	_ =	swait.ge [sflag:s20], $0x3E80  }
0x7f: {  	[sflag:s20] =	ssyncset.done $0x0  }
0x80: {  	[sflag:s20] =	ssyncadd.s32 $0xFFFFC180  }
0x81: {  	_ =	swait.ge [sflag:s26], $0x3E80  }
0x82: {  	[sflag:s26] =	ssyncset.done $0x0  }
0x83: {  	s6 =	simm.s32 $0x100;
	[sflag:s26] =	ssyncadd.s32 $0xFFFFC180  }
0x84: {  	[tilespmem:s23], [sflag:$0x1] =	stream.indirect.gather [hbm4b:s4+s22], $0x80, s6, s22, $0xb8;
	[tilespmem:$0x1E080] =	vst v63  }
0x85: {  	s7 =	simm.s32 $0x1480  }
0x86: {  	[spmem:s1] =	stream.indirect.scatter.add.f32 [tilespmem:s25], [sflag:$0x3], $0x80, s7, s22, $0xb8;
	[tilespmem:$0x1E080] =	vst v63  }
0x87: {  	_ =	swait.ge [sflag:s20], $0x3E80  }
0x88: {  	s0 =	simm.s32 $0x400;
	[sflag:s20] =	ssyncset.done $0x0  }
.LBB2_4:
0x89: {  	p5 =	sne.s32 s0, $0x4800  }
0x8a: {  	[sflag:s20] =	ssyncadd.s32 $0xFFFFC180;
	s6 =	smov.u32 s0;
	s0 =	sadd.s32 $0x400, s0  }
0x8b: {  	_ = 	snop  }
0x8c: {  	_ =	swait.ge [sflag:s24], $0x3E80  }
0x8d: {  	s6 =	sshra.s32 s6, $0x2;
	[sflag:s24] =	ssyncset.done $0x0  }
0x8e: {  	s7 =	sadd.s32 $0x80, s6;
	[sflag:s24] =	ssyncadd.s32 $0xFFFFC180  }
0x8f: {  	[tilespmem:s25], [sflag:$0x2] =	stream.indirect.gather [hbm4b:s4+s22], $0x80, s7, s22, $0xb8;
	[tilespmem:$0x1E080] =	vst v63  }
0x90: {  	s7 =	sadd.s32 $0x1400, s6  }
0x91: {  	[spmem:s1] =	stream.indirect.scatter.add.f32 [tilespmem:s23], [sflag:$0x3], $0x80, s7, s22, $0xb8;
	[tilespmem:$0x1E080] =	vst v63  }
0x92: {  	_ =	swait.ge [sflag:s20], $0x3E80  }
0x93: {  	[sflag:s20] =	ssyncset.done $0x0  }
0x94: {  	[sflag:s20] =	ssyncadd.s32 $0xFFFFC180  }
0x95: {  	_ =	swait.ge [sflag:s26], $0x3E80  }
0x96: {  	[sflag:s26] =	ssyncset.done $0x0  }
0x97: {  	s7 =	sadd.s32 $0x100, s6;
	[sflag:s26] =	ssyncadd.s32 $0xFFFFC180  }
0x98: {  	[tilespmem:s23], [sflag:$0x1] =	stream.indirect.gather [hbm4b:s4+s22], $0x80, s7, s22, $0xb8;
	[tilespmem:$0x1E080] =	vst v63  }
.Ltmp1:
0x99: {  	_ = 	snop;
	(pc) =	sbr.rel @p5 .LBB2_4-.Ltmp1, $4  }
0x9a: {  	s6 =	sadd.s32 $0x1480, s6  }
0x9b: {  	[spmem:s1] =	stream.indirect.scatter.add.f32 [tilespmem:s25], [sflag:$0x3], $0x80, s6, s22, $0xb8;
	[tilespmem:$0x1E080] =	vst v63  }
0x9c: {  	_ =	swait.ge [sflag:s20], $0x3E80  }
0x9d: {  	[sflag:s20] =	ssyncset.done $0x0  }
0x9e: {  	[sflag:s20] =	ssyncadd.s32 $0xFFFFC180  }
0x9f: {  	_ =	swait.ge [sflag:s24], $0x3E80  }
0xa0: {  	[sflag:s24] =	ssyncset.done $0x0  }
0xa1: {  	[sflag:s24] =	ssyncadd.s32 $0xFFFFC180  }
0xa2: {  	[tilespmem:s25], [sflag:$0x2] =	stream.indirect.gather [hbm4b:s4+s22], $0x80, s28, s22, $0xb8;
	[tilespmem:$0x1E080] =	vst v63  }
0xa3: {  	_ = 	snop  }
0xa4: {  	[spmem:s1] =	stream.indirect.scatter.add.f32 [tilespmem:s23], [sflag:$0x3], $0x80, s29, s22, $0xb8;
	[tilespmem:$0x1E080] =	vst v63  }
0xa5: {  	_ =	swait.ge [sflag:s20], $0x3E80  }
0xa6: {  	[sflag:s20] =	ssyncset.done $0x0  }
0xa7: {  	[sflag:s20] =	ssyncadd.s32 $0xFFFFC180  }
0xa8: {  	_ =	swait.ge [sflag:s26], $0x3E80  }
0xa9: {  	[sflag:s26] =	ssyncset.done $0x0  }
0xaa: {  	[sflag:s26] =	ssyncadd.s32 $0xFFFFC180  }
0xab: {  	[spmem:s1] =	stream.indirect.scatter.add.f32 [tilespmem:s25], [sflag:$0x3], $0x80, s30, s22, $0xb8;
	[tilespmem:$0x1E080] =	vst v63  }
0xac: {  	_ =	swait.ge [sflag:s20], $0x3E80  }
0xad: {  	[sflag:s20] =	ssyncset.done $0x0  }
0xae: {  	s0 =	sshll.u32 s2, $0x6;
	[sflag:s20] =	ssyncadd.s32 $0xFFFFC180  }
0xaf: {  	s6 =	sshrl.u32 s5, $0x3;
	s0 =	sor.u32 $0x1C03, s0;
	[bflag:$0x0] =	sbarrier.arrive $0xFFFF  }
0xb0: {  	[hbm:s15], [sflag:s0] =	dma.local [spmem:s6], $0x2700  }
0xb1: {  	_ =	swait.ge [sflag:s20], $0x2700  }
0xb2: {  	s31 =	sadd.s32 $0x1, s31;
	[sflag:s20] =	ssyncset.done $0x0  }
0xb3: {  	p5 =	sne.s32 s31, s17;
	s6 =	sshrl.u32 @!p4 s8, $0x3;
	[sflag:s20] =	ssyncadd.s32 $0xFFFFD900  }
0xb4: {  	[hbm:s16], [sflag:s0] =	dma.local @!p4 [spmem:s6], $0x100  }
.Ltmp2:
0xb5: {  	_ = 	snop;
	(pc) =	sbr.rel @p5 .LBB2_1-.Ltmp2, $4  }
0xb6: {  	s0 =	simm.s32 @!p4 $0x3  }
0xb7: {  	_ =	swait.ge @!p4 [sflag:s0], $0x100  }
0xb8: {  	[sflag:s0] =	ssyncset.done @!p4 $0x0  }
0xb9: {  	[sflag:s0] =	ssyncadd.s32 @!p4 $0xFFFFFF00  }
0xba: {  	_ =	sfence.sel $0x180000  }
0xbb: {  	[bflag:$0x0] =	sbarrier.arrive $0xFFFF  }
0xbc: {  	_ =	strace $0x9000004D  }
0xbd: {  	[bflag:$0x2] =	sbarrier.arrive $0xFFFF  }
0xbe: {  	p0 =	sne.s32 s2, $0x0;
	s0 =	rddreg [dreg:$0x2]  }
0xbf: {  	s0 =	sadd.s32 @!p0 $0x100000, s0  }
0xc0: {  	[sflag:s0] =	ssyncadd.tile.s32 @!p0 $0x1;
	_ =	shalt  }
.Lfunc_end2:
_tile_overlayer_lowered:
.L_overlay_start_2:
0xc1: {  	(tag) =	ssettag $0x2  }
0xc2: {  	s0 =	rddreg [dreg:$0x0];
	s2 =	stileid.u32  }
0xc3: {  	s1 =	rddreg [dreg:$0x1];
	p0 =	sne.s32 s2, $0x0  }
0xc4: {  	s3 =	rddreg [dreg:$0x2];
	[bflag:$0x3] =	sbarrier.arrive $0xFFFF;
	s2 =	simm.s32 @!p0 $0x1C03  }
0xc5: {  	[timem:s3], [sflag:s2] =	dma.local @!p0 [hbm:s0], s1  }
0xc6: {  	s0 =	simm.s32 @!p0 $0x3  }
0xc7: {  	_ =	swait.ge @!p0 [sflag:s0], s1  }
0xc8: {  	s1 =	ssub.s32 @!p0 $0x0, s1;
	[sflag:s0] =	ssyncset.done @!p0 $0x0  }
0xc9: {  	[sflag:s0] =	ssyncadd.s32 @!p0 s1  }
0xca: {  	[bflag:$0x3] =	sbarrier.arrive $0xFFFF  }
0xcb: {  	_ =	shalt  }

// kernel: kernel.21.cloned.1.call-start
scs
__scs_entry_jumppad:
0x0: {  	(pc) =	sbr.rel $0x88, $3  }
0x1: {  	(tag) =	ssettag $0x0;
	lr =	simm.s32 $0x1  }
0x2: {  	[smem:$0x3F94] =	sst lr;
	_ =	strace $0xD0000000  }
0x3: {  	_ = 	snop  }
0x4: {  	_ = 	snop  }
0x5: {  	_ = 	snop  }
0x6: {  	_ = 	snop  }
0x7: {  	_ = 	snop  }
__scs_overlays_trampoline_lowered:
0x8: {  	[smem:$0x3FA3] =	sst s0  }
0x9: {  	[smem:$0x3FA4] =	sst s1  }
0xa: {  	[smem:$0x3FA5] =	sst s2  }
0xb: {  	[smem:$0x3FA6] =	sst s3  }
0xc: {  	[smem:$0x3FA7] =	sst s4  }
0xd: {  	[smem:$0x3FA8] =	sst s5  }
0xe: {  	[smem:$0x3FA9] =	sst s6  }
0xf: {  	[smem:$0x3FAA] =	sst s7  }
0x10: {  	[smem:$0x3FAB] =	sst s8  }
0x11: {  	[smem:$0x3FAC] =	sst s9;
	s0 =	simm.s32 @!p0 $0x0  }
0x12: {  	s1 =	sld [smem:$0x3F92];
	s0 =	simm.s32 @p0 $0x1  }
0x13: {  	[smem:$0x3FAD] =	sst s0;
	s0 =	simm.s32 @!p1 $0x0  }
0x14: {  	s2 =	sld [smem:$0x3F91];
	s0 =	simm.s32 @p1 $0x1  }
0x15: {  	[smem:$0x3FAE] =	sst s0;
	s0 =	simm.s32 @!p2 $0x0  }
0x16: {  	s3 =	sld [smem:$0x3FDB];
	s0 =	simm.s32 @p2 $0x1  }
0x17: {  	s4 =	simm.s32 $0x1BF5;
	[smem:$0x3FB0] =	sst s0  }
0x18: {  	s0 =	sld [smem:$0x3F93];
	_ =	swait.ge [sflag:s4], $0x0  }
0x19: {  	s7 =	sld [smem:$0x3F94]  }
0x1a: {  	s8 =	sadd.s32 $0xFFFFE003, lr  }
0x1b: {  	s9 =	sadd.s32 $0xFFFFFEF7, lr;
	s5 =	simm.s32 $0xFFFFFFFF;
	p2 =	slt.u32 s8, $0xFFFFF086  }
0x1c: {  	p1 =	slt.u32 s9, $0xF7A;
	s5 =	simm.s32 @!p2 $0x0  }
0x1d: {  	s5 =	simm.s32 @p1 $0x1;
	p0 =	seq.s32 s7, s2  }
0x1e: {  	s7 =	smul.u32 @!p0 $0xF7A, s2;
	p2 =	seq.s32 @!p0 s5, $0x0  }
0x1f: {  	s9 =	smul.u32 $0xF7A, s1;
	s8 =	simm.s32 @!p0 $0x1BF5;
	p2 =	por !p2, p0  }
0x20: {  	[sflag:s8] =	ssyncset.s32 @!p0 $0xFFFFF086;
	s6 =	sadd.s32 @!p0 s3, s7;
	s7 =	simm.s32 @!p0 $0x108  }
0x21: {  	s3 =	sadd.s32 s3, s9;
	s6 =	sadd.s32 @!p0 $0x88, s6;
	s7 =	simm.s32 @p2 $0x1082  }
0x22: {  	[simem:s7], [sflag:s8] =	dma.local @!p0 [hbm:s6], $0xF7A  }
0x23: {  	s9 =	sor.u32 $0xD0000000, s2;
	s6 =	simm.s32 $0x108;
	_ =	swait.ge @!p0 [sflag:s8], $0x0  }
0x24: {  	s3 =	sadd.s32 $0x88, s3;
	s6 =	simm.s32 @!p1 $0x1082;
	[sflag:s4] =	ssyncset.s32 $0xFFFFF086  }
0x25: {  	[simem:s6], [sflag:s4] =	dma.local [hbm:s3], $0xF7A  }
0x26: {  	[smem:$0x3F94] =	sst s1;
	(tag) =	ssettag s2;
	_ =	strace s9  }
0x27: {  	s1 =	sld [smem:$0x3FA4]  }
0x28: {  	s2 =	sld [smem:$0x3FA5]  }
0x29: {  	s4 =	sld [smem:$0x3FA7]  }
0x2a: {  	p0 =	seq.s32 s5, $0x0;
	s5 =	sld [smem:$0x3FA8]  }
0x2b: {  	s6 =	sld [smem:$0x3FA9]  }
0x2c: {  	s7 =	sld [smem:$0x3FAA]  }
0x2d: {  	s3 =	simm.s32 $0x108;
	s8 =	sld [smem:$0x3FAB]  }
0x2e: {  	s3 =	simm.s32 @!p0 $0x1082;
	s9 =	sld [smem:$0x3FAC]  }
0x2f: {  	lr =	sadd.s32 s0, s3;
	s0 =	sld [smem:$0x3FA3]  }
0x30: {  	s3 =	sld [smem:$0x3FA6]  }
0x31: {  	[smem:$0x3FAF] =	sst s10  }
0x32: {  	s10 =	sld [smem:$0x3FAD];
	_ =	sdelay $0x3  }
0x33: {  	p0 =	seq.s32 s10, $0x1;
	s10 =	sld [smem:$0x3FAF];
	_ =	sdelay $0x3  }
0x34: {  	[smem:$0x3FAF] =	sst s10  }
0x35: {  	s10 =	sld [smem:$0x3FAE];
	_ =	sdelay $0x3  }
0x36: {  	p1 =	seq.s32 s10, $0x1;
	s10 =	sld [smem:$0x3FAF];
	_ =	sdelay $0x3  }
0x37: {  	[smem:$0x3FAF] =	sst s10  }
0x38: {  	s10 =	sld [smem:$0x3FB0]  }
0x39: {  	_ = 	snop;
	(pc) =	sbr.ind lr, $3  }
0x3a: {  	_ = 	snop  }
0x3b: {  	_ = 	snop  }
0x3c: {  	p2 =	seq.s32 s10, $0x1;
	s10 =	sld [smem:$0x3FAF]  }
0x3d: {  	_ =	shalt  }
0x3e: {  	_ =	shalt  }
0x3f: {  	_ =	shalt  }
0x40: {  	_ =	shalt  }
0x41: {  	_ =	shalt  }
0x42: {  	_ =	shalt  }
0x43: {  	_ =	shalt  }
0x44: {  	_ =	shalt  }
0x45: {  	_ =	shalt  }
0x46: {  	_ =	shalt  }
0x47: {  	_ =	shalt  }
0x48: {  	_ =	shalt  }
0x49: {  	_ =	shalt  }
0x4a: {  	_ =	shalt  }
0x4b: {  	_ =	shalt  }
0x4c: {  	_ =	shalt  }
0x4d: {  	_ =	shalt  }
0x4e: {  	_ =	shalt  }
0x4f: {  	_ =	shalt  }
0x50: {  	_ =	shalt  }
0x51: {  	_ =	shalt  }
0x52: {  	_ =	shalt  }
0x53: {  	_ =	shalt  }
0x54: {  	_ =	shalt  }
0x55: {  	_ =	shalt  }
0x56: {  	_ =	shalt  }
0x57: {  	_ =	shalt  }
0x58: {  	_ =	shalt  }
0x59: {  	_ =	shalt  }
0x5a: {  	_ =	shalt  }
0x5b: {  	_ =	shalt  }
0x5c: {  	_ =	shalt  }
0x5d: {  	_ =	shalt  }
0x5e: {  	_ =	shalt  }
0x5f: {  	_ =	shalt  }
0x60: {  	_ =	shalt  }
0x61: {  	_ =	shalt  }
0x62: {  	_ =	shalt  }
0x63: {  	_ =	shalt  }
0x64: {  	_ =	shalt  }
0x65: {  	_ =	shalt  }
0x66: {  	_ =	shalt  }
0x67: {  	_ =	shalt  }
0x68: {  	_ =	shalt  }
0x69: {  	_ =	shalt  }
0x6a: {  	_ =	shalt  }
0x6b: {  	_ =	shalt  }
0x6c: {  	_ =	shalt  }
0x6d: {  	_ =	shalt  }
0x6e: {  	_ =	shalt  }
0x6f: {  	_ =	shalt  }
0x70: {  	_ =	shalt  }
0x71: {  	_ =	shalt  }
0x72: {  	_ =	shalt  }
0x73: {  	_ =	shalt  }
0x74: {  	_ =	shalt  }
0x75: {  	_ =	shalt  }
0x76: {  	_ =	shalt  }
0x77: {  	_ =	shalt  }
0x78: {  	_ =	shalt  }
0x79: {  	_ =	shalt  }
0x7a: {  	_ =	shalt  }
0x7b: {  	_ =	shalt  }
0x7c: {  	_ =	shalt  }
0x7d: {  	_ =	shalt  }
0x7e: {  	_ =	shalt  }
0x7f: {  	_ =	shalt  }
0x80: {  	_ =	shalt  }
0x81: {  	_ =	shalt  }
0x82: {  	_ =	shalt  }
0x83: {  	_ =	shalt  }
0x84: {  	_ =	shalt  }
0x85: {  	_ =	shalt  }
0x86: {  	_ =	shalt  }
0x87: {  	_ =	shalt  }
.Lfunc_end0:
.L_simem_size_0:
called_computation.3_lowered:
.L_overlay_start_0:
0x88: {  	s2 =	sld [smem:$0x3FD9]  }
0x89: {  	s3 =	sld [smem:$0x3FFE];
	_ =	sdelay $0x1  }
0x8a: {  	s1 =	srdreg.scid  }
0x8b: {  	s0 =	sand.u32 $0x1, s1  }
0x8c: {  	s16 =	sshll.u32 s0, $0xA;
	s2 =	sadd.s32 s3, s2  }
0x8d: {  	s2 =	sadd.s32 s2, s16  }
0x8e: {  	[smem:$0x3FBB] =	sst s2  }
0x8f: {  	_ = 	snop  }
0x90: {  	(tm) =	ssettm $0x1  }
0x91: {  	s17 =	sld [smem:$0x3FFB];
	_ =	sdelay $0x3  }
0x92: {  	_ =	strace s17  }
0x93: {  	s2 =	sld [smem:$0x3FFC];
	_ =	sdelay $0x3  }
0x94: {  	_ =	strace s2  }
0x95: {  	s2 =	sld [smem:$0x3FFD];
	_ =	sdelay $0x3  }
0x96: {  	_ =	strace s2  }
0x97: {  	_ =	strace $0x8FFFFFFF  }
0x98: {  	s18 =	sld [smem:$0x3FDB];
	_ =	sdelay $0x1  }
0x99: {  	s19 =	simm.s32 $_scs_section_size  }
0x9a: {  	s4 =	simm.s32 $_size__tile_overlayer_lowered;
	s5 =	simm.s32 $_tile_overlayer_lowered  }
0x9b: {  	s22 =	simm.s32 $0x1BFF;
	s21 =	sshll.u32 s5, $0x1;
	s2 =	sadd.s32 s19, s18  }
0x9c: {  	s6 =	simm.s32 $0x0;
	s20 =	sshll.u32 s4, $0x1;
	s4 =	sadd.s32 s21, s2  }
0x9d: {  	[timem:s6], [sflag:s22] =	dma.local [hbm:s4], s20  }
0x9e: {  	_ =	swait.ge [sflag:s22], s20  }
0x9f: {  	s3 =	ssub.s32 $0x0, s20;
	[sflag:s22] =	ssyncset.done $0x0  }
0xa0: {  	[sflag:s22] =	ssyncadd.s32 s3;
	_ =	sdelay $0x1  }
0xa1: {  	s23 =	simm.s32 $0x1B8B  }
0xa2: {  	_ =	swait.ge [sflag:s23], $0x1  }
0xa3: {  	[sflag:s23] =	ssyncset.done $0x0  }
0xa4: {  	s25 =	simm.s32 $0x1B8E;
	s24 =	sld [smem:$0x3FFE];
	[sflag:s23] =	ssyncadd.s32 $0xFFFFFFFF  }
0xa5: {  	s26 =	simm.s32 $execute0_lowered;
	[smem:$0x3FD2] =	sst s25  }
0xa6: {  	s4 =	sshll.u32 s26, $0x1;
	_ =	strace $0x8000004F;
	[dreg:$0x1] =	wrdreg $0xFFFFFFFF  }
0xa7: {  	s28 =	simm.s32 $_size_execute0_lowered;
	s2 =	sadd.s32 s2, s4;
	[dreg:$0x0] =	wrdreg $0x0  }
0xa8: {  	s4 =	sshll.u32 s28, $0x1;
	[dreg:$0x2] =	wrdreg s2  }
0xa9: {  	[dreg:$0x3] =	wrdreg s4  }
0xaa: {  	[dreg:$0x4] =	wrdreg $0xC0  }
0xab: {  	_ =	task [dreg:s6], $0x5FFFF  }
0xac: {  	[dreg:$0x1] =	wrdreg $0xFFFFFFFF  }
0xad: {  	[dreg:$0x0] =	wrdreg $0x60  }
0xae: {  	[dreg:$0x2] =	wrdreg s24  }
0xaf: {  	[dreg:$0x3] =	wrdreg $0xA8000  }
0xb0: {  	[dreg:$0x4] =	wrdreg $0x9  }
0xb1: {  	_ =	task.clear_ibuf [dreg:s6], $0x5FFFF;
	_ =	strace $0x9000004F  }
0xb2: {  	s29 =	simm.s32 $0x9;
	_ =	strace $0x80000051  }
0xb3: {  	_ =	swait.ge [sflag:s29], $0x1  }
0xb4: {  	[sflag:s29] =	ssyncadd.s32 $0xFFFFFFFF  }
0xb5: {  	_ =	strace $0x90000051  }
0xb6: {  	_ =	sfence  }
0xb7: {  	s30 =	sld [smem:$0x0];
	_ =	sdelay $0x2  }
0xb8: {  	s31 =	sshll.u32 s1, $0xD;
	s1 =	sshrl.u32 s1, $0x2  }
0xb9: {  	s3 =	sand.u32 $0x4000, s31;
	s1 =	sadd.s32 s1, s30  }
0xba: {  	s0 =	sor.u32 s3, s0;
	s1 =	sshll.u32 s1, $0x11  }
0xbb: {  	s0 =	sor.u32 s1, s0  }
0xbc: {  	s0 =	sadd.s32 $0x8F2B, s0  }
0xbd: {  	[sflag:s0] =	ssyncadd.remote.s32 $0x1  }
0xbe: {  	_ =	sfence.sel $0xFFFF  }
0xbf: {  	[dreg:$0x0] =	wrdreg $0xFFFFFFFF;
	(pc) =	sbr.abs _section_cstart, $3  }
0xc0: {  	[dreg:$0x1] =	wrdreg $0xFFFFFFFF  }
0xc1: {  	_ =	task.clear_ibuf [dreg:s6], $0x2FFFF;
	_ =	strace $0x9FFFFFFF  }
0xc2: {  	(tm) =	ssettm $0x7FFFFFFF  }
0xc3: {  	_ =	shalt  }
tec
execute0_lowered:
.L_overlay_start_1:
0x0: {  	(tag) =	ssettag $0x1  }
0x1: {  	s0 =	rddreg [dreg:$0x0]  }
0x2: {  	s1 =	rddreg [dreg:$0x1]  }
0x3: {  	s3 =	simm.s32 $0x0;
	s2 =	stileid.u32;
	s5 =	srdreg.scid  }
0x4: {  	s20 =	simm.s32 $0x3;
	s21 =	simm.s32 $0x1400;
	s28 =	simm.s32 $0x1380  }
0x5: {  	s29 =	simm.s32 $0x2700;
	s30 =	simm.s32 $0x2780;
	s31 =	simm.s32 $0x0  }
0x6: {  	[smem:$0x7FF] =	sst s3;
	s4 =	sadd.s32 $0x35800, s0;
	s6 =	smul.u32 $0x2700, s2  }
0x7: {  	s13 =	sadd.s32 $0x83A00, s0;
	s14 =	sadd.s32 $0x4600, s0;
	s15 =	sand.u32 $0x1, s5  }
0x8: {  	s8 =	smul.u32 $0x4E000, s2;
	s16 =	sadd.s32 $0xB4C00, s0;
	s10 =	sshll.u32 s2, $0x1  }
0x9: {  	p2 =	seq.s32 s2, $0xF;
	s19 =	smul.u32 $0x13800, s2;
	p4 =	sne.s32 s2, $0xF  }
0xa: {  	_ =	strace $0x80000050;
	s5 =	ssub.s32 $0x2, s15;
	s22 =	sor.u32 s15, s10  }
0xb: {  	p1 =	seq.s32 s15, $0x0;
	p0 =	seq.s32 s15, $0x1;
	s18 =	smul.u32 $0x138800, s15  }
0xc: {  	p3 =	sne.s32 s15, $0x0;
	s7 =	sadd.s32 s6, s0;
	s9 =	sshrl.u32 s5, $0x1  }
0xd: {  	s23 =	sshrl.u32 s8, $0x2;
	s6 =	sadd.s32 s4, s6;
	p1 =	por !p1, !p2  }
0xe: {  	s10 =	smul.u32 $0x2800, s22;
	s8 =	sadd.s32 $0x138000, s1;
	p2 =	por !p2, !p0  }
0xf: {  	s22 =	simm.s32 $0x7D;
	s17 =	ssub.s32 s5, s9;
	s5 =	sadd.s32 s23, s1  }
0x10: {  	[dreg:$0x3] =	wrdreg s6;
	s24 =	sadd.s32 $0x8DA00, s7;
	p1 =	por !p1, !p1  }
0x11: {  	s9 =	sadd.s32 $0x5C800, s0;
	p2 =	por !p2, !p2;
	s26 =	sadd.s32 s19, s18  }
0x12: {  	s18 =	sshrl.u32 s18, $0x3;
	s23 =	simm.s32 $0x2800;
	[dreg:$0x4] =	wrdreg s24  }
0x13: {  	s12 =	sshrl.u32 s10, $0x3;
	s10 =	sadd.s32 $0xB4A00, s0;
	s0 =	sshrl.u32 s26, $0x3  }
0x14: {  	s18 =	sadd.s32 s16, s18;
	s17 =	smax.u32 s17, $0x1;
	s19 =	sshrl.u32 @!p3 s5, $0x3  }
0x15: {  	s24 =	simm.s32 $0x1;
	s26 =	simm.s32 $0x2;
	s25 =	sadd.s32 $0x280, s12  }
0x16: {  	s11 =	sadd.s32 s13, s12;
	s12 =	sadd.s32 s14, s12;
	s15 =	sadd.s32 s16, s0  }
0x17: {  	s16 =	sadd.s32 $0x27000, s18;
	s0 =	sshll.u32 @!p3 s2, $0x6;
	s13 =	sadd.s32 s13, s25  }
0x18: {  	s14 =	sadd.s32 s14, s25;
	s18 =	sor.u32 @!p3 $0x1C03, s0;
	s25 =	simm.s32 $0x6800  }
.LBB2_1:
0x19: {  	s0 =	rddreg [dreg:$0x3]  }
0x1a: {  	[spmem:s19], [sflag:s18] =	dma.local @!p3 [hbm:s0], $0x2700  }
0x1b: {  	s0 =	simm.s32 @!p3 $0x3  }
0x1c: {  	_ =	swait.ge @!p3 [sflag:s0], $0x2700  }
0x1d: {  	s6 =	sshll.u32 @p0 s2, $0x6;
	[sflag:s0] =	ssyncset.done @!p3 $0x0;
	s7 =	rddreg [dreg:$0x4]  }
0x1e: {  	[sflag:s0] =	ssyncadd.s32 @!p3 $0xFFFFD900;
	s0 =	sor.u32 @p0 $0x1C03, s6;
	s6 =	sshrl.u32 @p0 s5, $0x3  }
0x1f: {  	[spmem:s6], [sflag:s0] =	dma.local @p0 [hbm:s7], $0x2700  }
0x20: {  	s0 =	simm.s32 @p0 $0x3  }
0x21: {  	_ =	swait.ge @p0 [sflag:s0], $0x2700  }
0x22: {  	[sflag:s0] =	ssyncset.done @p0 $0x0  }
0x23: {  	s6 =	simm.s32 @p1 $0x1FC3;
	[sflag:s0] =	ssyncadd.s32 @p0 $0xFFFFD900;
	s0 =	sshrl.u32 @p1 s8, $0x3  }
0x24: {  	[spmem:s0], [sflag:s6] =	dma.local @p1 [hbm:s9], $0x100  }
0x25: {  	s0 =	simm.s32 @p1 $0x3  }
0x26: {  	_ =	swait.ge @p1 [sflag:s0], $0x100  }
0x27: {  	[sflag:s0] =	ssyncset.done @p1 $0x0  }
0x28: {  	s6 =	simm.s32 @p2 $0x1FC3;
	[sflag:s0] =	ssyncadd.s32 @p1 $0xFFFFFF00;
	s0 =	sshrl.u32 @p2 s8, $0x3  }
0x29: {  	[spmem:s0], [sflag:s6] =	dma.local @p2 [hbm:s10], $0x100  }
0x2a: {  	s0 =	simm.s32 @p2 $0x3  }
0x2b: {  	_ =	swait.ge @p2 [sflag:s0], $0x100  }
0x2c: {  	[sflag:s0] =	ssyncset.done @p2 $0x0  }
0x2d: {  	[sflag:s0] =	ssyncadd.s32 @p2 $0xFFFFFF00  }
0x2e: {  	[bflag:$0x0] =	sbarrier.arrive $0xFFFF  }
0x2f: {  	[tilespmem:s3], [sflag:$0x3] =	stream.linear.gather [hbm4b:s11+s3], $0x1400, $0x38;
	[tilespmem:$0x1E080] =	vst v63  }
0x30: {  	_ =	swait.ge [sflag:s20], $0x1400  }
0x31: {  	[sflag:s20] =	ssyncset.done $0x0  }
0x32: {  	[sflag:s20] =	ssyncadd.s32 $0xFFFFEC00  }
0x33: {  	[tilespmem:s21], [sflag:$0x3] =	stream.linear.gather [hbm4b:s12+s3], $0x1400, $0x38;
	[tilespmem:$0x1E080] =	vst v63  }
0x34: {  	_ =	swait.ge [sflag:s20], $0x1400  }
0x35: {  	[sflag:s20] =	ssyncset.done $0x0  }
0x36: {  	[sflag:s20] =	ssyncadd.s32 $0xFFFFEC00  }
0x37: {  	[tilespmem:s23], [sflag:$0x1] =	stream.indirect.gather [hbm4b:s4+s22], $0x80, s3, s22, $0xb8;
	[tilespmem:$0x1E080] =	vst v63  }
0x38: {  	_ =	swait.ge [sflag:s24], $0x3E80  }
0x39: {  	[sflag:s24] =	ssyncset.done $0x0  }
0x3a: {  	s6 =	simm.s32 $0x80;
	[sflag:s24] =	ssyncadd.s32 $0xFFFFC180  }
0x3b: {  	[tilespmem:s25], [sflag:$0x2] =	stream.indirect.gather [hbm4b:s4+s22], $0x80, s6, s22, $0xb8;
	[tilespmem:$0x1E080] =	vst v63  }
0x3c: {  	s7 =	simm.s32 $0x1400  }
0x3d: {  	[spmem:s1] =	stream.indirect.scatter.add.f32 [tilespmem:s23], [sflag:$0x3], $0x80, s7, s22, $0xb8;
	[tilespmem:$0x1E080] =	vst v63  }
0x3e: {  	_ =	swait.ge [sflag:s20], $0x3E80  }
0x3f: {  	[sflag:s20] =	ssyncset.done $0x0  }
0x40: {  	[sflag:s20] =	ssyncadd.s32 $0xFFFFC180  }
0x41: {  	_ =	swait.ge [sflag:s26], $0x3E80  }
0x42: {  	[sflag:s26] =	ssyncset.done $0x0  }
0x43: {  	s6 =	simm.s32 $0x100;
	[sflag:s26] =	ssyncadd.s32 $0xFFFFC180  }
0x44: {  	[tilespmem:s23], [sflag:$0x1] =	stream.indirect.gather [hbm4b:s4+s22], $0x80, s6, s22, $0xb8;
	[tilespmem:$0x1E080] =	vst v63  }
0x45: {  	s7 =	simm.s32 $0x1480  }
0x46: {  	[spmem:s1] =	stream.indirect.scatter.add.f32 [tilespmem:s25], [sflag:$0x3], $0x80, s7, s22, $0xb8;
	[tilespmem:$0x1E080] =	vst v63  }
0x47: {  	_ =	swait.ge [sflag:s20], $0x3E80  }
0x48: {  	s0 =	simm.s32 $0x400;
	[sflag:s20] =	ssyncset.done $0x0  }
.LBB2_2:
0x49: {  	p5 =	sne.s32 s0, $0x4800  }
0x4a: {  	[sflag:s20] =	ssyncadd.s32 $0xFFFFC180;
	s6 =	smov.u32 s0;
	s0 =	sadd.s32 $0x400, s0  }
0x4b: {  	_ = 	snop  }
0x4c: {  	_ =	swait.ge [sflag:s24], $0x3E80  }
0x4d: {  	s6 =	sshra.s32 s6, $0x2;
	[sflag:s24] =	ssyncset.done $0x0  }
0x4e: {  	s7 =	sadd.s32 $0x80, s6;
	[sflag:s24] =	ssyncadd.s32 $0xFFFFC180  }
0x4f: {  	[tilespmem:s25], [sflag:$0x2] =	stream.indirect.gather [hbm4b:s4+s22], $0x80, s7, s22, $0xb8;
	[tilespmem:$0x1E080] =	vst v63  }
0x50: {  	s7 =	sadd.s32 $0x1400, s6  }
0x51: {  	[spmem:s1] =	stream.indirect.scatter.add.f32 [tilespmem:s23], [sflag:$0x3], $0x80, s7, s22, $0xb8;
	[tilespmem:$0x1E080] =	vst v63  }
0x52: {  	_ =	swait.ge [sflag:s20], $0x3E80  }
0x53: {  	[sflag:s20] =	ssyncset.done $0x0  }
0x54: {  	[sflag:s20] =	ssyncadd.s32 $0xFFFFC180  }
0x55: {  	_ =	swait.ge [sflag:s26], $0x3E80  }
0x56: {  	[sflag:s26] =	ssyncset.done $0x0  }
0x57: {  	s7 =	sadd.s32 $0x100, s6;
	[sflag:s26] =	ssyncadd.s32 $0xFFFFC180  }
0x58: {  	[tilespmem:s23], [sflag:$0x1] =	stream.indirect.gather [hbm4b:s4+s22], $0x80, s7, s22, $0xb8;
	[tilespmem:$0x1E080] =	vst v63  }
.Ltmp0:
0x59: {  	_ = 	snop;
	(pc) =	sbr.rel @p5 .LBB2_2-.Ltmp0, $4  }
0x5a: {  	s6 =	sadd.s32 $0x1480, s6  }
0x5b: {  	[spmem:s1] =	stream.indirect.scatter.add.f32 [tilespmem:s25], [sflag:$0x3], $0x80, s6, s22, $0xb8;
	[tilespmem:$0x1E080] =	vst v63  }
0x5c: {  	_ =	swait.ge [sflag:s20], $0x3E80  }
0x5d: {  	[sflag:s20] =	ssyncset.done $0x0  }
0x5e: {  	[sflag:s20] =	ssyncadd.s32 $0xFFFFC180  }
0x5f: {  	_ =	swait.ge [sflag:s24], $0x3E80  }
0x60: {  	[sflag:s24] =	ssyncset.done $0x0  }
0x61: {  	[sflag:s24] =	ssyncadd.s32 $0xFFFFC180  }
0x62: {  	[tilespmem:s25], [sflag:$0x2] =	stream.indirect.gather [hbm4b:s4+s22], $0x80, s28, s22, $0xb8;
	[tilespmem:$0x1E080] =	vst v63  }
0x63: {  	_ = 	snop  }
0x64: {  	[spmem:s1] =	stream.indirect.scatter.add.f32 [tilespmem:s23], [sflag:$0x3], $0x80, s29, s22, $0xb8;
	[tilespmem:$0x1E080] =	vst v63  }
0x65: {  	_ =	swait.ge [sflag:s20], $0x3E80  }
0x66: {  	[sflag:s20] =	ssyncset.done $0x0  }
0x67: {  	[sflag:s20] =	ssyncadd.s32 $0xFFFFC180  }
0x68: {  	_ =	swait.ge [sflag:s26], $0x3E80  }
0x69: {  	[sflag:s26] =	ssyncset.done $0x0  }
0x6a: {  	[sflag:s26] =	ssyncadd.s32 $0xFFFFC180  }
0x6b: {  	[spmem:s1] =	stream.indirect.scatter.add.f32 [tilespmem:s25], [sflag:$0x3], $0x80, s30, s22, $0xb8;
	[tilespmem:$0x1E080] =	vst v63  }
0x6c: {  	_ =	swait.ge [sflag:s20], $0x3E80  }
0x6d: {  	[sflag:s20] =	ssyncset.done $0x0  }
0x6e: {  	s0 =	simm.s32 $0x0;
	[sflag:s20] =	ssyncadd.s32 $0xFFFFC180  }
0x6f: {  	[tilespmem:s0], [sflag:$0x3] =	stream.linear.gather [hbm4b:s13+s0], $0x1400, $0x38;
	[tilespmem:$0x1E080] =	vst v63  }
0x70: {  	_ =	swait.ge [sflag:s20], $0x1400  }
0x71: {  	[sflag:s20] =	ssyncset.done $0x0  }
0x72: {  	[sflag:s20] =	ssyncadd.s32 $0xFFFFEC00  }
0x73: {  	[tilespmem:s21], [sflag:$0x3] =	stream.linear.gather [hbm4b:s14+s0], $0x1400, $0x38;
	[tilespmem:$0x1E080] =	vst v63  }
0x74: {  	_ =	swait.ge [sflag:s20], $0x1400  }
0x75: {  	[sflag:s20] =	ssyncset.done $0x0  }
0x76: {  	[sflag:s20] =	ssyncadd.s32 $0xFFFFEC00  }
0x77: {  	[tilespmem:s23], [sflag:$0x1] =	stream.indirect.gather [hbm4b:s4+s22], $0x80, s0, s22, $0xb8;
	[tilespmem:$0x1E080] =	vst v63  }
0x78: {  	_ =	swait.ge [sflag:s24], $0x3E80  }
0x79: {  	[sflag:s24] =	ssyncset.done $0x0  }
0x7a: {  	s6 =	simm.s32 $0x80;
	[sflag:s24] =	ssyncadd.s32 $0xFFFFC180  }
0x7b: {  	[tilespmem:s25], [sflag:$0x2] =	stream.indirect.gather [hbm4b:s4+s22], $0x80, s6, s22, $0xb8;
	[tilespmem:$0x1E080] =	vst v63  }
0x7c: {  	s7 =	simm.s32 $0x1400  }
0x7d: {  	[spmem:s1] =	stream.indirect.scatter.add.f32 [tilespmem:s23], [sflag:$0x3], $0x80, s7, s22, $0xb8;
	[tilespmem:$0x1E080] =	vst v63  }
0x7e: {  	_ =	swait.ge [sflag:s20], $0x3E80  }
0x7f: {  	[sflag:s20] =	ssyncset.done $0x0  }
0x80: {  	[sflag:s20] =	ssyncadd.s32 $0xFFFFC180  }
0x81: {  	_ =	swait.ge [sflag:s26], $0x3E80  }
0x82: {  	[sflag:s26] =	ssyncset.done $0x0  }
0x83: {  	s6 =	simm.s32 $0x100;
	[sflag:s26] =	ssyncadd.s32 $0xFFFFC180  }
0x84: {  	[tilespmem:s23], [sflag:$0x1] =	stream.indirect.gather [hbm4b:s4+s22], $0x80, s6, s22, $0xb8;
	[tilespmem:$0x1E080] =	vst v63  }
0x85: {  	s7 =	simm.s32 $0x1480  }
0x86: {  	[spmem:s1] =	stream.indirect.scatter.add.f32 [tilespmem:s25], [sflag:$0x3], $0x80, s7, s22, $0xb8;
	[tilespmem:$0x1E080] =	vst v63  }
0x87: {  	_ =	swait.ge [sflag:s20], $0x3E80  }
0x88: {  	s0 =	simm.s32 $0x400;
	[sflag:s20] =	ssyncset.done $0x0  }
.LBB2_4:
0x89: {  	p5 =	sne.s32 s0, $0x4800  }
0x8a: {  	[sflag:s20] =	ssyncadd.s32 $0xFFFFC180;
	s6 =	smov.u32 s0;
	s0 =	sadd.s32 $0x400, s0  }
0x8b: {  	_ = 	snop  }
0x8c: {  	_ =	swait.ge [sflag:s24], $0x3E80  }
0x8d: {  	s6 =	sshra.s32 s6, $0x2;
	[sflag:s24] =	ssyncset.done $0x0  }
0x8e: {  	s7 =	sadd.s32 $0x80, s6;
	[sflag:s24] =	ssyncadd.s32 $0xFFFFC180  }
0x8f: {  	[tilespmem:s25], [sflag:$0x2] =	stream.indirect.gather [hbm4b:s4+s22], $0x80, s7, s22, $0xb8;
	[tilespmem:$0x1E080] =	vst v63  }
0x90: {  	s7 =	sadd.s32 $0x1400, s6  }
0x91: {  	[spmem:s1] =	stream.indirect.scatter.add.f32 [tilespmem:s23], [sflag:$0x3], $0x80, s7, s22, $0xb8;
	[tilespmem:$0x1E080] =	vst v63  }
0x92: {  	_ =	swait.ge [sflag:s20], $0x3E80  }
0x93: {  	[sflag:s20] =	ssyncset.done $0x0  }
0x94: {  	[sflag:s20] =	ssyncadd.s32 $0xFFFFC180  }
0x95: {  	_ =	swait.ge [sflag:s26], $0x3E80  }
0x96: {  	[sflag:s26] =	ssyncset.done $0x0  }
0x97: {  	s7 =	sadd.s32 $0x100, s6;
	[sflag:s26] =	ssyncadd.s32 $0xFFFFC180  }
0x98: {  	[tilespmem:s23], [sflag:$0x1] =	stream.indirect.gather [hbm4b:s4+s22], $0x80, s7, s22, $0xb8;
	[tilespmem:$0x1E080] =	vst v63  }
.Ltmp1:
0x99: {  	_ = 	snop;
	(pc) =	sbr.rel @p5 .LBB2_4-.Ltmp1, $4  }
0x9a: {  	s6 =	sadd.s32 $0x1480, s6  }
0x9b: {  	[spmem:s1] =	stream.indirect.scatter.add.f32 [tilespmem:s25], [sflag:$0x3], $0x80, s6, s22, $0xb8;
	[tilespmem:$0x1E080] =	vst v63  }
0x9c: {  	_ =	swait.ge [sflag:s20], $0x3E80  }
0x9d: {  	[sflag:s20] =	ssyncset.done $0x0  }
0x9e: {  	[sflag:s20] =	ssyncadd.s32 $0xFFFFC180  }
0x9f: {  	_ =	swait.ge [sflag:s24], $0x3E80  }
0xa0: {  	[sflag:s24] =	ssyncset.done $0x0  }
0xa1: {  	[sflag:s24] =	ssyncadd.s32 $0xFFFFC180  }
0xa2: {  	[tilespmem:s25], [sflag:$0x2] =	stream.indirect.gather [hbm4b:s4+s22], $0x80, s28, s22, $0xb8;
	[tilespmem:$0x1E080] =	vst v63  }
0xa3: {  	_ = 	snop  }
0xa4: {  	[spmem:s1] =	stream.indirect.scatter.add.f32 [tilespmem:s23], [sflag:$0x3], $0x80, s29, s22, $0xb8;
	[tilespmem:$0x1E080] =	vst v63  }
0xa5: {  	_ =	swait.ge [sflag:s20], $0x3E80  }
0xa6: {  	[sflag:s20] =	ssyncset.done $0x0  }
0xa7: {  	[sflag:s20] =	ssyncadd.s32 $0xFFFFC180  }
0xa8: {  	_ =	swait.ge [sflag:s26], $0x3E80  }
0xa9: {  	[sflag:s26] =	ssyncset.done $0x0  }
0xaa: {  	[sflag:s26] =	ssyncadd.s32 $0xFFFFC180  }
0xab: {  	[spmem:s1] =	stream.indirect.scatter.add.f32 [tilespmem:s25], [sflag:$0x3], $0x80, s30, s22, $0xb8;
	[tilespmem:$0x1E080] =	vst v63  }
0xac: {  	_ =	swait.ge [sflag:s20], $0x3E80  }
0xad: {  	[sflag:s20] =	ssyncset.done $0x0  }
0xae: {  	s0 =	sshll.u32 s2, $0x6;
	[sflag:s20] =	ssyncadd.s32 $0xFFFFC180  }
0xaf: {  	s6 =	sshrl.u32 s5, $0x3;
	s0 =	sor.u32 $0x1C03, s0;
	[bflag:$0x0] =	sbarrier.arrive $0xFFFF  }
0xb0: {  	[hbm:s15], [sflag:s0] =	dma.local [spmem:s6], $0x2700  }
0xb1: {  	_ =	swait.ge [sflag:s20], $0x2700  }
0xb2: {  	s31 =	sadd.s32 $0x1, s31;
	[sflag:s20] =	ssyncset.done $0x0  }
0xb3: {  	p5 =	sne.s32 s31, s17;
	s6 =	sshrl.u32 @!p4 s8, $0x3;
	[sflag:s20] =	ssyncadd.s32 $0xFFFFD900  }
0xb4: {  	[hbm:s16], [sflag:s0] =	dma.local @!p4 [spmem:s6], $0x100  }
.Ltmp2:
0xb5: {  	_ = 	snop;
	(pc) =	sbr.rel @p5 .LBB2_1-.Ltmp2, $4  }
0xb6: {  	s0 =	simm.s32 @!p4 $0x3  }
0xb7: {  	_ =	swait.ge @!p4 [sflag:s0], $0x100  }
0xb8: {  	[sflag:s0] =	ssyncset.done @!p4 $0x0  }
0xb9: {  	[sflag:s0] =	ssyncadd.s32 @!p4 $0xFFFFFF00  }
0xba: {  	_ =	sfence.sel $0x180000  }
0xbb: {  	[bflag:$0x0] =	sbarrier.arrive $0xFFFF  }
0xbc: {  	_ =	strace $0x90000050  }
0xbd: {  	[bflag:$0x2] =	sbarrier.arrive $0xFFFF  }
0xbe: {  	p0 =	sne.s32 s2, $0x0;
	s0 =	rddreg [dreg:$0x2]  }
0xbf: {  	s0 =	sadd.s32 @!p0 $0x100000, s0  }
0xc0: {  	[sflag:s0] =	ssyncadd.tile.s32 @!p0 $0x1;
	_ =	shalt  }
.Lfunc_end2:
_tile_overlayer_lowered:
.L_overlay_start_2:
0xc1: {  	(tag) =	ssettag $0x2  }
0xc2: {  	s0 =	rddreg [dreg:$0x0];
	s2 =	stileid.u32  }
0xc3: {  	s1 =	rddreg [dreg:$0x1];
	p0 =	sne.s32 s2, $0x0  }
0xc4: {  	s3 =	rddreg [dreg:$0x2];
	[bflag:$0x3] =	sbarrier.arrive $0xFFFF;
	s2 =	simm.s32 @!p0 $0x1C03  }
0xc5: {  	[timem:s3], [sflag:s2] =	dma.local @!p0 [hbm:s0], s1  }
0xc6: {  	s0 =	simm.s32 @!p0 $0x3  }
0xc7: {  	_ =	swait.ge @!p0 [sflag:s0], s1  }
0xc8: {  	s1 =	ssub.s32 @!p0 $0x0, s1;
	[sflag:s0] =	ssyncset.done @!p0 $0x0  }
0xc9: {  	[sflag:s0] =	ssyncadd.s32 @!p0 s1  }
0xca: {  	[bflag:$0x3] =	sbarrier.arrive $0xFFFF  }
0xcb: {  	_ =	shalt  }

// kernel: kernel.24.cloned.1.call-start
scs
__scs_entry_jumppad:
0x0: {  	(pc) =	sbr.rel $0x88, $3  }
0x1: {  	(tag) =	ssettag $0x0;
	lr =	simm.s32 $0x1  }
0x2: {  	[smem:$0x3F94] =	sst lr;
	_ =	strace $0xD0000000  }
0x3: {  	_ = 	snop  }
0x4: {  	_ = 	snop  }
0x5: {  	_ = 	snop  }
0x6: {  	_ = 	snop  }
0x7: {  	_ = 	snop  }
__scs_overlays_trampoline_lowered:
0x8: {  	[smem:$0x3FA3] =	sst s0  }
0x9: {  	[smem:$0x3FA4] =	sst s1  }
0xa: {  	[smem:$0x3FA5] =	sst s2  }
0xb: {  	[smem:$0x3FA6] =	sst s3  }
0xc: {  	[smem:$0x3FA7] =	sst s4  }
0xd: {  	[smem:$0x3FA8] =	sst s5  }
0xe: {  	[smem:$0x3FA9] =	sst s6  }
0xf: {  	[smem:$0x3FAA] =	sst s7  }
0x10: {  	[smem:$0x3FAB] =	sst s8  }
0x11: {  	[smem:$0x3FAC] =	sst s9;
	s0 =	simm.s32 @!p0 $0x0  }
0x12: {  	s1 =	sld [smem:$0x3F92];
	s0 =	simm.s32 @p0 $0x1  }
0x13: {  	[smem:$0x3FAD] =	sst s0;
	s0 =	simm.s32 @!p1 $0x0  }
0x14: {  	s2 =	sld [smem:$0x3F91];
	s0 =	simm.s32 @p1 $0x1  }
0x15: {  	[smem:$0x3FAE] =	sst s0;
	s0 =	simm.s32 @!p2 $0x0  }
0x16: {  	s3 =	sld [smem:$0x3FDB];
	s0 =	simm.s32 @p2 $0x1  }
0x17: {  	s4 =	simm.s32 $0x1BF5;
	[smem:$0x3FB0] =	sst s0  }
0x18: {  	s0 =	sld [smem:$0x3F93];
	_ =	swait.ge [sflag:s4], $0x0  }
0x19: {  	s7 =	sld [smem:$0x3F94]  }
0x1a: {  	s8 =	sadd.s32 $0xFFFFE003, lr  }
0x1b: {  	s9 =	sadd.s32 $0xFFFFFEF7, lr;
	s5 =	simm.s32 $0xFFFFFFFF;
	p2 =	slt.u32 s8, $0xFFFFF086  }
0x1c: {  	p1 =	slt.u32 s9, $0xF7A;
	s5 =	simm.s32 @!p2 $0x0  }
0x1d: {  	s5 =	simm.s32 @p1 $0x1;
	p0 =	seq.s32 s7, s2  }
0x1e: {  	s7 =	smul.u32 @!p0 $0xF7A, s2;
	p2 =	seq.s32 @!p0 s5, $0x0  }
0x1f: {  	s9 =	smul.u32 $0xF7A, s1;
	s8 =	simm.s32 @!p0 $0x1BF5;
	p2 =	por !p2, p0  }
0x20: {  	[sflag:s8] =	ssyncset.s32 @!p0 $0xFFFFF086;
	s6 =	sadd.s32 @!p0 s3, s7;
	s7 =	simm.s32 @!p0 $0x108  }
0x21: {  	s3 =	sadd.s32 s3, s9;
	s6 =	sadd.s32 @!p0 $0x88, s6;
	s7 =	simm.s32 @p2 $0x1082  }
0x22: {  	[simem:s7], [sflag:s8] =	dma.local @!p0 [hbm:s6], $0xF7A  }
0x23: {  	s9 =	sor.u32 $0xD0000000, s2;
	s6 =	simm.s32 $0x108;
	_ =	swait.ge @!p0 [sflag:s8], $0x0  }
0x24: {  	s3 =	sadd.s32 $0x88, s3;
	s6 =	simm.s32 @!p1 $0x1082;
	[sflag:s4] =	ssyncset.s32 $0xFFFFF086  }
0x25: {  	[simem:s6], [sflag:s4] =	dma.local [hbm:s3], $0xF7A  }
0x26: {  	[smem:$0x3F94] =	sst s1;
	(tag) =	ssettag s2;
	_ =	strace s9  }
0x27: {  	s1 =	sld [smem:$0x3FA4]  }
0x28: {  	s2 =	sld [smem:$0x3FA5]  }
0x29: {  	s4 =	sld [smem:$0x3FA7]  }
0x2a: {  	p0 =	seq.s32 s5, $0x0;
	s5 =	sld [smem:$0x3FA8]  }
0x2b: {  	s6 =	sld [smem:$0x3FA9]  }
0x2c: {  	s7 =	sld [smem:$0x3FAA]  }
0x2d: {  	s3 =	simm.s32 $0x108;
	s8 =	sld [smem:$0x3FAB]  }
0x2e: {  	s3 =	simm.s32 @!p0 $0x1082;
	s9 =	sld [smem:$0x3FAC]  }
0x2f: {  	lr =	sadd.s32 s0, s3;
	s0 =	sld [smem:$0x3FA3]  }
0x30: {  	s3 =	sld [smem:$0x3FA6]  }
0x31: {  	[smem:$0x3FAF] =	sst s10  }
0x32: {  	s10 =	sld [smem:$0x3FAD];
	_ =	sdelay $0x3  }
0x33: {  	p0 =	seq.s32 s10, $0x1;
	s10 =	sld [smem:$0x3FAF];
	_ =	sdelay $0x3  }
0x34: {  	[smem:$0x3FAF] =	sst s10  }
0x35: {  	s10 =	sld [smem:$0x3FAE];
	_ =	sdelay $0x3  }
0x36: {  	p1 =	seq.s32 s10, $0x1;
	s10 =	sld [smem:$0x3FAF];
	_ =	sdelay $0x3  }
0x37: {  	[smem:$0x3FAF] =	sst s10  }
0x38: {  	s10 =	sld [smem:$0x3FB0]  }
0x39: {  	_ = 	snop;
	(pc) =	sbr.ind lr, $3  }
0x3a: {  	_ = 	snop  }
0x3b: {  	_ = 	snop  }
0x3c: {  	p2 =	seq.s32 s10, $0x1;
	s10 =	sld [smem:$0x3FAF]  }
0x3d: {  	_ =	shalt  }
0x3e: {  	_ =	shalt  }
0x3f: {  	_ =	shalt  }
0x40: {  	_ =	shalt  }
0x41: {  	_ =	shalt  }
0x42: {  	_ =	shalt  }
0x43: {  	_ =	shalt  }
0x44: {  	_ =	shalt  }
0x45: {  	_ =	shalt  }
0x46: {  	_ =	shalt  }
0x47: {  	_ =	shalt  }
0x48: {  	_ =	shalt  }
0x49: {  	_ =	shalt  }
0x4a: {  	_ =	shalt  }
0x4b: {  	_ =	shalt  }
0x4c: {  	_ =	shalt  }
0x4d: {  	_ =	shalt  }
0x4e: {  	_ =	shalt  }
0x4f: {  	_ =	shalt  }
0x50: {  	_ =	shalt  }
0x51: {  	_ =	shalt  }
0x52: {  	_ =	shalt  }
0x53: {  	_ =	shalt  }
0x54: {  	_ =	shalt  }
0x55: {  	_ =	shalt  }
0x56: {  	_ =	shalt  }
0x57: {  	_ =	shalt  }
0x58: {  	_ =	shalt  }
0x59: {  	_ =	shalt  }
0x5a: {  	_ =	shalt  }
0x5b: {  	_ =	shalt  }
0x5c: {  	_ =	shalt  }
0x5d: {  	_ =	shalt  }
0x5e: {  	_ =	shalt  }
0x5f: {  	_ =	shalt  }
0x60: {  	_ =	shalt  }
0x61: {  	_ =	shalt  }
0x62: {  	_ =	shalt  }
0x63: {  	_ =	shalt  }
0x64: {  	_ =	shalt  }
0x65: {  	_ =	shalt  }
0x66: {  	_ =	shalt  }
0x67: {  	_ =	shalt  }
0x68: {  	_ =	shalt  }
0x69: {  	_ =	shalt  }
0x6a: {  	_ =	shalt  }
0x6b: {  	_ =	shalt  }
0x6c: {  	_ =	shalt  }
0x6d: {  	_ =	shalt  }
0x6e: {  	_ =	shalt  }
0x6f: {  	_ =	shalt  }
0x70: {  	_ =	shalt  }
0x71: {  	_ =	shalt  }
0x72: {  	_ =	shalt  }
0x73: {  	_ =	shalt  }
0x74: {  	_ =	shalt  }
0x75: {  	_ =	shalt  }
0x76: {  	_ =	shalt  }
0x77: {  	_ =	shalt  }
0x78: {  	_ =	shalt  }
0x79: {  	_ =	shalt  }
0x7a: {  	_ =	shalt  }
0x7b: {  	_ =	shalt  }
0x7c: {  	_ =	shalt  }
0x7d: {  	_ =	shalt  }
0x7e: {  	_ =	shalt  }
0x7f: {  	_ =	shalt  }
0x80: {  	_ =	shalt  }
0x81: {  	_ =	shalt  }
0x82: {  	_ =	shalt  }
0x83: {  	_ =	shalt  }
0x84: {  	_ =	shalt  }
0x85: {  	_ =	shalt  }
0x86: {  	_ =	shalt  }
0x87: {  	_ =	shalt  }
.Lfunc_end0:
.L_simem_size_0:
called_computation.4_lowered:
.L_overlay_start_0:
0x88: {  	s2 =	sld [smem:$0x3FD9]  }
0x89: {  	s3 =	sld [smem:$0x3FFE];
	_ =	sdelay $0x1  }
0x8a: {  	s1 =	srdreg.scid  }
0x8b: {  	s0 =	sand.u32 $0x1, s1  }
0x8c: {  	s16 =	sshll.u32 s0, $0xA;
	s2 =	sadd.s32 s3, s2  }
0x8d: {  	s2 =	sadd.s32 s2, s16  }
0x8e: {  	[smem:$0x3FBB] =	sst s2  }
0x8f: {  	_ = 	snop  }
0x90: {  	(tm) =	ssettm $0x1  }
0x91: {  	s17 =	sld [smem:$0x3FFB];
	_ =	sdelay $0x3  }
0x92: {  	_ =	strace s17  }
0x93: {  	s2 =	sld [smem:$0x3FFC];
	_ =	sdelay $0x3  }
0x94: {  	_ =	strace s2  }
0x95: {  	s2 =	sld [smem:$0x3FFD];
	_ =	sdelay $0x3  }
0x96: {  	_ =	strace s2  }
0x97: {  	_ =	strace $0x8FFFFFFF  }
0x98: {  	s18 =	sld [smem:$0x3FDB];
	_ =	sdelay $0x1  }
0x99: {  	s19 =	simm.s32 $_scs_section_size  }
0x9a: {  	s4 =	simm.s32 $_size__tile_overlayer_lowered;
	s5 =	simm.s32 $_tile_overlayer_lowered  }
0x9b: {  	s22 =	simm.s32 $0x1BFF;
	s21 =	sshll.u32 s5, $0x1;
	s2 =	sadd.s32 s19, s18  }
0x9c: {  	s6 =	simm.s32 $0x0;
	s20 =	sshll.u32 s4, $0x1;
	s4 =	sadd.s32 s21, s2  }
0x9d: {  	[timem:s6], [sflag:s22] =	dma.local [hbm:s4], s20  }
0x9e: {  	_ =	swait.ge [sflag:s22], s20  }
0x9f: {  	s3 =	ssub.s32 $0x0, s20;
	[sflag:s22] =	ssyncset.done $0x0  }
0xa0: {  	[sflag:s22] =	ssyncadd.s32 s3;
	_ =	sdelay $0x1  }
0xa1: {  	s23 =	simm.s32 $0x1B8B  }
0xa2: {  	_ =	swait.ge [sflag:s23], $0x1  }
0xa3: {  	[sflag:s23] =	ssyncset.done $0x0  }
0xa4: {  	s25 =	simm.s32 $0x1B8E;
	s24 =	sld [smem:$0x3FFE];
	[sflag:s23] =	ssyncadd.s32 $0xFFFFFFFF  }
0xa5: {  	s26 =	simm.s32 $execute0_lowered;
	[smem:$0x3FD2] =	sst s25  }
0xa6: {  	s4 =	sshll.u32 s26, $0x1;
	_ =	strace $0x80000052;
	[dreg:$0x1] =	wrdreg $0xFFFFFFFF  }
0xa7: {  	s28 =	simm.s32 $_size_execute0_lowered;
	s2 =	sadd.s32 s2, s4;
	[dreg:$0x0] =	wrdreg $0x0  }
0xa8: {  	s4 =	sshll.u32 s28, $0x1;
	[dreg:$0x2] =	wrdreg s2  }
0xa9: {  	[dreg:$0x3] =	wrdreg s4  }
0xaa: {  	[dreg:$0x4] =	wrdreg $0xC0  }
0xab: {  	_ =	task [dreg:s6], $0x5FFFF  }
0xac: {  	[dreg:$0x1] =	wrdreg $0xFFFFFFFF  }
0xad: {  	[dreg:$0x0] =	wrdreg $0x60  }
0xae: {  	[dreg:$0x2] =	wrdreg s24  }
0xaf: {  	[dreg:$0x3] =	wrdreg $0xA8000  }
0xb0: {  	[dreg:$0x4] =	wrdreg $0x9  }
0xb1: {  	_ =	task.clear_ibuf [dreg:s6], $0x5FFFF;
	_ =	strace $0x90000052  }
0xb2: {  	s29 =	simm.s32 $0x9;
	_ =	strace $0x80000054  }
0xb3: {  	_ =	swait.ge [sflag:s29], $0x1  }
0xb4: {  	[sflag:s29] =	ssyncadd.s32 $0xFFFFFFFF  }
0xb5: {  	_ =	strace $0x90000054  }
0xb6: {  	_ =	sfence  }
0xb7: {  	s30 =	sld [smem:$0x0];
	_ =	sdelay $0x2  }
0xb8: {  	s31 =	sshll.u32 s1, $0xD;
	s1 =	sshrl.u32 s1, $0x2  }
0xb9: {  	s3 =	sand.u32 $0x4000, s31;
	s1 =	sadd.s32 s1, s30  }
0xba: {  	s0 =	sor.u32 s3, s0;
	s1 =	sshll.u32 s1, $0x11  }
0xbb: {  	s0 =	sor.u32 s1, s0  }
0xbc: {  	s0 =	sadd.s32 $0x8F2B, s0  }
0xbd: {  	[sflag:s0] =	ssyncadd.remote.s32 $0x1  }
0xbe: {  	_ =	sfence.sel $0xFFFF  }
0xbf: {  	[dreg:$0x0] =	wrdreg $0xFFFFFFFF;
	(pc) =	sbr.abs _section_cstart, $3  }
0xc0: {  	[dreg:$0x1] =	wrdreg $0xFFFFFFFF  }
0xc1: {  	_ =	task.clear_ibuf [dreg:s6], $0x2FFFF;
	_ =	strace $0x9FFFFFFF  }
0xc2: {  	(tm) =	ssettm $0x7FFFFFFF  }
0xc3: {  	_ =	shalt  }
tec
execute0_lowered:
.L_overlay_start_1:
0x0: {  	(tag) =	ssettag $0x1  }
0x1: {  	s0 =	rddreg [dreg:$0x0]  }
0x2: {  	s1 =	rddreg [dreg:$0x1]  }
0x3: {  	s3 =	simm.s32 $0x0;
	s2 =	stileid.u32;
	s5 =	srdreg.scid  }
0x4: {  	s20 =	simm.s32 $0x3;
	s21 =	simm.s32 $0x1400;
	s28 =	simm.s32 $0x1380  }
0x5: {  	s29 =	simm.s32 $0x2700;
	s30 =	simm.s32 $0x2780;
	s31 =	simm.s32 $0x0  }
0x6: {  	[smem:$0x7FF] =	sst s3;
	s4 =	sadd.s32 $0x35800, s0;
	s6 =	smul.u32 $0x2700, s2  }
0x7: {  	s13 =	sadd.s32 $0x83A00, s0;
	s14 =	sadd.s32 $0x4600, s0;
	s15 =	sand.u32 $0x1, s5  }
0x8: {  	s8 =	smul.u32 $0x4E000, s2;
	s16 =	sadd.s32 $0xB4C00, s0;
	s10 =	sshll.u32 s2, $0x1  }
0x9: {  	p2 =	seq.s32 s2, $0xF;
	s19 =	smul.u32 $0x13800, s2;
	p4 =	sne.s32 s2, $0xF  }
0xa: {  	_ =	strace $0x80000053;
	s5 =	ssub.s32 $0x2, s15;
	s22 =	sor.u32 s15, s10  }
0xb: {  	p1 =	seq.s32 s15, $0x0;
	p0 =	seq.s32 s15, $0x1;
	s18 =	smul.u32 $0x138800, s15  }
0xc: {  	p3 =	sne.s32 s15, $0x0;
	s7 =	sadd.s32 s6, s0;
	s9 =	sshrl.u32 s5, $0x1  }
0xd: {  	s23 =	sshrl.u32 s8, $0x2;
	s6 =	sadd.s32 s4, s6;
	p1 =	por !p1, !p2  }
0xe: {  	s10 =	smul.u32 $0x2800, s22;
	s8 =	sadd.s32 $0x138000, s1;
	p2 =	por !p2, !p0  }
0xf: {  	s22 =	simm.s32 $0x7D;
	s17 =	ssub.s32 s5, s9;
	s5 =	sadd.s32 s23, s1  }
0x10: {  	[dreg:$0x3] =	wrdreg s6;
	s24 =	sadd.s32 $0x8DA00, s7;
	p1 =	por !p1, !p1  }
0x11: {  	s9 =	sadd.s32 $0x5C800, s0;
	p2 =	por !p2, !p2;
	s26 =	sadd.s32 s19, s18  }
0x12: {  	s18 =	sshrl.u32 s18, $0x3;
	s23 =	simm.s32 $0x2800;
	[dreg:$0x4] =	wrdreg s24  }
0x13: {  	s12 =	sshrl.u32 s10, $0x3;
	s10 =	sadd.s32 $0xB4A00, s0;
	s0 =	sshrl.u32 s26, $0x3  }
0x14: {  	s18 =	sadd.s32 s16, s18;
	s17 =	smax.u32 s17, $0x1;
	s19 =	sshrl.u32 @!p3 s5, $0x3  }
0x15: {  	s24 =	simm.s32 $0x1;
	s26 =	simm.s32 $0x2;
	s25 =	sadd.s32 $0x280, s12  }
0x16: {  	s11 =	sadd.s32 s13, s12;
	s12 =	sadd.s32 s14, s12;
	s15 =	sadd.s32 s16, s0  }
0x17: {  	s16 =	sadd.s32 $0x27000, s18;
	s0 =	sshll.u32 @!p3 s2, $0x6;
	s13 =	sadd.s32 s13, s25  }
0x18: {  	s14 =	sadd.s32 s14, s25;
	s18 =	sor.u32 @!p3 $0x1C03, s0;
	s25 =	simm.s32 $0x6800  }
.LBB2_1:
0x19: {  	s0 =	rddreg [dreg:$0x3]  }
0x1a: {  	[spmem:s19], [sflag:s18] =	dma.local @!p3 [hbm:s0], $0x2700  }
0x1b: {  	s0 =	simm.s32 @!p3 $0x3  }
0x1c: {  	_ =	swait.ge @!p3 [sflag:s0], $0x2700  }
0x1d: {  	s6 =	sshll.u32 @p0 s2, $0x6;
	[sflag:s0] =	ssyncset.done @!p3 $0x0;
	s7 =	rddreg [dreg:$0x4]  }
0x1e: {  	[sflag:s0] =	ssyncadd.s32 @!p3 $0xFFFFD900;
	s0 =	sor.u32 @p0 $0x1C03, s6;
	s6 =	sshrl.u32 @p0 s5, $0x3  }
0x1f: {  	[spmem:s6], [sflag:s0] =	dma.local @p0 [hbm:s7], $0x2700  }
0x20: {  	s0 =	simm.s32 @p0 $0x3  }
0x21: {  	_ =	swait.ge @p0 [sflag:s0], $0x2700  }
0x22: {  	[sflag:s0] =	ssyncset.done @p0 $0x0  }
0x23: {  	s6 =	simm.s32 @p1 $0x1FC3;
	[sflag:s0] =	ssyncadd.s32 @p0 $0xFFFFD900;
	s0 =	sshrl.u32 @p1 s8, $0x3  }
0x24: {  	[spmem:s0], [sflag:s6] =	dma.local @p1 [hbm:s9], $0x100  }
0x25: {  	s0 =	simm.s32 @p1 $0x3  }
0x26: {  	_ =	swait.ge @p1 [sflag:s0], $0x100  }
0x27: {  	[sflag:s0] =	ssyncset.done @p1 $0x0  }
0x28: {  	s6 =	simm.s32 @p2 $0x1FC3;
	[sflag:s0] =	ssyncadd.s32 @p1 $0xFFFFFF00;
	s0 =	sshrl.u32 @p2 s8, $0x3  }
0x29: {  	[spmem:s0], [sflag:s6] =	dma.local @p2 [hbm:s10], $0x100  }
0x2a: {  	s0 =	simm.s32 @p2 $0x3  }
0x2b: {  	_ =	swait.ge @p2 [sflag:s0], $0x100  }
0x2c: {  	[sflag:s0] =	ssyncset.done @p2 $0x0  }
0x2d: {  	[sflag:s0] =	ssyncadd.s32 @p2 $0xFFFFFF00  }
0x2e: {  	[bflag:$0x0] =	sbarrier.arrive $0xFFFF  }
0x2f: {  	[tilespmem:s3], [sflag:$0x3] =	stream.linear.gather [hbm4b:s11+s3], $0x1400, $0x38;
	[tilespmem:$0x1E080] =	vst v63  }
0x30: {  	_ =	swait.ge [sflag:s20], $0x1400  }
0x31: {  	[sflag:s20] =	ssyncset.done $0x0  }
0x32: {  	[sflag:s20] =	ssyncadd.s32 $0xFFFFEC00  }
0x33: {  	[tilespmem:s21], [sflag:$0x3] =	stream.linear.gather [hbm4b:s12+s3], $0x1400, $0x38;
	[tilespmem:$0x1E080] =	vst v63  }
0x34: {  	_ =	swait.ge [sflag:s20], $0x1400  }
0x35: {  	[sflag:s20] =	ssyncset.done $0x0  }
0x36: {  	[sflag:s20] =	ssyncadd.s32 $0xFFFFEC00  }
0x37: {  	[tilespmem:s23], [sflag:$0x1] =	stream.indirect.gather [hbm4b:s4+s22], $0x80, s3, s22, $0xb8;
	[tilespmem:$0x1E080] =	vst v63  }
0x38: {  	_ =	swait.ge [sflag:s24], $0x3E80  }
0x39: {  	[sflag:s24] =	ssyncset.done $0x0  }
0x3a: {  	s6 =	simm.s32 $0x80;
	[sflag:s24] =	ssyncadd.s32 $0xFFFFC180  }
0x3b: {  	[tilespmem:s25], [sflag:$0x2] =	stream.indirect.gather [hbm4b:s4+s22], $0x80, s6, s22, $0xb8;
	[tilespmem:$0x1E080] =	vst v63  }
0x3c: {  	s7 =	simm.s32 $0x1400  }
0x3d: {  	[spmem:s1] =	stream.indirect.scatter.add.f32 [tilespmem:s23], [sflag:$0x3], $0x80, s7, s22, $0xb8;
	[tilespmem:$0x1E080] =	vst v63  }
0x3e: {  	_ =	swait.ge [sflag:s20], $0x3E80  }
0x3f: {  	[sflag:s20] =	ssyncset.done $0x0  }
0x40: {  	[sflag:s20] =	ssyncadd.s32 $0xFFFFC180  }
0x41: {  	_ =	swait.ge [sflag:s26], $0x3E80  }
0x42: {  	[sflag:s26] =	ssyncset.done $0x0  }
0x43: {  	s6 =	simm.s32 $0x100;
	[sflag:s26] =	ssyncadd.s32 $0xFFFFC180  }
0x44: {  	[tilespmem:s23], [sflag:$0x1] =	stream.indirect.gather [hbm4b:s4+s22], $0x80, s6, s22, $0xb8;
	[tilespmem:$0x1E080] =	vst v63  }
0x45: {  	s7 =	simm.s32 $0x1480  }
0x46: {  	[spmem:s1] =	stream.indirect.scatter.add.f32 [tilespmem:s25], [sflag:$0x3], $0x80, s7, s22, $0xb8;
	[tilespmem:$0x1E080] =	vst v63  }
0x47: {  	_ =	swait.ge [sflag:s20], $0x3E80  }
0x48: {  	s0 =	simm.s32 $0x400;
	[sflag:s20] =	ssyncset.done $0x0  }
.LBB2_2:
0x49: {  	p5 =	sne.s32 s0, $0x4800  }
0x4a: {  	[sflag:s20] =	ssyncadd.s32 $0xFFFFC180;
	s6 =	smov.u32 s0;
	s0 =	sadd.s32 $0x400, s0  }
0x4b: {  	_ = 	snop  }
0x4c: {  	_ =	swait.ge [sflag:s24], $0x3E80  }
0x4d: {  	s6 =	sshra.s32 s6, $0x2;
	[sflag:s24] =	ssyncset.done $0x0  }
0x4e: {  	s7 =	sadd.s32 $0x80, s6;
	[sflag:s24] =	ssyncadd.s32 $0xFFFFC180  }
0x4f: {  	[tilespmem:s25], [sflag:$0x2] =	stream.indirect.gather [hbm4b:s4+s22], $0x80, s7, s22, $0xb8;
	[tilespmem:$0x1E080] =	vst v63  }
0x50: {  	s7 =	sadd.s32 $0x1400, s6  }
0x51: {  	[spmem:s1] =	stream.indirect.scatter.add.f32 [tilespmem:s23], [sflag:$0x3], $0x80, s7, s22, $0xb8;
	[tilespmem:$0x1E080] =	vst v63  }
0x52: {  	_ =	swait.ge [sflag:s20], $0x3E80  }
0x53: {  	[sflag:s20] =	ssyncset.done $0x0  }
0x54: {  	[sflag:s20] =	ssyncadd.s32 $0xFFFFC180  }
0x55: {  	_ =	swait.ge [sflag:s26], $0x3E80  }
0x56: {  	[sflag:s26] =	ssyncset.done $0x0  }
0x57: {  	s7 =	sadd.s32 $0x100, s6;
	[sflag:s26] =	ssyncadd.s32 $0xFFFFC180  }
0x58: {  	[tilespmem:s23], [sflag:$0x1] =	stream.indirect.gather [hbm4b:s4+s22], $0x80, s7, s22, $0xb8;
	[tilespmem:$0x1E080] =	vst v63  }
.Ltmp0:
0x59: {  	_ = 	snop;
	(pc) =	sbr.rel @p5 .LBB2_2-.Ltmp0, $4  }
0x5a: {  	s6 =	sadd.s32 $0x1480, s6  }
0x5b: {  	[spmem:s1] =	stream.indirect.scatter.add.f32 [tilespmem:s25], [sflag:$0x3], $0x80, s6, s22, $0xb8;
	[tilespmem:$0x1E080] =	vst v63  }
0x5c: {  	_ =	swait.ge [sflag:s20], $0x3E80  }
0x5d: {  	[sflag:s20] =	ssyncset.done $0x0  }
0x5e: {  	[sflag:s20] =	ssyncadd.s32 $0xFFFFC180  }
0x5f: {  	_ =	swait.ge [sflag:s24], $0x3E80  }
0x60: {  	[sflag:s24] =	ssyncset.done $0x0  }
0x61: {  	[sflag:s24] =	ssyncadd.s32 $0xFFFFC180  }
0x62: {  	[tilespmem:s25], [sflag:$0x2] =	stream.indirect.gather [hbm4b:s4+s22], $0x80, s28, s22, $0xb8;
	[tilespmem:$0x1E080] =	vst v63  }
0x63: {  	_ = 	snop  }
0x64: {  	[spmem:s1] =	stream.indirect.scatter.add.f32 [tilespmem:s23], [sflag:$0x3], $0x80, s29, s22, $0xb8;
	[tilespmem:$0x1E080] =	vst v63  }
0x65: {  	_ =	swait.ge [sflag:s20], $0x3E80  }
0x66: {  	[sflag:s20] =	ssyncset.done $0x0  }
0x67: {  	[sflag:s20] =	ssyncadd.s32 $0xFFFFC180  }
0x68: {  	_ =	swait.ge [sflag:s26], $0x3E80  }
0x69: {  	[sflag:s26] =	ssyncset.done $0x0  }
0x6a: {  	[sflag:s26] =	ssyncadd.s32 $0xFFFFC180  }
0x6b: {  	[spmem:s1] =	stream.indirect.scatter.add.f32 [tilespmem:s25], [sflag:$0x3], $0x80, s30, s22, $0xb8;
	[tilespmem:$0x1E080] =	vst v63  }
0x6c: {  	_ =	swait.ge [sflag:s20], $0x3E80  }
0x6d: {  	[sflag:s20] =	ssyncset.done $0x0  }
0x6e: {  	s0 =	simm.s32 $0x0;
	[sflag:s20] =	ssyncadd.s32 $0xFFFFC180  }
0x6f: {  	[tilespmem:s0], [sflag:$0x3] =	stream.linear.gather [hbm4b:s13+s0], $0x1400, $0x38;
	[tilespmem:$0x1E080] =	vst v63  }
0x70: {  	_ =	swait.ge [sflag:s20], $0x1400  }
0x71: {  	[sflag:s20] =	ssyncset.done $0x0  }
0x72: {  	[sflag:s20] =	ssyncadd.s32 $0xFFFFEC00  }
0x73: {  	[tilespmem:s21], [sflag:$0x3] =	stream.linear.gather [hbm4b:s14+s0], $0x1400, $0x38;
	[tilespmem:$0x1E080] =	vst v63  }
0x74: {  	_ =	swait.ge [sflag:s20], $0x1400  }
0x75: {  	[sflag:s20] =	ssyncset.done $0x0  }
0x76: {  	[sflag:s20] =	ssyncadd.s32 $0xFFFFEC00  }
0x77: {  	[tilespmem:s23], [sflag:$0x1] =	stream.indirect.gather [hbm4b:s4+s22], $0x80, s0, s22, $0xb8;
	[tilespmem:$0x1E080] =	vst v63  }
0x78: {  	_ =	swait.ge [sflag:s24], $0x3E80  }
0x79: {  	[sflag:s24] =	ssyncset.done $0x0  }
0x7a: {  	s6 =	simm.s32 $0x80;
	[sflag:s24] =	ssyncadd.s32 $0xFFFFC180  }
0x7b: {  	[tilespmem:s25], [sflag:$0x2] =	stream.indirect.gather [hbm4b:s4+s22], $0x80, s6, s22, $0xb8;
	[tilespmem:$0x1E080] =	vst v63  }
0x7c: {  	s7 =	simm.s32 $0x1400  }
0x7d: {  	[spmem:s1] =	stream.indirect.scatter.add.f32 [tilespmem:s23], [sflag:$0x3], $0x80, s7, s22, $0xb8;
	[tilespmem:$0x1E080] =	vst v63  }
0x7e: {  	_ =	swait.ge [sflag:s20], $0x3E80  }
0x7f: {  	[sflag:s20] =	ssyncset.done $0x0  }
0x80: {  	[sflag:s20] =	ssyncadd.s32 $0xFFFFC180  }
0x81: {  	_ =	swait.ge [sflag:s26], $0x3E80  }
0x82: {  	[sflag:s26] =	ssyncset.done $0x0  }
0x83: {  	s6 =	simm.s32 $0x100;
	[sflag:s26] =	ssyncadd.s32 $0xFFFFC180  }
0x84: {  	[tilespmem:s23], [sflag:$0x1] =	stream.indirect.gather [hbm4b:s4+s22], $0x80, s6, s22, $0xb8;
	[tilespmem:$0x1E080] =	vst v63  }
0x85: {  	s7 =	simm.s32 $0x1480  }
0x86: {  	[spmem:s1] =	stream.indirect.scatter.add.f32 [tilespmem:s25], [sflag:$0x3], $0x80, s7, s22, $0xb8;
	[tilespmem:$0x1E080] =	vst v63  }
0x87: {  	_ =	swait.ge [sflag:s20], $0x3E80  }
0x88: {  	s0 =	simm.s32 $0x400;
	[sflag:s20] =	ssyncset.done $0x0  }
.LBB2_4:
0x89: {  	p5 =	sne.s32 s0, $0x4800  }
0x8a: {  	[sflag:s20] =	ssyncadd.s32 $0xFFFFC180;
	s6 =	smov.u32 s0;
	s0 =	sadd.s32 $0x400, s0  }
0x8b: {  	_ = 	snop  }
0x8c: {  	_ =	swait.ge [sflag:s24], $0x3E80  }
0x8d: {  	s6 =	sshra.s32 s6, $0x2;
	[sflag:s24] =	ssyncset.done $0x0  }
0x8e: {  	s7 =	sadd.s32 $0x80, s6;
	[sflag:s24] =	ssyncadd.s32 $0xFFFFC180  }
0x8f: {  	[tilespmem:s25], [sflag:$0x2] =	stream.indirect.gather [hbm4b:s4+s22], $0x80, s7, s22, $0xb8;
	[tilespmem:$0x1E080] =	vst v63  }
0x90: {  	s7 =	sadd.s32 $0x1400, s6  }
0x91: {  	[spmem:s1] =	stream.indirect.scatter.add.f32 [tilespmem:s23], [sflag:$0x3], $0x80, s7, s22, $0xb8;
	[tilespmem:$0x1E080] =	vst v63  }
0x92: {  	_ =	swait.ge [sflag:s20], $0x3E80  }
0x93: {  	[sflag:s20] =	ssyncset.done $0x0  }
0x94: {  	[sflag:s20] =	ssyncadd.s32 $0xFFFFC180  }
0x95: {  	_ =	swait.ge [sflag:s26], $0x3E80  }
0x96: {  	[sflag:s26] =	ssyncset.done $0x0  }
0x97: {  	s7 =	sadd.s32 $0x100, s6;
	[sflag:s26] =	ssyncadd.s32 $0xFFFFC180  }
0x98: {  	[tilespmem:s23], [sflag:$0x1] =	stream.indirect.gather [hbm4b:s4+s22], $0x80, s7, s22, $0xb8;
	[tilespmem:$0x1E080] =	vst v63  }
.Ltmp1:
0x99: {  	_ = 	snop;
	(pc) =	sbr.rel @p5 .LBB2_4-.Ltmp1, $4  }
0x9a: {  	s6 =	sadd.s32 $0x1480, s6  }
0x9b: {  	[spmem:s1] =	stream.indirect.scatter.add.f32 [tilespmem:s25], [sflag:$0x3], $0x80, s6, s22, $0xb8;
	[tilespmem:$0x1E080] =	vst v63  }
0x9c: {  	_ =	swait.ge [sflag:s20], $0x3E80  }
0x9d: {  	[sflag:s20] =	ssyncset.done $0x0  }
0x9e: {  	[sflag:s20] =	ssyncadd.s32 $0xFFFFC180  }
0x9f: {  	_ =	swait.ge [sflag:s24], $0x3E80  }
0xa0: {  	[sflag:s24] =	ssyncset.done $0x0  }
0xa1: {  	[sflag:s24] =	ssyncadd.s32 $0xFFFFC180  }
0xa2: {  	[tilespmem:s25], [sflag:$0x2] =	stream.indirect.gather [hbm4b:s4+s22], $0x80, s28, s22, $0xb8;
	[tilespmem:$0x1E080] =	vst v63  }
0xa3: {  	_ = 	snop  }
0xa4: {  	[spmem:s1] =	stream.indirect.scatter.add.f32 [tilespmem:s23], [sflag:$0x3], $0x80, s29, s22, $0xb8;
	[tilespmem:$0x1E080] =	vst v63  }
0xa5: {  	_ =	swait.ge [sflag:s20], $0x3E80  }
0xa6: {  	[sflag:s20] =	ssyncset.done $0x0  }
0xa7: {  	[sflag:s20] =	ssyncadd.s32 $0xFFFFC180  }
0xa8: {  	_ =	swait.ge [sflag:s26], $0x3E80  }
0xa9: {  	[sflag:s26] =	ssyncset.done $0x0  }
0xaa: {  	[sflag:s26] =	ssyncadd.s32 $0xFFFFC180  }
0xab: {  	[spmem:s1] =	stream.indirect.scatter.add.f32 [tilespmem:s25], [sflag:$0x3], $0x80, s30, s22, $0xb8;
	[tilespmem:$0x1E080] =	vst v63  }
0xac: {  	_ =	swait.ge [sflag:s20], $0x3E80  }
0xad: {  	[sflag:s20] =	ssyncset.done $0x0  }
0xae: {  	s0 =	sshll.u32 s2, $0x6;
	[sflag:s20] =	ssyncadd.s32 $0xFFFFC180  }
0xaf: {  	s6 =	sshrl.u32 s5, $0x3;
	s0 =	sor.u32 $0x1C03, s0;
	[bflag:$0x0] =	sbarrier.arrive $0xFFFF  }
0xb0: {  	[hbm:s15], [sflag:s0] =	dma.local [spmem:s6], $0x2700  }
0xb1: {  	_ =	swait.ge [sflag:s20], $0x2700  }
0xb2: {  	s31 =	sadd.s32 $0x1, s31;
	[sflag:s20] =	ssyncset.done $0x0  }
0xb3: {  	p5 =	sne.s32 s31, s17;
	s6 =	sshrl.u32 @!p4 s8, $0x3;
	[sflag:s20] =	ssyncadd.s32 $0xFFFFD900  }
0xb4: {  	[hbm:s16], [sflag:s0] =	dma.local @!p4 [spmem:s6], $0x100  }
.Ltmp2:
0xb5: {  	_ = 	snop;
	(pc) =	sbr.rel @p5 .LBB2_1-.Ltmp2, $4  }
0xb6: {  	s0 =	simm.s32 @!p4 $0x3  }
0xb7: {  	_ =	swait.ge @!p4 [sflag:s0], $0x100  }
0xb8: {  	[sflag:s0] =	ssyncset.done @!p4 $0x0  }
0xb9: {  	[sflag:s0] =	ssyncadd.s32 @!p4 $0xFFFFFF00  }
0xba: {  	_ =	sfence.sel $0x180000  }
0xbb: {  	[bflag:$0x0] =	sbarrier.arrive $0xFFFF  }
0xbc: {  	_ =	strace $0x90000053  }
0xbd: {  	[bflag:$0x2] =	sbarrier.arrive $0xFFFF  }
0xbe: {  	p0 =	sne.s32 s2, $0x0;
	s0 =	rddreg [dreg:$0x2]  }
0xbf: {  	s0 =	sadd.s32 @!p0 $0x100000, s0  }
0xc0: {  	[sflag:s0] =	ssyncadd.tile.s32 @!p0 $0x1;
	_ =	shalt  }
.Lfunc_end2:
_tile_overlayer_lowered:
.L_overlay_start_2:
0xc1: {  	(tag) =	ssettag $0x2  }
0xc2: {  	s0 =	rddreg [dreg:$0x0];
	s2 =	stileid.u32  }
0xc3: {  	s1 =	rddreg [dreg:$0x1];
	p0 =	sne.s32 s2, $0x0  }
0xc4: {  	s3 =	rddreg [dreg:$0x2];
	[bflag:$0x3] =	sbarrier.arrive $0xFFFF;
	s2 =	simm.s32 @!p0 $0x1C03  }
0xc5: {  	[timem:s3], [sflag:s2] =	dma.local @!p0 [hbm:s0], s1  }
0xc6: {  	s0 =	simm.s32 @!p0 $0x3  }
0xc7: {  	_ =	swait.ge @!p0 [sflag:s0], s1  }
0xc8: {  	s1 =	ssub.s32 @!p0 $0x0, s1;
	[sflag:s0] =	ssyncset.done @!p0 $0x0  }
0xc9: {  	[sflag:s0] =	ssyncadd.s32 @!p0 s1  }
0xca: {  	[bflag:$0x3] =	sbarrier.arrive $0xFFFF  }
0xcb: {  	_ =	shalt  }

</sc_bundles>
